<compile_context>
chip_gen: v7x
topology: tpu7x:2x2x1
jax: 0.10.2.dev20260603
libtpu: 0.0.44.dev20260713+nightly
codegen_flags: <defaults>
</compile_context>

<pallas_src>
import jax
import jax.numpy as jnp
import numpy as np
from jax import lax
from jax.experimental import pallas as pl
from jax.experimental.pallas import tpu as pltpu
from jax.experimental.pallas import tpu_sc as plsc

NCTX = 64000
WIN = 10
V = 10000
D = 128
SCALE = 0.5

NCORES = 2
NSUB = 16
DH = D // NCORES
JH = DH // 16

SLAB = NCTX // NSUB
CH = 40
NCHUNK = SLAB // CH
NQUAD = NCHUNK // 4
QR = 4 * CH
GI = CH * WIN
GSEG = 40
NGD = GI // GSEG
VP = 10240
VROWS = VP // NSUB
ZR = 128
CNTW = 16



_VB = 2000


def _tables_body(tf_ref, cw_ref, cb_ref, out_ref):
    w = pl.program_id(1)
    cw = cw_ref[...].reshape(DH, D)
    out = lax.dot_general(
        tf_ref[...], cw, (((1,), (1,)), ((), ())),
        preferred_element_type=jnp.float32) * SCALE

    @pl.when(w == 0)
    def _():
        out_ref[...] = (out + cb_ref[...].reshape(1, DH)).astype(jnp.bfloat16)

    @pl.when(w != 0)
    def _():
        out_ref[...] = out.astype(jnp.bfloat16)


def _build_tables(t_feat, conv_w_t, conv_b3d):
    nvb = V // _VB
    return pl.pallas_call(
        _tables_body,
        grid=(NCORES, WIN, nvb),
        in_specs=[
            pl.BlockSpec((_VB, D), lambda h, w, b: (b, 0)),
            pl.BlockSpec((1, DH, D), lambda h, w, b: (w, h, 0)),
            pl.BlockSpec((1, 1, DH), lambda h, w, b: (h, 0, 0)),
        ],
        out_specs=pl.BlockSpec(
            (_VB, DH), lambda h, w, b: (h * WIN * nvb + w * nvb + b, 0)),
        out_shape=jax.ShapeDtypeStruct((NCORES * WIN * V, DH), jnp.bfloat16),
    )(t_feat, conv_w_t, conv_b3d)


def _perm128():
    p = np.zeros(D, dtype=np.int64)
    for half in range(NCORES):
        for g in range(2):
            for i in range(16):
                for h in range(2):
                    p[half * DH + 32 * g + 2 * i + h] = (
                        half * DH + 32 * g + 16 * h + i)
    return p

_PERM = _perm128()



def _sc_body(t2, x0f, x1, we, feat_p, cnt_p,
             x0_a, x0_b, idx_a, idx_b, x1_g, rows_a, rows_b,
             acc_g, ones_g, offs_v, cb, feat_sh, cnt_sh, sem_a, sem_b,
             wsem, fsem, csem):
    c = lax.axis_index("c")
    s = lax.axis_index("s")

    def _ones_loop(k, carry):
        ones_g[k, :] = jnp.ones((CNTW,), jnp.float32)
        return carry

    lax.fori_loop(0, QR, _ones_loop, 0)

    def _offs_loop(k, carry):
        lane = lax.broadcasted_iota(jnp.int32, (16,), 0) + k * 16
        offs_v[pl.ds(k * 16, 16)] = lax.rem(lane, WIN) * V + c * (WIN * V)
        return carry

    lax.fori_loop(0, GI // 16, _offs_loop, 0)

    def _cb_loop(k, carry):
        cb[k, :] = jnp.zeros((CNTW,), jnp.float32)
        return carry

    lax.fori_loop(0, ZR, _cb_loop, 0)

    def _zb_loop(k, carry):
        i = k // JH
        j = k - i * JH
        acc_g[i, pl.ds(j * 16, 16)] = jnp.zeros((16,), jnp.float32)
        return carry

    lax.fori_loop(0, ZR * JH, _zb_loop, 0)

    for q in range(VROWS // ZR):
        row0 = pl.multiple_of(s * VROWS + q * ZR, 8)
        pltpu.sync_copy(acc_g.at[pl.ds(0, ZR)], feat_sh.at[pl.ds(row0, ZR)])
        pltpu.sync_copy(cb, cnt_sh.at[pl.ds(row0, ZR)])
    plsc.subcore_barrier()

    def _load_and_fire(ch, x0_v, idx_v, rows_v, sem):
        @plsc.parallel_loop(0, GI // 16, step=1, unroll=5)
        def _mkidx(k):
            sl = pl.ds(k * 16, 16)
            idx_v[sl] = x0_v[sl] + offs_v[sl]
        for g in range(NGD):
            pltpu.async_copy(
                t2.at[idx_v.at[pl.ds(g * GSEG, GSEG)]],
                rows_v.at[pl.ds(g * GSEG, GSEG)], sem)
        nbase = pl.multiple_of(
            s * SLAB + lax.rem(ch + 2, NCHUNK) * CH, 8)
        pltpu.async_copy(
            x0f.at[pl.ds(pl.multiple_of(nbase * WIN, 8), GI)], x0_v, sem)

    def _drain_in(rows_v, x0_v, sem):
        for g in range(NGD):
            pltpu.make_async_copy(
                t2.at[pl.ds(0, GSEG)],
                rows_v.at[pl.ds(g * GSEG, GSEG)], sem).wait()
        pltpu.make_async_copy(x0f.at[pl.ds(0, GI)], x0_v, sem).wait()

    def _accum_into(t, rows_v):
        @plsc.parallel_loop(0, CH, step=1, unroll=4)
        def _accum(n):
            b0 = n * WIN
            accs = None
            for w in range(WIN):
                pairs = []
                for g in range(JH // 2):
                    v = rows_v[b0 + w, pl.ds(g * 32, 32)]
                    pairs.extend(plsc.unpack(
                        v, format=plsc.PackFormat.INTERLEAVED))
                if accs is None:
                    accs = list(pairs)
                else:
                    for j in range(JH):
                        accs[j] = accs[j] + pairs[j]
            for j in range(JH):
                acc_g[t * CH + n, pl.ds(j * 16, 16)] = accs[j]

    base0 = pl.multiple_of(s * SLAB, 8)
    pltpu.sync_copy(x0f.at[pl.ds(pl.multiple_of(base0 * WIN, 8), GI)], x0_a)
    pltpu.sync_copy(
        x0f.at[pl.ds(pl.multiple_of((base0 + CH) * WIN, 8), GI)], x0_b)
    _load_and_fire(0, x0_a, idx_a, rows_a, sem_a)
    pltpu.async_copy(acc_g, feat_p.at[pl.ds(c * VP + V, QR)], wsem)
    pltpu.async_copy(acc_g, feat_sh.at[pl.ds(V, QR)], fsem)

    @pl.when(c == 0)
    def _():
        pltpu.async_copy(ones_g, cnt_sh.at[pl.ds(V, QR)], csem)

    def _drain_out():
        pltpu.make_async_copy(acc_g, we.at[pl.ds(0, QR)], wsem).wait()
        pltpu.make_async_copy(acc_g, feat_sh.at[pl.ds(0, QR)], fsem).wait()

        @pl.when(c == 0)
        def _():
            pltpu.make_async_copy(ones_g, cnt_sh.at[pl.ds(0, QR)], csem).wait()

    def _quad(q, carry):
        ch0 = q * 4
        _drain_out()
        base = pl.multiple_of(s * SLAB + ch0 * CH, 8)
        pltpu.sync_copy(x1.at[pl.ds(base, QR)], x1_g)
        slots = [(x0_a, idx_a, rows_a, sem_a), (x0_b, idx_b, rows_b, sem_b)]
        for t in range(4):
            nxt = slots[(t + 1) % 2]
            cur = slots[t % 2]
            _load_and_fire(lax.rem(ch0 + t + 1, NCHUNK),
                           nxt[0], nxt[1], nxt[2], nxt[3])
            _drain_in(cur[2], cur[0], cur[3])
            _accum_into(t, cur[2])
        pltpu.async_copy(
            acc_g, we.at[pl.ds(pl.multiple_of(c * NCTX + base, 8), QR)], wsem)
        pltpu.async_copy(acc_g, feat_sh.at[x1_g], fsem, add=True)

        @pl.when(c == 0)
        def _():
            pltpu.async_copy(ones_g, cnt_sh.at[x1_g], csem, add=True)
        return carry

    lax.fori_loop(0, NQUAD, _quad, 0)
    _drain_in(rows_a, x0_a, sem_a)
    _drain_out()
    plsc.subcore_barrier()

    row0 = pl.multiple_of(s * VROWS, 8)
    pltpu.sync_copy(feat_sh.at[pl.ds(row0, VROWS)],
                    feat_p.at[pl.ds(pl.multiple_of(c * VP + row0, 8), VROWS)])
    pltpu.sync_copy(cnt_sh.at[pl.ds(row0, VROWS)],
                    cnt_p.at[pl.ds(pl.multiple_of(c * VP + row0, 8), VROWS)])


_sc_call = pl.kernel(
    _sc_body,
    out_type=(
        jax.ShapeDtypeStruct((NCORES * NCTX, DH), jnp.float32),
        jax.ShapeDtypeStruct((NCORES * VP, DH), jnp.float32),
        jax.ShapeDtypeStruct((NCORES * VP, CNTW), jnp.float32),
    ),
    mesh=plsc.VectorSubcoreMesh(core_axis_name="c", subcore_axis_name="s"),
    compiler_params=pltpu.CompilerParams(
        use_tc_tiling_on_sc=False, needs_layout_passes=False),
    scratch_types=[
        pltpu.VMEM((GI,), jnp.int32),
        pltpu.VMEM((GI,), jnp.int32),
        pltpu.VMEM((GI,), jnp.int32),
        pltpu.VMEM((GI,), jnp.int32),
        pltpu.VMEM((QR,), jnp.int32),
        pltpu.VMEM((GI, DH), jnp.bfloat16),
        pltpu.VMEM((GI, DH), jnp.bfloat16),
        pltpu.VMEM((QR, DH), jnp.float32),
        pltpu.VMEM((QR, CNTW), jnp.float32),
        pltpu.VMEM((GI,), jnp.int32),
        pltpu.VMEM((ZR, CNTW), jnp.float32),
        pltpu.VMEM_SHARED((VP, DH), jnp.float32),
        pltpu.VMEM_SHARED((VP, CNTW), jnp.float32),
        pltpu.SemaphoreType.DMA,
        pltpu.SemaphoreType.DMA,
        pltpu.SemaphoreType.DMA,
        pltpu.SemaphoreType.DMA,
        pltpu.SemaphoreType.DMA,
    ],
)



_RB = 2000


def _asm_body(wh_ref, out_ref):
    wh = wh_ref[...]
    out_ref[...] = jnp.concatenate([wh[0], wh[1]], axis=1)


def _assemble(we_h3):
    return pl.pallas_call(
        _asm_body,
        grid=(NCTX // _RB,),
        in_specs=[pl.BlockSpec((NCORES, _RB, DH), lambda i: (0, i, 0))],
        out_specs=pl.BlockSpec((_RB, D), lambda i: (i, 0)),
        out_shape=jax.ShapeDtypeStruct((NCTX, D), jnp.float32),
    )(we_h3)



def _final_body(fp_ref, cp_ref, out_ref):
    fp = fp_ref[...]
    cnt = jnp.sum(cp_ref[...], axis=(0, 2)) * (1.0 / CNTW)
    out_ref[...] = jnp.concatenate([fp[0], fp[1]], axis=1) / cnt[:, None]


def _finalize(feat_p3, cnt_p3):
    return pl.pallas_call(
        _final_body,
        grid=(V // _RB,),
        in_specs=[
            pl.BlockSpec((NCORES, _RB, DH), lambda i: (0, i, 0)),
            pl.BlockSpec((NCORES, _RB, CNTW), lambda i: (0, i, 0)),
        ],
        out_specs=pl.BlockSpec((_RB, D), lambda i: (i, 0)),
        out_shape=jax.ShapeDtypeStruct((V, D), jnp.float32),
    )(feat_p3, cnt_p3)



@jax.jit
def kernel(x0, x1, x2, t_feat, conv_w, conv_b):
    del x2
    x0f = x0.astype(jnp.int32).reshape(-1)
    x1 = x1.astype(jnp.int32)
    t2 = _build_tables(t_feat, jnp.transpose(conv_w, (2, 0, 1))[:, _PERM, :],
                       conv_b[_PERM].reshape(NCORES, 1, DH))
    we_h, feat_p, cnt_p = _sc_call(t2, x0f, x1)
    win_enc = _assemble(we_h.reshape(NCORES, NCTX, DH))
    feat_avg = _finalize(feat_p.reshape(NCORES, VP, DH),
                         cnt_p.reshape(NCORES, VP, CNTW))
    return (win_enc, feat_avg)

# --- scband reference (transcript-rebuilt; emitter-appended) ---
"""Pipeline reference for scband-co-ane-9749575762114 (READ-ONLY COPY).

The authoritative reference and input builder live on the scoring server;
editing this copy changes nothing except your own understanding.
"""

import jax, jax.numpy as jnp
import numpy as np

N_CTX = 64000
WIN = 10
N_NODES = 10000
FEAT_DIM = 128
NB_FILTER = 128
DROP = 0.5


def setup_inputs(seed: int = 0) -> dict:
    key = jax.random.key(seed)
    k1, k2, k3, k4, k5 = jax.random.split(key, 5)
    # context windows of node ids: [N_CTX, WIN]
    x0 = jax.random.randint(k1, (N_CTX, WIN), 0, N_NODES, dtype=jnp.int64) if jax.config.read('jax_enable_x64') else jax.random.randint(k1, (N_CTX, WIN), 0, N_NODES)
    # center-node labels per context; guarantee every segment 0..N_NODES-1 appears, then sort
    base = jnp.arange(N_NODES, dtype=jnp.int32)
    extra = jax.random.randint(k2, (N_CTX - N_NODES,), 0, N_NODES)
    x1 = jnp.sort(jnp.concatenate([base, extra.astype(jnp.int32)]))
    # unique node list (identity mapping -> l_map is identity)
    x2 = jnp.arange(N_NODES, dtype=jnp.int32)
    # learned params
    t_feat = jax.random.normal(k3, (N_NODES, FEAT_DIM), dtype=jnp.float32)  # pretrained embedding table
    conv_w = jax.random.normal(k4, (NB_FILTER, FEAT_DIM, WIN), dtype=jnp.float32) * (1.0 / np.sqrt(FEAT_DIM * WIN))
    conv_b = jnp.zeros((NB_FILTER,), dtype=jnp.float32)
    return {"x0": x0, "x1": x1, "x2": x2, "t_feat": t_feat, "conv_w": conv_w, "conv_b": conv_b}


def reference(x0, x1, x2, t_feat, conv_w, conv_b):
    # eval mode: F.dropout(x, p, training=False) == identity; explicit *(1-drop) scale kept
    gather_feat = jnp.take(t_feat, x0, axis=0)            # [N, W, D] embedding lookup
    gather_feat = gather_feat * (1.0 - DROP)
    gather_flat = jnp.transpose(gather_feat, (0, 2, 1))   # [N, D, W]
    # Conv1d(kernel=W, stride=W) over length-W input -> single output position == full contraction
    win_enc = jnp.einsum('ndw,odw->no', gather_flat, conv_w) + conv_b  # [N, O]
    n_seg = x2.shape[0]
    labels = x1  # l_map is identity since x2 = arange(n_seg)
    labels_count = jnp.bincount(labels, length=n_seg)     # torch unique(return_counts) over full coverage
    feat_sum = jax.ops.segment_sum(win_enc, labels, num_segments=n_seg)  # scatter_add_
    feat_avg = feat_sum / labels_count[:, None].astype(jnp.float32)
    return (win_enc, feat_avg)

if __name__ == "__main__":
    import jax
    _d = setup_inputs()
    print(jax.jit(kernel)(*tuple(_d.values())))

</pallas_src>

<mosaic_0001>
#map = affine_map<(d0, d1) -> (0, 0)>
#map1 = affine_map<(d0, d1) -> (0)>
module attributes {stable_mosaic.version = 14 : i64} {
  func.func @_sc_body(%arg0: i32, %arg1: i32, %arg2: memref<200000x64xbf16, #tpu.memory_space<hbm>>, %arg3: memref<640000xi32, #tpu.memory_space<hbm>>, %arg4: memref<64000xi32, #tpu.memory_space<hbm>>, %arg5: memref<128000x64xf32, #tpu.memory_space<hbm>>, %arg6: memref<20480x64xf32, #tpu.memory_space<hbm>>, %arg7: memref<20480x16xf32, #tpu.memory_space<hbm>>, %arg8: memref<400xi32, #tpu.memory_space<vmem>>, %arg9: memref<400xi32, #tpu.memory_space<vmem>>, %arg10: memref<400xi32, #tpu.memory_space<vmem>>, %arg11: memref<400xi32, #tpu.memory_space<vmem>>, %arg12: memref<160xi32, #tpu.memory_space<vmem>>, %arg13: memref<400x64xbf16, #tpu.memory_space<vmem>>, %arg14: memref<400x64xbf16, #tpu.memory_space<vmem>>, %arg15: memref<160x64xf32, #tpu.memory_space<vmem>>, %arg16: memref<160x16xf32, #tpu.memory_space<vmem>>, %arg17: memref<400xi32, #tpu.memory_space<vmem>>, %arg18: memref<128x16xf32, #tpu.memory_space<vmem>>, %arg19: memref<10240x64xf32, #tpu.memory_space<vmem_shared>>, %arg20: memref<10240x16xf32, #tpu.memory_space<vmem_shared>>, %arg21: memref<!tpu.dma_semaphore, #tpu.memory_space<semaphore_mem>>, %arg22: memref<!tpu.dma_semaphore, #tpu.memory_space<semaphore_mem>>, %arg23: memref<!tpu.dma_semaphore, #tpu.memory_space<semaphore_mem>>, %arg24: memref<!tpu.dma_semaphore, #tpu.memory_space<semaphore_mem>>, %arg25: memref<!tpu.dma_semaphore, #tpu.memory_space<semaphore_mem>>) attributes {dimension_semantics = [#tpu.dimension_semantics<core_parallel>, #tpu.dimension_semantics<subcore_parallel>], iteration_bounds = array<i64: 2, 16>, scalar_prefetch = 0 : i64, scratch_operands = 18 : i64, tpu.core_type = #tpu.core_type<sc_vector_subcore>, window_params = [{transform_indices = #map}, {transform_indices = #map1}, {transform_indices = #map1}, {transform_indices = #map}, {transform_indices = #map}, {transform_indices = #map}]} {
    %scan3A = arith.constant 0 : i32
    %scan3A_0 = arith.constant 0 : i32
    %scan3A_1 = arith.constant 160 : i32
    %scan3A_2 = arith.addi %scan3A_0, %scan3A_1 : i32
    %scan3A_3 = arith.constant 1 : i32
    scf.for %scan3A_324 = %scan3A_0 to %scan3A_2 step %scan3A_3  : i32 {
      %broadcast_in_dim3A = arith.constant 1.000000e+00 : f32
      %broadcast_in_dim3A_325 = vector.broadcast %broadcast_in_dim3A : f32 to vector<16xf32>
      %swap3A = arith.index_cast %scan3A_324 : i32 to index
      %swap3A_326 = arith.constant 0 : index
      %swap3A_327 = tpu.vector_load %arg16[%swap3A, %swap3A_326] {strides = array<i32>} : memref<160x16xf32, #tpu.memory_space<vmem>>, vector<16xf32>,
      tpu.vector_store %arg16[%swap3A, %swap3A_326], %broadcast_in_dim3A_325 {strides = array<i32>} : memref<160x16xf32, #tpu.memory_space<vmem>>, vector<16xf32>,
    }
    %scan3A_4 = arith.constant 160 : i32
    %scan3A_5 = arith.constant 0 : i32
    %scan3A_6 = arith.constant 0 : i32
    %scan3A_7 = arith.constant 25 : i32
    %scan3A_8 = arith.addi %scan3A_6, %scan3A_7 : i32
    %scan3A_9 = arith.constant 1 : i32
    scf.for %scan3A_324 = %scan3A_6 to %scan3A_8 step %scan3A_9  : i32 {
      %iota3A = tpu.iota {dimensions = array<i32: 0>} : vector<16xi32>
      %mul3A_325 = arith.constant 16 : i32
      %mul3A_326 = arith.muli %scan3A_324, %mul3A_325 : i32
      %add3A_327 = vector.broadcast %mul3A_326 : i32 to vector<16xi32>
      %add3A_328 = arith.addi %iota3A, %add3A_327 : vector<16xi32>
      %rem3A_329 = arith.constant 10 : i32
      %rem3A_330 = vector.broadcast %rem3A_329 : i32 to vector<16xi32>
      %rem3A_331 = arith.remsi %add3A_328, %rem3A_330 : vector<16xi32>
      %mul3A_332 = arith.constant 10000 : i32
      %mul3A_333 = vector.broadcast %mul3A_332 : i32 to vector<16xi32>
      %mul3A_334 = arith.muli %rem3A_331, %mul3A_333 : vector<16xi32>
      %mul3A_335 = arith.constant 100000 : i32
      %mul3A_336 = arith.muli %arg0, %mul3A_335 : i32
      %add3A_337 = vector.broadcast %mul3A_336 : i32 to vector<16xi32>
      %add3A_338 = arith.addi %mul3A_334, %add3A_337 : vector<16xi32>
      %mul3A_339 = arith.constant 16 : i32
      %mul3A_340 = arith.muli %scan3A_324, %mul3A_339 : i32
      %swap3A = arith.index_cast %mul3A_340 : i32 to index
      %swap3A_341 = tpu.vector_load %arg17[%swap3A] {strides = array<i32>} : memref<400xi32, #tpu.memory_space<vmem>>, vector<16xi32>,
      tpu.vector_store %arg17[%swap3A], %add3A_338 {strides = array<i32>} : memref<400xi32, #tpu.memory_space<vmem>>, vector<16xi32>,
    }
    %scan3A_10 = arith.constant 25 : i32
    %scan3A_11 = arith.constant 0 : i32
    %scan3A_12 = arith.constant 0 : i32
    %scan3A_13 = arith.constant 128 : i32
    %scan3A_14 = arith.addi %scan3A_12, %scan3A_13 : i32
    %scan3A_15 = arith.constant 1 : i32
    scf.for %scan3A_324 = %scan3A_12 to %scan3A_14 step %scan3A_15  : i32 {
      %broadcast_in_dim3A = arith.constant 0.000000e+00 : f32
      %broadcast_in_dim3A_325 = vector.broadcast %broadcast_in_dim3A : f32 to vector<16xf32>
      %swap3A = arith.index_cast %scan3A_324 : i32 to index
      %swap3A_326 = arith.constant 0 : index
      %swap3A_327 = tpu.vector_load %arg18[%swap3A, %swap3A_326] {strides = array<i32>} : memref<128x16xf32, #tpu.memory_space<vmem>>, vector<16xf32>,
      tpu.vector_store %arg18[%swap3A, %swap3A_326], %broadcast_in_dim3A_325 {strides = array<i32>} : memref<128x16xf32, #tpu.memory_space<vmem>>, vector<16xf32>,
    }
    %scan3A_16 = arith.constant 128 : i32
    %scan3A_17 = arith.constant 0 : i32
    %scan3A_18 = arith.constant 0 : i32
    %scan3A_19 = arith.constant 512 : i32
    %scan3A_20 = arith.addi %scan3A_18, %scan3A_19 : i32
    %scan3A_21 = arith.constant 1 : i32
    scf.for %scan3A_324 = %scan3A_18 to %scan3A_20 step %scan3A_21  : i32 {
      %jit3A = arith.constant 4 : i32
      %div3A = arith.divsi %scan3A_324, %jit3A : i32
      %sign3A = arith.constant 0 : i32
      %sign3A_325 = arith.cmpi sgt, %scan3A_324, %sign3A : i32
      %sign3A_326 = arith.extui %sign3A_325 : i1 to i32
      %sign3A_327 = arith.constant 0 : i32
      %sign3A_328 = arith.cmpi slt, %scan3A_324, %sign3A_327 : i32
      %sign3A_329 = arith.extui %sign3A_328 : i1 to i32
      %sign3A_330 = arith.subi %sign3A_326, %sign3A_329 : i32
      %sign3A_331 = arith.constant 0 : i32
      %sign3A_332 = arith.cmpi sgt, %jit3A, %sign3A_331 : i32
      %sign3A_333 = arith.extui %sign3A_332 : i1 to i32
      %sign3A_334 = arith.constant 0 : i32
      %sign3A_335 = arith.cmpi slt, %jit3A, %sign3A_334 : i32
      %sign3A_336 = arith.extui %sign3A_335 : i1 to i32
      %sign3A_337 = arith.subi %sign3A_333, %sign3A_336 : i32
      %ne3A = arith.cmpi ne, %sign3A_330, %sign3A_337 : i32
      %rem3A_338 = arith.remsi %scan3A_324, %jit3A : i32
      %ne3A_339 = arith.constant 0 : i32
      %ne3A_340 = arith.cmpi ne, %rem3A_338, %ne3A_339 : i32
      %and3A = arith.andi %ne3A, %ne3A_340 : i1
      %sub3A = arith.constant 1 : i32
      %sub3A_341 = arith.subi %div3A, %sub3A : i32
      %select_n3A = arith.select %and3A, %sub3A_341, %div3A : i32
      %mul3A_342 = arith.constant 4 : i32
      %mul3A_343 = arith.muli %select_n3A, %mul3A_342 : i32
      %sub3A_344 = arith.subi %scan3A_324, %mul3A_343 : i32
      %broadcast_in_dim3A = arith.constant 0.000000e+00 : f32
      %broadcast_in_dim3A_345 = vector.broadcast %broadcast_in_dim3A : f32 to vector<16xf32>
      %mul3A_346 = arith.constant 16 : i32
      %mul3A_347 = arith.muli %sub3A_344, %mul3A_346 : i32
      %swap3A = arith.index_cast %select_n3A : i32 to index
      %swap3A_348 = arith.index_cast %mul3A_347 : i32 to index
      %swap3A_349 = tpu.vector_load %arg15[%swap3A, %swap3A_348] {strides = array<i32>} : memref<160x64xf32, #tpu.memory_space<vmem>>, vector<16xf32>,
      tpu.vector_store %arg15[%swap3A, %swap3A_348], %broadcast_in_dim3A_345 {strides = array<i32>} : memref<160x64xf32, #tpu.memory_space<vmem>>, vector<16xf32>,
    }
    %scan3A_22 = arith.constant 512 : i32
    %mul3A = arith.constant 640 : i32
    %mul3A_23 = arith.muli %arg1, %mul3A : i32
    %add3A = arith.constant 0 : i32
    %add3A_24 = arith.addi %mul3A_23, %add3A : i32
    %multiple_of3A = tpu.assume_multiple %add3A_24, 8 : i32
    "tpu.region"() ({
      %run_scoped3A = tpu.sem_alloc : memref<!tpu.dma_semaphore, #tpu.memory_space<semaphore_mem>>
      %dma_start3A_324 = arith.constant 0 : i32
      %dma_start3A_325 = arith.constant 0 : i32
      %dma_start3A_326 = tpu.memref_slice %arg15[%dma_start3A_324, %dma_start3A_325] : memref<160x64xf32, #tpu.memory_space<vmem>> -> memref<128x64xf32, #tpu.memory_space<vmem>>
      %dma_start3A_327 = arith.constant 0 : i32
      %dma_start3A_328 = tpu.memref_slice %arg19[%multiple_of3A, %dma_start3A_327] : memref<10240x64xf32, #tpu.memory_space<vmem_shared>> -> memref<128x64xf32, #tpu.memory_space<vmem_shared>>
      %dma_start3A_329 = arith.constant 0 : i32
      %dma_start3A_330 = tpu.memref_slice %arg19[%multiple_of3A, %dma_start3A_329] : memref<10240x64xf32, #tpu.memory_space<vmem_shared>> -> memref<128x64xf32, #tpu.memory_space<vmem_shared>>
      %dma_start3A_331 = arith.constant 0 : i32
      %dma_start3A_332 = arith.constant 0 : i32
      %dma_start3A_333 = tpu.memref_slice %arg15[%dma_start3A_331, %dma_start3A_332] : memref<160x64xf32, #tpu.memory_space<vmem>> -> memref<128x64xf32, #tpu.memory_space<vmem>>
      tpu.enqueue_dma source(%dma_start3A_333 : memref<128x64xf32, #tpu.memory_space<vmem>>) target(%dma_start3A_330 : memref<128x64xf32, #tpu.memory_space<vmem_shared>>) target_semaphore(%run_scoped3A : memref<!tpu.dma_semaphore, #tpu.memory_space<semaphore_mem>>)
      %dma_wait3A_334 = arith.constant 0 : i32
      %dma_wait3A_335 = arith.constant 0 : i32
      %dma_wait3A_336 = tpu.memref_slice %arg15[%dma_wait3A_334, %dma_wait3A_335] : memref<160x64xf32, #tpu.memory_space<vmem>> -> memref<128x64xf32, #tpu.memory_space<vmem>>
      %dma_wait3A_337 = arith.constant 0 : i32
      %dma_wait3A_338 = tpu.memref_slice %arg19[%multiple_of3A, %dma_wait3A_337] : memref<10240x64xf32, #tpu.memory_space<vmem_shared>> -> memref<128x64xf32, #tpu.memory_space<vmem_shared>>
      %dma_wait3A_339 = arith.constant 0 : i32
      %dma_wait3A_340 = tpu.memref_slice %arg19[%multiple_of3A, %dma_wait3A_339] : memref<10240x64xf32, #tpu.memory_space<vmem_shared>> -> memref<128x64xf32, #tpu.memory_space<vmem_shared>>
      %dma_wait3A_341 = arith.constant 0 : i32
      %dma_wait3A_342 = arith.constant 0 : i32
      %dma_wait3A_343 = tpu.memref_slice %arg15[%dma_wait3A_341, %dma_wait3A_342] : memref<160x64xf32, #tpu.memory_space<vmem>> -> memref<128x64xf32, #tpu.memory_space<vmem>>
      tpu.wait_dma2 semaphore(%run_scoped3A : memref<!tpu.dma_semaphore, #tpu.memory_space<semaphore_mem>>) src(%dma_wait3A_343 : memref<128x64xf32, #tpu.memory_space<vmem>>) dst(%dma_wait3A_340 : memref<128x64xf32, #tpu.memory_space<vmem_shared>>)
      tpu.yield
    }) : () -> ()
    "tpu.region"() ({
      %run_scoped3A = tpu.sem_alloc : memref<!tpu.dma_semaphore, #tpu.memory_space<semaphore_mem>>
      %dma_start3A_324 = arith.constant 0 : i32
      %dma_start3A_325 = tpu.memref_slice %arg20[%multiple_of3A, %dma_start3A_324] : memref<10240x16xf32, #tpu.memory_space<vmem_shared>> -> memref<128x16xf32, #tpu.memory_space<vmem_shared>>
      %dma_start3A_326 = arith.constant 0 : i32
      %dma_start3A_327 = tpu.memref_slice %arg20[%multiple_of3A, %dma_start3A_326] : memref<10240x16xf32, #tpu.memory_space<vmem_shared>> -> memref<128x16xf32, #tpu.memory_space<vmem_shared>>
      tpu.enqueue_dma source(%arg18 : memref<128x16xf32, #tpu.memory_space<vmem>>) target(%dma_start3A_327 : memref<128x16xf32, #tpu.memory_space<vmem_shared>>) target_semaphore(%run_scoped3A : memref<!tpu.dma_semaphore, #tpu.memory_space<semaphore_mem>>)
      %dma_wait3A_328 = arith.constant 0 : i32
      %dma_wait3A_329 = tpu.memref_slice %arg20[%multiple_of3A, %dma_wait3A_328] : memref<10240x16xf32, #tpu.memory_space<vmem_shared>> -> memref<128x16xf32, #tpu.memory_space<vmem_shared>>
      %dma_wait3A_330 = arith.constant 0 : i32
      %dma_wait3A_331 = tpu.memref_slice %arg20[%multiple_of3A, %dma_wait3A_330] : memref<10240x16xf32, #tpu.memory_space<vmem_shared>> -> memref<128x16xf32, #tpu.memory_space<vmem_shared>>
      tpu.wait_dma2 semaphore(%run_scoped3A : memref<!tpu.dma_semaphore, #tpu.memory_space<semaphore_mem>>) src(%arg18 : memref<128x16xf32, #tpu.memory_space<vmem>>) dst(%dma_wait3A_331 : memref<128x16xf32, #tpu.memory_space<vmem_shared>>)
      tpu.yield
    }) : () -> ()
    %mul3A_25 = arith.constant 640 : i32
    %mul3A_26 = arith.muli %arg1, %mul3A_25 : i32
    %add3A_27 = arith.constant 128 : i32
    %add3A_28 = arith.addi %mul3A_26, %add3A_27 : i32
    %multiple_of3A_29 = tpu.assume_multiple %add3A_28, 8 : i32
    "tpu.region"() ({
      %run_scoped3A = tpu.sem_alloc : memref<!tpu.dma_semaphore, #tpu.memory_space<semaphore_mem>>
      %dma_start3A_324 = arith.constant 0 : i32
      %dma_start3A_325 = arith.constant 0 : i32
      %dma_start3A_326 = tpu.memref_slice %arg15[%dma_start3A_324, %dma_start3A_325] : memref<160x64xf32, #tpu.memory_space<vmem>> -> memref<128x64xf32, #tpu.memory_space<vmem>>
      %dma_start3A_327 = arith.constant 0 : i32
      %dma_start3A_328 = tpu.memref_slice %arg19[%multiple_of3A_29, %dma_start3A_327] : memref<10240x64xf32, #tpu.memory_space<vmem_shared>> -> memref<128x64xf32, #tpu.memory_space<vmem_shared>>
      %dma_start3A_329 = arith.constant 0 : i32
      %dma_start3A_330 = tpu.memref_slice %arg19[%multiple_of3A_29, %dma_start3A_329] : memref<10240x64xf32, #tpu.memory_space<vmem_shared>> -> memref<128x64xf32, #tpu.memory_space<vmem_shared>>
      %dma_start3A_331 = arith.constant 0 : i32
      %dma_start3A_332 = arith.constant 0 : i32
      %dma_start3A_333 = tpu.memref_slice %arg15[%dma_start3A_331, %dma_start3A_332] : memref<160x64xf32, #tpu.memory_space<vmem>> -> memref<128x64xf32, #tpu.memory_space<vmem>>
      tpu.enqueue_dma source(%dma_start3A_333 : memref<128x64xf32, #tpu.memory_space<vmem>>) target(%dma_start3A_330 : memref<128x64xf32, #tpu.memory_space<vmem_shared>>) target_semaphore(%run_scoped3A : memref<!tpu.dma_semaphore, #tpu.memory_space<semaphore_mem>>)
      %dma_wait3A_334 = arith.constant 0 : i32
      %dma_wait3A_335 = arith.constant 0 : i32
      %dma_wait3A_336 = tpu.memref_slice %arg15[%dma_wait3A_334, %dma_wait3A_335] : memref<160x64xf32, #tpu.memory_space<vmem>> -> memref<128x64xf32, #tpu.memory_space<vmem>>
      %dma_wait3A_337 = arith.constant 0 : i32
      %dma_wait3A_338 = tpu.memref_slice %arg19[%multiple_of3A_29, %dma_wait3A_337] : memref<10240x64xf32, #tpu.memory_space<vmem_shared>> -> memref<128x64xf32, #tpu.memory_space<vmem_shared>>
      %dma_wait3A_339 = arith.constant 0 : i32
      %dma_wait3A_340 = tpu.memref_slice %arg19[%multiple_of3A_29, %dma_wait3A_339] : memref<10240x64xf32, #tpu.memory_space<vmem_shared>> -> memref<128x64xf32, #tpu.memory_space<vmem_shared>>
      %dma_wait3A_341 = arith.constant 0 : i32
      %dma_wait3A_342 = arith.constant 0 : i32
      %dma_wait3A_343 = tpu.memref_slice %arg15[%dma_wait3A_341, %dma_wait3A_342] : memref<160x64xf32, #tpu.memory_space<vmem>> -> memref<128x64xf32, #tpu.memory_space<vmem>>
      tpu.wait_dma2 semaphore(%run_scoped3A : memref<!tpu.dma_semaphore, #tpu.memory_space<semaphore_mem>>) src(%dma_wait3A_343 : memref<128x64xf32, #tpu.memory_space<vmem>>) dst(%dma_wait3A_340 : memref<128x64xf32, #tpu.memory_space<vmem_shared>>)
      tpu.yield
    }) : () -> ()
    "tpu.region"() ({
      %run_scoped3A = tpu.sem_alloc : memref<!tpu.dma_semaphore, #tpu.memory_space<semaphore_mem>>
      %dma_start3A_324 = arith.constant 0 : i32
      %dma_start3A_325 = tpu.memref_slice %arg20[%multiple_of3A_29, %dma_start3A_324] : memref<10240x16xf32, #tpu.memory_space<vmem_shared>> -> memref<128x16xf32, #tpu.memory_space<vmem_shared>>
      %dma_start3A_326 = arith.constant 0 : i32
      %dma_start3A_327 = tpu.memref_slice %arg20[%multiple_of3A_29, %dma_start3A_326] : memref<10240x16xf32, #tpu.memory_space<vmem_shared>> -> memref<128x16xf32, #tpu.memory_space<vmem_shared>>
      tpu.enqueue_dma source(%arg18 : memref<128x16xf32, #tpu.memory_space<vmem>>) target(%dma_start3A_327 : memref<128x16xf32, #tpu.memory_space<vmem_shared>>) target_semaphore(%run_scoped3A : memref<!tpu.dma_semaphore, #tpu.memory_space<semaphore_mem>>)
      %dma_wait3A_328 = arith.constant 0 : i32
      %dma_wait3A_329 = tpu.memref_slice %arg20[%multiple_of3A_29, %dma_wait3A_328] : memref<10240x16xf32, #tpu.memory_space<vmem_shared>> -> memref<128x16xf32, #tpu.memory_space<vmem_shared>>
      %dma_wait3A_330 = arith.constant 0 : i32
      %dma_wait3A_331 = tpu.memref_slice %arg20[%multiple_of3A_29, %dma_wait3A_330] : memref<10240x16xf32, #tpu.memory_space<vmem_shared>> -> memref<128x16xf32, #tpu.memory_space<vmem_shared>>
      tpu.wait_dma2 semaphore(%run_scoped3A : memref<!tpu.dma_semaphore, #tpu.memory_space<semaphore_mem>>) src(%arg18 : memref<128x16xf32, #tpu.memory_space<vmem>>) dst(%dma_wait3A_331 : memref<128x16xf32, #tpu.memory_space<vmem_shared>>)
      tpu.yield
    }) : () -> ()
    %mul3A_30 = arith.constant 640 : i32
    %mul3A_31 = arith.muli %arg1, %mul3A_30 : i32
    %add3A_32 = arith.constant 256 : i32
    %add3A_33 = arith.addi %mul3A_31, %add3A_32 : i32
    %multiple_of3A_34 = tpu.assume_multiple %add3A_33, 8 : i32
    "tpu.region"() ({
      %run_scoped3A = tpu.sem_alloc : memref<!tpu.dma_semaphore, #tpu.memory_space<semaphore_mem>>
      %dma_start3A_324 = arith.constant 0 : i32
      %dma_start3A_325 = arith.constant 0 : i32
      %dma_start3A_326 = tpu.memref_slice %arg15[%dma_start3A_324, %dma_start3A_325] : memref<160x64xf32, #tpu.memory_space<vmem>> -> memref<128x64xf32, #tpu.memory_space<vmem>>
      %dma_start3A_327 = arith.constant 0 : i32
      %dma_start3A_328 = tpu.memref_slice %arg19[%multiple_of3A_34, %dma_start3A_327] : memref<10240x64xf32, #tpu.memory_space<vmem_shared>> -> memref<128x64xf32, #tpu.memory_space<vmem_shared>>
      %dma_start3A_329 = arith.constant 0 : i32
      %dma_start3A_330 = tpu.memref_slice %arg19[%multiple_of3A_34, %dma_start3A_329] : memref<10240x64xf32, #tpu.memory_space<vmem_shared>> -> memref<128x64xf32, #tpu.memory_space<vmem_shared>>
      %dma_start3A_331 = arith.constant 0 : i32
      %dma_start3A_332 = arith.constant 0 : i32
      %dma_start3A_333 = tpu.memref_slice %arg15[%dma_start3A_331, %dma_start3A_332] : memref<160x64xf32, #tpu.memory_space<vmem>> -> memref<128x64xf32, #tpu.memory_space<vmem>>
      tpu.enqueue_dma source(%dma_start3A_333 : memref<128x64xf32, #tpu.memory_space<vmem>>) target(%dma_start3A_330 : memref<128x64xf32, #tpu.memory_space<vmem_shared>>) target_semaphore(%run_scoped3A : memref<!tpu.dma_semaphore, #tpu.memory_space<semaphore_mem>>)
      %dma_wait3A_334 = arith.constant 0 : i32
      %dma_wait3A_335 = arith.constant 0 : i32
      %dma_wait3A_336 = tpu.memref_slice %arg15[%dma_wait3A_334, %dma_wait3A_335] : memref<160x64xf32, #tpu.memory_space<vmem>> -> memref<128x64xf32, #tpu.memory_space<vmem>>
      %dma_wait3A_337 = arith.constant 0 : i32
      %dma_wait3A_338 = tpu.memref_slice %arg19[%multiple_of3A_34, %dma_wait3A_337] : memref<10240x64xf32, #tpu.memory_space<vmem_shared>> -> memref<128x64xf32, #tpu.memory_space<vmem_shared>>
      %dma_wait3A_339 = arith.constant 0 : i32
      %dma_wait3A_340 = tpu.memref_slice %arg19[%multiple_of3A_34, %dma_wait3A_339] : memref<10240x64xf32, #tpu.memory_space<vmem_shared>> -> memref<128x64xf32, #tpu.memory_space<vmem_shared>>
      %dma_wait3A_341 = arith.constant 0 : i32
      %dma_wait3A_342 = arith.constant 0 : i32
      %dma_wait3A_343 = tpu.memref_slice %arg15[%dma_wait3A_341, %dma_wait3A_342] : memref<160x64xf32, #tpu.memory_space<vmem>> -> memref<128x64xf32, #tpu.memory_space<vmem>>
      tpu.wait_dma2 semaphore(%run_scoped3A : memref<!tpu.dma_semaphore, #tpu.memory_space<semaphore_mem>>) src(%dma_wait3A_343 : memref<128x64xf32, #tpu.memory_space<vmem>>) dst(%dma_wait3A_340 : memref<128x64xf32, #tpu.memory_space<vmem_shared>>)
      tpu.yield
    }) : () -> ()
    "tpu.region"() ({
      %run_scoped3A = tpu.sem_alloc : memref<!tpu.dma_semaphore, #tpu.memory_space<semaphore_mem>>
      %dma_start3A_324 = arith.constant 0 : i32
      %dma_start3A_325 = tpu.memref_slice %arg20[%multiple_of3A_34, %dma_start3A_324] : memref<10240x16xf32, #tpu.memory_space<vmem_shared>> -> memref<128x16xf32, #tpu.memory_space<vmem_shared>>
      %dma_start3A_326 = arith.constant 0 : i32
      %dma_start3A_327 = tpu.memref_slice %arg20[%multiple_of3A_34, %dma_start3A_326] : memref<10240x16xf32, #tpu.memory_space<vmem_shared>> -> memref<128x16xf32, #tpu.memory_space<vmem_shared>>
      tpu.enqueue_dma source(%arg18 : memref<128x16xf32, #tpu.memory_space<vmem>>) target(%dma_start3A_327 : memref<128x16xf32, #tpu.memory_space<vmem_shared>>) target_semaphore(%run_scoped3A : memref<!tpu.dma_semaphore, #tpu.memory_space<semaphore_mem>>)
      %dma_wait3A_328 = arith.constant 0 : i32
      %dma_wait3A_329 = tpu.memref_slice %arg20[%multiple_of3A_34, %dma_wait3A_328] : memref<10240x16xf32, #tpu.memory_space<vmem_shared>> -> memref<128x16xf32, #tpu.memory_space<vmem_shared>>
      %dma_wait3A_330 = arith.constant 0 : i32
      %dma_wait3A_331 = tpu.memref_slice %arg20[%multiple_of3A_34, %dma_wait3A_330] : memref<10240x16xf32, #tpu.memory_space<vmem_shared>> -> memref<128x16xf32, #tpu.memory_space<vmem_shared>>
      tpu.wait_dma2 semaphore(%run_scoped3A : memref<!tpu.dma_semaphore, #tpu.memory_space<semaphore_mem>>) src(%arg18 : memref<128x16xf32, #tpu.memory_space<vmem>>) dst(%dma_wait3A_331 : memref<128x16xf32, #tpu.memory_space<vmem_shared>>)
      tpu.yield
    }) : () -> ()
    %mul3A_35 = arith.constant 640 : i32
    %mul3A_36 = arith.muli %arg1, %mul3A_35 : i32
    %add3A_37 = arith.constant 384 : i32
    %add3A_38 = arith.addi %mul3A_36, %add3A_37 : i32
    %multiple_of3A_39 = tpu.assume_multiple %add3A_38, 8 : i32
    "tpu.region"() ({
      %run_scoped3A = tpu.sem_alloc : memref<!tpu.dma_semaphore, #tpu.memory_space<semaphore_mem>>
      %dma_start3A_324 = arith.constant 0 : i32
      %dma_start3A_325 = arith.constant 0 : i32
      %dma_start3A_326 = tpu.memref_slice %arg15[%dma_start3A_324, %dma_start3A_325] : memref<160x64xf32, #tpu.memory_space<vmem>> -> memref<128x64xf32, #tpu.memory_space<vmem>>
      %dma_start3A_327 = arith.constant 0 : i32
      %dma_start3A_328 = tpu.memref_slice %arg19[%multiple_of3A_39, %dma_start3A_327] : memref<10240x64xf32, #tpu.memory_space<vmem_shared>> -> memref<128x64xf32, #tpu.memory_space<vmem_shared>>
      %dma_start3A_329 = arith.constant 0 : i32
      %dma_start3A_330 = tpu.memref_slice %arg19[%multiple_of3A_39, %dma_start3A_329] : memref<10240x64xf32, #tpu.memory_space<vmem_shared>> -> memref<128x64xf32, #tpu.memory_space<vmem_shared>>
      %dma_start3A_331 = arith.constant 0 : i32
      %dma_start3A_332 = arith.constant 0 : i32
      %dma_start3A_333 = tpu.memref_slice %arg15[%dma_start3A_331, %dma_start3A_332] : memref<160x64xf32, #tpu.memory_space<vmem>> -> memref<128x64xf32, #tpu.memory_space<vmem>>
      tpu.enqueue_dma source(%dma_start3A_333 : memref<128x64xf32, #tpu.memory_space<vmem>>) target(%dma_start3A_330 : memref<128x64xf32, #tpu.memory_space<vmem_shared>>) target_semaphore(%run_scoped3A : memref<!tpu.dma_semaphore, #tpu.memory_space<semaphore_mem>>)
      %dma_wait3A_334 = arith.constant 0 : i32
      %dma_wait3A_335 = arith.constant 0 : i32
      %dma_wait3A_336 = tpu.memref_slice %arg15[%dma_wait3A_334, %dma_wait3A_335] : memref<160x64xf32, #tpu.memory_space<vmem>> -> memref<128x64xf32, #tpu.memory_space<vmem>>
      %dma_wait3A_337 = arith.constant 0 : i32
      %dma_wait3A_338 = tpu.memref_slice %arg19[%multiple_of3A_39, %dma_wait3A_337] : memref<10240x64xf32, #tpu.memory_space<vmem_shared>> -> memref<128x64xf32, #tpu.memory_space<vmem_shared>>
      %dma_wait3A_339 = arith.constant 0 : i32
      %dma_wait3A_340 = tpu.memref_slice %arg19[%multiple_of3A_39, %dma_wait3A_339] : memref<10240x64xf32, #tpu.memory_space<vmem_shared>> -> memref<128x64xf32, #tpu.memory_space<vmem_shared>>
      %dma_wait3A_341 = arith.constant 0 : i32
      %dma_wait3A_342 = arith.constant 0 : i32
      %dma_wait3A_343 = tpu.memref_slice %arg15[%dma_wait3A_341, %dma_wait3A_342] : memref<160x64xf32, #tpu.memory_space<vmem>> -> memref<128x64xf32, #tpu.memory_space<vmem>>
      tpu.wait_dma2 semaphore(%run_scoped3A : memref<!tpu.dma_semaphore, #tpu.memory_space<semaphore_mem>>) src(%dma_wait3A_343 : memref<128x64xf32, #tpu.memory_space<vmem>>) dst(%dma_wait3A_340 : memref<128x64xf32, #tpu.memory_space<vmem_shared>>)
      tpu.yield
    }) : () -> ()
    "tpu.region"() ({
      %run_scoped3A = tpu.sem_alloc : memref<!tpu.dma_semaphore, #tpu.memory_space<semaphore_mem>>
      %dma_start3A_324 = arith.constant 0 : i32
      %dma_start3A_325 = tpu.memref_slice %arg20[%multiple_of3A_39, %dma_start3A_324] : memref<10240x16xf32, #tpu.memory_space<vmem_shared>> -> memref<128x16xf32, #tpu.memory_space<vmem_shared>>
      %dma_start3A_326 = arith.constant 0 : i32
      %dma_start3A_327 = tpu.memref_slice %arg20[%multiple_of3A_39, %dma_start3A_326] : memref<10240x16xf32, #tpu.memory_space<vmem_shared>> -> memref<128x16xf32, #tpu.memory_space<vmem_shared>>
      tpu.enqueue_dma source(%arg18 : memref<128x16xf32, #tpu.memory_space<vmem>>) target(%dma_start3A_327 : memref<128x16xf32, #tpu.memory_space<vmem_shared>>) target_semaphore(%run_scoped3A : memref<!tpu.dma_semaphore, #tpu.memory_space<semaphore_mem>>)
      %dma_wait3A_328 = arith.constant 0 : i32
      %dma_wait3A_329 = tpu.memref_slice %arg20[%multiple_of3A_39, %dma_wait3A_328] : memref<10240x16xf32, #tpu.memory_space<vmem_shared>> -> memref<128x16xf32, #tpu.memory_space<vmem_shared>>
      %dma_wait3A_330 = arith.constant 0 : i32
      %dma_wait3A_331 = tpu.memref_slice %arg20[%multiple_of3A_39, %dma_wait3A_330] : memref<10240x16xf32, #tpu.memory_space<vmem_shared>> -> memref<128x16xf32, #tpu.memory_space<vmem_shared>>
      tpu.wait_dma2 semaphore(%run_scoped3A : memref<!tpu.dma_semaphore, #tpu.memory_space<semaphore_mem>>) src(%arg18 : memref<128x16xf32, #tpu.memory_space<vmem>>) dst(%dma_wait3A_331 : memref<128x16xf32, #tpu.memory_space<vmem_shared>>)
      tpu.yield
    }) : () -> ()
    %mul3A_40 = arith.constant 640 : i32
    %mul3A_41 = arith.muli %arg1, %mul3A_40 : i32
    %add3A_42 = arith.constant 512 : i32
    %add3A_43 = arith.addi %mul3A_41, %add3A_42 : i32
    %multiple_of3A_44 = tpu.assume_multiple %add3A_43, 8 : i32
    "tpu.region"() ({
      %run_scoped3A = tpu.sem_alloc : memref<!tpu.dma_semaphore, #tpu.memory_space<semaphore_mem>>
      %dma_start3A_324 = arith.constant 0 : i32
      %dma_start3A_325 = arith.constant 0 : i32
      %dma_start3A_326 = tpu.memref_slice %arg15[%dma_start3A_324, %dma_start3A_325] : memref<160x64xf32, #tpu.memory_space<vmem>> -> memref<128x64xf32, #tpu.memory_space<vmem>>
      %dma_start3A_327 = arith.constant 0 : i32
      %dma_start3A_328 = tpu.memref_slice %arg19[%multiple_of3A_44, %dma_start3A_327] : memref<10240x64xf32, #tpu.memory_space<vmem_shared>> -> memref<128x64xf32, #tpu.memory_space<vmem_shared>>
      %dma_start3A_329 = arith.constant 0 : i32
      %dma_start3A_330 = tpu.memref_slice %arg19[%multiple_of3A_44, %dma_start3A_329] : memref<10240x64xf32, #tpu.memory_space<vmem_shared>> -> memref<128x64xf32, #tpu.memory_space<vmem_shared>>
      %dma_start3A_331 = arith.constant 0 : i32
      %dma_start3A_332 = arith.constant 0 : i32
      %dma_start3A_333 = tpu.memref_slice %arg15[%dma_start3A_331, %dma_start3A_332] : memref<160x64xf32, #tpu.memory_space<vmem>> -> memref<128x64xf32, #tpu.memory_space<vmem>>
      tpu.enqueue_dma source(%dma_start3A_333 : memref<128x64xf32, #tpu.memory_space<vmem>>) target(%dma_start3A_330 : memref<128x64xf32, #tpu.memory_space<vmem_shared>>) target_semaphore(%run_scoped3A : memref<!tpu.dma_semaphore, #tpu.memory_space<semaphore_mem>>)
      %dma_wait3A_334 = arith.constant 0 : i32
      %dma_wait3A_335 = arith.constant 0 : i32
      %dma_wait3A_336 = tpu.memref_slice %arg15[%dma_wait3A_334, %dma_wait3A_335] : memref<160x64xf32, #tpu.memory_space<vmem>> -> memref<128x64xf32, #tpu.memory_space<vmem>>
      %dma_wait3A_337 = arith.constant 0 : i32
      %dma_wait3A_338 = tpu.memref_slice %arg19[%multiple_of3A_44, %dma_wait3A_337] : memref<10240x64xf32, #tpu.memory_space<vmem_shared>> -> memref<128x64xf32, #tpu.memory_space<vmem_shared>>
      %dma_wait3A_339 = arith.constant 0 : i32
      %dma_wait3A_340 = tpu.memref_slice %arg19[%multiple_of3A_44, %dma_wait3A_339] : memref<10240x64xf32, #tpu.memory_space<vmem_shared>> -> memref<128x64xf32, #tpu.memory_space<vmem_shared>>
      %dma_wait3A_341 = arith.constant 0 : i32
      %dma_wait3A_342 = arith.constant 0 : i32
      %dma_wait3A_343 = tpu.memref_slice %arg15[%dma_wait3A_341, %dma_wait3A_342] : memref<160x64xf32, #tpu.memory_space<vmem>> -> memref<128x64xf32, #tpu.memory_space<vmem>>
      tpu.wait_dma2 semaphore(%run_scoped3A : memref<!tpu.dma_semaphore, #tpu.memory_space<semaphore_mem>>) src(%dma_wait3A_343 : memref<128x64xf32, #tpu.memory_space<vmem>>) dst(%dma_wait3A_340 : memref<128x64xf32, #tpu.memory_space<vmem_shared>>)
      tpu.yield
    }) : () -> ()
    "tpu.region"() ({
      %run_scoped3A = tpu.sem_alloc : memref<!tpu.dma_semaphore, #tpu.memory_space<semaphore_mem>>
      %dma_start3A_324 = arith.constant 0 : i32
      %dma_start3A_325 = tpu.memref_slice %arg20[%multiple_of3A_44, %dma_start3A_324] : memref<10240x16xf32, #tpu.memory_space<vmem_shared>> -> memref<128x16xf32, #tpu.memory_space<vmem_shared>>
      %dma_start3A_326 = arith.constant 0 : i32
      %dma_start3A_327 = tpu.memref_slice %arg20[%multiple_of3A_44, %dma_start3A_326] : memref<10240x16xf32, #tpu.memory_space<vmem_shared>> -> memref<128x16xf32, #tpu.memory_space<vmem_shared>>
      tpu.enqueue_dma source(%arg18 : memref<128x16xf32, #tpu.memory_space<vmem>>) target(%dma_start3A_327 : memref<128x16xf32, #tpu.memory_space<vmem_shared>>) target_semaphore(%run_scoped3A : memref<!tpu.dma_semaphore, #tpu.memory_space<semaphore_mem>>)
      %dma_wait3A_328 = arith.constant 0 : i32
      %dma_wait3A_329 = tpu.memref_slice %arg20[%multiple_of3A_44, %dma_wait3A_328] : memref<10240x16xf32, #tpu.memory_space<vmem_shared>> -> memref<128x16xf32, #tpu.memory_space<vmem_shared>>
      %dma_wait3A_330 = arith.constant 0 : i32
      %dma_wait3A_331 = tpu.memref_slice %arg20[%multiple_of3A_44, %dma_wait3A_330] : memref<10240x16xf32, #tpu.memory_space<vmem_shared>> -> memref<128x16xf32, #tpu.memory_space<vmem_shared>>
      tpu.wait_dma2 semaphore(%run_scoped3A : memref<!tpu.dma_semaphore, #tpu.memory_space<semaphore_mem>>) src(%arg18 : memref<128x16xf32, #tpu.memory_space<vmem>>) dst(%dma_wait3A_331 : memref<128x16xf32, #tpu.memory_space<vmem_shared>>)
      tpu.yield
    }) : () -> ()
    %barrier3A = arith.constant 0 : index
    tpu.barrier barrier_id(%barrier3A)
    %mul3A_45 = arith.constant 4000 : i32
    %mul3A_46 = arith.muli %arg1, %mul3A_45 : i32
    %multiple_of3A_47 = tpu.assume_multiple %mul3A_46, 8 : i32
    %mul3A_48 = arith.constant 10 : i32
    %mul3A_49 = arith.muli %multiple_of3A_47, %mul3A_48 : i32
    %multiple_of3A_50 = tpu.assume_multiple %mul3A_49, 8 : i32
    "tpu.region"() ({
      %run_scoped3A = tpu.sem_alloc : memref<!tpu.dma_semaphore, #tpu.memory_space<semaphore_mem>>
      %dma_start3A_324 = tpu.memref_slice %arg3[%multiple_of3A_50] : memref<640000xi32, #tpu.memory_space<hbm>> -> memref<400xi32, #tpu.memory_space<hbm>>
      %dma_start3A_325 = tpu.memref_slice %arg3[%multiple_of3A_50] : memref<640000xi32, #tpu.memory_space<hbm>> -> memref<400xi32, #tpu.memory_space<hbm>>
      tpu.enqueue_dma source(%dma_start3A_325 : memref<400xi32, #tpu.memory_space<hbm>>) target(%arg8 : memref<400xi32, #tpu.memory_space<vmem>>) target_semaphore(%run_scoped3A : memref<!tpu.dma_semaphore, #tpu.memory_space<semaphore_mem>>)
      %dma_wait3A_326 = tpu.memref_slice %arg3[%multiple_of3A_50] : memref<640000xi32, #tpu.memory_space<hbm>> -> memref<400xi32, #tpu.memory_space<hbm>>
      %dma_wait3A_327 = tpu.memref_slice %arg3[%multiple_of3A_50] : memref<640000xi32, #tpu.memory_space<hbm>> -> memref<400xi32, #tpu.memory_space<hbm>>
      tpu.wait_dma2 semaphore(%run_scoped3A : memref<!tpu.dma_semaphore, #tpu.memory_space<semaphore_mem>>) src(%dma_wait3A_327 : memref<400xi32, #tpu.memory_space<hbm>>) dst(%arg8 : memref<400xi32, #tpu.memory_space<vmem>>)
      tpu.yield
    }) : () -> ()
    %add3A_51 = arith.constant 40 : i32
    %add3A_52 = arith.addi %multiple_of3A_47, %add3A_51 : i32
    %mul3A_53 = arith.constant 10 : i32
    %mul3A_54 = arith.muli %add3A_52, %mul3A_53 : i32
    %multiple_of3A_55 = tpu.assume_multiple %mul3A_54, 8 : i32
    "tpu.region"() ({
      %run_scoped3A = tpu.sem_alloc : memref<!tpu.dma_semaphore, #tpu.memory_space<semaphore_mem>>
      %dma_start3A_324 = tpu.memref_slice %arg3[%multiple_of3A_55] : memref<640000xi32, #tpu.memory_space<hbm>> -> memref<400xi32, #tpu.memory_space<hbm>>
      %dma_start3A_325 = tpu.memref_slice %arg3[%multiple_of3A_55] : memref<640000xi32, #tpu.memory_space<hbm>> -> memref<400xi32, #tpu.memory_space<hbm>>
      tpu.enqueue_dma source(%dma_start3A_325 : memref<400xi32, #tpu.memory_space<hbm>>) target(%arg9 : memref<400xi32, #tpu.memory_space<vmem>>) target_semaphore(%run_scoped3A : memref<!tpu.dma_semaphore, #tpu.memory_space<semaphore_mem>>)
      %dma_wait3A_326 = tpu.memref_slice %arg3[%multiple_of3A_55] : memref<640000xi32, #tpu.memory_space<hbm>> -> memref<400xi32, #tpu.memory_space<hbm>>
      %dma_wait3A_327 = tpu.memref_slice %arg3[%multiple_of3A_55] : memref<640000xi32, #tpu.memory_space<hbm>> -> memref<400xi32, #tpu.memory_space<hbm>>
      tpu.wait_dma2 semaphore(%run_scoped3A : memref<!tpu.dma_semaphore, #tpu.memory_space<semaphore_mem>>) src(%dma_wait3A_327 : memref<400xi32, #tpu.memory_space<hbm>>) dst(%arg9 : memref<400xi32, #tpu.memory_space<vmem>>)
      tpu.yield
    }) : () -> ()
    %parallel_loop3A = arith.constant 0 : i32
    %parallel_loop3A_56 = arith.constant 25 : i32
    %parallel_loop3A_57 = arith.constant 1 : i32
    scf.for %parallel_loop3A_324 = %parallel_loop3A to %parallel_loop3A_56 step %parallel_loop3A_57  : i32 {
      %parallel_loop3A_325 = arith.constant 16 : i32
      %parallel_loop3A_326 = arith.muli %parallel_loop3A_324, %parallel_loop3A_325 : i32
      %parallel_loop3A_327 = arith.index_cast %parallel_loop3A_326 : i32 to index
      %parallel_loop3A_328 = tpu.vector_load %arg8[%parallel_loop3A_327] {strides = array<i32>} : memref<400xi32, #tpu.memory_space<vmem>>, vector<16xi32>,
      %parallel_loop3A_329 = arith.index_cast %parallel_loop3A_326 : i32 to index
      %parallel_loop3A_330 = tpu.vector_load %arg17[%parallel_loop3A_329] {strides = array<i32>} : memref<400xi32, #tpu.memory_space<vmem>>, vector<16xi32>,
      %parallel_loop3A_331 = arith.addi %parallel_loop3A_328, %parallel_loop3A_330 : vector<16xi32>
      %parallel_loop3A_332 = arith.index_cast %parallel_loop3A_326 : i32 to index
      %parallel_loop3A_333 = tpu.vector_load %arg10[%parallel_loop3A_332] {strides = array<i32>} : memref<400xi32, #tpu.memory_space<vmem>>, vector<16xi32>,
      tpu.vector_store %arg10[%parallel_loop3A_332], %parallel_loop3A_331 {strides = array<i32>} : memref<400xi32, #tpu.memory_space<vmem>>, vector<16xi32>,
    } {sc.loop_unroll_factor = 5 : i64, sc.parallel_access}
    %dma_start3A = arith.constant 0 : i32
    %dma_start3A_58 = arith.constant 0 : i32
    %dma_start3A_59 = tpu.memref_slice %arg13[%dma_start3A, %dma_start3A_58] : memref<400x64xbf16, #tpu.memory_space<vmem>> -> memref<40x64xbf16, #tpu.memory_space<vmem>>
    %dma_start3A_60 = arith.constant 0 : i32
    %dma_start3A_61 = tpu.memref_slice %arg10[%dma_start3A_60] : memref<400xi32, #tpu.memory_space<vmem>> -> memref<40xi32, #tpu.memory_space<vmem>>
    %dma_start3A_62 = arith.constant 0 : i32
    %dma_start3A_63 = arith.constant 0 : i32
    %dma_start3A_64 = tpu.memref_slice %arg2[%dma_start3A_62, %dma_start3A_63] : memref<200000x64xbf16, #tpu.memory_space<hbm>> -> memref<200000x64xbf16, #tpu.memory_space<hbm>>
    tpu.enqueue_indirect_dma source(%dma_start3A_64 : memref<200000x64xbf16, #tpu.memory_space<hbm>>) target(%dma_start3A_59 : memref<40x64xbf16, #tpu.memory_space<vmem>>) offsets(%dma_start3A_61 : memref<40xi32, #tpu.memory_space<vmem>>) semaphore(%arg21 : memref<!tpu.dma_semaphore, #tpu.memory_space<semaphore_mem>>)
    %dma_start3A_65 = arith.constant 40 : i32
    %dma_start3A_66 = arith.constant 0 : i32
    %dma_start3A_67 = tpu.memref_slice %arg13[%dma_start3A_65, %dma_start3A_66] : memref<400x64xbf16, #tpu.memory_space<vmem>> -> memref<40x64xbf16, #tpu.memory_space<vmem>>
    %dma_start3A_68 = arith.constant 40 : i32
    %dma_start3A_69 = tpu.memref_slice %arg10[%dma_start3A_68] : memref<400xi32, #tpu.memory_space<vmem>> -> memref<40xi32, #tpu.memory_space<vmem>>
    %dma_start3A_70 = arith.constant 0 : i32
    %dma_start3A_71 = arith.constant 0 : i32
    %dma_start3A_72 = tpu.memref_slice %arg2[%dma_start3A_70, %dma_start3A_71] : memref<200000x64xbf16, #tpu.memory_space<hbm>> -> memref<200000x64xbf16, #tpu.memory_space<hbm>>
    tpu.enqueue_indirect_dma source(%dma_start3A_72 : memref<200000x64xbf16, #tpu.memory_space<hbm>>) target(%dma_start3A_67 : memref<40x64xbf16, #tpu.memory_space<vmem>>) offsets(%dma_start3A_69 : memref<40xi32, #tpu.memory_space<vmem>>) semaphore(%arg21 : memref<!tpu.dma_semaphore, #tpu.memory_space<semaphore_mem>>)
    %dma_start3A_73 = arith.constant 80 : i32
    %dma_start3A_74 = arith.constant 0 : i32
    %dma_start3A_75 = tpu.memref_slice %arg13[%dma_start3A_73, %dma_start3A_74] : memref<400x64xbf16, #tpu.memory_space<vmem>> -> memref<40x64xbf16, #tpu.memory_space<vmem>>
    %dma_start3A_76 = arith.constant 80 : i32
    %dma_start3A_77 = tpu.memref_slice %arg10[%dma_start3A_76] : memref<400xi32, #tpu.memory_space<vmem>> -> memref<40xi32, #tpu.memory_space<vmem>>
    %dma_start3A_78 = arith.constant 0 : i32
    %dma_start3A_79 = arith.constant 0 : i32
    %dma_start3A_80 = tpu.memref_slice %arg2[%dma_start3A_78, %dma_start3A_79] : memref<200000x64xbf16, #tpu.memory_space<hbm>> -> memref<200000x64xbf16, #tpu.memory_space<hbm>>
    tpu.enqueue_indirect_dma source(%dma_start3A_80 : memref<200000x64xbf16, #tpu.memory_space<hbm>>) target(%dma_start3A_75 : memref<40x64xbf16, #tpu.memory_space<vmem>>) offsets(%dma_start3A_77 : memref<40xi32, #tpu.memory_space<vmem>>) semaphore(%arg21 : memref<!tpu.dma_semaphore, #tpu.memory_space<semaphore_mem>>)
    %dma_start3A_81 = arith.constant 120 : i32
    %dma_start3A_82 = arith.constant 0 : i32
    %dma_start3A_83 = tpu.memref_slice %arg13[%dma_start3A_81, %dma_start3A_82] : memref<400x64xbf16, #tpu.memory_space<vmem>> -> memref<40x64xbf16, #tpu.memory_space<vmem>>
    %dma_start3A_84 = arith.constant 120 : i32
    %dma_start3A_85 = tpu.memref_slice %arg10[%dma_start3A_84] : memref<400xi32, #tpu.memory_space<vmem>> -> memref<40xi32, #tpu.memory_space<vmem>>
    %dma_start3A_86 = arith.constant 0 : i32
    %dma_start3A_87 = arith.constant 0 : i32
    %dma_start3A_88 = tpu.memref_slice %arg2[%dma_start3A_86, %dma_start3A_87] : memref<200000x64xbf16, #tpu.memory_space<hbm>> -> memref<200000x64xbf16, #tpu.memory_space<hbm>>
    tpu.enqueue_indirect_dma source(%dma_start3A_88 : memref<200000x64xbf16, #tpu.memory_space<hbm>>) target(%dma_start3A_83 : memref<40x64xbf16, #tpu.memory_space<vmem>>) offsets(%dma_start3A_85 : memref<40xi32, #tpu.memory_space<vmem>>) semaphore(%arg21 : memref<!tpu.dma_semaphore, #tpu.memory_space<semaphore_mem>>)
    %dma_start3A_89 = arith.constant 160 : i32
    %dma_start3A_90 = arith.constant 0 : i32
    %dma_start3A_91 = tpu.memref_slice %arg13[%dma_start3A_89, %dma_start3A_90] : memref<400x64xbf16, #tpu.memory_space<vmem>> -> memref<40x64xbf16, #tpu.memory_space<vmem>>
    %dma_start3A_92 = arith.constant 160 : i32
    %dma_start3A_93 = tpu.memref_slice %arg10[%dma_start3A_92] : memref<400xi32, #tpu.memory_space<vmem>> -> memref<40xi32, #tpu.memory_space<vmem>>
    %dma_start3A_94 = arith.constant 0 : i32
    %dma_start3A_95 = arith.constant 0 : i32
    %dma_start3A_96 = tpu.memref_slice %arg2[%dma_start3A_94, %dma_start3A_95] : memref<200000x64xbf16, #tpu.memory_space<hbm>> -> memref<200000x64xbf16, #tpu.memory_space<hbm>>
    tpu.enqueue_indirect_dma source(%dma_start3A_96 : memref<200000x64xbf16, #tpu.memory_space<hbm>>) target(%dma_start3A_91 : memref<40x64xbf16, #tpu.memory_space<vmem>>) offsets(%dma_start3A_93 : memref<40xi32, #tpu.memory_space<vmem>>) semaphore(%arg21 : memref<!tpu.dma_semaphore, #tpu.memory_space<semaphore_mem>>)
    %dma_start3A_97 = arith.constant 200 : i32
    %dma_start3A_98 = arith.constant 0 : i32
    %dma_start3A_99 = tpu.memref_slice %arg13[%dma_start3A_97, %dma_start3A_98] : memref<400x64xbf16, #tpu.memory_space<vmem>> -> memref<40x64xbf16, #tpu.memory_space<vmem>>
    %dma_start3A_100 = arith.constant 200 : i32
    %dma_start3A_101 = tpu.memref_slice %arg10[%dma_start3A_100] : memref<400xi32, #tpu.memory_space<vmem>> -> memref<40xi32, #tpu.memory_space<vmem>>
    %dma_start3A_102 = arith.constant 0 : i32
    %dma_start3A_103 = arith.constant 0 : i32
    %dma_start3A_104 = tpu.memref_slice %arg2[%dma_start3A_102, %dma_start3A_103] : memref<200000x64xbf16, #tpu.memory_space<hbm>> -> memref<200000x64xbf16, #tpu.memory_space<hbm>>
    tpu.enqueue_indirect_dma source(%dma_start3A_104 : memref<200000x64xbf16, #tpu.memory_space<hbm>>) target(%dma_start3A_99 : memref<40x64xbf16, #tpu.memory_space<vmem>>) offsets(%dma_start3A_101 : memref<40xi32, #tpu.memory_space<vmem>>) semaphore(%arg21 : memref<!tpu.dma_semaphore, #tpu.memory_space<semaphore_mem>>)
    %dma_start3A_105 = arith.constant 240 : i32
    %dma_start3A_106 = arith.constant 0 : i32
    %dma_start3A_107 = tpu.memref_slice %arg13[%dma_start3A_105, %dma_start3A_106] : memref<400x64xbf16, #tpu.memory_space<vmem>> -> memref<40x64xbf16, #tpu.memory_space<vmem>>
    %dma_start3A_108 = arith.constant 240 : i32
    %dma_start3A_109 = tpu.memref_slice %arg10[%dma_start3A_108] : memref<400xi32, #tpu.memory_space<vmem>> -> memref<40xi32, #tpu.memory_space<vmem>>
    %dma_start3A_110 = arith.constant 0 : i32
    %dma_start3A_111 = arith.constant 0 : i32
    %dma_start3A_112 = tpu.memref_slice %arg2[%dma_start3A_110, %dma_start3A_111] : memref<200000x64xbf16, #tpu.memory_space<hbm>> -> memref<200000x64xbf16, #tpu.memory_space<hbm>>
    tpu.enqueue_indirect_dma source(%dma_start3A_112 : memref<200000x64xbf16, #tpu.memory_space<hbm>>) target(%dma_start3A_107 : memref<40x64xbf16, #tpu.memory_space<vmem>>) offsets(%dma_start3A_109 : memref<40xi32, #tpu.memory_space<vmem>>) semaphore(%arg21 : memref<!tpu.dma_semaphore, #tpu.memory_space<semaphore_mem>>)
    %dma_start3A_113 = arith.constant 280 : i32
    %dma_start3A_114 = arith.constant 0 : i32
    %dma_start3A_115 = tpu.memref_slice %arg13[%dma_start3A_113, %dma_start3A_114] : memref<400x64xbf16, #tpu.memory_space<vmem>> -> memref<40x64xbf16, #tpu.memory_space<vmem>>
    %dma_start3A_116 = arith.constant 280 : i32
    %dma_start3A_117 = tpu.memref_slice %arg10[%dma_start3A_116] : memref<400xi32, #tpu.memory_space<vmem>> -> memref<40xi32, #tpu.memory_space<vmem>>
    %dma_start3A_118 = arith.constant 0 : i32
    %dma_start3A_119 = arith.constant 0 : i32
    %dma_start3A_120 = tpu.memref_slice %arg2[%dma_start3A_118, %dma_start3A_119] : memref<200000x64xbf16, #tpu.memory_space<hbm>> -> memref<200000x64xbf16, #tpu.memory_space<hbm>>
    tpu.enqueue_indirect_dma source(%dma_start3A_120 : memref<200000x64xbf16, #tpu.memory_space<hbm>>) target(%dma_start3A_115 : memref<40x64xbf16, #tpu.memory_space<vmem>>) offsets(%dma_start3A_117 : memref<40xi32, #tpu.memory_space<vmem>>) semaphore(%arg21 : memref<!tpu.dma_semaphore, #tpu.memory_space<semaphore_mem>>)
    %dma_start3A_121 = arith.constant 320 : i32
    %dma_start3A_122 = arith.constant 0 : i32
    %dma_start3A_123 = tpu.memref_slice %arg13[%dma_start3A_121, %dma_start3A_122] : memref<400x64xbf16, #tpu.memory_space<vmem>> -> memref<40x64xbf16, #tpu.memory_space<vmem>>
    %dma_start3A_124 = arith.constant 320 : i32
    %dma_start3A_125 = tpu.memref_slice %arg10[%dma_start3A_124] : memref<400xi32, #tpu.memory_space<vmem>> -> memref<40xi32, #tpu.memory_space<vmem>>
    %dma_start3A_126 = arith.constant 0 : i32
    %dma_start3A_127 = arith.constant 0 : i32
    %dma_start3A_128 = tpu.memref_slice %arg2[%dma_start3A_126, %dma_start3A_127] : memref<200000x64xbf16, #tpu.memory_space<hbm>> -> memref<200000x64xbf16, #tpu.memory_space<hbm>>
    tpu.enqueue_indirect_dma source(%dma_start3A_128 : memref<200000x64xbf16, #tpu.memory_space<hbm>>) target(%dma_start3A_123 : memref<40x64xbf16, #tpu.memory_space<vmem>>) offsets(%dma_start3A_125 : memref<40xi32, #tpu.memory_space<vmem>>) semaphore(%arg21 : memref<!tpu.dma_semaphore, #tpu.memory_space<semaphore_mem>>)
    %dma_start3A_129 = arith.constant 360 : i32
    %dma_start3A_130 = arith.constant 0 : i32
    %dma_start3A_131 = tpu.memref_slice %arg13[%dma_start3A_129, %dma_start3A_130] : memref<400x64xbf16, #tpu.memory_space<vmem>> -> memref<40x64xbf16, #tpu.memory_space<vmem>>
    %dma_start3A_132 = arith.constant 360 : i32
    %dma_start3A_133 = tpu.memref_slice %arg10[%dma_start3A_132] : memref<400xi32, #tpu.memory_space<vmem>> -> memref<40xi32, #tpu.memory_space<vmem>>
    %dma_start3A_134 = arith.constant 0 : i32
    %dma_start3A_135 = arith.constant 0 : i32
    %dma_start3A_136 = tpu.memref_slice %arg2[%dma_start3A_134, %dma_start3A_135] : memref<200000x64xbf16, #tpu.memory_space<hbm>> -> memref<200000x64xbf16, #tpu.memory_space<hbm>>
    tpu.enqueue_indirect_dma source(%dma_start3A_136 : memref<200000x64xbf16, #tpu.memory_space<hbm>>) target(%dma_start3A_131 : memref<40x64xbf16, #tpu.memory_space<vmem>>) offsets(%dma_start3A_133 : memref<40xi32, #tpu.memory_space<vmem>>) semaphore(%arg21 : memref<!tpu.dma_semaphore, #tpu.memory_space<semaphore_mem>>)
    %mul3A_137 = arith.constant 4000 : i32
    %mul3A_138 = arith.muli %arg1, %mul3A_137 : i32
    %rem3A = arith.constant 2 : i32
    %rem3A_139 = arith.constant 100 : i32
    %rem3A_140 = arith.remsi %rem3A, %rem3A_139 : i32
    %mul3A_141 = arith.constant 40 : i32
    %mul3A_142 = arith.muli %rem3A_140, %mul3A_141 : i32
    %add3A_143 = arith.addi %mul3A_138, %mul3A_142 : i32
    %multiple_of3A_144 = tpu.assume_multiple %add3A_143, 8 : i32
    %mul3A_145 = arith.constant 10 : i32
    %mul3A_146 = arith.muli %multiple_of3A_144, %mul3A_145 : i32
    %multiple_of3A_147 = tpu.assume_multiple %mul3A_146, 8 : i32
    %dma_start3A_148 = tpu.memref_slice %arg3[%multiple_of3A_147] : memref<640000xi32, #tpu.memory_space<hbm>> -> memref<400xi32, #tpu.memory_space<hbm>>
    %dma_start3A_149 = tpu.memref_slice %arg3[%multiple_of3A_147] : memref<640000xi32, #tpu.memory_space<hbm>> -> memref<400xi32, #tpu.memory_space<hbm>>
    tpu.enqueue_dma source(%dma_start3A_149 : memref<400xi32, #tpu.memory_space<hbm>>) target(%arg8 : memref<400xi32, #tpu.memory_space<vmem>>) target_semaphore(%arg21 : memref<!tpu.dma_semaphore, #tpu.memory_space<semaphore_mem>>)
    %mul3A_150 = arith.constant 10240 : i32
    %mul3A_151 = arith.muli %arg0, %mul3A_150 : i32
    %add3A_152 = arith.constant 10000 : i32
    %add3A_153 = arith.addi %mul3A_151, %add3A_152 : i32
    %dma_start3A_154 = arith.constant 0 : i32
    %dma_start3A_155 = tpu.memref_slice %arg6[%add3A_153, %dma_start3A_154] : memref<20480x64xf32, #tpu.memory_space<hbm>> -> memref<160x64xf32, #tpu.memory_space<hbm>>
    %dma_start3A_156 = arith.constant 0 : i32
    %dma_start3A_157 = tpu.memref_slice %arg6[%add3A_153, %dma_start3A_156] : memref<20480x64xf32, #tpu.memory_space<hbm>> -> memref<160x64xf32, #tpu.memory_space<hbm>>
    tpu.enqueue_dma source(%arg15 : memref<160x64xf32, #tpu.memory_space<vmem>>) target(%dma_start3A_157 : memref<160x64xf32, #tpu.memory_space<hbm>>) target_semaphore(%arg23 : memref<!tpu.dma_semaphore, #tpu.memory_space<semaphore_mem>>)
    %dma_start3A_158 = arith.constant 10000 : i32
    %dma_start3A_159 = arith.constant 0 : i32
    %dma_start3A_160 = tpu.memref_slice %arg19[%dma_start3A_158, %dma_start3A_159] : memref<10240x64xf32, #tpu.memory_space<vmem_shared>> -> memref<160x64xf32, #tpu.memory_space<vmem_shared>>
    %dma_start3A_161 = arith.constant 10000 : i32
    %dma_start3A_162 = arith.constant 0 : i32
    %dma_start3A_163 = tpu.memref_slice %arg19[%dma_start3A_161, %dma_start3A_162] : memref<10240x64xf32, #tpu.memory_space<vmem_shared>> -> memref<160x64xf32, #tpu.memory_space<vmem_shared>>
    tpu.enqueue_dma source(%arg15 : memref<160x64xf32, #tpu.memory_space<vmem>>) target(%dma_start3A_163 : memref<160x64xf32, #tpu.memory_space<vmem_shared>>) target_semaphore(%arg24 : memref<!tpu.dma_semaphore, #tpu.memory_space<semaphore_mem>>)
    %eq3A = arith.constant 0 : i32
    %eq3A_164 = arith.cmpi eq, %arg0, %eq3A : i32
    %convert_element_type3A = arith.extui %eq3A_164 : i1 to i32
    %cond3A = arith.constant 0 : i32
    %cond3A_165 = arith.cmpi ne, %convert_element_type3A, %cond3A : i32
    scf.if %cond3A_165 {
      %dma_start3A_324 = arith.constant 10000 : i32
      %dma_start3A_325 = arith.constant 0 : i32
      %dma_start3A_326 = tpu.memref_slice %arg20[%dma_start3A_324, %dma_start3A_325] : memref<10240x16xf32, #tpu.memory_space<vmem_shared>> -> memref<160x16xf32, #tpu.memory_space<vmem_shared>>
      %dma_start3A_327 = arith.constant 10000 : i32
      %dma_start3A_328 = arith.constant 0 : i32
      %dma_start3A_329 = tpu.memref_slice %arg20[%dma_start3A_327, %dma_start3A_328] : memref<10240x16xf32, #tpu.memory_space<vmem_shared>> -> memref<160x16xf32, #tpu.memory_space<vmem_shared>>
      tpu.enqueue_dma source(%arg16 : memref<160x16xf32, #tpu.memory_space<vmem>>) target(%dma_start3A_329 : memref<160x16xf32, #tpu.memory_space<vmem_shared>>) target_semaphore(%arg25 : memref<!tpu.dma_semaphore, #tpu.memory_space<semaphore_mem>>)
    } else {
    }
    %scan3A_166 = arith.constant 0 : i32
    %scan3A_167 = arith.constant 0 : i32
    %scan3A_168 = arith.constant 25 : i32
    %scan3A_169 = arith.addi %scan3A_167, %scan3A_168 : i32
    %scan3A_170 = arith.constant 1 : i32
    scf.for %scan3A_324 = %scan3A_167 to %scan3A_169 step %scan3A_170  : i32 {
      %mul3A_325 = arith.constant 4 : i32
      %mul3A_326 = arith.muli %scan3A_324, %mul3A_325 : i32
      %dma_wait3A_327 = arith.constant 0 : i32
      %dma_wait3A_328 = arith.constant 0 : i32
      %dma_wait3A_329 = tpu.memref_slice %arg5[%dma_wait3A_327, %dma_wait3A_328] : memref<128000x64xf32, #tpu.memory_space<hbm>> -> memref<160x64xf32, #tpu.memory_space<hbm>>
      %dma_wait3A_330 = arith.constant 0 : i32
      %dma_wait3A_331 = arith.constant 0 : i32
      %dma_wait3A_332 = tpu.memref_slice %arg5[%dma_wait3A_330, %dma_wait3A_331] : memref<128000x64xf32, #tpu.memory_space<hbm>> -> memref<160x64xf32, #tpu.memory_space<hbm>>
      tpu.wait_dma2 semaphore(%arg23 : memref<!tpu.dma_semaphore, #tpu.memory_space<semaphore_mem>>) src(%arg15 : memref<160x64xf32, #tpu.memory_space<vmem>>) dst(%dma_wait3A_332 : memref<160x64xf32, #tpu.memory_space<hbm>>)
      %dma_wait3A_333 = arith.constant 0 : i32
      %dma_wait3A_334 = arith.constant 0 : i32
      %dma_wait3A_335 = tpu.memref_slice %arg19[%dma_wait3A_333, %dma_wait3A_334] : memref<10240x64xf32, #tpu.memory_space<vmem_shared>> -> memref<160x64xf32, #tpu.memory_space<vmem_shared>>
      %dma_wait3A_336 = arith.constant 0 : i32
      %dma_wait3A_337 = arith.constant 0 : i32
      %dma_wait3A_338 = tpu.memref_slice %arg19[%dma_wait3A_336, %dma_wait3A_337] : memref<10240x64xf32, #tpu.memory_space<vmem_shared>> -> memref<160x64xf32, #tpu.memory_space<vmem_shared>>
      tpu.wait_dma2 semaphore(%arg24 : memref<!tpu.dma_semaphore, #tpu.memory_space<semaphore_mem>>) src(%arg15 : memref<160x64xf32, #tpu.memory_space<vmem>>) dst(%dma_wait3A_338 : memref<160x64xf32, #tpu.memory_space<vmem_shared>>)
      %eq3A_339 = arith.constant 0 : i32
      %eq3A_340 = arith.cmpi eq, %arg0, %eq3A_339 : i32
      %convert_element_type3A_341 = arith.extui %eq3A_340 : i1 to i32
      %cond3A_342 = arith.constant 0 : i32
      %cond3A_343 = arith.cmpi ne, %convert_element_type3A_341, %cond3A_342 : i32
      scf.if %cond3A_343 {
        %dma_wait3A_1290 = arith.constant 0 : i32
        %dma_wait3A_1291 = arith.constant 0 : i32
        %dma_wait3A_1292 = tpu.memref_slice %arg20[%dma_wait3A_1290, %dma_wait3A_1291] : memref<10240x16xf32, #tpu.memory_space<vmem_shared>> -> memref<160x16xf32, #tpu.memory_space<vmem_shared>>
        %dma_wait3A_1293 = arith.constant 0 : i32
        %dma_wait3A_1294 = arith.constant 0 : i32
        %dma_wait3A_1295 = tpu.memref_slice %arg20[%dma_wait3A_1293, %dma_wait3A_1294] : memref<10240x16xf32, #tpu.memory_space<vmem_shared>> -> memref<160x16xf32, #tpu.memory_space<vmem_shared>>
        tpu.wait_dma2 semaphore(%arg25 : memref<!tpu.dma_semaphore, #tpu.memory_space<semaphore_mem>>) src(%arg16 : memref<160x16xf32, #tpu.memory_space<vmem>>) dst(%dma_wait3A_1295 : memref<160x16xf32, #tpu.memory_space<vmem_shared>>)
      } else {
      }
      %mul3A_344 = arith.constant 4000 : i32
      %mul3A_345 = arith.muli %arg1, %mul3A_344 : i32
      %mul3A_346 = arith.constant 40 : i32
      %mul3A_347 = arith.muli %mul3A_326, %mul3A_346 : i32
      %add3A_348 = arith.addi %mul3A_345, %mul3A_347 : i32
      %multiple_of3A_349 = tpu.assume_multiple %add3A_348, 8 : i32
      "tpu.region"() ({
        %run_scoped3A = tpu.sem_alloc : memref<!tpu.dma_semaphore, #tpu.memory_space<semaphore_mem>>
        %dma_start3A_1290 = tpu.memref_slice %arg4[%multiple_of3A_349] : memref<64000xi32, #tpu.memory_space<hbm>> -> memref<160xi32, #tpu.memory_space<hbm>>
        %dma_start3A_1291 = tpu.memref_slice %arg4[%multiple_of3A_349] : memref<64000xi32, #tpu.memory_space<hbm>> -> memref<160xi32, #tpu.memory_space<hbm>>
        tpu.enqueue_dma source(%dma_start3A_1291 : memref<160xi32, #tpu.memory_space<hbm>>) target(%arg12 : memref<160xi32, #tpu.memory_space<vmem>>) target_semaphore(%run_scoped3A : memref<!tpu.dma_semaphore, #tpu.memory_space<semaphore_mem>>)
        %dma_wait3A_1292 = tpu.memref_slice %arg4[%multiple_of3A_349] : memref<64000xi32, #tpu.memory_space<hbm>> -> memref<160xi32, #tpu.memory_space<hbm>>
        %dma_wait3A_1293 = tpu.memref_slice %arg4[%multiple_of3A_349] : memref<64000xi32, #tpu.memory_space<hbm>> -> memref<160xi32, #tpu.memory_space<hbm>>
        tpu.wait_dma2 semaphore(%run_scoped3A : memref<!tpu.dma_semaphore, #tpu.memory_space<semaphore_mem>>) src(%dma_wait3A_1293 : memref<160xi32, #tpu.memory_space<hbm>>) dst(%arg12 : memref<160xi32, #tpu.memory_space<vmem>>)
        tpu.yield
      }) : () -> ()
      %add3A_350 = arith.constant 0 : i32
      %add3A_351 = arith.addi %mul3A_326, %add3A_350 : i32
      %add3A_352 = arith.constant 1 : i32
      %add3A_353 = arith.addi %add3A_351, %add3A_352 : i32
      %rem3A_354 = arith.constant 100 : i32
      %rem3A_355 = arith.remsi %add3A_353, %rem3A_354 : i32
      %parallel_loop3A_356 = arith.constant 0 : i32
      %parallel_loop3A_357 = arith.constant 25 : i32
      %parallel_loop3A_358 = arith.constant 1 : i32
      scf.for %parallel_loop3A_1290 = %parallel_loop3A_356 to %parallel_loop3A_357 step %parallel_loop3A_358  : i32 {
        %parallel_loop3A_1291 = arith.constant 16 : i32
        %parallel_loop3A_1292 = arith.muli %parallel_loop3A_1290, %parallel_loop3A_1291 : i32
        %parallel_loop3A_1293 = arith.index_cast %parallel_loop3A_1292 : i32 to index
        %parallel_loop3A_1294 = tpu.vector_load %arg9[%parallel_loop3A_1293] {strides = array<i32>} : memref<400xi32, #tpu.memory_space<vmem>>, vector<16xi32>,
        %parallel_loop3A_1295 = arith.index_cast %parallel_loop3A_1292 : i32 to index
        %parallel_loop3A_1296 = tpu.vector_load %arg17[%parallel_loop3A_1295] {strides = array<i32>} : memref<400xi32, #tpu.memory_space<vmem>>, vector<16xi32>,
        %parallel_loop3A_1297 = arith.addi %parallel_loop3A_1294, %parallel_loop3A_1296 : vector<16xi32>
        %parallel_loop3A_1298 = arith.index_cast %parallel_loop3A_1292 : i32 to index
        %parallel_loop3A_1299 = tpu.vector_load %arg11[%parallel_loop3A_1298] {strides = array<i32>} : memref<400xi32, #tpu.memory_space<vmem>>, vector<16xi32>,
        tpu.vector_store %arg11[%parallel_loop3A_1298], %parallel_loop3A_1297 {strides = array<i32>} : memref<400xi32, #tpu.memory_space<vmem>>, vector<16xi32>,
      } {sc.loop_unroll_factor = 5 : i64, sc.parallel_access}
      %dma_start3A_359 = arith.constant 0 : i32
      %dma_start3A_360 = arith.constant 0 : i32
      %dma_start3A_361 = tpu.memref_slice %arg14[%dma_start3A_359, %dma_start3A_360] : memref<400x64xbf16, #tpu.memory_space<vmem>> -> memref<40x64xbf16, #tpu.memory_space<vmem>>
      %dma_start3A_362 = arith.constant 0 : i32
      %dma_start3A_363 = tpu.memref_slice %arg11[%dma_start3A_362] : memref<400xi32, #tpu.memory_space<vmem>> -> memref<40xi32, #tpu.memory_space<vmem>>
      %dma_start3A_364 = arith.constant 0 : i32
      %dma_start3A_365 = arith.constant 0 : i32
      %dma_start3A_366 = tpu.memref_slice %arg2[%dma_start3A_364, %dma_start3A_365] : memref<200000x64xbf16, #tpu.memory_space<hbm>> -> memref<200000x64xbf16, #tpu.memory_space<hbm>>
      tpu.enqueue_indirect_dma source(%dma_start3A_366 : memref<200000x64xbf16, #tpu.memory_space<hbm>>) target(%dma_start3A_361 : memref<40x64xbf16, #tpu.memory_space<vmem>>) offsets(%dma_start3A_363 : memref<40xi32, #tpu.memory_space<vmem>>) semaphore(%arg22 : memref<!tpu.dma_semaphore, #tpu.memory_space<semaphore_mem>>)
      %dma_start3A_367 = arith.constant 40 : i32
      %dma_start3A_368 = arith.constant 0 : i32
      %dma_start3A_369 = tpu.memref_slice %arg14[%dma_start3A_367, %dma_start3A_368] : memref<400x64xbf16, #tpu.memory_space<vmem>> -> memref<40x64xbf16, #tpu.memory_space<vmem>>
      %dma_start3A_370 = arith.constant 40 : i32
      %dma_start3A_371 = tpu.memref_slice %arg11[%dma_start3A_370] : memref<400xi32, #tpu.memory_space<vmem>> -> memref<40xi32, #tpu.memory_space<vmem>>
      %dma_start3A_372 = arith.constant 0 : i32
      %dma_start3A_373 = arith.constant 0 : i32
      %dma_start3A_374 = tpu.memref_slice %arg2[%dma_start3A_372, %dma_start3A_373] : memref<200000x64xbf16, #tpu.memory_space<hbm>> -> memref<200000x64xbf16, #tpu.memory_space<hbm>>
      tpu.enqueue_indirect_dma source(%dma_start3A_374 : memref<200000x64xbf16, #tpu.memory_space<hbm>>) target(%dma_start3A_369 : memref<40x64xbf16, #tpu.memory_space<vmem>>) offsets(%dma_start3A_371 : memref<40xi32, #tpu.memory_space<vmem>>) semaphore(%arg22 : memref<!tpu.dma_semaphore, #tpu.memory_space<semaphore_mem>>)
      %dma_start3A_375 = arith.constant 80 : i32
      %dma_start3A_376 = arith.constant 0 : i32
      %dma_start3A_377 = tpu.memref_slice %arg14[%dma_start3A_375, %dma_start3A_376] : memref<400x64xbf16, #tpu.memory_space<vmem>> -> memref<40x64xbf16, #tpu.memory_space<vmem>>
      %dma_start3A_378 = arith.constant 80 : i32
      %dma_start3A_379 = tpu.memref_slice %arg11[%dma_start3A_378] : memref<400xi32, #tpu.memory_space<vmem>> -> memref<40xi32, #tpu.memory_space<vmem>>
      %dma_start3A_380 = arith.constant 0 : i32
      %dma_start3A_381 = arith.constant 0 : i32
      %dma_start3A_382 = tpu.memref_slice %arg2[%dma_start3A_380, %dma_start3A_381] : memref<200000x64xbf16, #tpu.memory_space<hbm>> -> memref<200000x64xbf16, #tpu.memory_space<hbm>>
      tpu.enqueue_indirect_dma source(%dma_start3A_382 : memref<200000x64xbf16, #tpu.memory_space<hbm>>) target(%dma_start3A_377 : memref<40x64xbf16, #tpu.memory_space<vmem>>) offsets(%dma_start3A_379 : memref<40xi32, #tpu.memory_space<vmem>>) semaphore(%arg22 : memref<!tpu.dma_semaphore, #tpu.memory_space<semaphore_mem>>)
      %dma_start3A_383 = arith.constant 120 : i32
      %dma_start3A_384 = arith.constant 0 : i32
      %dma_start3A_385 = tpu.memref_slice %arg14[%dma_start3A_383, %dma_start3A_384] : memref<400x64xbf16, #tpu.memory_space<vmem>> -> memref<40x64xbf16, #tpu.memory_space<vmem>>
      %dma_start3A_386 = arith.constant 120 : i32
      %dma_start3A_387 = tpu.memref_slice %arg11[%dma_start3A_386] : memref<400xi32, #tpu.memory_space<vmem>> -> memref<40xi32, #tpu.memory_space<vmem>>
      %dma_start3A_388 = arith.constant 0 : i32
      %dma_start3A_389 = arith.constant 0 : i32
      %dma_start3A_390 = tpu.memref_slice %arg2[%dma_start3A_388, %dma_start3A_389] : memref<200000x64xbf16, #tpu.memory_space<hbm>> -> memref<200000x64xbf16, #tpu.memory_space<hbm>>
      tpu.enqueue_indirect_dma source(%dma_start3A_390 : memref<200000x64xbf16, #tpu.memory_space<hbm>>) target(%dma_start3A_385 : memref<40x64xbf16, #tpu.memory_space<vmem>>) offsets(%dma_start3A_387 : memref<40xi32, #tpu.memory_space<vmem>>) semaphore(%arg22 : memref<!tpu.dma_semaphore, #tpu.memory_space<semaphore_mem>>)
      %dma_start3A_391 = arith.constant 160 : i32
      %dma_start3A_392 = arith.constant 0 : i32
      %dma_start3A_393 = tpu.memref_slice %arg14[%dma_start3A_391, %dma_start3A_392] : memref<400x64xbf16, #tpu.memory_space<vmem>> -> memref<40x64xbf16, #tpu.memory_space<vmem>>
      %dma_start3A_394 = arith.constant 160 : i32
      %dma_start3A_395 = tpu.memref_slice %arg11[%dma_start3A_394] : memref<400xi32, #tpu.memory_space<vmem>> -> memref<40xi32, #tpu.memory_space<vmem>>
      %dma_start3A_396 = arith.constant 0 : i32
      %dma_start3A_397 = arith.constant 0 : i32
      %dma_start3A_398 = tpu.memref_slice %arg2[%dma_start3A_396, %dma_start3A_397] : memref<200000x64xbf16, #tpu.memory_space<hbm>> -> memref<200000x64xbf16, #tpu.memory_space<hbm>>
      tpu.enqueue_indirect_dma source(%dma_start3A_398 : memref<200000x64xbf16, #tpu.memory_space<hbm>>) target(%dma_start3A_393 : memref<40x64xbf16, #tpu.memory_space<vmem>>) offsets(%dma_start3A_395 : memref<40xi32, #tpu.memory_space<vmem>>) semaphore(%arg22 : memref<!tpu.dma_semaphore, #tpu.memory_space<semaphore_mem>>)
      %dma_start3A_399 = arith.constant 200 : i32
      %dma_start3A_400 = arith.constant 0 : i32
      %dma_start3A_401 = tpu.memref_slice %arg14[%dma_start3A_399, %dma_start3A_400] : memref<400x64xbf16, #tpu.memory_space<vmem>> -> memref<40x64xbf16, #tpu.memory_space<vmem>>
      %dma_start3A_402 = arith.constant 200 : i32
      %dma_start3A_403 = tpu.memref_slice %arg11[%dma_start3A_402] : memref<400xi32, #tpu.memory_space<vmem>> -> memref<40xi32, #tpu.memory_space<vmem>>
      %dma_start3A_404 = arith.constant 0 : i32
      %dma_start3A_405 = arith.constant 0 : i32
      %dma_start3A_406 = tpu.memref_slice %arg2[%dma_start3A_404, %dma_start3A_405] : memref<200000x64xbf16, #tpu.memory_space<hbm>> -> memref<200000x64xbf16, #tpu.memory_space<hbm>>
      tpu.enqueue_indirect_dma source(%dma_start3A_406 : memref<200000x64xbf16, #tpu.memory_space<hbm>>) target(%dma_start3A_401 : memref<40x64xbf16, #tpu.memory_space<vmem>>) offsets(%dma_start3A_403 : memref<40xi32, #tpu.memory_space<vmem>>) semaphore(%arg22 : memref<!tpu.dma_semaphore, #tpu.memory_space<semaphore_mem>>)
      %dma_start3A_407 = arith.constant 240 : i32
      %dma_start3A_408 = arith.constant 0 : i32
      %dma_start3A_409 = tpu.memref_slice %arg14[%dma_start3A_407, %dma_start3A_408] : memref<400x64xbf16, #tpu.memory_space<vmem>> -> memref<40x64xbf16, #tpu.memory_space<vmem>>
      %dma_start3A_410 = arith.constant 240 : i32
      %dma_start3A_411 = tpu.memref_slice %arg11[%dma_start3A_410] : memref<400xi32, #tpu.memory_space<vmem>> -> memref<40xi32, #tpu.memory_space<vmem>>
      %dma_start3A_412 = arith.constant 0 : i32
      %dma_start3A_413 = arith.constant 0 : i32
      %dma_start3A_414 = tpu.memref_slice %arg2[%dma_start3A_412, %dma_start3A_413] : memref<200000x64xbf16, #tpu.memory_space<hbm>> -> memref<200000x64xbf16, #tpu.memory_space<hbm>>
      tpu.enqueue_indirect_dma source(%dma_start3A_414 : memref<200000x64xbf16, #tpu.memory_space<hbm>>) target(%dma_start3A_409 : memref<40x64xbf16, #tpu.memory_space<vmem>>) offsets(%dma_start3A_411 : memref<40xi32, #tpu.memory_space<vmem>>) semaphore(%arg22 : memref<!tpu.dma_semaphore, #tpu.memory_space<semaphore_mem>>)
      %dma_start3A_415 = arith.constant 280 : i32
      %dma_start3A_416 = arith.constant 0 : i32
      %dma_start3A_417 = tpu.memref_slice %arg14[%dma_start3A_415, %dma_start3A_416] : memref<400x64xbf16, #tpu.memory_space<vmem>> -> memref<40x64xbf16, #tpu.memory_space<vmem>>
      %dma_start3A_418 = arith.constant 280 : i32
      %dma_start3A_419 = tpu.memref_slice %arg11[%dma_start3A_418] : memref<400xi32, #tpu.memory_space<vmem>> -> memref<40xi32, #tpu.memory_space<vmem>>
      %dma_start3A_420 = arith.constant 0 : i32
      %dma_start3A_421 = arith.constant 0 : i32
      %dma_start3A_422 = tpu.memref_slice %arg2[%dma_start3A_420, %dma_start3A_421] : memref<200000x64xbf16, #tpu.memory_space<hbm>> -> memref<200000x64xbf16, #tpu.memory_space<hbm>>
      tpu.enqueue_indirect_dma source(%dma_start3A_422 : memref<200000x64xbf16, #tpu.memory_space<hbm>>) target(%dma_start3A_417 : memref<40x64xbf16, #tpu.memory_space<vmem>>) offsets(%dma_start3A_419 : memref<40xi32, #tpu.memory_space<vmem>>) semaphore(%arg22 : memref<!tpu.dma_semaphore, #tpu.memory_space<semaphore_mem>>)
      %dma_start3A_423 = arith.constant 320 : i32
      %dma_start3A_424 = arith.constant 0 : i32
      %dma_start3A_425 = tpu.memref_slice %arg14[%dma_start3A_423, %dma_start3A_424] : memref<400x64xbf16, #tpu.memory_space<vmem>> -> memref<40x64xbf16, #tpu.memory_space<vmem>>
      %dma_start3A_426 = arith.constant 320 : i32
      %dma_start3A_427 = tpu.memref_slice %arg11[%dma_start3A_426] : memref<400xi32, #tpu.memory_space<vmem>> -> memref<40xi32, #tpu.memory_space<vmem>>
      %dma_start3A_428 = arith.constant 0 : i32
      %dma_start3A_429 = arith.constant 0 : i32
      %dma_start3A_430 = tpu.memref_slice %arg2[%dma_start3A_428, %dma_start3A_429] : memref<200000x64xbf16, #tpu.memory_space<hbm>> -> memref<200000x64xbf16, #tpu.memory_space<hbm>>
      tpu.enqueue_indirect_dma source(%dma_start3A_430 : memref<200000x64xbf16, #tpu.memory_space<hbm>>) target(%dma_start3A_425 : memref<40x64xbf16, #tpu.memory_space<vmem>>) offsets(%dma_start3A_427 : memref<40xi32, #tpu.memory_space<vmem>>) semaphore(%arg22 : memref<!tpu.dma_semaphore, #tpu.memory_space<semaphore_mem>>)
      %dma_start3A_431 = arith.constant 360 : i32
      %dma_start3A_432 = arith.constant 0 : i32
      %dma_start3A_433 = tpu.memref_slice %arg14[%dma_start3A_431, %dma_start3A_432] : memref<400x64xbf16, #tpu.memory_space<vmem>> -> memref<40x64xbf16, #tpu.memory_space<vmem>>
      %dma_start3A_434 = arith.constant 360 : i32
      %dma_start3A_435 = tpu.memref_slice %arg11[%dma_start3A_434] : memref<400xi32, #tpu.memory_space<vmem>> -> memref<40xi32, #tpu.memory_space<vmem>>
      %dma_start3A_436 = arith.constant 0 : i32
      %dma_start3A_437 = arith.constant 0 : i32
      %dma_start3A_438 = tpu.memref_slice %arg2[%dma_start3A_436, %dma_start3A_437] : memref<200000x64xbf16, #tpu.memory_space<hbm>> -> memref<200000x64xbf16, #tpu.memory_space<hbm>>
      tpu.enqueue_indirect_dma source(%dma_start3A_438 : memref<200000x64xbf16, #tpu.memory_space<hbm>>) target(%dma_start3A_433 : memref<40x64xbf16, #tpu.memory_space<vmem>>) offsets(%dma_start3A_435 : memref<40xi32, #tpu.memory_space<vmem>>) semaphore(%arg22 : memref<!tpu.dma_semaphore, #tpu.memory_space<semaphore_mem>>)
      %mul3A_439 = arith.constant 4000 : i32
      %mul3A_440 = arith.muli %arg1, %mul3A_439 : i32
      %add3A_441 = arith.constant 2 : i32
      %add3A_442 = arith.addi %rem3A_355, %add3A_441 : i32
      %rem3A_443 = arith.constant 100 : i32
      %rem3A_444 = arith.remsi %add3A_442, %rem3A_443 : i32
      %mul3A_445 = arith.constant 40 : i32
      %mul3A_446 = arith.muli %rem3A_444, %mul3A_445 : i32
      %add3A_447 = arith.addi %mul3A_440, %mul3A_446 : i32
      %multiple_of3A_448 = tpu.assume_multiple %add3A_447, 8 : i32
      %mul3A_449 = arith.constant 10 : i32
      %mul3A_450 = arith.muli %multiple_of3A_448, %mul3A_449 : i32
      %multiple_of3A_451 = tpu.assume_multiple %mul3A_450, 8 : i32
      %dma_start3A_452 = tpu.memref_slice %arg3[%multiple_of3A_451] : memref<640000xi32, #tpu.memory_space<hbm>> -> memref<400xi32, #tpu.memory_space<hbm>>
      %dma_start3A_453 = tpu.memref_slice %arg3[%multiple_of3A_451] : memref<640000xi32, #tpu.memory_space<hbm>> -> memref<400xi32, #tpu.memory_space<hbm>>
      tpu.enqueue_dma source(%dma_start3A_453 : memref<400xi32, #tpu.memory_space<hbm>>) target(%arg9 : memref<400xi32, #tpu.memory_space<vmem>>) target_semaphore(%arg22 : memref<!tpu.dma_semaphore, #tpu.memory_space<semaphore_mem>>)
      %dma_wait3A_454 = arith.constant 0 : i32
      %dma_wait3A_455 = arith.constant 0 : i32
      %dma_wait3A_456 = tpu.memref_slice %arg13[%dma_wait3A_454, %dma_wait3A_455] : memref<400x64xbf16, #tpu.memory_space<vmem>> -> memref<40x64xbf16, #tpu.memory_space<vmem>>
      %dma_wait3A_457 = arith.constant 0 : i32
      %dma_wait3A_458 = arith.constant 0 : i32
      %dma_wait3A_459 = tpu.memref_slice %arg2[%dma_wait3A_457, %dma_wait3A_458] : memref<200000x64xbf16, #tpu.memory_space<hbm>> -> memref<40x64xbf16, #tpu.memory_space<hbm>>
      %dma_wait3A_460 = arith.constant 0 : i32
      %dma_wait3A_461 = arith.constant 0 : i32
      %dma_wait3A_462 = tpu.memref_slice %arg13[%dma_wait3A_460, %dma_wait3A_461] : memref<400x64xbf16, #tpu.memory_space<vmem>> -> memref<40x64xbf16, #tpu.memory_space<vmem>>
      %dma_wait3A_463 = arith.constant 0 : i32
      %dma_wait3A_464 = arith.constant 0 : i32
      %dma_wait3A_465 = tpu.memref_slice %arg2[%dma_wait3A_463, %dma_wait3A_464] : memref<200000x64xbf16, #tpu.memory_space<hbm>> -> memref<40x64xbf16, #tpu.memory_space<hbm>>
      tpu.wait_dma2 semaphore(%arg21 : memref<!tpu.dma_semaphore, #tpu.memory_space<semaphore_mem>>) src(%dma_wait3A_465 : memref<40x64xbf16, #tpu.memory_space<hbm>>) dst(%dma_wait3A_462 : memref<40x64xbf16, #tpu.memory_space<vmem>>)
      %dma_wait3A_466 = arith.constant 40 : i32
      %dma_wait3A_467 = arith.constant 0 : i32
      %dma_wait3A_468 = tpu.memref_slice %arg13[%dma_wait3A_466, %dma_wait3A_467] : memref<400x64xbf16, #tpu.memory_space<vmem>> -> memref<40x64xbf16, #tpu.memory_space<vmem>>
      %dma_wait3A_469 = arith.constant 0 : i32
      %dma_wait3A_470 = arith.constant 0 : i32
      %dma_wait3A_471 = tpu.memref_slice %arg2[%dma_wait3A_469, %dma_wait3A_470] : memref<200000x64xbf16, #tpu.memory_space<hbm>> -> memref<40x64xbf16, #tpu.memory_space<hbm>>
      %dma_wait3A_472 = arith.constant 40 : i32
      %dma_wait3A_473 = arith.constant 0 : i32
      %dma_wait3A_474 = tpu.memref_slice %arg13[%dma_wait3A_472, %dma_wait3A_473] : memref<400x64xbf16, #tpu.memory_space<vmem>> -> memref<40x64xbf16, #tpu.memory_space<vmem>>
      %dma_wait3A_475 = arith.constant 0 : i32
      %dma_wait3A_476 = arith.constant 0 : i32
      %dma_wait3A_477 = tpu.memref_slice %arg2[%dma_wait3A_475, %dma_wait3A_476] : memref<200000x64xbf16, #tpu.memory_space<hbm>> -> memref<40x64xbf16, #tpu.memory_space<hbm>>
      tpu.wait_dma2 semaphore(%arg21 : memref<!tpu.dma_semaphore, #tpu.memory_space<semaphore_mem>>) src(%dma_wait3A_477 : memref<40x64xbf16, #tpu.memory_space<hbm>>) dst(%dma_wait3A_474 : memref<40x64xbf16, #tpu.memory_space<vmem>>)
      %dma_wait3A_478 = arith.constant 80 : i32
      %dma_wait3A_479 = arith.constant 0 : i32
      %dma_wait3A_480 = tpu.memref_slice %arg13[%dma_wait3A_478, %dma_wait3A_479] : memref<400x64xbf16, #tpu.memory_space<vmem>> -> memref<40x64xbf16, #tpu.memory_space<vmem>>
      %dma_wait3A_481 = arith.constant 0 : i32
      %dma_wait3A_482 = arith.constant 0 : i32
      %dma_wait3A_483 = tpu.memref_slice %arg2[%dma_wait3A_481, %dma_wait3A_482] : memref<200000x64xbf16, #tpu.memory_space<hbm>> -> memref<40x64xbf16, #tpu.memory_space<hbm>>
      %dma_wait3A_484 = arith.constant 80 : i32
      %dma_wait3A_485 = arith.constant 0 : i32
      %dma_wait3A_486 = tpu.memref_slice %arg13[%dma_wait3A_484, %dma_wait3A_485] : memref<400x64xbf16, #tpu.memory_space<vmem>> -> memref<40x64xbf16, #tpu.memory_space<vmem>>
      %dma_wait3A_487 = arith.constant 0 : i32
      %dma_wait3A_488 = arith.constant 0 : i32
      %dma_wait3A_489 = tpu.memref_slice %arg2[%dma_wait3A_487, %dma_wait3A_488] : memref<200000x64xbf16, #tpu.memory_space<hbm>> -> memref<40x64xbf16, #tpu.memory_space<hbm>>
      tpu.wait_dma2 semaphore(%arg21 : memref<!tpu.dma_semaphore, #tpu.memory_space<semaphore_mem>>) src(%dma_wait3A_489 : memref<40x64xbf16, #tpu.memory_space<hbm>>) dst(%dma_wait3A_486 : memref<40x64xbf16, #tpu.memory_space<vmem>>)
      %dma_wait3A_490 = arith.constant 120 : i32
      %dma_wait3A_491 = arith.constant 0 : i32
      %dma_wait3A_492 = tpu.memref_slice %arg13[%dma_wait3A_490, %dma_wait3A_491] : memref<400x64xbf16, #tpu.memory_space<vmem>> -> memref<40x64xbf16, #tpu.memory_space<vmem>>
      %dma_wait3A_493 = arith.constant 0 : i32
      %dma_wait3A_494 = arith.constant 0 : i32
      %dma_wait3A_495 = tpu.memref_slice %arg2[%dma_wait3A_493, %dma_wait3A_494] : memref<200000x64xbf16, #tpu.memory_space<hbm>> -> memref<40x64xbf16, #tpu.memory_space<hbm>>
      %dma_wait3A_496 = arith.constant 120 : i32
      %dma_wait3A_497 = arith.constant 0 : i32
      %dma_wait3A_498 = tpu.memref_slice %arg13[%dma_wait3A_496, %dma_wait3A_497] : memref<400x64xbf16, #tpu.memory_space<vmem>> -> memref<40x64xbf16, #tpu.memory_space<vmem>>
      %dma_wait3A_499 = arith.constant 0 : i32
      %dma_wait3A_500 = arith.constant 0 : i32
      %dma_wait3A_501 = tpu.memref_slice %arg2[%dma_wait3A_499, %dma_wait3A_500] : memref<200000x64xbf16, #tpu.memory_space<hbm>> -> memref<40x64xbf16, #tpu.memory_space<hbm>>
      tpu.wait_dma2 semaphore(%arg21 : memref<!tpu.dma_semaphore, #tpu.memory_space<semaphore_mem>>) src(%dma_wait3A_501 : memref<40x64xbf16, #tpu.memory_space<hbm>>) dst(%dma_wait3A_498 : memref<40x64xbf16, #tpu.memory_space<vmem>>)
      %dma_wait3A_502 = arith.constant 160 : i32
      %dma_wait3A_503 = arith.constant 0 : i32
      %dma_wait3A_504 = tpu.memref_slice %arg13[%dma_wait3A_502, %dma_wait3A_503] : memref<400x64xbf16, #tpu.memory_space<vmem>> -> memref<40x64xbf16, #tpu.memory_space<vmem>>
      %dma_wait3A_505 = arith.constant 0 : i32
      %dma_wait3A_506 = arith.constant 0 : i32
      %dma_wait3A_507 = tpu.memref_slice %arg2[%dma_wait3A_505, %dma_wait3A_506] : memref<200000x64xbf16, #tpu.memory_space<hbm>> -> memref<40x64xbf16, #tpu.memory_space<hbm>>
      %dma_wait3A_508 = arith.constant 160 : i32
      %dma_wait3A_509 = arith.constant 0 : i32
      %dma_wait3A_510 = tpu.memref_slice %arg13[%dma_wait3A_508, %dma_wait3A_509] : memref<400x64xbf16, #tpu.memory_space<vmem>> -> memref<40x64xbf16, #tpu.memory_space<vmem>>
      %dma_wait3A_511 = arith.constant 0 : i32
      %dma_wait3A_512 = arith.constant 0 : i32
      %dma_wait3A_513 = tpu.memref_slice %arg2[%dma_wait3A_511, %dma_wait3A_512] : memref<200000x64xbf16, #tpu.memory_space<hbm>> -> memref<40x64xbf16, #tpu.memory_space<hbm>>
      tpu.wait_dma2 semaphore(%arg21 : memref<!tpu.dma_semaphore, #tpu.memory_space<semaphore_mem>>) src(%dma_wait3A_513 : memref<40x64xbf16, #tpu.memory_space<hbm>>) dst(%dma_wait3A_510 : memref<40x64xbf16, #tpu.memory_space<vmem>>)
      %dma_wait3A_514 = arith.constant 200 : i32
      %dma_wait3A_515 = arith.constant 0 : i32
      %dma_wait3A_516 = tpu.memref_slice %arg13[%dma_wait3A_514, %dma_wait3A_515] : memref<400x64xbf16, #tpu.memory_space<vmem>> -> memref<40x64xbf16, #tpu.memory_space<vmem>>
      %dma_wait3A_517 = arith.constant 0 : i32
      %dma_wait3A_518 = arith.constant 0 : i32
      %dma_wait3A_519 = tpu.memref_slice %arg2[%dma_wait3A_517, %dma_wait3A_518] : memref<200000x64xbf16, #tpu.memory_space<hbm>> -> memref<40x64xbf16, #tpu.memory_space<hbm>>
      %dma_wait3A_520 = arith.constant 200 : i32
      %dma_wait3A_521 = arith.constant 0 : i32
      %dma_wait3A_522 = tpu.memref_slice %arg13[%dma_wait3A_520, %dma_wait3A_521] : memref<400x64xbf16, #tpu.memory_space<vmem>> -> memref<40x64xbf16, #tpu.memory_space<vmem>>
      %dma_wait3A_523 = arith.constant 0 : i32
      %dma_wait3A_524 = arith.constant 0 : i32
      %dma_wait3A_525 = tpu.memref_slice %arg2[%dma_wait3A_523, %dma_wait3A_524] : memref<200000x64xbf16, #tpu.memory_space<hbm>> -> memref<40x64xbf16, #tpu.memory_space<hbm>>
      tpu.wait_dma2 semaphore(%arg21 : memref<!tpu.dma_semaphore, #tpu.memory_space<semaphore_mem>>) src(%dma_wait3A_525 : memref<40x64xbf16, #tpu.memory_space<hbm>>) dst(%dma_wait3A_522 : memref<40x64xbf16, #tpu.memory_space<vmem>>)
      %dma_wait3A_526 = arith.constant 240 : i32
      %dma_wait3A_527 = arith.constant 0 : i32
      %dma_wait3A_528 = tpu.memref_slice %arg13[%dma_wait3A_526, %dma_wait3A_527] : memref<400x64xbf16, #tpu.memory_space<vmem>> -> memref<40x64xbf16, #tpu.memory_space<vmem>>
      %dma_wait3A_529 = arith.constant 0 : i32
      %dma_wait3A_530 = arith.constant 0 : i32
      %dma_wait3A_531 = tpu.memref_slice %arg2[%dma_wait3A_529, %dma_wait3A_530] : memref<200000x64xbf16, #tpu.memory_space<hbm>> -> memref<40x64xbf16, #tpu.memory_space<hbm>>
      %dma_wait3A_532 = arith.constant 240 : i32
      %dma_wait3A_533 = arith.constant 0 : i32
      %dma_wait3A_534 = tpu.memref_slice %arg13[%dma_wait3A_532, %dma_wait3A_533] : memref<400x64xbf16, #tpu.memory_space<vmem>> -> memref<40x64xbf16, #tpu.memory_space<vmem>>
      %dma_wait3A_535 = arith.constant 0 : i32
      %dma_wait3A_536 = arith.constant 0 : i32
      %dma_wait3A_537 = tpu.memref_slice %arg2[%dma_wait3A_535, %dma_wait3A_536] : memref<200000x64xbf16, #tpu.memory_space<hbm>> -> memref<40x64xbf16, #tpu.memory_space<hbm>>
      tpu.wait_dma2 semaphore(%arg21 : memref<!tpu.dma_semaphore, #tpu.memory_space<semaphore_mem>>) src(%dma_wait3A_537 : memref<40x64xbf16, #tpu.memory_space<hbm>>) dst(%dma_wait3A_534 : memref<40x64xbf16, #tpu.memory_space<vmem>>)
      %dma_wait3A_538 = arith.constant 280 : i32
      %dma_wait3A_539 = arith.constant 0 : i32
      %dma_wait3A_540 = tpu.memref_slice %arg13[%dma_wait3A_538, %dma_wait3A_539] : memref<400x64xbf16, #tpu.memory_space<vmem>> -> memref<40x64xbf16, #tpu.memory_space<vmem>>
      %dma_wait3A_541 = arith.constant 0 : i32
      %dma_wait3A_542 = arith.constant 0 : i32
      %dma_wait3A_543 = tpu.memref_slice %arg2[%dma_wait3A_541, %dma_wait3A_542] : memref<200000x64xbf16, #tpu.memory_space<hbm>> -> memref<40x64xbf16, #tpu.memory_space<hbm>>
      %dma_wait3A_544 = arith.constant 280 : i32
      %dma_wait3A_545 = arith.constant 0 : i32
      %dma_wait3A_546 = tpu.memref_slice %arg13[%dma_wait3A_544, %dma_wait3A_545] : memref<400x64xbf16, #tpu.memory_space<vmem>> -> memref<40x64xbf16, #tpu.memory_space<vmem>>
      %dma_wait3A_547 = arith.constant 0 : i32
      %dma_wait3A_548 = arith.constant 0 : i32
      %dma_wait3A_549 = tpu.memref_slice %arg2[%dma_wait3A_547, %dma_wait3A_548] : memref<200000x64xbf16, #tpu.memory_space<hbm>> -> memref<40x64xbf16, #tpu.memory_space<hbm>>
      tpu.wait_dma2 semaphore(%arg21 : memref<!tpu.dma_semaphore, #tpu.memory_space<semaphore_mem>>) src(%dma_wait3A_549 : memref<40x64xbf16, #tpu.memory_space<hbm>>) dst(%dma_wait3A_546 : memref<40x64xbf16, #tpu.memory_space<vmem>>)
      %dma_wait3A_550 = arith.constant 320 : i32
      %dma_wait3A_551 = arith.constant 0 : i32
      %dma_wait3A_552 = tpu.memref_slice %arg13[%dma_wait3A_550, %dma_wait3A_551] : memref<400x64xbf16, #tpu.memory_space<vmem>> -> memref<40x64xbf16, #tpu.memory_space<vmem>>
      %dma_wait3A_553 = arith.constant 0 : i32
      %dma_wait3A_554 = arith.constant 0 : i32
      %dma_wait3A_555 = tpu.memref_slice %arg2[%dma_wait3A_553, %dma_wait3A_554] : memref<200000x64xbf16, #tpu.memory_space<hbm>> -> memref<40x64xbf16, #tpu.memory_space<hbm>>
      %dma_wait3A_556 = arith.constant 320 : i32
      %dma_wait3A_557 = arith.constant 0 : i32
      %dma_wait3A_558 = tpu.memref_slice %arg13[%dma_wait3A_556, %dma_wait3A_557] : memref<400x64xbf16, #tpu.memory_space<vmem>> -> memref<40x64xbf16, #tpu.memory_space<vmem>>
      %dma_wait3A_559 = arith.constant 0 : i32
      %dma_wait3A_560 = arith.constant 0 : i32
      %dma_wait3A_561 = tpu.memref_slice %arg2[%dma_wait3A_559, %dma_wait3A_560] : memref<200000x64xbf16, #tpu.memory_space<hbm>> -> memref<40x64xbf16, #tpu.memory_space<hbm>>
      tpu.wait_dma2 semaphore(%arg21 : memref<!tpu.dma_semaphore, #tpu.memory_space<semaphore_mem>>) src(%dma_wait3A_561 : memref<40x64xbf16, #tpu.memory_space<hbm>>) dst(%dma_wait3A_558 : memref<40x64xbf16, #tpu.memory_space<vmem>>)
      %dma_wait3A_562 = arith.constant 360 : i32
      %dma_wait3A_563 = arith.constant 0 : i32
      %dma_wait3A_564 = tpu.memref_slice %arg13[%dma_wait3A_562, %dma_wait3A_563] : memref<400x64xbf16, #tpu.memory_space<vmem>> -> memref<40x64xbf16, #tpu.memory_space<vmem>>
      %dma_wait3A_565 = arith.constant 0 : i32
      %dma_wait3A_566 = arith.constant 0 : i32
      %dma_wait3A_567 = tpu.memref_slice %arg2[%dma_wait3A_565, %dma_wait3A_566] : memref<200000x64xbf16, #tpu.memory_space<hbm>> -> memref<40x64xbf16, #tpu.memory_space<hbm>>
      %dma_wait3A_568 = arith.constant 360 : i32
      %dma_wait3A_569 = arith.constant 0 : i32
      %dma_wait3A_570 = tpu.memref_slice %arg13[%dma_wait3A_568, %dma_wait3A_569] : memref<400x64xbf16, #tpu.memory_space<vmem>> -> memref<40x64xbf16, #tpu.memory_space<vmem>>
      %dma_wait3A_571 = arith.constant 0 : i32
      %dma_wait3A_572 = arith.constant 0 : i32
      %dma_wait3A_573 = tpu.memref_slice %arg2[%dma_wait3A_571, %dma_wait3A_572] : memref<200000x64xbf16, #tpu.memory_space<hbm>> -> memref<40x64xbf16, #tpu.memory_space<hbm>>
      tpu.wait_dma2 semaphore(%arg21 : memref<!tpu.dma_semaphore, #tpu.memory_space<semaphore_mem>>) src(%dma_wait3A_573 : memref<40x64xbf16, #tpu.memory_space<hbm>>) dst(%dma_wait3A_570 : memref<40x64xbf16, #tpu.memory_space<vmem>>)
      %dma_wait3A_574 = arith.constant 0 : i32
      %dma_wait3A_575 = tpu.memref_slice %arg3[%dma_wait3A_574] : memref<640000xi32, #tpu.memory_space<hbm>> -> memref<400xi32, #tpu.memory_space<hbm>>
      %dma_wait3A_576 = arith.constant 0 : i32
      %dma_wait3A_577 = tpu.memref_slice %arg3[%dma_wait3A_576] : memref<640000xi32, #tpu.memory_space<hbm>> -> memref<400xi32, #tpu.memory_space<hbm>>
      tpu.wait_dma2 semaphore(%arg21 : memref<!tpu.dma_semaphore, #tpu.memory_space<semaphore_mem>>) src(%dma_wait3A_577 : memref<400xi32, #tpu.memory_space<hbm>>) dst(%arg8 : memref<400xi32, #tpu.memory_space<vmem>>)
      %parallel_loop3A_578 = arith.constant 0 : i32
      %parallel_loop3A_579 = arith.constant 40 : i32
      %parallel_loop3A_580 = arith.constant 1 : i32
      scf.for %parallel_loop3A_1290 = %parallel_loop3A_578 to %parallel_loop3A_579 step %parallel_loop3A_580  : i32 {
        %parallel_loop3A_1291 = arith.constant 10 : i32
        %parallel_loop3A_1292 = arith.muli %parallel_loop3A_1290, %parallel_loop3A_1291 : i32
        %parallel_loop3A_1293 = arith.constant 0 : i32
        %parallel_loop3A_1294 = arith.addi %parallel_loop3A_1292, %parallel_loop3A_1293 : i32
        %parallel_loop3A_1295 = arith.index_cast %parallel_loop3A_1294 : i32 to index
        %parallel_loop3A_1296 = arith.constant 0 : index
        %parallel_loop3A_1297 = tpu.vector_load %arg13[%parallel_loop3A_1295, %parallel_loop3A_1296] {strides = array<i32>} : memref<400x64xbf16, #tpu.memory_space<vmem>>, vector<32xbf16>,
        %parallel_loop3A_1298 = tpu.unpack_subelements %parallel_loop3A_1297, 0 {pack_format = #tpu.pack_format<interleaved>} : vector<32xbf16> -> vector<16xf32>
        %parallel_loop3A_1299 = tpu.unpack_subelements %parallel_loop3A_1297, 1 {pack_format = #tpu.pack_format<interleaved>} : vector<32xbf16> -> vector<16xf32>
        %parallel_loop3A_1300 = arith.constant 0 : i32
        %parallel_loop3A_1301 = arith.addi %parallel_loop3A_1292, %parallel_loop3A_1300 : i32
        %parallel_loop3A_1302 = arith.index_cast %parallel_loop3A_1301 : i32 to index
        %parallel_loop3A_1303 = arith.constant 32 : index
        %parallel_loop3A_1304 = tpu.vector_load %arg13[%parallel_loop3A_1302, %parallel_loop3A_1303] {strides = array<i32>} : memref<400x64xbf16, #tpu.memory_space<vmem>>, vector<32xbf16>,
        %parallel_loop3A_1305 = tpu.unpack_subelements %parallel_loop3A_1304, 0 {pack_format = #tpu.pack_format<interleaved>} : vector<32xbf16> -> vector<16xf32>
        %parallel_loop3A_1306 = tpu.unpack_subelements %parallel_loop3A_1304, 1 {pack_format = #tpu.pack_format<interleaved>} : vector<32xbf16> -> vector<16xf32>
        %parallel_loop3A_1307 = arith.constant 1 : i32
        %parallel_loop3A_1308 = arith.addi %parallel_loop3A_1292, %parallel_loop3A_1307 : i32
        %parallel_loop3A_1309 = arith.index_cast %parallel_loop3A_1308 : i32 to index
        %parallel_loop3A_1310 = arith.constant 0 : index
        %parallel_loop3A_1311 = tpu.vector_load %arg13[%parallel_loop3A_1309, %parallel_loop3A_1310] {strides = array<i32>} : memref<400x64xbf16, #tpu.memory_space<vmem>>, vector<32xbf16>,
        %parallel_loop3A_1312 = tpu.unpack_subelements %parallel_loop3A_1311, 0 {pack_format = #tpu.pack_format<interleaved>} : vector<32xbf16> -> vector<16xf32>
        %parallel_loop3A_1313 = tpu.unpack_subelements %parallel_loop3A_1311, 1 {pack_format = #tpu.pack_format<interleaved>} : vector<32xbf16> -> vector<16xf32>
        %parallel_loop3A_1314 = arith.constant 1 : i32
        %parallel_loop3A_1315 = arith.addi %parallel_loop3A_1292, %parallel_loop3A_1314 : i32
        %parallel_loop3A_1316 = arith.index_cast %parallel_loop3A_1315 : i32 to index
        %parallel_loop3A_1317 = arith.constant 32 : index
        %parallel_loop3A_1318 = tpu.vector_load %arg13[%parallel_loop3A_1316, %parallel_loop3A_1317] {strides = array<i32>} : memref<400x64xbf16, #tpu.memory_space<vmem>>, vector<32xbf16>,
        %parallel_loop3A_1319 = tpu.unpack_subelements %parallel_loop3A_1318, 0 {pack_format = #tpu.pack_format<interleaved>} : vector<32xbf16> -> vector<16xf32>
        %parallel_loop3A_1320 = tpu.unpack_subelements %parallel_loop3A_1318, 1 {pack_format = #tpu.pack_format<interleaved>} : vector<32xbf16> -> vector<16xf32>
        %parallel_loop3A_1321 = arith.addf %parallel_loop3A_1298, %parallel_loop3A_1312 : vector<16xf32>
        %parallel_loop3A_1322 = arith.addf %parallel_loop3A_1299, %parallel_loop3A_1313 : vector<16xf32>
        %parallel_loop3A_1323 = arith.addf %parallel_loop3A_1305, %parallel_loop3A_1319 : vector<16xf32>
        %parallel_loop3A_1324 = arith.addf %parallel_loop3A_1306, %parallel_loop3A_1320 : vector<16xf32>
        %parallel_loop3A_1325 = arith.constant 2 : i32
        %parallel_loop3A_1326 = arith.addi %parallel_loop3A_1292, %parallel_loop3A_1325 : i32
        %parallel_loop3A_1327 = arith.index_cast %parallel_loop3A_1326 : i32 to index
        %parallel_loop3A_1328 = arith.constant 0 : index
        %parallel_loop3A_1329 = tpu.vector_load %arg13[%parallel_loop3A_1327, %parallel_loop3A_1328] {strides = array<i32>} : memref<400x64xbf16, #tpu.memory_space<vmem>>, vector<32xbf16>,
        %parallel_loop3A_1330 = tpu.unpack_subelements %parallel_loop3A_1329, 0 {pack_format = #tpu.pack_format<interleaved>} : vector<32xbf16> -> vector<16xf32>
        %parallel_loop3A_1331 = tpu.unpack_subelements %parallel_loop3A_1329, 1 {pack_format = #tpu.pack_format<interleaved>} : vector<32xbf16> -> vector<16xf32>
        %parallel_loop3A_1332 = arith.constant 2 : i32
        %parallel_loop3A_1333 = arith.addi %parallel_loop3A_1292, %parallel_loop3A_1332 : i32
        %parallel_loop3A_1334 = arith.index_cast %parallel_loop3A_1333 : i32 to index
        %parallel_loop3A_1335 = arith.constant 32 : index
        %parallel_loop3A_1336 = tpu.vector_load %arg13[%parallel_loop3A_1334, %parallel_loop3A_1335] {strides = array<i32>} : memref<400x64xbf16, #tpu.memory_space<vmem>>, vector<32xbf16>,
        %parallel_loop3A_1337 = tpu.unpack_subelements %parallel_loop3A_1336, 0 {pack_format = #tpu.pack_format<interleaved>} : vector<32xbf16> -> vector<16xf32>
        %parallel_loop3A_1338 = tpu.unpack_subelements %parallel_loop3A_1336, 1 {pack_format = #tpu.pack_format<interleaved>} : vector<32xbf16> -> vector<16xf32>
        %parallel_loop3A_1339 = arith.addf %parallel_loop3A_1321, %parallel_loop3A_1330 : vector<16xf32>
        %parallel_loop3A_1340 = arith.addf %parallel_loop3A_1322, %parallel_loop3A_1331 : vector<16xf32>
        %parallel_loop3A_1341 = arith.addf %parallel_loop3A_1323, %parallel_loop3A_1337 : vector<16xf32>
        %parallel_loop3A_1342 = arith.addf %parallel_loop3A_1324, %parallel_loop3A_1338 : vector<16xf32>
        %parallel_loop3A_1343 = arith.constant 3 : i32
        %parallel_loop3A_1344 = arith.addi %parallel_loop3A_1292, %parallel_loop3A_1343 : i32
        %parallel_loop3A_1345 = arith.index_cast %parallel_loop3A_1344 : i32 to index
        %parallel_loop3A_1346 = arith.constant 0 : index
        %parallel_loop3A_1347 = tpu.vector_load %arg13[%parallel_loop3A_1345, %parallel_loop3A_1346] {strides = array<i32>} : memref<400x64xbf16, #tpu.memory_space<vmem>>, vector<32xbf16>,
        %parallel_loop3A_1348 = tpu.unpack_subelements %parallel_loop3A_1347, 0 {pack_format = #tpu.pack_format<interleaved>} : vector<32xbf16> -> vector<16xf32>
        %parallel_loop3A_1349 = tpu.unpack_subelements %parallel_loop3A_1347, 1 {pack_format = #tpu.pack_format<interleaved>} : vector<32xbf16> -> vector<16xf32>
        %parallel_loop3A_1350 = arith.constant 3 : i32
        %parallel_loop3A_1351 = arith.addi %parallel_loop3A_1292, %parallel_loop3A_1350 : i32
        %parallel_loop3A_1352 = arith.index_cast %parallel_loop3A_1351 : i32 to index
        %parallel_loop3A_1353 = arith.constant 32 : index
        %parallel_loop3A_1354 = tpu.vector_load %arg13[%parallel_loop3A_1352, %parallel_loop3A_1353] {strides = array<i32>} : memref<400x64xbf16, #tpu.memory_space<vmem>>, vector<32xbf16>,
        %parallel_loop3A_1355 = tpu.unpack_subelements %parallel_loop3A_1354, 0 {pack_format = #tpu.pack_format<interleaved>} : vector<32xbf16> -> vector<16xf32>
        %parallel_loop3A_1356 = tpu.unpack_subelements %parallel_loop3A_1354, 1 {pack_format = #tpu.pack_format<interleaved>} : vector<32xbf16> -> vector<16xf32>
        %parallel_loop3A_1357 = arith.addf %parallel_loop3A_1339, %parallel_loop3A_1348 : vector<16xf32>
        %parallel_loop3A_1358 = arith.addf %parallel_loop3A_1340, %parallel_loop3A_1349 : vector<16xf32>
        %parallel_loop3A_1359 = arith.addf %parallel_loop3A_1341, %parallel_loop3A_1355 : vector<16xf32>
        %parallel_loop3A_1360 = arith.addf %parallel_loop3A_1342, %parallel_loop3A_1356 : vector<16xf32>
        %parallel_loop3A_1361 = arith.constant 4 : i32
        %parallel_loop3A_1362 = arith.addi %parallel_loop3A_1292, %parallel_loop3A_1361 : i32
        %parallel_loop3A_1363 = arith.index_cast %parallel_loop3A_1362 : i32 to index
        %parallel_loop3A_1364 = arith.constant 0 : index
        %parallel_loop3A_1365 = tpu.vector_load %arg13[%parallel_loop3A_1363, %parallel_loop3A_1364] {strides = array<i32>} : memref<400x64xbf16, #tpu.memory_space<vmem>>, vector<32xbf16>,
        %parallel_loop3A_1366 = tpu.unpack_subelements %parallel_loop3A_1365, 0 {pack_format = #tpu.pack_format<interleaved>} : vector<32xbf16> -> vector<16xf32>
        %parallel_loop3A_1367 = tpu.unpack_subelements %parallel_loop3A_1365, 1 {pack_format = #tpu.pack_format<interleaved>} : vector<32xbf16> -> vector<16xf32>
        %parallel_loop3A_1368 = arith.constant 4 : i32
        %parallel_loop3A_1369 = arith.addi %parallel_loop3A_1292, %parallel_loop3A_1368 : i32
        %parallel_loop3A_1370 = arith.index_cast %parallel_loop3A_1369 : i32 to index
        %parallel_loop3A_1371 = arith.constant 32 : index
        %parallel_loop3A_1372 = tpu.vector_load %arg13[%parallel_loop3A_1370, %parallel_loop3A_1371] {strides = array<i32>} : memref<400x64xbf16, #tpu.memory_space<vmem>>, vector<32xbf16>,
        %parallel_loop3A_1373 = tpu.unpack_subelements %parallel_loop3A_1372, 0 {pack_format = #tpu.pack_format<interleaved>} : vector<32xbf16> -> vector<16xf32>
        %parallel_loop3A_1374 = tpu.unpack_subelements %parallel_loop3A_1372, 1 {pack_format = #tpu.pack_format<interleaved>} : vector<32xbf16> -> vector<16xf32>
        %parallel_loop3A_1375 = arith.addf %parallel_loop3A_1357, %parallel_loop3A_1366 : vector<16xf32>
        %parallel_loop3A_1376 = arith.addf %parallel_loop3A_1358, %parallel_loop3A_1367 : vector<16xf32>
        %parallel_loop3A_1377 = arith.addf %parallel_loop3A_1359, %parallel_loop3A_1373 : vector<16xf32>
        %parallel_loop3A_1378 = arith.addf %parallel_loop3A_1360, %parallel_loop3A_1374 : vector<16xf32>
        %parallel_loop3A_1379 = arith.constant 5 : i32
        %parallel_loop3A_1380 = arith.addi %parallel_loop3A_1292, %parallel_loop3A_1379 : i32
        %parallel_loop3A_1381 = arith.index_cast %parallel_loop3A_1380 : i32 to index
        %parallel_loop3A_1382 = arith.constant 0 : index
        %parallel_loop3A_1383 = tpu.vector_load %arg13[%parallel_loop3A_1381, %parallel_loop3A_1382] {strides = array<i32>} : memref<400x64xbf16, #tpu.memory_space<vmem>>, vector<32xbf16>,
        %parallel_loop3A_1384 = tpu.unpack_subelements %parallel_loop3A_1383, 0 {pack_format = #tpu.pack_format<interleaved>} : vector<32xbf16> -> vector<16xf32>
        %parallel_loop3A_1385 = tpu.unpack_subelements %parallel_loop3A_1383, 1 {pack_format = #tpu.pack_format<interleaved>} : vector<32xbf16> -> vector<16xf32>
        %parallel_loop3A_1386 = arith.constant 5 : i32
        %parallel_loop3A_1387 = arith.addi %parallel_loop3A_1292, %parallel_loop3A_1386 : i32
        %parallel_loop3A_1388 = arith.index_cast %parallel_loop3A_1387 : i32 to index
        %parallel_loop3A_1389 = arith.constant 32 : index
        %parallel_loop3A_1390 = tpu.vector_load %arg13[%parallel_loop3A_1388, %parallel_loop3A_1389] {strides = array<i32>} : memref<400x64xbf16, #tpu.memory_space<vmem>>, vector<32xbf16>,
        %parallel_loop3A_1391 = tpu.unpack_subelements %parallel_loop3A_1390, 0 {pack_format = #tpu.pack_format<interleaved>} : vector<32xbf16> -> vector<16xf32>
        %parallel_loop3A_1392 = tpu.unpack_subelements %parallel_loop3A_1390, 1 {pack_format = #tpu.pack_format<interleaved>} : vector<32xbf16> -> vector<16xf32>
        %parallel_loop3A_1393 = arith.addf %parallel_loop3A_1375, %parallel_loop3A_1384 : vector<16xf32>
        %parallel_loop3A_1394 = arith.addf %parallel_loop3A_1376, %parallel_loop3A_1385 : vector<16xf32>
        %parallel_loop3A_1395 = arith.addf %parallel_loop3A_1377, %parallel_loop3A_1391 : vector<16xf32>
        %parallel_loop3A_1396 = arith.addf %parallel_loop3A_1378, %parallel_loop3A_1392 : vector<16xf32>
        %parallel_loop3A_1397 = arith.constant 6 : i32
        %parallel_loop3A_1398 = arith.addi %parallel_loop3A_1292, %parallel_loop3A_1397 : i32
        %parallel_loop3A_1399 = arith.index_cast %parallel_loop3A_1398 : i32 to index
        %parallel_loop3A_1400 = arith.constant 0 : index
        %parallel_loop3A_1401 = tpu.vector_load %arg13[%parallel_loop3A_1399, %parallel_loop3A_1400] {strides = array<i32>} : memref<400x64xbf16, #tpu.memory_space<vmem>>, vector<32xbf16>,
        %parallel_loop3A_1402 = tpu.unpack_subelements %parallel_loop3A_1401, 0 {pack_format = #tpu.pack_format<interleaved>} : vector<32xbf16> -> vector<16xf32>
        %parallel_loop3A_1403 = tpu.unpack_subelements %parallel_loop3A_1401, 1 {pack_format = #tpu.pack_format<interleaved>} : vector<32xbf16> -> vector<16xf32>
        %parallel_loop3A_1404 = arith.constant 6 : i32
        %parallel_loop3A_1405 = arith.addi %parallel_loop3A_1292, %parallel_loop3A_1404 : i32
        %parallel_loop3A_1406 = arith.index_cast %parallel_loop3A_1405 : i32 to index
        %parallel_loop3A_1407 = arith.constant 32 : index
        %parallel_loop3A_1408 = tpu.vector_load %arg13[%parallel_loop3A_1406, %parallel_loop3A_1407] {strides = array<i32>} : memref<400x64xbf16, #tpu.memory_space<vmem>>, vector<32xbf16>,
        %parallel_loop3A_1409 = tpu.unpack_subelements %parallel_loop3A_1408, 0 {pack_format = #tpu.pack_format<interleaved>} : vector<32xbf16> -> vector<16xf32>
        %parallel_loop3A_1410 = tpu.unpack_subelements %parallel_loop3A_1408, 1 {pack_format = #tpu.pack_format<interleaved>} : vector<32xbf16> -> vector<16xf32>
        %parallel_loop3A_1411 = arith.addf %parallel_loop3A_1393, %parallel_loop3A_1402 : vector<16xf32>
        %parallel_loop3A_1412 = arith.addf %parallel_loop3A_1394, %parallel_loop3A_1403 : vector<16xf32>
        %parallel_loop3A_1413 = arith.addf %parallel_loop3A_1395, %parallel_loop3A_1409 : vector<16xf32>
        %parallel_loop3A_1414 = arith.addf %parallel_loop3A_1396, %parallel_loop3A_1410 : vector<16xf32>
        %parallel_loop3A_1415 = arith.constant 7 : i32
        %parallel_loop3A_1416 = arith.addi %parallel_loop3A_1292, %parallel_loop3A_1415 : i32
        %parallel_loop3A_1417 = arith.index_cast %parallel_loop3A_1416 : i32 to index
        %parallel_loop3A_1418 = arith.constant 0 : index
        %parallel_loop3A_1419 = tpu.vector_load %arg13[%parallel_loop3A_1417, %parallel_loop3A_1418] {strides = array<i32>} : memref<400x64xbf16, #tpu.memory_space<vmem>>, vector<32xbf16>,
        %parallel_loop3A_1420 = tpu.unpack_subelements %parallel_loop3A_1419, 0 {pack_format = #tpu.pack_format<interleaved>} : vector<32xbf16> -> vector<16xf32>
        %parallel_loop3A_1421 = tpu.unpack_subelements %parallel_loop3A_1419, 1 {pack_format = #tpu.pack_format<interleaved>} : vector<32xbf16> -> vector<16xf32>
        %parallel_loop3A_1422 = arith.constant 7 : i32
        %parallel_loop3A_1423 = arith.addi %parallel_loop3A_1292, %parallel_loop3A_1422 : i32
        %parallel_loop3A_1424 = arith.index_cast %parallel_loop3A_1423 : i32 to index
        %parallel_loop3A_1425 = arith.constant 32 : index
        %parallel_loop3A_1426 = tpu.vector_load %arg13[%parallel_loop3A_1424, %parallel_loop3A_1425] {strides = array<i32>} : memref<400x64xbf16, #tpu.memory_space<vmem>>, vector<32xbf16>,
        %parallel_loop3A_1427 = tpu.unpack_subelements %parallel_loop3A_1426, 0 {pack_format = #tpu.pack_format<interleaved>} : vector<32xbf16> -> vector<16xf32>
        %parallel_loop3A_1428 = tpu.unpack_subelements %parallel_loop3A_1426, 1 {pack_format = #tpu.pack_format<interleaved>} : vector<32xbf16> -> vector<16xf32>
        %parallel_loop3A_1429 = arith.addf %parallel_loop3A_1411, %parallel_loop3A_1420 : vector<16xf32>
        %parallel_loop3A_1430 = arith.addf %parallel_loop3A_1412, %parallel_loop3A_1421 : vector<16xf32>
        %parallel_loop3A_1431 = arith.addf %parallel_loop3A_1413, %parallel_loop3A_1427 : vector<16xf32>
        %parallel_loop3A_1432 = arith.addf %parallel_loop3A_1414, %parallel_loop3A_1428 : vector<16xf32>
        %parallel_loop3A_1433 = arith.constant 8 : i32
        %parallel_loop3A_1434 = arith.addi %parallel_loop3A_1292, %parallel_loop3A_1433 : i32
        %parallel_loop3A_1435 = arith.index_cast %parallel_loop3A_1434 : i32 to index
        %parallel_loop3A_1436 = arith.constant 0 : index
        %parallel_loop3A_1437 = tpu.vector_load %arg13[%parallel_loop3A_1435, %parallel_loop3A_1436] {strides = array<i32>} : memref<400x64xbf16, #tpu.memory_space<vmem>>, vector<32xbf16>,
        %parallel_loop3A_1438 = tpu.unpack_subelements %parallel_loop3A_1437, 0 {pack_format = #tpu.pack_format<interleaved>} : vector<32xbf16> -> vector<16xf32>
        %parallel_loop3A_1439 = tpu.unpack_subelements %parallel_loop3A_1437, 1 {pack_format = #tpu.pack_format<interleaved>} : vector<32xbf16> -> vector<16xf32>
        %parallel_loop3A_1440 = arith.constant 8 : i32
        %parallel_loop3A_1441 = arith.addi %parallel_loop3A_1292, %parallel_loop3A_1440 : i32
        %parallel_loop3A_1442 = arith.index_cast %parallel_loop3A_1441 : i32 to index
        %parallel_loop3A_1443 = arith.constant 32 : index
        %parallel_loop3A_1444 = tpu.vector_load %arg13[%parallel_loop3A_1442, %parallel_loop3A_1443] {strides = array<i32>} : memref<400x64xbf16, #tpu.memory_space<vmem>>, vector<32xbf16>,
        %parallel_loop3A_1445 = tpu.unpack_subelements %parallel_loop3A_1444, 0 {pack_format = #tpu.pack_format<interleaved>} : vector<32xbf16> -> vector<16xf32>
        %parallel_loop3A_1446 = tpu.unpack_subelements %parallel_loop3A_1444, 1 {pack_format = #tpu.pack_format<interleaved>} : vector<32xbf16> -> vector<16xf32>
        %parallel_loop3A_1447 = arith.addf %parallel_loop3A_1429, %parallel_loop3A_1438 : vector<16xf32>
        %parallel_loop3A_1448 = arith.addf %parallel_loop3A_1430, %parallel_loop3A_1439 : vector<16xf32>
        %parallel_loop3A_1449 = arith.addf %parallel_loop3A_1431, %parallel_loop3A_1445 : vector<16xf32>
        %parallel_loop3A_1450 = arith.addf %parallel_loop3A_1432, %parallel_loop3A_1446 : vector<16xf32>
        %parallel_loop3A_1451 = arith.constant 9 : i32
        %parallel_loop3A_1452 = arith.addi %parallel_loop3A_1292, %parallel_loop3A_1451 : i32
        %parallel_loop3A_1453 = arith.index_cast %parallel_loop3A_1452 : i32 to index
        %parallel_loop3A_1454 = arith.constant 0 : index
        %parallel_loop3A_1455 = tpu.vector_load %arg13[%parallel_loop3A_1453, %parallel_loop3A_1454] {strides = array<i32>} : memref<400x64xbf16, #tpu.memory_space<vmem>>, vector<32xbf16>,
        %parallel_loop3A_1456 = tpu.unpack_subelements %parallel_loop3A_1455, 0 {pack_format = #tpu.pack_format<interleaved>} : vector<32xbf16> -> vector<16xf32>
        %parallel_loop3A_1457 = tpu.unpack_subelements %parallel_loop3A_1455, 1 {pack_format = #tpu.pack_format<interleaved>} : vector<32xbf16> -> vector<16xf32>
        %parallel_loop3A_1458 = arith.constant 9 : i32
        %parallel_loop3A_1459 = arith.addi %parallel_loop3A_1292, %parallel_loop3A_1458 : i32
        %parallel_loop3A_1460 = arith.index_cast %parallel_loop3A_1459 : i32 to index
        %parallel_loop3A_1461 = arith.constant 32 : index
        %parallel_loop3A_1462 = tpu.vector_load %arg13[%parallel_loop3A_1460, %parallel_loop3A_1461] {strides = array<i32>} : memref<400x64xbf16, #tpu.memory_space<vmem>>, vector<32xbf16>,
        %parallel_loop3A_1463 = tpu.unpack_subelements %parallel_loop3A_1462, 0 {pack_format = #tpu.pack_format<interleaved>} : vector<32xbf16> -> vector<16xf32>
        %parallel_loop3A_1464 = tpu.unpack_subelements %parallel_loop3A_1462, 1 {pack_format = #tpu.pack_format<interleaved>} : vector<32xbf16> -> vector<16xf32>
        %parallel_loop3A_1465 = arith.addf %parallel_loop3A_1447, %parallel_loop3A_1456 : vector<16xf32>
        %parallel_loop3A_1466 = arith.addf %parallel_loop3A_1448, %parallel_loop3A_1457 : vector<16xf32>
        %parallel_loop3A_1467 = arith.addf %parallel_loop3A_1449, %parallel_loop3A_1463 : vector<16xf32>
        %parallel_loop3A_1468 = arith.addf %parallel_loop3A_1450, %parallel_loop3A_1464 : vector<16xf32>
        %parallel_loop3A_1469 = arith.constant 0 : i32
        %parallel_loop3A_1470 = arith.addi %parallel_loop3A_1469, %parallel_loop3A_1290 : i32
        %parallel_loop3A_1471 = arith.index_cast %parallel_loop3A_1470 : i32 to index
        %parallel_loop3A_1472 = arith.constant 0 : index
        %parallel_loop3A_1473 = tpu.vector_load %arg15[%parallel_loop3A_1471, %parallel_loop3A_1472] {strides = array<i32>} : memref<160x64xf32, #tpu.memory_space<vmem>>, vector<16xf32>,
        tpu.vector_store %arg15[%parallel_loop3A_1471, %parallel_loop3A_1472], %parallel_loop3A_1465 {strides = array<i32>} : memref<160x64xf32, #tpu.memory_space<vmem>>, vector<16xf32>,
        %parallel_loop3A_1474 = arith.constant 0 : i32
        %parallel_loop3A_1475 = arith.addi %parallel_loop3A_1474, %parallel_loop3A_1290 : i32
        %parallel_loop3A_1476 = arith.index_cast %parallel_loop3A_1475 : i32 to index
        %parallel_loop3A_1477 = arith.constant 16 : index
        %parallel_loop3A_1478 = tpu.vector_load %arg15[%parallel_loop3A_1476, %parallel_loop3A_1477] {strides = array<i32>} : memref<160x64xf32, #tpu.memory_space<vmem>>, vector<16xf32>,
        tpu.vector_store %arg15[%parallel_loop3A_1476, %parallel_loop3A_1477], %parallel_loop3A_1466 {strides = array<i32>} : memref<160x64xf32, #tpu.memory_space<vmem>>, vector<16xf32>,
        %parallel_loop3A_1479 = arith.constant 0 : i32
        %parallel_loop3A_1480 = arith.addi %parallel_loop3A_1479, %parallel_loop3A_1290 : i32
        %parallel_loop3A_1481 = arith.index_cast %parallel_loop3A_1480 : i32 to index
        %parallel_loop3A_1482 = arith.constant 32 : index
        %parallel_loop3A_1483 = tpu.vector_load %arg15[%parallel_loop3A_1481, %parallel_loop3A_1482] {strides = array<i32>} : memref<160x64xf32, #tpu.memory_space<vmem>>, vector<16xf32>,
        tpu.vector_store %arg15[%parallel_loop3A_1481, %parallel_loop3A_1482], %parallel_loop3A_1467 {strides = array<i32>} : memref<160x64xf32, #tpu.memory_space<vmem>>, vector<16xf32>,
        %parallel_loop3A_1484 = arith.constant 0 : i32
        %parallel_loop3A_1485 = arith.addi %parallel_loop3A_1484, %parallel_loop3A_1290 : i32
        %parallel_loop3A_1486 = arith.index_cast %parallel_loop3A_1485 : i32 to index
        %parallel_loop3A_1487 = arith.constant 48 : index
        %parallel_loop3A_1488 = tpu.vector_load %arg15[%parallel_loop3A_1486, %parallel_loop3A_1487] {strides = array<i32>} : memref<160x64xf32, #tpu.memory_space<vmem>>, vector<16xf32>,
        tpu.vector_store %arg15[%parallel_loop3A_1486, %parallel_loop3A_1487], %parallel_loop3A_1468 {strides = array<i32>} : memref<160x64xf32, #tpu.memory_space<vmem>>, vector<16xf32>,
      } {sc.loop_unroll_factor = 4 : i64, sc.parallel_access}
      %add3A_581 = arith.constant 1 : i32
      %add3A_582 = arith.addi %mul3A_326, %add3A_581 : i32
      %add3A_583 = arith.constant 1 : i32
      %add3A_584 = arith.addi %add3A_582, %add3A_583 : i32
      %rem3A_585 = arith.constant 100 : i32
      %rem3A_586 = arith.remsi %add3A_584, %rem3A_585 : i32
      %parallel_loop3A_587 = arith.constant 0 : i32
      %parallel_loop3A_588 = arith.constant 25 : i32
      %parallel_loop3A_589 = arith.constant 1 : i32
      scf.for %parallel_loop3A_1290 = %parallel_loop3A_587 to %parallel_loop3A_588 step %parallel_loop3A_589  : i32 {
        %parallel_loop3A_1291 = arith.constant 16 : i32
        %parallel_loop3A_1292 = arith.muli %parallel_loop3A_1290, %parallel_loop3A_1291 : i32
        %parallel_loop3A_1293 = arith.index_cast %parallel_loop3A_1292 : i32 to index
        %parallel_loop3A_1294 = tpu.vector_load %arg8[%parallel_loop3A_1293] {strides = array<i32>} : memref<400xi32, #tpu.memory_space<vmem>>, vector<16xi32>,
        %parallel_loop3A_1295 = arith.index_cast %parallel_loop3A_1292 : i32 to index
        %parallel_loop3A_1296 = tpu.vector_load %arg17[%parallel_loop3A_1295] {strides = array<i32>} : memref<400xi32, #tpu.memory_space<vmem>>, vector<16xi32>,
        %parallel_loop3A_1297 = arith.addi %parallel_loop3A_1294, %parallel_loop3A_1296 : vector<16xi32>
        %parallel_loop3A_1298 = arith.index_cast %parallel_loop3A_1292 : i32 to index
        %parallel_loop3A_1299 = tpu.vector_load %arg10[%parallel_loop3A_1298] {strides = array<i32>} : memref<400xi32, #tpu.memory_space<vmem>>, vector<16xi32>,
        tpu.vector_store %arg10[%parallel_loop3A_1298], %parallel_loop3A_1297 {strides = array<i32>} : memref<400xi32, #tpu.memory_space<vmem>>, vector<16xi32>,
      } {sc.loop_unroll_factor = 5 : i64, sc.parallel_access}
      %dma_start3A_590 = arith.constant 0 : i32
      %dma_start3A_591 = arith.constant 0 : i32
      %dma_start3A_592 = tpu.memref_slice %arg13[%dma_start3A_590, %dma_start3A_591] : memref<400x64xbf16, #tpu.memory_space<vmem>> -> memref<40x64xbf16, #tpu.memory_space<vmem>>
      %dma_start3A_593 = arith.constant 0 : i32
      %dma_start3A_594 = tpu.memref_slice %arg10[%dma_start3A_593] : memref<400xi32, #tpu.memory_space<vmem>> -> memref<40xi32, #tpu.memory_space<vmem>>
      %dma_start3A_595 = arith.constant 0 : i32
      %dma_start3A_596 = arith.constant 0 : i32
      %dma_start3A_597 = tpu.memref_slice %arg2[%dma_start3A_595, %dma_start3A_596] : memref<200000x64xbf16, #tpu.memory_space<hbm>> -> memref<200000x64xbf16, #tpu.memory_space<hbm>>
      tpu.enqueue_indirect_dma source(%dma_start3A_597 : memref<200000x64xbf16, #tpu.memory_space<hbm>>) target(%dma_start3A_592 : memref<40x64xbf16, #tpu.memory_space<vmem>>) offsets(%dma_start3A_594 : memref<40xi32, #tpu.memory_space<vmem>>) semaphore(%arg21 : memref<!tpu.dma_semaphore, #tpu.memory_space<semaphore_mem>>)
      %dma_start3A_598 = arith.constant 40 : i32
      %dma_start3A_599 = arith.constant 0 : i32
      %dma_start3A_600 = tpu.memref_slice %arg13[%dma_start3A_598, %dma_start3A_599] : memref<400x64xbf16, #tpu.memory_space<vmem>> -> memref<40x64xbf16, #tpu.memory_space<vmem>>
      %dma_start3A_601 = arith.constant 40 : i32
      %dma_start3A_602 = tpu.memref_slice %arg10[%dma_start3A_601] : memref<400xi32, #tpu.memory_space<vmem>> -> memref<40xi32, #tpu.memory_space<vmem>>
      %dma_start3A_603 = arith.constant 0 : i32
      %dma_start3A_604 = arith.constant 0 : i32
      %dma_start3A_605 = tpu.memref_slice %arg2[%dma_start3A_603, %dma_start3A_604] : memref<200000x64xbf16, #tpu.memory_space<hbm>> -> memref<200000x64xbf16, #tpu.memory_space<hbm>>
      tpu.enqueue_indirect_dma source(%dma_start3A_605 : memref<200000x64xbf16, #tpu.memory_space<hbm>>) target(%dma_start3A_600 : memref<40x64xbf16, #tpu.memory_space<vmem>>) offsets(%dma_start3A_602 : memref<40xi32, #tpu.memory_space<vmem>>) semaphore(%arg21 : memref<!tpu.dma_semaphore, #tpu.memory_space<semaphore_mem>>)
      %dma_start3A_606 = arith.constant 80 : i32
      %dma_start3A_607 = arith.constant 0 : i32
      %dma_start3A_608 = tpu.memref_slice %arg13[%dma_start3A_606, %dma_start3A_607] : memref<400x64xbf16, #tpu.memory_space<vmem>> -> memref<40x64xbf16, #tpu.memory_space<vmem>>
      %dma_start3A_609 = arith.constant 80 : i32
      %dma_start3A_610 = tpu.memref_slice %arg10[%dma_start3A_609] : memref<400xi32, #tpu.memory_space<vmem>> -> memref<40xi32, #tpu.memory_space<vmem>>
      %dma_start3A_611 = arith.constant 0 : i32
      %dma_start3A_612 = arith.constant 0 : i32
      %dma_start3A_613 = tpu.memref_slice %arg2[%dma_start3A_611, %dma_start3A_612] : memref<200000x64xbf16, #tpu.memory_space<hbm>> -> memref<200000x64xbf16, #tpu.memory_space<hbm>>
      tpu.enqueue_indirect_dma source(%dma_start3A_613 : memref<200000x64xbf16, #tpu.memory_space<hbm>>) target(%dma_start3A_608 : memref<40x64xbf16, #tpu.memory_space<vmem>>) offsets(%dma_start3A_610 : memref<40xi32, #tpu.memory_space<vmem>>) semaphore(%arg21 : memref<!tpu.dma_semaphore, #tpu.memory_space<semaphore_mem>>)
      %dma_start3A_614 = arith.constant 120 : i32
      %dma_start3A_615 = arith.constant 0 : i32
      %dma_start3A_616 = tpu.memref_slice %arg13[%dma_start3A_614, %dma_start3A_615] : memref<400x64xbf16, #tpu.memory_space<vmem>> -> memref<40x64xbf16, #tpu.memory_space<vmem>>
      %dma_start3A_617 = arith.constant 120 : i32
      %dma_start3A_618 = tpu.memref_slice %arg10[%dma_start3A_617] : memref<400xi32, #tpu.memory_space<vmem>> -> memref<40xi32, #tpu.memory_space<vmem>>
      %dma_start3A_619 = arith.constant 0 : i32
      %dma_start3A_620 = arith.constant 0 : i32
      %dma_start3A_621 = tpu.memref_slice %arg2[%dma_start3A_619, %dma_start3A_620] : memref<200000x64xbf16, #tpu.memory_space<hbm>> -> memref<200000x64xbf16, #tpu.memory_space<hbm>>
      tpu.enqueue_indirect_dma source(%dma_start3A_621 : memref<200000x64xbf16, #tpu.memory_space<hbm>>) target(%dma_start3A_616 : memref<40x64xbf16, #tpu.memory_space<vmem>>) offsets(%dma_start3A_618 : memref<40xi32, #tpu.memory_space<vmem>>) semaphore(%arg21 : memref<!tpu.dma_semaphore, #tpu.memory_space<semaphore_mem>>)
      %dma_start3A_622 = arith.constant 160 : i32
      %dma_start3A_623 = arith.constant 0 : i32
      %dma_start3A_624 = tpu.memref_slice %arg13[%dma_start3A_622, %dma_start3A_623] : memref<400x64xbf16, #tpu.memory_space<vmem>> -> memref<40x64xbf16, #tpu.memory_space<vmem>>
      %dma_start3A_625 = arith.constant 160 : i32
      %dma_start3A_626 = tpu.memref_slice %arg10[%dma_start3A_625] : memref<400xi32, #tpu.memory_space<vmem>> -> memref<40xi32, #tpu.memory_space<vmem>>
      %dma_start3A_627 = arith.constant 0 : i32
      %dma_start3A_628 = arith.constant 0 : i32
      %dma_start3A_629 = tpu.memref_slice %arg2[%dma_start3A_627, %dma_start3A_628] : memref<200000x64xbf16, #tpu.memory_space<hbm>> -> memref<200000x64xbf16, #tpu.memory_space<hbm>>
      tpu.enqueue_indirect_dma source(%dma_start3A_629 : memref<200000x64xbf16, #tpu.memory_space<hbm>>) target(%dma_start3A_624 : memref<40x64xbf16, #tpu.memory_space<vmem>>) offsets(%dma_start3A_626 : memref<40xi32, #tpu.memory_space<vmem>>) semaphore(%arg21 : memref<!tpu.dma_semaphore, #tpu.memory_space<semaphore_mem>>)
      %dma_start3A_630 = arith.constant 200 : i32
      %dma_start3A_631 = arith.constant 0 : i32
      %dma_start3A_632 = tpu.memref_slice %arg13[%dma_start3A_630, %dma_start3A_631] : memref<400x64xbf16, #tpu.memory_space<vmem>> -> memref<40x64xbf16, #tpu.memory_space<vmem>>
      %dma_start3A_633 = arith.constant 200 : i32
      %dma_start3A_634 = tpu.memref_slice %arg10[%dma_start3A_633] : memref<400xi32, #tpu.memory_space<vmem>> -> memref<40xi32, #tpu.memory_space<vmem>>
      %dma_start3A_635 = arith.constant 0 : i32
      %dma_start3A_636 = arith.constant 0 : i32
      %dma_start3A_637 = tpu.memref_slice %arg2[%dma_start3A_635, %dma_start3A_636] : memref<200000x64xbf16, #tpu.memory_space<hbm>> -> memref<200000x64xbf16, #tpu.memory_space<hbm>>
      tpu.enqueue_indirect_dma source(%dma_start3A_637 : memref<200000x64xbf16, #tpu.memory_space<hbm>>) target(%dma_start3A_632 : memref<40x64xbf16, #tpu.memory_space<vmem>>) offsets(%dma_start3A_634 : memref<40xi32, #tpu.memory_space<vmem>>) semaphore(%arg21 : memref<!tpu.dma_semaphore, #tpu.memory_space<semaphore_mem>>)
      %dma_start3A_638 = arith.constant 240 : i32
      %dma_start3A_639 = arith.constant 0 : i32
      %dma_start3A_640 = tpu.memref_slice %arg13[%dma_start3A_638, %dma_start3A_639] : memref<400x64xbf16, #tpu.memory_space<vmem>> -> memref<40x64xbf16, #tpu.memory_space<vmem>>
      %dma_start3A_641 = arith.constant 240 : i32
      %dma_start3A_642 = tpu.memref_slice %arg10[%dma_start3A_641] : memref<400xi32, #tpu.memory_space<vmem>> -> memref<40xi32, #tpu.memory_space<vmem>>
      %dma_start3A_643 = arith.constant 0 : i32
      %dma_start3A_644 = arith.constant 0 : i32
      %dma_start3A_645 = tpu.memref_slice %arg2[%dma_start3A_643, %dma_start3A_644] : memref<200000x64xbf16, #tpu.memory_space<hbm>> -> memref<200000x64xbf16, #tpu.memory_space<hbm>>
      tpu.enqueue_indirect_dma source(%dma_start3A_645 : memref<200000x64xbf16, #tpu.memory_space<hbm>>) target(%dma_start3A_640 : memref<40x64xbf16, #tpu.memory_space<vmem>>) offsets(%dma_start3A_642 : memref<40xi32, #tpu.memory_space<vmem>>) semaphore(%arg21 : memref<!tpu.dma_semaphore, #tpu.memory_space<semaphore_mem>>)
      %dma_start3A_646 = arith.constant 280 : i32
      %dma_start3A_647 = arith.constant 0 : i32
      %dma_start3A_648 = tpu.memref_slice %arg13[%dma_start3A_646, %dma_start3A_647] : memref<400x64xbf16, #tpu.memory_space<vmem>> -> memref<40x64xbf16, #tpu.memory_space<vmem>>
      %dma_start3A_649 = arith.constant 280 : i32
      %dma_start3A_650 = tpu.memref_slice %arg10[%dma_start3A_649] : memref<400xi32, #tpu.memory_space<vmem>> -> memref<40xi32, #tpu.memory_space<vmem>>
      %dma_start3A_651 = arith.constant 0 : i32
      %dma_start3A_652 = arith.constant 0 : i32
      %dma_start3A_653 = tpu.memref_slice %arg2[%dma_start3A_651, %dma_start3A_652] : memref<200000x64xbf16, #tpu.memory_space<hbm>> -> memref<200000x64xbf16, #tpu.memory_space<hbm>>
      tpu.enqueue_indirect_dma source(%dma_start3A_653 : memref<200000x64xbf16, #tpu.memory_space<hbm>>) target(%dma_start3A_648 : memref<40x64xbf16, #tpu.memory_space<vmem>>) offsets(%dma_start3A_650 : memref<40xi32, #tpu.memory_space<vmem>>) semaphore(%arg21 : memref<!tpu.dma_semaphore, #tpu.memory_space<semaphore_mem>>)
      %dma_start3A_654 = arith.constant 320 : i32
      %dma_start3A_655 = arith.constant 0 : i32
      %dma_start3A_656 = tpu.memref_slice %arg13[%dma_start3A_654, %dma_start3A_655] : memref<400x64xbf16, #tpu.memory_space<vmem>> -> memref<40x64xbf16, #tpu.memory_space<vmem>>
      %dma_start3A_657 = arith.constant 320 : i32
      %dma_start3A_658 = tpu.memref_slice %arg10[%dma_start3A_657] : memref<400xi32, #tpu.memory_space<vmem>> -> memref<40xi32, #tpu.memory_space<vmem>>
      %dma_start3A_659 = arith.constant 0 : i32
      %dma_start3A_660 = arith.constant 0 : i32
      %dma_start3A_661 = tpu.memref_slice %arg2[%dma_start3A_659, %dma_start3A_660] : memref<200000x64xbf16, #tpu.memory_space<hbm>> -> memref<200000x64xbf16, #tpu.memory_space<hbm>>
      tpu.enqueue_indirect_dma source(%dma_start3A_661 : memref<200000x64xbf16, #tpu.memory_space<hbm>>) target(%dma_start3A_656 : memref<40x64xbf16, #tpu.memory_space<vmem>>) offsets(%dma_start3A_658 : memref<40xi32, #tpu.memory_space<vmem>>) semaphore(%arg21 : memref<!tpu.dma_semaphore, #tpu.memory_space<semaphore_mem>>)
      %dma_start3A_662 = arith.constant 360 : i32
      %dma_start3A_663 = arith.constant 0 : i32
      %dma_start3A_664 = tpu.memref_slice %arg13[%dma_start3A_662, %dma_start3A_663] : memref<400x64xbf16, #tpu.memory_space<vmem>> -> memref<40x64xbf16, #tpu.memory_space<vmem>>
      %dma_start3A_665 = arith.constant 360 : i32
      %dma_start3A_666 = tpu.memref_slice %arg10[%dma_start3A_665] : memref<400xi32, #tpu.memory_space<vmem>> -> memref<40xi32, #tpu.memory_space<vmem>>
      %dma_start3A_667 = arith.constant 0 : i32
      %dma_start3A_668 = arith.constant 0 : i32
      %dma_start3A_669 = tpu.memref_slice %arg2[%dma_start3A_667, %dma_start3A_668] : memref<200000x64xbf16, #tpu.memory_space<hbm>> -> memref<200000x64xbf16, #tpu.memory_space<hbm>>
      tpu.enqueue_indirect_dma source(%dma_start3A_669 : memref<200000x64xbf16, #tpu.memory_space<hbm>>) target(%dma_start3A_664 : memref<40x64xbf16, #tpu.memory_space<vmem>>) offsets(%dma_start3A_666 : memref<40xi32, #tpu.memory_space<vmem>>) semaphore(%arg21 : memref<!tpu.dma_semaphore, #tpu.memory_space<semaphore_mem>>)
      %mul3A_670 = arith.constant 4000 : i32
      %mul3A_671 = arith.muli %arg1, %mul3A_670 : i32
      %add3A_672 = arith.constant 2 : i32
      %add3A_673 = arith.addi %rem3A_586, %add3A_672 : i32
      %rem3A_674 = arith.constant 100 : i32
      %rem3A_675 = arith.remsi %add3A_673, %rem3A_674 : i32
      %mul3A_676 = arith.constant 40 : i32
      %mul3A_677 = arith.muli %rem3A_675, %mul3A_676 : i32
      %add3A_678 = arith.addi %mul3A_671, %mul3A_677 : i32
      %multiple_of3A_679 = tpu.assume_multiple %add3A_678, 8 : i32
      %mul3A_680 = arith.constant 10 : i32
      %mul3A_681 = arith.muli %multiple_of3A_679, %mul3A_680 : i32
      %multiple_of3A_682 = tpu.assume_multiple %mul3A_681, 8 : i32
      %dma_start3A_683 = tpu.memref_slice %arg3[%multiple_of3A_682] : memref<640000xi32, #tpu.memory_space<hbm>> -> memref<400xi32, #tpu.memory_space<hbm>>
      %dma_start3A_684 = tpu.memref_slice %arg3[%multiple_of3A_682] : memref<640000xi32, #tpu.memory_space<hbm>> -> memref<400xi32, #tpu.memory_space<hbm>>
      tpu.enqueue_dma source(%dma_start3A_684 : memref<400xi32, #tpu.memory_space<hbm>>) target(%arg8 : memref<400xi32, #tpu.memory_space<vmem>>) target_semaphore(%arg21 : memref<!tpu.dma_semaphore, #tpu.memory_space<semaphore_mem>>)
      %dma_wait3A_685 = arith.constant 0 : i32
      %dma_wait3A_686 = arith.constant 0 : i32
      %dma_wait3A_687 = tpu.memref_slice %arg14[%dma_wait3A_685, %dma_wait3A_686] : memref<400x64xbf16, #tpu.memory_space<vmem>> -> memref<40x64xbf16, #tpu.memory_space<vmem>>
      %dma_wait3A_688 = arith.constant 0 : i32
      %dma_wait3A_689 = arith.constant 0 : i32
      %dma_wait3A_690 = tpu.memref_slice %arg2[%dma_wait3A_688, %dma_wait3A_689] : memref<200000x64xbf16, #tpu.memory_space<hbm>> -> memref<40x64xbf16, #tpu.memory_space<hbm>>
      %dma_wait3A_691 = arith.constant 0 : i32
      %dma_wait3A_692 = arith.constant 0 : i32
      %dma_wait3A_693 = tpu.memref_slice %arg14[%dma_wait3A_691, %dma_wait3A_692] : memref<400x64xbf16, #tpu.memory_space<vmem>> -> memref<40x64xbf16, #tpu.memory_space<vmem>>
      %dma_wait3A_694 = arith.constant 0 : i32
      %dma_wait3A_695 = arith.constant 0 : i32
      %dma_wait3A_696 = tpu.memref_slice %arg2[%dma_wait3A_694, %dma_wait3A_695] : memref<200000x64xbf16, #tpu.memory_space<hbm>> -> memref<40x64xbf16, #tpu.memory_space<hbm>>
      tpu.wait_dma2 semaphore(%arg22 : memref<!tpu.dma_semaphore, #tpu.memory_space<semaphore_mem>>) src(%dma_wait3A_696 : memref<40x64xbf16, #tpu.memory_space<hbm>>) dst(%dma_wait3A_693 : memref<40x64xbf16, #tpu.memory_space<vmem>>)
      %dma_wait3A_697 = arith.constant 40 : i32
      %dma_wait3A_698 = arith.constant 0 : i32
      %dma_wait3A_699 = tpu.memref_slice %arg14[%dma_wait3A_697, %dma_wait3A_698] : memref<400x64xbf16, #tpu.memory_space<vmem>> -> memref<40x64xbf16, #tpu.memory_space<vmem>>
      %dma_wait3A_700 = arith.constant 0 : i32
      %dma_wait3A_701 = arith.constant 0 : i32
      %dma_wait3A_702 = tpu.memref_slice %arg2[%dma_wait3A_700, %dma_wait3A_701] : memref<200000x64xbf16, #tpu.memory_space<hbm>> -> memref<40x64xbf16, #tpu.memory_space<hbm>>
      %dma_wait3A_703 = arith.constant 40 : i32
      %dma_wait3A_704 = arith.constant 0 : i32
      %dma_wait3A_705 = tpu.memref_slice %arg14[%dma_wait3A_703, %dma_wait3A_704] : memref<400x64xbf16, #tpu.memory_space<vmem>> -> memref<40x64xbf16, #tpu.memory_space<vmem>>
      %dma_wait3A_706 = arith.constant 0 : i32
      %dma_wait3A_707 = arith.constant 0 : i32
      %dma_wait3A_708 = tpu.memref_slice %arg2[%dma_wait3A_706, %dma_wait3A_707] : memref<200000x64xbf16, #tpu.memory_space<hbm>> -> memref<40x64xbf16, #tpu.memory_space<hbm>>
      tpu.wait_dma2 semaphore(%arg22 : memref<!tpu.dma_semaphore, #tpu.memory_space<semaphore_mem>>) src(%dma_wait3A_708 : memref<40x64xbf16, #tpu.memory_space<hbm>>) dst(%dma_wait3A_705 : memref<40x64xbf16, #tpu.memory_space<vmem>>)
      %dma_wait3A_709 = arith.constant 80 : i32
      %dma_wait3A_710 = arith.constant 0 : i32
      %dma_wait3A_711 = tpu.memref_slice %arg14[%dma_wait3A_709, %dma_wait3A_710] : memref<400x64xbf16, #tpu.memory_space<vmem>> -> memref<40x64xbf16, #tpu.memory_space<vmem>>
      %dma_wait3A_712 = arith.constant 0 : i32
      %dma_wait3A_713 = arith.constant 0 : i32
      %dma_wait3A_714 = tpu.memref_slice %arg2[%dma_wait3A_712, %dma_wait3A_713] : memref<200000x64xbf16, #tpu.memory_space<hbm>> -> memref<40x64xbf16, #tpu.memory_space<hbm>>
      %dma_wait3A_715 = arith.constant 80 : i32
      %dma_wait3A_716 = arith.constant 0 : i32
      %dma_wait3A_717 = tpu.memref_slice %arg14[%dma_wait3A_715, %dma_wait3A_716] : memref<400x64xbf16, #tpu.memory_space<vmem>> -> memref<40x64xbf16, #tpu.memory_space<vmem>>
      %dma_wait3A_718 = arith.constant 0 : i32
      %dma_wait3A_719 = arith.constant 0 : i32
      %dma_wait3A_720 = tpu.memref_slice %arg2[%dma_wait3A_718, %dma_wait3A_719] : memref<200000x64xbf16, #tpu.memory_space<hbm>> -> memref<40x64xbf16, #tpu.memory_space<hbm>>
      tpu.wait_dma2 semaphore(%arg22 : memref<!tpu.dma_semaphore, #tpu.memory_space<semaphore_mem>>) src(%dma_wait3A_720 : memref<40x64xbf16, #tpu.memory_space<hbm>>) dst(%dma_wait3A_717 : memref<40x64xbf16, #tpu.memory_space<vmem>>)
      %dma_wait3A_721 = arith.constant 120 : i32
      %dma_wait3A_722 = arith.constant 0 : i32
      %dma_wait3A_723 = tpu.memref_slice %arg14[%dma_wait3A_721, %dma_wait3A_722] : memref<400x64xbf16, #tpu.memory_space<vmem>> -> memref<40x64xbf16, #tpu.memory_space<vmem>>
      %dma_wait3A_724 = arith.constant 0 : i32
      %dma_wait3A_725 = arith.constant 0 : i32
      %dma_wait3A_726 = tpu.memref_slice %arg2[%dma_wait3A_724, %dma_wait3A_725] : memref<200000x64xbf16, #tpu.memory_space<hbm>> -> memref<40x64xbf16, #tpu.memory_space<hbm>>
      %dma_wait3A_727 = arith.constant 120 : i32
      %dma_wait3A_728 = arith.constant 0 : i32
      %dma_wait3A_729 = tpu.memref_slice %arg14[%dma_wait3A_727, %dma_wait3A_728] : memref<400x64xbf16, #tpu.memory_space<vmem>> -> memref<40x64xbf16, #tpu.memory_space<vmem>>
      %dma_wait3A_730 = arith.constant 0 : i32
      %dma_wait3A_731 = arith.constant 0 : i32
      %dma_wait3A_732 = tpu.memref_slice %arg2[%dma_wait3A_730, %dma_wait3A_731] : memref<200000x64xbf16, #tpu.memory_space<hbm>> -> memref<40x64xbf16, #tpu.memory_space<hbm>>
      tpu.wait_dma2 semaphore(%arg22 : memref<!tpu.dma_semaphore, #tpu.memory_space<semaphore_mem>>) src(%dma_wait3A_732 : memref<40x64xbf16, #tpu.memory_space<hbm>>) dst(%dma_wait3A_729 : memref<40x64xbf16, #tpu.memory_space<vmem>>)
      %dma_wait3A_733 = arith.constant 160 : i32
      %dma_wait3A_734 = arith.constant 0 : i32
      %dma_wait3A_735 = tpu.memref_slice %arg14[%dma_wait3A_733, %dma_wait3A_734] : memref<400x64xbf16, #tpu.memory_space<vmem>> -> memref<40x64xbf16, #tpu.memory_space<vmem>>
      %dma_wait3A_736 = arith.constant 0 : i32
      %dma_wait3A_737 = arith.constant 0 : i32
      %dma_wait3A_738 = tpu.memref_slice %arg2[%dma_wait3A_736, %dma_wait3A_737] : memref<200000x64xbf16, #tpu.memory_space<hbm>> -> memref<40x64xbf16, #tpu.memory_space<hbm>>
      %dma_wait3A_739 = arith.constant 160 : i32
      %dma_wait3A_740 = arith.constant 0 : i32
      %dma_wait3A_741 = tpu.memref_slice %arg14[%dma_wait3A_739, %dma_wait3A_740] : memref<400x64xbf16, #tpu.memory_space<vmem>> -> memref<40x64xbf16, #tpu.memory_space<vmem>>
      %dma_wait3A_742 = arith.constant 0 : i32
      %dma_wait3A_743 = arith.constant 0 : i32
      %dma_wait3A_744 = tpu.memref_slice %arg2[%dma_wait3A_742, %dma_wait3A_743] : memref<200000x64xbf16, #tpu.memory_space<hbm>> -> memref<40x64xbf16, #tpu.memory_space<hbm>>
      tpu.wait_dma2 semaphore(%arg22 : memref<!tpu.dma_semaphore, #tpu.memory_space<semaphore_mem>>) src(%dma_wait3A_744 : memref<40x64xbf16, #tpu.memory_space<hbm>>) dst(%dma_wait3A_741 : memref<40x64xbf16, #tpu.memory_space<vmem>>)
      %dma_wait3A_745 = arith.constant 200 : i32
      %dma_wait3A_746 = arith.constant 0 : i32
      %dma_wait3A_747 = tpu.memref_slice %arg14[%dma_wait3A_745, %dma_wait3A_746] : memref<400x64xbf16, #tpu.memory_space<vmem>> -> memref<40x64xbf16, #tpu.memory_space<vmem>>
      %dma_wait3A_748 = arith.constant 0 : i32
      %dma_wait3A_749 = arith.constant 0 : i32
      %dma_wait3A_750 = tpu.memref_slice %arg2[%dma_wait3A_748, %dma_wait3A_749] : memref<200000x64xbf16, #tpu.memory_space<hbm>> -> memref<40x64xbf16, #tpu.memory_space<hbm>>
      %dma_wait3A_751 = arith.constant 200 : i32
      %dma_wait3A_752 = arith.constant 0 : i32
      %dma_wait3A_753 = tpu.memref_slice %arg14[%dma_wait3A_751, %dma_wait3A_752] : memref<400x64xbf16, #tpu.memory_space<vmem>> -> memref<40x64xbf16, #tpu.memory_space<vmem>>
      %dma_wait3A_754 = arith.constant 0 : i32
      %dma_wait3A_755 = arith.constant 0 : i32
      %dma_wait3A_756 = tpu.memref_slice %arg2[%dma_wait3A_754, %dma_wait3A_755] : memref<200000x64xbf16, #tpu.memory_space<hbm>> -> memref<40x64xbf16, #tpu.memory_space<hbm>>
      tpu.wait_dma2 semaphore(%arg22 : memref<!tpu.dma_semaphore, #tpu.memory_space<semaphore_mem>>) src(%dma_wait3A_756 : memref<40x64xbf16, #tpu.memory_space<hbm>>) dst(%dma_wait3A_753 : memref<40x64xbf16, #tpu.memory_space<vmem>>)
      %dma_wait3A_757 = arith.constant 240 : i32
      %dma_wait3A_758 = arith.constant 0 : i32
      %dma_wait3A_759 = tpu.memref_slice %arg14[%dma_wait3A_757, %dma_wait3A_758] : memref<400x64xbf16, #tpu.memory_space<vmem>> -> memref<40x64xbf16, #tpu.memory_space<vmem>>
      %dma_wait3A_760 = arith.constant 0 : i32
      %dma_wait3A_761 = arith.constant 0 : i32
      %dma_wait3A_762 = tpu.memref_slice %arg2[%dma_wait3A_760, %dma_wait3A_761] : memref<200000x64xbf16, #tpu.memory_space<hbm>> -> memref<40x64xbf16, #tpu.memory_space<hbm>>
      %dma_wait3A_763 = arith.constant 240 : i32
      %dma_wait3A_764 = arith.constant 0 : i32
      %dma_wait3A_765 = tpu.memref_slice %arg14[%dma_wait3A_763, %dma_wait3A_764] : memref<400x64xbf16, #tpu.memory_space<vmem>> -> memref<40x64xbf16, #tpu.memory_space<vmem>>
      %dma_wait3A_766 = arith.constant 0 : i32
      %dma_wait3A_767 = arith.constant 0 : i32
      %dma_wait3A_768 = tpu.memref_slice %arg2[%dma_wait3A_766, %dma_wait3A_767] : memref<200000x64xbf16, #tpu.memory_space<hbm>> -> memref<40x64xbf16, #tpu.memory_space<hbm>>
      tpu.wait_dma2 semaphore(%arg22 : memref<!tpu.dma_semaphore, #tpu.memory_space<semaphore_mem>>) src(%dma_wait3A_768 : memref<40x64xbf16, #tpu.memory_space<hbm>>) dst(%dma_wait3A_765 : memref<40x64xbf16, #tpu.memory_space<vmem>>)
      %dma_wait3A_769 = arith.constant 280 : i32
      %dma_wait3A_770 = arith.constant 0 : i32
      %dma_wait3A_771 = tpu.memref_slice %arg14[%dma_wait3A_769, %dma_wait3A_770] : memref<400x64xbf16, #tpu.memory_space<vmem>> -> memref<40x64xbf16, #tpu.memory_space<vmem>>
      %dma_wait3A_772 = arith.constant 0 : i32
      %dma_wait3A_773 = arith.constant 0 : i32
      %dma_wait3A_774 = tpu.memref_slice %arg2[%dma_wait3A_772, %dma_wait3A_773] : memref<200000x64xbf16, #tpu.memory_space<hbm>> -> memref<40x64xbf16, #tpu.memory_space<hbm>>
      %dma_wait3A_775 = arith.constant 280 : i32
      %dma_wait3A_776 = arith.constant 0 : i32
      %dma_wait3A_777 = tpu.memref_slice %arg14[%dma_wait3A_775, %dma_wait3A_776] : memref<400x64xbf16, #tpu.memory_space<vmem>> -> memref<40x64xbf16, #tpu.memory_space<vmem>>
      %dma_wait3A_778 = arith.constant 0 : i32
      %dma_wait3A_779 = arith.constant 0 : i32
      %dma_wait3A_780 = tpu.memref_slice %arg2[%dma_wait3A_778, %dma_wait3A_779] : memref<200000x64xbf16, #tpu.memory_space<hbm>> -> memref<40x64xbf16, #tpu.memory_space<hbm>>
      tpu.wait_dma2 semaphore(%arg22 : memref<!tpu.dma_semaphore, #tpu.memory_space<semaphore_mem>>) src(%dma_wait3A_780 : memref<40x64xbf16, #tpu.memory_space<hbm>>) dst(%dma_wait3A_777 : memref<40x64xbf16, #tpu.memory_space<vmem>>)
      %dma_wait3A_781 = arith.constant 320 : i32
      %dma_wait3A_782 = arith.constant 0 : i32
      %dma_wait3A_783 = tpu.memref_slice %arg14[%dma_wait3A_781, %dma_wait3A_782] : memref<400x64xbf16, #tpu.memory_space<vmem>> -> memref<40x64xbf16, #tpu.memory_space<vmem>>
      %dma_wait3A_784 = arith.constant 0 : i32
      %dma_wait3A_785 = arith.constant 0 : i32
      %dma_wait3A_786 = tpu.memref_slice %arg2[%dma_wait3A_784, %dma_wait3A_785] : memref<200000x64xbf16, #tpu.memory_space<hbm>> -> memref<40x64xbf16, #tpu.memory_space<hbm>>
      %dma_wait3A_787 = arith.constant 320 : i32
      %dma_wait3A_788 = arith.constant 0 : i32
      %dma_wait3A_789 = tpu.memref_slice %arg14[%dma_wait3A_787, %dma_wait3A_788] : memref<400x64xbf16, #tpu.memory_space<vmem>> -> memref<40x64xbf16, #tpu.memory_space<vmem>>
      %dma_wait3A_790 = arith.constant 0 : i32
      %dma_wait3A_791 = arith.constant 0 : i32
      %dma_wait3A_792 = tpu.memref_slice %arg2[%dma_wait3A_790, %dma_wait3A_791] : memref<200000x64xbf16, #tpu.memory_space<hbm>> -> memref<40x64xbf16, #tpu.memory_space<hbm>>
      tpu.wait_dma2 semaphore(%arg22 : memref<!tpu.dma_semaphore, #tpu.memory_space<semaphore_mem>>) src(%dma_wait3A_792 : memref<40x64xbf16, #tpu.memory_space<hbm>>) dst(%dma_wait3A_789 : memref<40x64xbf16, #tpu.memory_space<vmem>>)
      %dma_wait3A_793 = arith.constant 360 : i32
      %dma_wait3A_794 = arith.constant 0 : i32
      %dma_wait3A_795 = tpu.memref_slice %arg14[%dma_wait3A_793, %dma_wait3A_794] : memref<400x64xbf16, #tpu.memory_space<vmem>> -> memref<40x64xbf16, #tpu.memory_space<vmem>>
      %dma_wait3A_796 = arith.constant 0 : i32
      %dma_wait3A_797 = arith.constant 0 : i32
      %dma_wait3A_798 = tpu.memref_slice %arg2[%dma_wait3A_796, %dma_wait3A_797] : memref<200000x64xbf16, #tpu.memory_space<hbm>> -> memref<40x64xbf16, #tpu.memory_space<hbm>>
      %dma_wait3A_799 = arith.constant 360 : i32
      %dma_wait3A_800 = arith.constant 0 : i32
      %dma_wait3A_801 = tpu.memref_slice %arg14[%dma_wait3A_799, %dma_wait3A_800] : memref<400x64xbf16, #tpu.memory_space<vmem>> -> memref<40x64xbf16, #tpu.memory_space<vmem>>
      %dma_wait3A_802 = arith.constant 0 : i32
      %dma_wait3A_803 = arith.constant 0 : i32
      %dma_wait3A_804 = tpu.memref_slice %arg2[%dma_wait3A_802, %dma_wait3A_803] : memref<200000x64xbf16, #tpu.memory_space<hbm>> -> memref<40x64xbf16, #tpu.memory_space<hbm>>
      tpu.wait_dma2 semaphore(%arg22 : memref<!tpu.dma_semaphore, #tpu.memory_space<semaphore_mem>>) src(%dma_wait3A_804 : memref<40x64xbf16, #tpu.memory_space<hbm>>) dst(%dma_wait3A_801 : memref<40x64xbf16, #tpu.memory_space<vmem>>)
      %dma_wait3A_805 = arith.constant 0 : i32
      %dma_wait3A_806 = tpu.memref_slice %arg3[%dma_wait3A_805] : memref<640000xi32, #tpu.memory_space<hbm>> -> memref<400xi32, #tpu.memory_space<hbm>>
      %dma_wait3A_807 = arith.constant 0 : i32
      %dma_wait3A_808 = tpu.memref_slice %arg3[%dma_wait3A_807] : memref<640000xi32, #tpu.memory_space<hbm>> -> memref<400xi32, #tpu.memory_space<hbm>>
      tpu.wait_dma2 semaphore(%arg22 : memref<!tpu.dma_semaphore, #tpu.memory_space<semaphore_mem>>) src(%dma_wait3A_808 : memref<400xi32, #tpu.memory_space<hbm>>) dst(%arg9 : memref<400xi32, #tpu.memory_space<vmem>>)
      %parallel_loop3A_809 = arith.constant 0 : i32
      %parallel_loop3A_810 = arith.constant 40 : i32
      %parallel_loop3A_811 = arith.constant 1 : i32
      scf.for %parallel_loop3A_1290 = %parallel_loop3A_809 to %parallel_loop3A_810 step %parallel_loop3A_811  : i32 {
        %parallel_loop3A_1291 = arith.constant 10 : i32
        %parallel_loop3A_1292 = arith.muli %parallel_loop3A_1290, %parallel_loop3A_1291 : i32
        %parallel_loop3A_1293 = arith.constant 0 : i32
        %parallel_loop3A_1294 = arith.addi %parallel_loop3A_1292, %parallel_loop3A_1293 : i32
        %parallel_loop3A_1295 = arith.index_cast %parallel_loop3A_1294 : i32 to index
        %parallel_loop3A_1296 = arith.constant 0 : index
        %parallel_loop3A_1297 = tpu.vector_load %arg14[%parallel_loop3A_1295, %parallel_loop3A_1296] {strides = array<i32>} : memref<400x64xbf16, #tpu.memory_space<vmem>>, vector<32xbf16>,
        %parallel_loop3A_1298 = tpu.unpack_subelements %parallel_loop3A_1297, 0 {pack_format = #tpu.pack_format<interleaved>} : vector<32xbf16> -> vector<16xf32>
        %parallel_loop3A_1299 = tpu.unpack_subelements %parallel_loop3A_1297, 1 {pack_format = #tpu.pack_format<interleaved>} : vector<32xbf16> -> vector<16xf32>
        %parallel_loop3A_1300 = arith.constant 0 : i32
        %parallel_loop3A_1301 = arith.addi %parallel_loop3A_1292, %parallel_loop3A_1300 : i32
        %parallel_loop3A_1302 = arith.index_cast %parallel_loop3A_1301 : i32 to index
        %parallel_loop3A_1303 = arith.constant 32 : index
        %parallel_loop3A_1304 = tpu.vector_load %arg14[%parallel_loop3A_1302, %parallel_loop3A_1303] {strides = array<i32>} : memref<400x64xbf16, #tpu.memory_space<vmem>>, vector<32xbf16>,
        %parallel_loop3A_1305 = tpu.unpack_subelements %parallel_loop3A_1304, 0 {pack_format = #tpu.pack_format<interleaved>} : vector<32xbf16> -> vector<16xf32>
        %parallel_loop3A_1306 = tpu.unpack_subelements %parallel_loop3A_1304, 1 {pack_format = #tpu.pack_format<interleaved>} : vector<32xbf16> -> vector<16xf32>
        %parallel_loop3A_1307 = arith.constant 1 : i32
        %parallel_loop3A_1308 = arith.addi %parallel_loop3A_1292, %parallel_loop3A_1307 : i32
        %parallel_loop3A_1309 = arith.index_cast %parallel_loop3A_1308 : i32 to index
        %parallel_loop3A_1310 = arith.constant 0 : index
        %parallel_loop3A_1311 = tpu.vector_load %arg14[%parallel_loop3A_1309, %parallel_loop3A_1310] {strides = array<i32>} : memref<400x64xbf16, #tpu.memory_space<vmem>>, vector<32xbf16>,
        %parallel_loop3A_1312 = tpu.unpack_subelements %parallel_loop3A_1311, 0 {pack_format = #tpu.pack_format<interleaved>} : vector<32xbf16> -> vector<16xf32>
        %parallel_loop3A_1313 = tpu.unpack_subelements %parallel_loop3A_1311, 1 {pack_format = #tpu.pack_format<interleaved>} : vector<32xbf16> -> vector<16xf32>
        %parallel_loop3A_1314 = arith.constant 1 : i32
        %parallel_loop3A_1315 = arith.addi %parallel_loop3A_1292, %parallel_loop3A_1314 : i32
        %parallel_loop3A_1316 = arith.index_cast %parallel_loop3A_1315 : i32 to index
        %parallel_loop3A_1317 = arith.constant 32 : index
        %parallel_loop3A_1318 = tpu.vector_load %arg14[%parallel_loop3A_1316, %parallel_loop3A_1317] {strides = array<i32>} : memref<400x64xbf16, #tpu.memory_space<vmem>>, vector<32xbf16>,
        %parallel_loop3A_1319 = tpu.unpack_subelements %parallel_loop3A_1318, 0 {pack_format = #tpu.pack_format<interleaved>} : vector<32xbf16> -> vector<16xf32>
        %parallel_loop3A_1320 = tpu.unpack_subelements %parallel_loop3A_1318, 1 {pack_format = #tpu.pack_format<interleaved>} : vector<32xbf16> -> vector<16xf32>
        %parallel_loop3A_1321 = arith.addf %parallel_loop3A_1298, %parallel_loop3A_1312 : vector<16xf32>
        %parallel_loop3A_1322 = arith.addf %parallel_loop3A_1299, %parallel_loop3A_1313 : vector<16xf32>
        %parallel_loop3A_1323 = arith.addf %parallel_loop3A_1305, %parallel_loop3A_1319 : vector<16xf32>
        %parallel_loop3A_1324 = arith.addf %parallel_loop3A_1306, %parallel_loop3A_1320 : vector<16xf32>
        %parallel_loop3A_1325 = arith.constant 2 : i32
        %parallel_loop3A_1326 = arith.addi %parallel_loop3A_1292, %parallel_loop3A_1325 : i32
        %parallel_loop3A_1327 = arith.index_cast %parallel_loop3A_1326 : i32 to index
        %parallel_loop3A_1328 = arith.constant 0 : index
        %parallel_loop3A_1329 = tpu.vector_load %arg14[%parallel_loop3A_1327, %parallel_loop3A_1328] {strides = array<i32>} : memref<400x64xbf16, #tpu.memory_space<vmem>>, vector<32xbf16>,
        %parallel_loop3A_1330 = tpu.unpack_subelements %parallel_loop3A_1329, 0 {pack_format = #tpu.pack_format<interleaved>} : vector<32xbf16> -> vector<16xf32>
        %parallel_loop3A_1331 = tpu.unpack_subelements %parallel_loop3A_1329, 1 {pack_format = #tpu.pack_format<interleaved>} : vector<32xbf16> -> vector<16xf32>
        %parallel_loop3A_1332 = arith.constant 2 : i32
        %parallel_loop3A_1333 = arith.addi %parallel_loop3A_1292, %parallel_loop3A_1332 : i32
        %parallel_loop3A_1334 = arith.index_cast %parallel_loop3A_1333 : i32 to index
        %parallel_loop3A_1335 = arith.constant 32 : index
        %parallel_loop3A_1336 = tpu.vector_load %arg14[%parallel_loop3A_1334, %parallel_loop3A_1335] {strides = array<i32>} : memref<400x64xbf16, #tpu.memory_space<vmem>>, vector<32xbf16>,
        %parallel_loop3A_1337 = tpu.unpack_subelements %parallel_loop3A_1336, 0 {pack_format = #tpu.pack_format<interleaved>} : vector<32xbf16> -> vector<16xf32>
        %parallel_loop3A_1338 = tpu.unpack_subelements %parallel_loop3A_1336, 1 {pack_format = #tpu.pack_format<interleaved>} : vector<32xbf16> -> vector<16xf32>
        %parallel_loop3A_1339 = arith.addf %parallel_loop3A_1321, %parallel_loop3A_1330 : vector<16xf32>
        %parallel_loop3A_1340 = arith.addf %parallel_loop3A_1322, %parallel_loop3A_1331 : vector<16xf32>
        %parallel_loop3A_1341 = arith.addf %parallel_loop3A_1323, %parallel_loop3A_1337 : vector<16xf32>
        %parallel_loop3A_1342 = arith.addf %parallel_loop3A_1324, %parallel_loop3A_1338 : vector<16xf32>
        %parallel_loop3A_1343 = arith.constant 3 : i32
        %parallel_loop3A_1344 = arith.addi %parallel_loop3A_1292, %parallel_loop3A_1343 : i32
        %parallel_loop3A_1345 = arith.index_cast %parallel_loop3A_1344 : i32 to index
        %parallel_loop3A_1346 = arith.constant 0 : index
        %parallel_loop3A_1347 = tpu.vector_load %arg14[%parallel_loop3A_1345, %parallel_loop3A_1346] {strides = array<i32>} : memref<400x64xbf16, #tpu.memory_space<vmem>>, vector<32xbf16>,
        %parallel_loop3A_1348 = tpu.unpack_subelements %parallel_loop3A_1347, 0 {pack_format = #tpu.pack_format<interleaved>} : vector<32xbf16> -> vector<16xf32>
        %parallel_loop3A_1349 = tpu.unpack_subelements %parallel_loop3A_1347, 1 {pack_format = #tpu.pack_format<interleaved>} : vector<32xbf16> -> vector<16xf32>
        %parallel_loop3A_1350 = arith.constant 3 : i32
        %parallel_loop3A_1351 = arith.addi %parallel_loop3A_1292, %parallel_loop3A_1350 : i32
        %parallel_loop3A_1352 = arith.index_cast %parallel_loop3A_1351 : i32 to index
        %parallel_loop3A_1353 = arith.constant 32 : index
        %parallel_loop3A_1354 = tpu.vector_load %arg14[%parallel_loop3A_1352, %parallel_loop3A_1353] {strides = array<i32>} : memref<400x64xbf16, #tpu.memory_space<vmem>>, vector<32xbf16>,
        %parallel_loop3A_1355 = tpu.unpack_subelements %parallel_loop3A_1354, 0 {pack_format = #tpu.pack_format<interleaved>} : vector<32xbf16> -> vector<16xf32>
        %parallel_loop3A_1356 = tpu.unpack_subelements %parallel_loop3A_1354, 1 {pack_format = #tpu.pack_format<interleaved>} : vector<32xbf16> -> vector<16xf32>
        %parallel_loop3A_1357 = arith.addf %parallel_loop3A_1339, %parallel_loop3A_1348 : vector<16xf32>
        %parallel_loop3A_1358 = arith.addf %parallel_loop3A_1340, %parallel_loop3A_1349 : vector<16xf32>
        %parallel_loop3A_1359 = arith.addf %parallel_loop3A_1341, %parallel_loop3A_1355 : vector<16xf32>
        %parallel_loop3A_1360 = arith.addf %parallel_loop3A_1342, %parallel_loop3A_1356 : vector<16xf32>
        %parallel_loop3A_1361 = arith.constant 4 : i32
        %parallel_loop3A_1362 = arith.addi %parallel_loop3A_1292, %parallel_loop3A_1361 : i32
        %parallel_loop3A_1363 = arith.index_cast %parallel_loop3A_1362 : i32 to index
        %parallel_loop3A_1364 = arith.constant 0 : index
        %parallel_loop3A_1365 = tpu.vector_load %arg14[%parallel_loop3A_1363, %parallel_loop3A_1364] {strides = array<i32>} : memref<400x64xbf16, #tpu.memory_space<vmem>>, vector<32xbf16>,
        %parallel_loop3A_1366 = tpu.unpack_subelements %parallel_loop3A_1365, 0 {pack_format = #tpu.pack_format<interleaved>} : vector<32xbf16> -> vector<16xf32>
        %parallel_loop3A_1367 = tpu.unpack_subelements %parallel_loop3A_1365, 1 {pack_format = #tpu.pack_format<interleaved>} : vector<32xbf16> -> vector<16xf32>
        %parallel_loop3A_1368 = arith.constant 4 : i32
        %parallel_loop3A_1369 = arith.addi %parallel_loop3A_1292, %parallel_loop3A_1368 : i32
        %parallel_loop3A_1370 = arith.index_cast %parallel_loop3A_1369 : i32 to index
        %parallel_loop3A_1371 = arith.constant 32 : index
        %parallel_loop3A_1372 = tpu.vector_load %arg14[%parallel_loop3A_1370, %parallel_loop3A_1371] {strides = array<i32>} : memref<400x64xbf16, #tpu.memory_space<vmem>>, vector<32xbf16>,
        %parallel_loop3A_1373 = tpu.unpack_subelements %parallel_loop3A_1372, 0 {pack_format = #tpu.pack_format<interleaved>} : vector<32xbf16> -> vector<16xf32>
        %parallel_loop3A_1374 = tpu.unpack_subelements %parallel_loop3A_1372, 1 {pack_format = #tpu.pack_format<interleaved>} : vector<32xbf16> -> vector<16xf32>
        %parallel_loop3A_1375 = arith.addf %parallel_loop3A_1357, %parallel_loop3A_1366 : vector<16xf32>
        %parallel_loop3A_1376 = arith.addf %parallel_loop3A_1358, %parallel_loop3A_1367 : vector<16xf32>
        %parallel_loop3A_1377 = arith.addf %parallel_loop3A_1359, %parallel_loop3A_1373 : vector<16xf32>
        %parallel_loop3A_1378 = arith.addf %parallel_loop3A_1360, %parallel_loop3A_1374 : vector<16xf32>
        %parallel_loop3A_1379 = arith.constant 5 : i32
        %parallel_loop3A_1380 = arith.addi %parallel_loop3A_1292, %parallel_loop3A_1379 : i32
        %parallel_loop3A_1381 = arith.index_cast %parallel_loop3A_1380 : i32 to index
        %parallel_loop3A_1382 = arith.constant 0 : index
        %parallel_loop3A_1383 = tpu.vector_load %arg14[%parallel_loop3A_1381, %parallel_loop3A_1382] {strides = array<i32>} : memref<400x64xbf16, #tpu.memory_space<vmem>>, vector<32xbf16>,
        %parallel_loop3A_1384 = tpu.unpack_subelements %parallel_loop3A_1383, 0 {pack_format = #tpu.pack_format<interleaved>} : vector<32xbf16> -> vector<16xf32>
        %parallel_loop3A_1385 = tpu.unpack_subelements %parallel_loop3A_1383, 1 {pack_format = #tpu.pack_format<interleaved>} : vector<32xbf16> -> vector<16xf32>
        %parallel_loop3A_1386 = arith.constant 5 : i32
        %parallel_loop3A_1387 = arith.addi %parallel_loop3A_1292, %parallel_loop3A_1386 : i32
        %parallel_loop3A_1388 = arith.index_cast %parallel_loop3A_1387 : i32 to index
        %parallel_loop3A_1389 = arith.constant 32 : index
        %parallel_loop3A_1390 = tpu.vector_load %arg14[%parallel_loop3A_1388, %parallel_loop3A_1389] {strides = array<i32>} : memref<400x64xbf16, #tpu.memory_space<vmem>>, vector<32xbf16>,
        %parallel_loop3A_1391 = tpu.unpack_subelements %parallel_loop3A_1390, 0 {pack_format = #tpu.pack_format<interleaved>} : vector<32xbf16> -> vector<16xf32>
        %parallel_loop3A_1392 = tpu.unpack_subelements %parallel_loop3A_1390, 1 {pack_format = #tpu.pack_format<interleaved>} : vector<32xbf16> -> vector<16xf32>
        %parallel_loop3A_1393 = arith.addf %parallel_loop3A_1375, %parallel_loop3A_1384 : vector<16xf32>
        %parallel_loop3A_1394 = arith.addf %parallel_loop3A_1376, %parallel_loop3A_1385 : vector<16xf32>
        %parallel_loop3A_1395 = arith.addf %parallel_loop3A_1377, %parallel_loop3A_1391 : vector<16xf32>
        %parallel_loop3A_1396 = arith.addf %parallel_loop3A_1378, %parallel_loop3A_1392 : vector<16xf32>
        %parallel_loop3A_1397 = arith.constant 6 : i32
        %parallel_loop3A_1398 = arith.addi %parallel_loop3A_1292, %parallel_loop3A_1397 : i32
        %parallel_loop3A_1399 = arith.index_cast %parallel_loop3A_1398 : i32 to index
        %parallel_loop3A_1400 = arith.constant 0 : index
        %parallel_loop3A_1401 = tpu.vector_load %arg14[%parallel_loop3A_1399, %parallel_loop3A_1400] {strides = array<i32>} : memref<400x64xbf16, #tpu.memory_space<vmem>>, vector<32xbf16>,
        %parallel_loop3A_1402 = tpu.unpack_subelements %parallel_loop3A_1401, 0 {pack_format = #tpu.pack_format<interleaved>} : vector<32xbf16> -> vector<16xf32>
        %parallel_loop3A_1403 = tpu.unpack_subelements %parallel_loop3A_1401, 1 {pack_format = #tpu.pack_format<interleaved>} : vector<32xbf16> -> vector<16xf32>
        %parallel_loop3A_1404 = arith.constant 6 : i32
        %parallel_loop3A_1405 = arith.addi %parallel_loop3A_1292, %parallel_loop3A_1404 : i32
        %parallel_loop3A_1406 = arith.index_cast %parallel_loop3A_1405 : i32 to index
        %parallel_loop3A_1407 = arith.constant 32 : index
        %parallel_loop3A_1408 = tpu.vector_load %arg14[%parallel_loop3A_1406, %parallel_loop3A_1407] {strides = array<i32>} : memref<400x64xbf16, #tpu.memory_space<vmem>>, vector<32xbf16>,
        %parallel_loop3A_1409 = tpu.unpack_subelements %parallel_loop3A_1408, 0 {pack_format = #tpu.pack_format<interleaved>} : vector<32xbf16> -> vector<16xf32>
        %parallel_loop3A_1410 = tpu.unpack_subelements %parallel_loop3A_1408, 1 {pack_format = #tpu.pack_format<interleaved>} : vector<32xbf16> -> vector<16xf32>
        %parallel_loop3A_1411 = arith.addf %parallel_loop3A_1393, %parallel_loop3A_1402 : vector<16xf32>
        %parallel_loop3A_1412 = arith.addf %parallel_loop3A_1394, %parallel_loop3A_1403 : vector<16xf32>
        %parallel_loop3A_1413 = arith.addf %parallel_loop3A_1395, %parallel_loop3A_1409 : vector<16xf32>
        %parallel_loop3A_1414 = arith.addf %parallel_loop3A_1396, %parallel_loop3A_1410 : vector<16xf32>
        %parallel_loop3A_1415 = arith.constant 7 : i32
        %parallel_loop3A_1416 = arith.addi %parallel_loop3A_1292, %parallel_loop3A_1415 : i32
        %parallel_loop3A_1417 = arith.index_cast %parallel_loop3A_1416 : i32 to index
        %parallel_loop3A_1418 = arith.constant 0 : index
        %parallel_loop3A_1419 = tpu.vector_load %arg14[%parallel_loop3A_1417, %parallel_loop3A_1418] {strides = array<i32>} : memref<400x64xbf16, #tpu.memory_space<vmem>>, vector<32xbf16>,
        %parallel_loop3A_1420 = tpu.unpack_subelements %parallel_loop3A_1419, 0 {pack_format = #tpu.pack_format<interleaved>} : vector<32xbf16> -> vector<16xf32>
        %parallel_loop3A_1421 = tpu.unpack_subelements %parallel_loop3A_1419, 1 {pack_format = #tpu.pack_format<interleaved>} : vector<32xbf16> -> vector<16xf32>
        %parallel_loop3A_1422 = arith.constant 7 : i32
        %parallel_loop3A_1423 = arith.addi %parallel_loop3A_1292, %parallel_loop3A_1422 : i32
        %parallel_loop3A_1424 = arith.index_cast %parallel_loop3A_1423 : i32 to index
        %parallel_loop3A_1425 = arith.constant 32 : index
        %parallel_loop3A_1426 = tpu.vector_load %arg14[%parallel_loop3A_1424, %parallel_loop3A_1425] {strides = array<i32>} : memref<400x64xbf16, #tpu.memory_space<vmem>>, vector<32xbf16>,
        %parallel_loop3A_1427 = tpu.unpack_subelements %parallel_loop3A_1426, 0 {pack_format = #tpu.pack_format<interleaved>} : vector<32xbf16> -> vector<16xf32>
        %parallel_loop3A_1428 = tpu.unpack_subelements %parallel_loop3A_1426, 1 {pack_format = #tpu.pack_format<interleaved>} : vector<32xbf16> -> vector<16xf32>
        %parallel_loop3A_1429 = arith.addf %parallel_loop3A_1411, %parallel_loop3A_1420 : vector<16xf32>
        %parallel_loop3A_1430 = arith.addf %parallel_loop3A_1412, %parallel_loop3A_1421 : vector<16xf32>
        %parallel_loop3A_1431 = arith.addf %parallel_loop3A_1413, %parallel_loop3A_1427 : vector<16xf32>
        %parallel_loop3A_1432 = arith.addf %parallel_loop3A_1414, %parallel_loop3A_1428 : vector<16xf32>
        %parallel_loop3A_1433 = arith.constant 8 : i32
        %parallel_loop3A_1434 = arith.addi %parallel_loop3A_1292, %parallel_loop3A_1433 : i32
        %parallel_loop3A_1435 = arith.index_cast %parallel_loop3A_1434 : i32 to index
        %parallel_loop3A_1436 = arith.constant 0 : index
        %parallel_loop3A_1437 = tpu.vector_load %arg14[%parallel_loop3A_1435, %parallel_loop3A_1436] {strides = array<i32>} : memref<400x64xbf16, #tpu.memory_space<vmem>>, vector<32xbf16>,
        %parallel_loop3A_1438 = tpu.unpack_subelements %parallel_loop3A_1437, 0 {pack_format = #tpu.pack_format<interleaved>} : vector<32xbf16> -> vector<16xf32>
        %parallel_loop3A_1439 = tpu.unpack_subelements %parallel_loop3A_1437, 1 {pack_format = #tpu.pack_format<interleaved>} : vector<32xbf16> -> vector<16xf32>
        %parallel_loop3A_1440 = arith.constant 8 : i32
        %parallel_loop3A_1441 = arith.addi %parallel_loop3A_1292, %parallel_loop3A_1440 : i32
        %parallel_loop3A_1442 = arith.index_cast %parallel_loop3A_1441 : i32 to index
        %parallel_loop3A_1443 = arith.constant 32 : index
        %parallel_loop3A_1444 = tpu.vector_load %arg14[%parallel_loop3A_1442, %parallel_loop3A_1443] {strides = array<i32>} : memref<400x64xbf16, #tpu.memory_space<vmem>>, vector<32xbf16>,
        %parallel_loop3A_1445 = tpu.unpack_subelements %parallel_loop3A_1444, 0 {pack_format = #tpu.pack_format<interleaved>} : vector<32xbf16> -> vector<16xf32>
        %parallel_loop3A_1446 = tpu.unpack_subelements %parallel_loop3A_1444, 1 {pack_format = #tpu.pack_format<interleaved>} : vector<32xbf16> -> vector<16xf32>
        %parallel_loop3A_1447 = arith.addf %parallel_loop3A_1429, %parallel_loop3A_1438 : vector<16xf32>
        %parallel_loop3A_1448 = arith.addf %parallel_loop3A_1430, %parallel_loop3A_1439 : vector<16xf32>
        %parallel_loop3A_1449 = arith.addf %parallel_loop3A_1431, %parallel_loop3A_1445 : vector<16xf32>
        %parallel_loop3A_1450 = arith.addf %parallel_loop3A_1432, %parallel_loop3A_1446 : vector<16xf32>
        %parallel_loop3A_1451 = arith.constant 9 : i32
        %parallel_loop3A_1452 = arith.addi %parallel_loop3A_1292, %parallel_loop3A_1451 : i32
        %parallel_loop3A_1453 = arith.index_cast %parallel_loop3A_1452 : i32 to index
        %parallel_loop3A_1454 = arith.constant 0 : index
        %parallel_loop3A_1455 = tpu.vector_load %arg14[%parallel_loop3A_1453, %parallel_loop3A_1454] {strides = array<i32>} : memref<400x64xbf16, #tpu.memory_space<vmem>>, vector<32xbf16>,
        %parallel_loop3A_1456 = tpu.unpack_subelements %parallel_loop3A_1455, 0 {pack_format = #tpu.pack_format<interleaved>} : vector<32xbf16> -> vector<16xf32>
        %parallel_loop3A_1457 = tpu.unpack_subelements %parallel_loop3A_1455, 1 {pack_format = #tpu.pack_format<interleaved>} : vector<32xbf16> -> vector<16xf32>
        %parallel_loop3A_1458 = arith.constant 9 : i32
        %parallel_loop3A_1459 = arith.addi %parallel_loop3A_1292, %parallel_loop3A_1458 : i32
        %parallel_loop3A_1460 = arith.index_cast %parallel_loop3A_1459 : i32 to index
        %parallel_loop3A_1461 = arith.constant 32 : index
        %parallel_loop3A_1462 = tpu.vector_load %arg14[%parallel_loop3A_1460, %parallel_loop3A_1461] {strides = array<i32>} : memref<400x64xbf16, #tpu.memory_space<vmem>>, vector<32xbf16>,
        %parallel_loop3A_1463 = tpu.unpack_subelements %parallel_loop3A_1462, 0 {pack_format = #tpu.pack_format<interleaved>} : vector<32xbf16> -> vector<16xf32>
        %parallel_loop3A_1464 = tpu.unpack_subelements %parallel_loop3A_1462, 1 {pack_format = #tpu.pack_format<interleaved>} : vector<32xbf16> -> vector<16xf32>
        %parallel_loop3A_1465 = arith.addf %parallel_loop3A_1447, %parallel_loop3A_1456 : vector<16xf32>
        %parallel_loop3A_1466 = arith.addf %parallel_loop3A_1448, %parallel_loop3A_1457 : vector<16xf32>
        %parallel_loop3A_1467 = arith.addf %parallel_loop3A_1449, %parallel_loop3A_1463 : vector<16xf32>
        %parallel_loop3A_1468 = arith.addf %parallel_loop3A_1450, %parallel_loop3A_1464 : vector<16xf32>
        %parallel_loop3A_1469 = arith.constant 40 : i32
        %parallel_loop3A_1470 = arith.addi %parallel_loop3A_1469, %parallel_loop3A_1290 : i32
        %parallel_loop3A_1471 = arith.index_cast %parallel_loop3A_1470 : i32 to index
        %parallel_loop3A_1472 = arith.constant 0 : index
        %parallel_loop3A_1473 = tpu.vector_load %arg15[%parallel_loop3A_1471, %parallel_loop3A_1472] {strides = array<i32>} : memref<160x64xf32, #tpu.memory_space<vmem>>, vector<16xf32>,
        tpu.vector_store %arg15[%parallel_loop3A_1471, %parallel_loop3A_1472], %parallel_loop3A_1465 {strides = array<i32>} : memref<160x64xf32, #tpu.memory_space<vmem>>, vector<16xf32>,
        %parallel_loop3A_1474 = arith.constant 40 : i32
        %parallel_loop3A_1475 = arith.addi %parallel_loop3A_1474, %parallel_loop3A_1290 : i32
        %parallel_loop3A_1476 = arith.index_cast %parallel_loop3A_1475 : i32 to index
        %parallel_loop3A_1477 = arith.constant 16 : index
        %parallel_loop3A_1478 = tpu.vector_load %arg15[%parallel_loop3A_1476, %parallel_loop3A_1477] {strides = array<i32>} : memref<160x64xf32, #tpu.memory_space<vmem>>, vector<16xf32>,
        tpu.vector_store %arg15[%parallel_loop3A_1476, %parallel_loop3A_1477], %parallel_loop3A_1466 {strides = array<i32>} : memref<160x64xf32, #tpu.memory_space<vmem>>, vector<16xf32>,
        %parallel_loop3A_1479 = arith.constant 40 : i32
        %parallel_loop3A_1480 = arith.addi %parallel_loop3A_1479, %parallel_loop3A_1290 : i32
        %parallel_loop3A_1481 = arith.index_cast %parallel_loop3A_1480 : i32 to index
        %parallel_loop3A_1482 = arith.constant 32 : index
        %parallel_loop3A_1483 = tpu.vector_load %arg15[%parallel_loop3A_1481, %parallel_loop3A_1482] {strides = array<i32>} : memref<160x64xf32, #tpu.memory_space<vmem>>, vector<16xf32>,
        tpu.vector_store %arg15[%parallel_loop3A_1481, %parallel_loop3A_1482], %parallel_loop3A_1467 {strides = array<i32>} : memref<160x64xf32, #tpu.memory_space<vmem>>, vector<16xf32>,
        %parallel_loop3A_1484 = arith.constant 40 : i32
        %parallel_loop3A_1485 = arith.addi %parallel_loop3A_1484, %parallel_loop3A_1290 : i32
        %parallel_loop3A_1486 = arith.index_cast %parallel_loop3A_1485 : i32 to index
        %parallel_loop3A_1487 = arith.constant 48 : index
        %parallel_loop3A_1488 = tpu.vector_load %arg15[%parallel_loop3A_1486, %parallel_loop3A_1487] {strides = array<i32>} : memref<160x64xf32, #tpu.memory_space<vmem>>, vector<16xf32>,
        tpu.vector_store %arg15[%parallel_loop3A_1486, %parallel_loop3A_1487], %parallel_loop3A_1468 {strides = array<i32>} : memref<160x64xf32, #tpu.memory_space<vmem>>, vector<16xf32>,
      } {sc.loop_unroll_factor = 4 : i64, sc.parallel_access}
      %add3A_812 = arith.constant 2 : i32
      %add3A_813 = arith.addi %mul3A_326, %add3A_812 : i32
      %add3A_814 = arith.constant 1 : i32
      %add3A_815 = arith.addi %add3A_813, %add3A_814 : i32
      %rem3A_816 = arith.constant 100 : i32
      %rem3A_817 = arith.remsi %add3A_815, %rem3A_816 : i32
      %parallel_loop3A_818 = arith.constant 0 : i32
      %parallel_loop3A_819 = arith.constant 25 : i32
      %parallel_loop3A_820 = arith.constant 1 : i32
      scf.for %parallel_loop3A_1290 = %parallel_loop3A_818 to %parallel_loop3A_819 step %parallel_loop3A_820  : i32 {
        %parallel_loop3A_1291 = arith.constant 16 : i32
        %parallel_loop3A_1292 = arith.muli %parallel_loop3A_1290, %parallel_loop3A_1291 : i32
        %parallel_loop3A_1293 = arith.index_cast %parallel_loop3A_1292 : i32 to index
        %parallel_loop3A_1294 = tpu.vector_load %arg9[%parallel_loop3A_1293] {strides = array<i32>} : memref<400xi32, #tpu.memory_space<vmem>>, vector<16xi32>,
        %parallel_loop3A_1295 = arith.index_cast %parallel_loop3A_1292 : i32 to index
        %parallel_loop3A_1296 = tpu.vector_load %arg17[%parallel_loop3A_1295] {strides = array<i32>} : memref<400xi32, #tpu.memory_space<vmem>>, vector<16xi32>,
        %parallel_loop3A_1297 = arith.addi %parallel_loop3A_1294, %parallel_loop3A_1296 : vector<16xi32>
        %parallel_loop3A_1298 = arith.index_cast %parallel_loop3A_1292 : i32 to index
        %parallel_loop3A_1299 = tpu.vector_load %arg11[%parallel_loop3A_1298] {strides = array<i32>} : memref<400xi32, #tpu.memory_space<vmem>>, vector<16xi32>,
        tpu.vector_store %arg11[%parallel_loop3A_1298], %parallel_loop3A_1297 {strides = array<i32>} : memref<400xi32, #tpu.memory_space<vmem>>, vector<16xi32>,
      } {sc.loop_unroll_factor = 5 : i64, sc.parallel_access}
      %dma_start3A_821 = arith.constant 0 : i32
      %dma_start3A_822 = arith.constant 0 : i32
      %dma_start3A_823 = tpu.memref_slice %arg14[%dma_start3A_821, %dma_start3A_822] : memref<400x64xbf16, #tpu.memory_space<vmem>> -> memref<40x64xbf16, #tpu.memory_space<vmem>>
      %dma_start3A_824 = arith.constant 0 : i32
      %dma_start3A_825 = tpu.memref_slice %arg11[%dma_start3A_824] : memref<400xi32, #tpu.memory_space<vmem>> -> memref<40xi32, #tpu.memory_space<vmem>>
      %dma_start3A_826 = arith.constant 0 : i32
      %dma_start3A_827 = arith.constant 0 : i32
      %dma_start3A_828 = tpu.memref_slice %arg2[%dma_start3A_826, %dma_start3A_827] : memref<200000x64xbf16, #tpu.memory_space<hbm>> -> memref<200000x64xbf16, #tpu.memory_space<hbm>>
      tpu.enqueue_indirect_dma source(%dma_start3A_828 : memref<200000x64xbf16, #tpu.memory_space<hbm>>) target(%dma_start3A_823 : memref<40x64xbf16, #tpu.memory_space<vmem>>) offsets(%dma_start3A_825 : memref<40xi32, #tpu.memory_space<vmem>>) semaphore(%arg22 : memref<!tpu.dma_semaphore, #tpu.memory_space<semaphore_mem>>)
      %dma_start3A_829 = arith.constant 40 : i32
      %dma_start3A_830 = arith.constant 0 : i32
      %dma_start3A_831 = tpu.memref_slice %arg14[%dma_start3A_829, %dma_start3A_830] : memref<400x64xbf16, #tpu.memory_space<vmem>> -> memref<40x64xbf16, #tpu.memory_space<vmem>>
      %dma_start3A_832 = arith.constant 40 : i32
      %dma_start3A_833 = tpu.memref_slice %arg11[%dma_start3A_832] : memref<400xi32, #tpu.memory_space<vmem>> -> memref<40xi32, #tpu.memory_space<vmem>>
      %dma_start3A_834 = arith.constant 0 : i32
      %dma_start3A_835 = arith.constant 0 : i32
      %dma_start3A_836 = tpu.memref_slice %arg2[%dma_start3A_834, %dma_start3A_835] : memref<200000x64xbf16, #tpu.memory_space<hbm>> -> memref<200000x64xbf16, #tpu.memory_space<hbm>>
      tpu.enqueue_indirect_dma source(%dma_start3A_836 : memref<200000x64xbf16, #tpu.memory_space<hbm>>) target(%dma_start3A_831 : memref<40x64xbf16, #tpu.memory_space<vmem>>) offsets(%dma_start3A_833 : memref<40xi32, #tpu.memory_space<vmem>>) semaphore(%arg22 : memref<!tpu.dma_semaphore, #tpu.memory_space<semaphore_mem>>)
      %dma_start3A_837 = arith.constant 80 : i32
      %dma_start3A_838 = arith.constant 0 : i32
      %dma_start3A_839 = tpu.memref_slice %arg14[%dma_start3A_837, %dma_start3A_838] : memref<400x64xbf16, #tpu.memory_space<vmem>> -> memref<40x64xbf16, #tpu.memory_space<vmem>>
      %dma_start3A_840 = arith.constant 80 : i32
      %dma_start3A_841 = tpu.memref_slice %arg11[%dma_start3A_840] : memref<400xi32, #tpu.memory_space<vmem>> -> memref<40xi32, #tpu.memory_space<vmem>>
      %dma_start3A_842 = arith.constant 0 : i32
      %dma_start3A_843 = arith.constant 0 : i32
      %dma_start3A_844 = tpu.memref_slice %arg2[%dma_start3A_842, %dma_start3A_843] : memref<200000x64xbf16, #tpu.memory_space<hbm>> -> memref<200000x64xbf16, #tpu.memory_space<hbm>>
      tpu.enqueue_indirect_dma source(%dma_start3A_844 : memref<200000x64xbf16, #tpu.memory_space<hbm>>) target(%dma_start3A_839 : memref<40x64xbf16, #tpu.memory_space<vmem>>) offsets(%dma_start3A_841 : memref<40xi32, #tpu.memory_space<vmem>>) semaphore(%arg22 : memref<!tpu.dma_semaphore, #tpu.memory_space<semaphore_mem>>)
      %dma_start3A_845 = arith.constant 120 : i32
      %dma_start3A_846 = arith.constant 0 : i32
      %dma_start3A_847 = tpu.memref_slice %arg14[%dma_start3A_845, %dma_start3A_846] : memref<400x64xbf16, #tpu.memory_space<vmem>> -> memref<40x64xbf16, #tpu.memory_space<vmem>>
      %dma_start3A_848 = arith.constant 120 : i32
      %dma_start3A_849 = tpu.memref_slice %arg11[%dma_start3A_848] : memref<400xi32, #tpu.memory_space<vmem>> -> memref<40xi32, #tpu.memory_space<vmem>>
      %dma_start3A_850 = arith.constant 0 : i32
      %dma_start3A_851 = arith.constant 0 : i32
      %dma_start3A_852 = tpu.memref_slice %arg2[%dma_start3A_850, %dma_start3A_851] : memref<200000x64xbf16, #tpu.memory_space<hbm>> -> memref<200000x64xbf16, #tpu.memory_space<hbm>>
      tpu.enqueue_indirect_dma source(%dma_start3A_852 : memref<200000x64xbf16, #tpu.memory_space<hbm>>) target(%dma_start3A_847 : memref<40x64xbf16, #tpu.memory_space<vmem>>) offsets(%dma_start3A_849 : memref<40xi32, #tpu.memory_space<vmem>>) semaphore(%arg22 : memref<!tpu.dma_semaphore, #tpu.memory_space<semaphore_mem>>)
      %dma_start3A_853 = arith.constant 160 : i32
      %dma_start3A_854 = arith.constant 0 : i32
      %dma_start3A_855 = tpu.memref_slice %arg14[%dma_start3A_853, %dma_start3A_854] : memref<400x64xbf16, #tpu.memory_space<vmem>> -> memref<40x64xbf16, #tpu.memory_space<vmem>>
      %dma_start3A_856 = arith.constant 160 : i32
      %dma_start3A_857 = tpu.memref_slice %arg11[%dma_start3A_856] : memref<400xi32, #tpu.memory_space<vmem>> -> memref<40xi32, #tpu.memory_space<vmem>>
      %dma_start3A_858 = arith.constant 0 : i32
      %dma_start3A_859 = arith.constant 0 : i32
      %dma_start3A_860 = tpu.memref_slice %arg2[%dma_start3A_858, %dma_start3A_859] : memref<200000x64xbf16, #tpu.memory_space<hbm>> -> memref<200000x64xbf16, #tpu.memory_space<hbm>>
      tpu.enqueue_indirect_dma source(%dma_start3A_860 : memref<200000x64xbf16, #tpu.memory_space<hbm>>) target(%dma_start3A_855 : memref<40x64xbf16, #tpu.memory_space<vmem>>) offsets(%dma_start3A_857 : memref<40xi32, #tpu.memory_space<vmem>>) semaphore(%arg22 : memref<!tpu.dma_semaphore, #tpu.memory_space<semaphore_mem>>)
      %dma_start3A_861 = arith.constant 200 : i32
      %dma_start3A_862 = arith.constant 0 : i32
      %dma_start3A_863 = tpu.memref_slice %arg14[%dma_start3A_861, %dma_start3A_862] : memref<400x64xbf16, #tpu.memory_space<vmem>> -> memref<40x64xbf16, #tpu.memory_space<vmem>>
      %dma_start3A_864 = arith.constant 200 : i32
      %dma_start3A_865 = tpu.memref_slice %arg11[%dma_start3A_864] : memref<400xi32, #tpu.memory_space<vmem>> -> memref<40xi32, #tpu.memory_space<vmem>>
      %dma_start3A_866 = arith.constant 0 : i32
      %dma_start3A_867 = arith.constant 0 : i32
      %dma_start3A_868 = tpu.memref_slice %arg2[%dma_start3A_866, %dma_start3A_867] : memref<200000x64xbf16, #tpu.memory_space<hbm>> -> memref<200000x64xbf16, #tpu.memory_space<hbm>>
      tpu.enqueue_indirect_dma source(%dma_start3A_868 : memref<200000x64xbf16, #tpu.memory_space<hbm>>) target(%dma_start3A_863 : memref<40x64xbf16, #tpu.memory_space<vmem>>) offsets(%dma_start3A_865 : memref<40xi32, #tpu.memory_space<vmem>>) semaphore(%arg22 : memref<!tpu.dma_semaphore, #tpu.memory_space<semaphore_mem>>)
      %dma_start3A_869 = arith.constant 240 : i32
      %dma_start3A_870 = arith.constant 0 : i32
      %dma_start3A_871 = tpu.memref_slice %arg14[%dma_start3A_869, %dma_start3A_870] : memref<400x64xbf16, #tpu.memory_space<vmem>> -> memref<40x64xbf16, #tpu.memory_space<vmem>>
      %dma_start3A_872 = arith.constant 240 : i32
      %dma_start3A_873 = tpu.memref_slice %arg11[%dma_start3A_872] : memref<400xi32, #tpu.memory_space<vmem>> -> memref<40xi32, #tpu.memory_space<vmem>>
      %dma_start3A_874 = arith.constant 0 : i32
      %dma_start3A_875 = arith.constant 0 : i32
      %dma_start3A_876 = tpu.memref_slice %arg2[%dma_start3A_874, %dma_start3A_875] : memref<200000x64xbf16, #tpu.memory_space<hbm>> -> memref<200000x64xbf16, #tpu.memory_space<hbm>>
      tpu.enqueue_indirect_dma source(%dma_start3A_876 : memref<200000x64xbf16, #tpu.memory_space<hbm>>) target(%dma_start3A_871 : memref<40x64xbf16, #tpu.memory_space<vmem>>) offsets(%dma_start3A_873 : memref<40xi32, #tpu.memory_space<vmem>>) semaphore(%arg22 : memref<!tpu.dma_semaphore, #tpu.memory_space<semaphore_mem>>)
      %dma_start3A_877 = arith.constant 280 : i32
      %dma_start3A_878 = arith.constant 0 : i32
      %dma_start3A_879 = tpu.memref_slice %arg14[%dma_start3A_877, %dma_start3A_878] : memref<400x64xbf16, #tpu.memory_space<vmem>> -> memref<40x64xbf16, #tpu.memory_space<vmem>>
      %dma_start3A_880 = arith.constant 280 : i32
      %dma_start3A_881 = tpu.memref_slice %arg11[%dma_start3A_880] : memref<400xi32, #tpu.memory_space<vmem>> -> memref<40xi32, #tpu.memory_space<vmem>>
      %dma_start3A_882 = arith.constant 0 : i32
      %dma_start3A_883 = arith.constant 0 : i32
      %dma_start3A_884 = tpu.memref_slice %arg2[%dma_start3A_882, %dma_start3A_883] : memref<200000x64xbf16, #tpu.memory_space<hbm>> -> memref<200000x64xbf16, #tpu.memory_space<hbm>>
      tpu.enqueue_indirect_dma source(%dma_start3A_884 : memref<200000x64xbf16, #tpu.memory_space<hbm>>) target(%dma_start3A_879 : memref<40x64xbf16, #tpu.memory_space<vmem>>) offsets(%dma_start3A_881 : memref<40xi32, #tpu.memory_space<vmem>>) semaphore(%arg22 : memref<!tpu.dma_semaphore, #tpu.memory_space<semaphore_mem>>)
      %dma_start3A_885 = arith.constant 320 : i32
      %dma_start3A_886 = arith.constant 0 : i32
      %dma_start3A_887 = tpu.memref_slice %arg14[%dma_start3A_885, %dma_start3A_886] : memref<400x64xbf16, #tpu.memory_space<vmem>> -> memref<40x64xbf16, #tpu.memory_space<vmem>>
      %dma_start3A_888 = arith.constant 320 : i32
      %dma_start3A_889 = tpu.memref_slice %arg11[%dma_start3A_888] : memref<400xi32, #tpu.memory_space<vmem>> -> memref<40xi32, #tpu.memory_space<vmem>>
      %dma_start3A_890 = arith.constant 0 : i32
      %dma_start3A_891 = arith.constant 0 : i32
      %dma_start3A_892 = tpu.memref_slice %arg2[%dma_start3A_890, %dma_start3A_891] : memref<200000x64xbf16, #tpu.memory_space<hbm>> -> memref<200000x64xbf16, #tpu.memory_space<hbm>>
      tpu.enqueue_indirect_dma source(%dma_start3A_892 : memref<200000x64xbf16, #tpu.memory_space<hbm>>) target(%dma_start3A_887 : memref<40x64xbf16, #tpu.memory_space<vmem>>) offsets(%dma_start3A_889 : memref<40xi32, #tpu.memory_space<vmem>>) semaphore(%arg22 : memref<!tpu.dma_semaphore, #tpu.memory_space<semaphore_mem>>)
      %dma_start3A_893 = arith.constant 360 : i32
      %dma_start3A_894 = arith.constant 0 : i32
      %dma_start3A_895 = tpu.memref_slice %arg14[%dma_start3A_893, %dma_start3A_894] : memref<400x64xbf16, #tpu.memory_space<vmem>> -> memref<40x64xbf16, #tpu.memory_space<vmem>>
      %dma_start3A_896 = arith.constant 360 : i32
      %dma_start3A_897 = tpu.memref_slice %arg11[%dma_start3A_896] : memref<400xi32, #tpu.memory_space<vmem>> -> memref<40xi32, #tpu.memory_space<vmem>>
      %dma_start3A_898 = arith.constant 0 : i32
      %dma_start3A_899 = arith.constant 0 : i32
      %dma_start3A_900 = tpu.memref_slice %arg2[%dma_start3A_898, %dma_start3A_899] : memref<200000x64xbf16, #tpu.memory_space<hbm>> -> memref<200000x64xbf16, #tpu.memory_space<hbm>>
      tpu.enqueue_indirect_dma source(%dma_start3A_900 : memref<200000x64xbf16, #tpu.memory_space<hbm>>) target(%dma_start3A_895 : memref<40x64xbf16, #tpu.memory_space<vmem>>) offsets(%dma_start3A_897 : memref<40xi32, #tpu.memory_space<vmem>>) semaphore(%arg22 : memref<!tpu.dma_semaphore, #tpu.memory_space<semaphore_mem>>)
      %mul3A_901 = arith.constant 4000 : i32
      %mul3A_902 = arith.muli %arg1, %mul3A_901 : i32
      %add3A_903 = arith.constant 2 : i32
      %add3A_904 = arith.addi %rem3A_817, %add3A_903 : i32
      %rem3A_905 = arith.constant 100 : i32
      %rem3A_906 = arith.remsi %add3A_904, %rem3A_905 : i32
      %mul3A_907 = arith.constant 40 : i32
      %mul3A_908 = arith.muli %rem3A_906, %mul3A_907 : i32
      %add3A_909 = arith.addi %mul3A_902, %mul3A_908 : i32
      %multiple_of3A_910 = tpu.assume_multiple %add3A_909, 8 : i32
      %mul3A_911 = arith.constant 10 : i32
      %mul3A_912 = arith.muli %multiple_of3A_910, %mul3A_911 : i32
      %multiple_of3A_913 = tpu.assume_multiple %mul3A_912, 8 : i32
      %dma_start3A_914 = tpu.memref_slice %arg3[%multiple_of3A_913] : memref<640000xi32, #tpu.memory_space<hbm>> -> memref<400xi32, #tpu.memory_space<hbm>>
      %dma_start3A_915 = tpu.memref_slice %arg3[%multiple_of3A_913] : memref<640000xi32, #tpu.memory_space<hbm>> -> memref<400xi32, #tpu.memory_space<hbm>>
      tpu.enqueue_dma source(%dma_start3A_915 : memref<400xi32, #tpu.memory_space<hbm>>) target(%arg9 : memref<400xi32, #tpu.memory_space<vmem>>) target_semaphore(%arg22 : memref<!tpu.dma_semaphore, #tpu.memory_space<semaphore_mem>>)
      %dma_wait3A_916 = arith.constant 0 : i32
      %dma_wait3A_917 = arith.constant 0 : i32
      %dma_wait3A_918 = tpu.memref_slice %arg13[%dma_wait3A_916, %dma_wait3A_917] : memref<400x64xbf16, #tpu.memory_space<vmem>> -> memref<40x64xbf16, #tpu.memory_space<vmem>>
      %dma_wait3A_919 = arith.constant 0 : i32
      %dma_wait3A_920 = arith.constant 0 : i32
      %dma_wait3A_921 = tpu.memref_slice %arg2[%dma_wait3A_919, %dma_wait3A_920] : memref<200000x64xbf16, #tpu.memory_space<hbm>> -> memref<40x64xbf16, #tpu.memory_space<hbm>>
      %dma_wait3A_922 = arith.constant 0 : i32
      %dma_wait3A_923 = arith.constant 0 : i32
      %dma_wait3A_924 = tpu.memref_slice %arg13[%dma_wait3A_922, %dma_wait3A_923] : memref<400x64xbf16, #tpu.memory_space<vmem>> -> memref<40x64xbf16, #tpu.memory_space<vmem>>
      %dma_wait3A_925 = arith.constant 0 : i32
      %dma_wait3A_926 = arith.constant 0 : i32
      %dma_wait3A_927 = tpu.memref_slice %arg2[%dma_wait3A_925, %dma_wait3A_926] : memref<200000x64xbf16, #tpu.memory_space<hbm>> -> memref<40x64xbf16, #tpu.memory_space<hbm>>
      tpu.wait_dma2 semaphore(%arg21 : memref<!tpu.dma_semaphore, #tpu.memory_space<semaphore_mem>>) src(%dma_wait3A_927 : memref<40x64xbf16, #tpu.memory_space<hbm>>) dst(%dma_wait3A_924 : memref<40x64xbf16, #tpu.memory_space<vmem>>)
      %dma_wait3A_928 = arith.constant 40 : i32
      %dma_wait3A_929 = arith.constant 0 : i32
      %dma_wait3A_930 = tpu.memref_slice %arg13[%dma_wait3A_928, %dma_wait3A_929] : memref<400x64xbf16, #tpu.memory_space<vmem>> -> memref<40x64xbf16, #tpu.memory_space<vmem>>
      %dma_wait3A_931 = arith.constant 0 : i32
      %dma_wait3A_932 = arith.constant 0 : i32
      %dma_wait3A_933 = tpu.memref_slice %arg2[%dma_wait3A_931, %dma_wait3A_932] : memref<200000x64xbf16, #tpu.memory_space<hbm>> -> memref<40x64xbf16, #tpu.memory_space<hbm>>
      %dma_wait3A_934 = arith.constant 40 : i32
      %dma_wait3A_935 = arith.constant 0 : i32
      %dma_wait3A_936 = tpu.memref_slice %arg13[%dma_wait3A_934, %dma_wait3A_935] : memref<400x64xbf16, #tpu.memory_space<vmem>> -> memref<40x64xbf16, #tpu.memory_space<vmem>>
      %dma_wait3A_937 = arith.constant 0 : i32
      %dma_wait3A_938 = arith.constant 0 : i32
      %dma_wait3A_939 = tpu.memref_slice %arg2[%dma_wait3A_937, %dma_wait3A_938] : memref<200000x64xbf16, #tpu.memory_space<hbm>> -> memref<40x64xbf16, #tpu.memory_space<hbm>>
      tpu.wait_dma2 semaphore(%arg21 : memref<!tpu.dma_semaphore, #tpu.memory_space<semaphore_mem>>) src(%dma_wait3A_939 : memref<40x64xbf16, #tpu.memory_space<hbm>>) dst(%dma_wait3A_936 : memref<40x64xbf16, #tpu.memory_space<vmem>>)
      %dma_wait3A_940 = arith.constant 80 : i32
      %dma_wait3A_941 = arith.constant 0 : i32
      %dma_wait3A_942 = tpu.memref_slice %arg13[%dma_wait3A_940, %dma_wait3A_941] : memref<400x64xbf16, #tpu.memory_space<vmem>> -> memref<40x64xbf16, #tpu.memory_space<vmem>>
      %dma_wait3A_943 = arith.constant 0 : i32
      %dma_wait3A_944 = arith.constant 0 : i32
      %dma_wait3A_945 = tpu.memref_slice %arg2[%dma_wait3A_943, %dma_wait3A_944] : memref<200000x64xbf16, #tpu.memory_space<hbm>> -> memref<40x64xbf16, #tpu.memory_space<hbm>>
      %dma_wait3A_946 = arith.constant 80 : i32
      %dma_wait3A_947 = arith.constant 0 : i32
      %dma_wait3A_948 = tpu.memref_slice %arg13[%dma_wait3A_946, %dma_wait3A_947] : memref<400x64xbf16, #tpu.memory_space<vmem>> -> memref<40x64xbf16, #tpu.memory_space<vmem>>
      %dma_wait3A_949 = arith.constant 0 : i32
      %dma_wait3A_950 = arith.constant 0 : i32
      %dma_wait3A_951 = tpu.memref_slice %arg2[%dma_wait3A_949, %dma_wait3A_950] : memref<200000x64xbf16, #tpu.memory_space<hbm>> -> memref<40x64xbf16, #tpu.memory_space<hbm>>
      tpu.wait_dma2 semaphore(%arg21 : memref<!tpu.dma_semaphore, #tpu.memory_space<semaphore_mem>>) src(%dma_wait3A_951 : memref<40x64xbf16, #tpu.memory_space<hbm>>) dst(%dma_wait3A_948 : memref<40x64xbf16, #tpu.memory_space<vmem>>)
      %dma_wait3A_952 = arith.constant 120 : i32
      %dma_wait3A_953 = arith.constant 0 : i32
      %dma_wait3A_954 = tpu.memref_slice %arg13[%dma_wait3A_952, %dma_wait3A_953] : memref<400x64xbf16, #tpu.memory_space<vmem>> -> memref<40x64xbf16, #tpu.memory_space<vmem>>
      %dma_wait3A_955 = arith.constant 0 : i32
      %dma_wait3A_956 = arith.constant 0 : i32
      %dma_wait3A_957 = tpu.memref_slice %arg2[%dma_wait3A_955, %dma_wait3A_956] : memref<200000x64xbf16, #tpu.memory_space<hbm>> -> memref<40x64xbf16, #tpu.memory_space<hbm>>
      %dma_wait3A_958 = arith.constant 120 : i32
      %dma_wait3A_959 = arith.constant 0 : i32
      %dma_wait3A_960 = tpu.memref_slice %arg13[%dma_wait3A_958, %dma_wait3A_959] : memref<400x64xbf16, #tpu.memory_space<vmem>> -> memref<40x64xbf16, #tpu.memory_space<vmem>>
      %dma_wait3A_961 = arith.constant 0 : i32
      %dma_wait3A_962 = arith.constant 0 : i32
      %dma_wait3A_963 = tpu.memref_slice %arg2[%dma_wait3A_961, %dma_wait3A_962] : memref<200000x64xbf16, #tpu.memory_space<hbm>> -> memref<40x64xbf16, #tpu.memory_space<hbm>>
      tpu.wait_dma2 semaphore(%arg21 : memref<!tpu.dma_semaphore, #tpu.memory_space<semaphore_mem>>) src(%dma_wait3A_963 : memref<40x64xbf16, #tpu.memory_space<hbm>>) dst(%dma_wait3A_960 : memref<40x64xbf16, #tpu.memory_space<vmem>>)
      %dma_wait3A_964 = arith.constant 160 : i32
      %dma_wait3A_965 = arith.constant 0 : i32
      %dma_wait3A_966 = tpu.memref_slice %arg13[%dma_wait3A_964, %dma_wait3A_965] : memref<400x64xbf16, #tpu.memory_space<vmem>> -> memref<40x64xbf16, #tpu.memory_space<vmem>>
      %dma_wait3A_967 = arith.constant 0 : i32
      %dma_wait3A_968 = arith.constant 0 : i32
      %dma_wait3A_969 = tpu.memref_slice %arg2[%dma_wait3A_967, %dma_wait3A_968] : memref<200000x64xbf16, #tpu.memory_space<hbm>> -> memref<40x64xbf16, #tpu.memory_space<hbm>>
      %dma_wait3A_970 = arith.constant 160 : i32
      %dma_wait3A_971 = arith.constant 0 : i32
      %dma_wait3A_972 = tpu.memref_slice %arg13[%dma_wait3A_970, %dma_wait3A_971] : memref<400x64xbf16, #tpu.memory_space<vmem>> -> memref<40x64xbf16, #tpu.memory_space<vmem>>
      %dma_wait3A_973 = arith.constant 0 : i32
      %dma_wait3A_974 = arith.constant 0 : i32
      %dma_wait3A_975 = tpu.memref_slice %arg2[%dma_wait3A_973, %dma_wait3A_974] : memref<200000x64xbf16, #tpu.memory_space<hbm>> -> memref<40x64xbf16, #tpu.memory_space<hbm>>
      tpu.wait_dma2 semaphore(%arg21 : memref<!tpu.dma_semaphore, #tpu.memory_space<semaphore_mem>>) src(%dma_wait3A_975 : memref<40x64xbf16, #tpu.memory_space<hbm>>) dst(%dma_wait3A_972 : memref<40x64xbf16, #tpu.memory_space<vmem>>)
      %dma_wait3A_976 = arith.constant 200 : i32
      %dma_wait3A_977 = arith.constant 0 : i32
      %dma_wait3A_978 = tpu.memref_slice %arg13[%dma_wait3A_976, %dma_wait3A_977] : memref<400x64xbf16, #tpu.memory_space<vmem>> -> memref<40x64xbf16, #tpu.memory_space<vmem>>
      %dma_wait3A_979 = arith.constant 0 : i32
      %dma_wait3A_980 = arith.constant 0 : i32
      %dma_wait3A_981 = tpu.memref_slice %arg2[%dma_wait3A_979, %dma_wait3A_980] : memref<200000x64xbf16, #tpu.memory_space<hbm>> -> memref<40x64xbf16, #tpu.memory_space<hbm>>
      %dma_wait3A_982 = arith.constant 200 : i32
      %dma_wait3A_983 = arith.constant 0 : i32
      %dma_wait3A_984 = tpu.memref_slice %arg13[%dma_wait3A_982, %dma_wait3A_983] : memref<400x64xbf16, #tpu.memory_space<vmem>> -> memref<40x64xbf16, #tpu.memory_space<vmem>>
      %dma_wait3A_985 = arith.constant 0 : i32
      %dma_wait3A_986 = arith.constant 0 : i32
      %dma_wait3A_987 = tpu.memref_slice %arg2[%dma_wait3A_985, %dma_wait3A_986] : memref<200000x64xbf16, #tpu.memory_space<hbm>> -> memref<40x64xbf16, #tpu.memory_space<hbm>>
      tpu.wait_dma2 semaphore(%arg21 : memref<!tpu.dma_semaphore, #tpu.memory_space<semaphore_mem>>) src(%dma_wait3A_987 : memref<40x64xbf16, #tpu.memory_space<hbm>>) dst(%dma_wait3A_984 : memref<40x64xbf16, #tpu.memory_space<vmem>>)
      %dma_wait3A_988 = arith.constant 240 : i32
      %dma_wait3A_989 = arith.constant 0 : i32
      %dma_wait3A_990 = tpu.memref_slice %arg13[%dma_wait3A_988, %dma_wait3A_989] : memref<400x64xbf16, #tpu.memory_space<vmem>> -> memref<40x64xbf16, #tpu.memory_space<vmem>>
      %dma_wait3A_991 = arith.constant 0 : i32
      %dma_wait3A_992 = arith.constant 0 : i32
      %dma_wait3A_993 = tpu.memref_slice %arg2[%dma_wait3A_991, %dma_wait3A_992] : memref<200000x64xbf16, #tpu.memory_space<hbm>> -> memref<40x64xbf16, #tpu.memory_space<hbm>>
      %dma_wait3A_994 = arith.constant 240 : i32
      %dma_wait3A_995 = arith.constant 0 : i32
      %dma_wait3A_996 = tpu.memref_slice %arg13[%dma_wait3A_994, %dma_wait3A_995] : memref<400x64xbf16, #tpu.memory_space<vmem>> -> memref<40x64xbf16, #tpu.memory_space<vmem>>
      %dma_wait3A_997 = arith.constant 0 : i32
      %dma_wait3A_998 = arith.constant 0 : i32
      %dma_wait3A_999 = tpu.memref_slice %arg2[%dma_wait3A_997, %dma_wait3A_998] : memref<200000x64xbf16, #tpu.memory_space<hbm>> -> memref<40x64xbf16, #tpu.memory_space<hbm>>
      tpu.wait_dma2 semaphore(%arg21 : memref<!tpu.dma_semaphore, #tpu.memory_space<semaphore_mem>>) src(%dma_wait3A_999 : memref<40x64xbf16, #tpu.memory_space<hbm>>) dst(%dma_wait3A_996 : memref<40x64xbf16, #tpu.memory_space<vmem>>)
      %dma_wait3A_1000 = arith.constant 280 : i32
      %dma_wait3A_1001 = arith.constant 0 : i32
      %dma_wait3A_1002 = tpu.memref_slice %arg13[%dma_wait3A_1000, %dma_wait3A_1001] : memref<400x64xbf16, #tpu.memory_space<vmem>> -> memref<40x64xbf16, #tpu.memory_space<vmem>>
      %dma_wait3A_1003 = arith.constant 0 : i32
      %dma_wait3A_1004 = arith.constant 0 : i32
      %dma_wait3A_1005 = tpu.memref_slice %arg2[%dma_wait3A_1003, %dma_wait3A_1004] : memref<200000x64xbf16, #tpu.memory_space<hbm>> -> memref<40x64xbf16, #tpu.memory_space<hbm>>
      %dma_wait3A_1006 = arith.constant 280 : i32
      %dma_wait3A_1007 = arith.constant 0 : i32
      %dma_wait3A_1008 = tpu.memref_slice %arg13[%dma_wait3A_1006, %dma_wait3A_1007] : memref<400x64xbf16, #tpu.memory_space<vmem>> -> memref<40x64xbf16, #tpu.memory_space<vmem>>
      %dma_wait3A_1009 = arith.constant 0 : i32
      %dma_wait3A_1010 = arith.constant 0 : i32
      %dma_wait3A_1011 = tpu.memref_slice %arg2[%dma_wait3A_1009, %dma_wait3A_1010] : memref<200000x64xbf16, #tpu.memory_space<hbm>> -> memref<40x64xbf16, #tpu.memory_space<hbm>>
      tpu.wait_dma2 semaphore(%arg21 : memref<!tpu.dma_semaphore, #tpu.memory_space<semaphore_mem>>) src(%dma_wait3A_1011 : memref<40x64xbf16, #tpu.memory_space<hbm>>) dst(%dma_wait3A_1008 : memref<40x64xbf16, #tpu.memory_space<vmem>>)
      %dma_wait3A_1012 = arith.constant 320 : i32
      %dma_wait3A_1013 = arith.constant 0 : i32
      %dma_wait3A_1014 = tpu.memref_slice %arg13[%dma_wait3A_1012, %dma_wait3A_1013] : memref<400x64xbf16, #tpu.memory_space<vmem>> -> memref<40x64xbf16, #tpu.memory_space<vmem>>
      %dma_wait3A_1015 = arith.constant 0 : i32
      %dma_wait3A_1016 = arith.constant 0 : i32
      %dma_wait3A_1017 = tpu.memref_slice %arg2[%dma_wait3A_1015, %dma_wait3A_1016] : memref<200000x64xbf16, #tpu.memory_space<hbm>> -> memref<40x64xbf16, #tpu.memory_space<hbm>>
      %dma_wait3A_1018 = arith.constant 320 : i32
      %dma_wait3A_1019 = arith.constant 0 : i32
      %dma_wait3A_1020 = tpu.memref_slice %arg13[%dma_wait3A_1018, %dma_wait3A_1019] : memref<400x64xbf16, #tpu.memory_space<vmem>> -> memref<40x64xbf16, #tpu.memory_space<vmem>>
      %dma_wait3A_1021 = arith.constant 0 : i32
      %dma_wait3A_1022 = arith.constant 0 : i32
      %dma_wait3A_1023 = tpu.memref_slice %arg2[%dma_wait3A_1021, %dma_wait3A_1022] : memref<200000x64xbf16, #tpu.memory_space<hbm>> -> memref<40x64xbf16, #tpu.memory_space<hbm>>
      tpu.wait_dma2 semaphore(%arg21 : memref<!tpu.dma_semaphore, #tpu.memory_space<semaphore_mem>>) src(%dma_wait3A_1023 : memref<40x64xbf16, #tpu.memory_space<hbm>>) dst(%dma_wait3A_1020 : memref<40x64xbf16, #tpu.memory_space<vmem>>)
      %dma_wait3A_1024 = arith.constant 360 : i32
      %dma_wait3A_1025 = arith.constant 0 : i32
      %dma_wait3A_1026 = tpu.memref_slice %arg13[%dma_wait3A_1024, %dma_wait3A_1025] : memref<400x64xbf16, #tpu.memory_space<vmem>> -> memref<40x64xbf16, #tpu.memory_space<vmem>>
      %dma_wait3A_1027 = arith.constant 0 : i32
      %dma_wait3A_1028 = arith.constant 0 : i32
      %dma_wait3A_1029 = tpu.memref_slice %arg2[%dma_wait3A_1027, %dma_wait3A_1028] : memref<200000x64xbf16, #tpu.memory_space<hbm>> -> memref<40x64xbf16, #tpu.memory_space<hbm>>
      %dma_wait3A_1030 = arith.constant 360 : i32
      %dma_wait3A_1031 = arith.constant 0 : i32
      %dma_wait3A_1032 = tpu.memref_slice %arg13[%dma_wait3A_1030, %dma_wait3A_1031] : memref<400x64xbf16, #tpu.memory_space<vmem>> -> memref<40x64xbf16, #tpu.memory_space<vmem>>
      %dma_wait3A_1033 = arith.constant 0 : i32
      %dma_wait3A_1034 = arith.constant 0 : i32
      %dma_wait3A_1035 = tpu.memref_slice %arg2[%dma_wait3A_1033, %dma_wait3A_1034] : memref<200000x64xbf16, #tpu.memory_space<hbm>> -> memref<40x64xbf16, #tpu.memory_space<hbm>>
      tpu.wait_dma2 semaphore(%arg21 : memref<!tpu.dma_semaphore, #tpu.memory_space<semaphore_mem>>) src(%dma_wait3A_1035 : memref<40x64xbf16, #tpu.memory_space<hbm>>) dst(%dma_wait3A_1032 : memref<40x64xbf16, #tpu.memory_space<vmem>>)
      %dma_wait3A_1036 = arith.constant 0 : i32
      %dma_wait3A_1037 = tpu.memref_slice %arg3[%dma_wait3A_1036] : memref<640000xi32, #tpu.memory_space<hbm>> -> memref<400xi32, #tpu.memory_space<hbm>>
      %dma_wait3A_1038 = arith.constant 0 : i32
      %dma_wait3A_1039 = tpu.memref_slice %arg3[%dma_wait3A_1038] : memref<640000xi32, #tpu.memory_space<hbm>> -> memref<400xi32, #tpu.memory_space<hbm>>
      tpu.wait_dma2 semaphore(%arg21 : memref<!tpu.dma_semaphore, #tpu.memory_space<semaphore_mem>>) src(%dma_wait3A_1039 : memref<400xi32, #tpu.memory_space<hbm>>) dst(%arg8 : memref<400xi32, #tpu.memory_space<vmem>>)
      %parallel_loop3A_1040 = arith.constant 0 : i32
      %parallel_loop3A_1041 = arith.constant 40 : i32
      %parallel_loop3A_1042 = arith.constant 1 : i32
      scf.for %parallel_loop3A_1290 = %parallel_loop3A_1040 to %parallel_loop3A_1041 step %parallel_loop3A_1042  : i32 {
        %parallel_loop3A_1291 = arith.constant 10 : i32
        %parallel_loop3A_1292 = arith.muli %parallel_loop3A_1290, %parallel_loop3A_1291 : i32
        %parallel_loop3A_1293 = arith.constant 0 : i32
        %parallel_loop3A_1294 = arith.addi %parallel_loop3A_1292, %parallel_loop3A_1293 : i32
        %parallel_loop3A_1295 = arith.index_cast %parallel_loop3A_1294 : i32 to index
        %parallel_loop3A_1296 = arith.constant 0 : index
        %parallel_loop3A_1297 = tpu.vector_load %arg13[%parallel_loop3A_1295, %parallel_loop3A_1296] {strides = array<i32>} : memref<400x64xbf16, #tpu.memory_space<vmem>>, vector<32xbf16>,
        %parallel_loop3A_1298 = tpu.unpack_subelements %parallel_loop3A_1297, 0 {pack_format = #tpu.pack_format<interleaved>} : vector<32xbf16> -> vector<16xf32>
        %parallel_loop3A_1299 = tpu.unpack_subelements %parallel_loop3A_1297, 1 {pack_format = #tpu.pack_format<interleaved>} : vector<32xbf16> -> vector<16xf32>
        %parallel_loop3A_1300 = arith.constant 0 : i32
        %parallel_loop3A_1301 = arith.addi %parallel_loop3A_1292, %parallel_loop3A_1300 : i32
        %parallel_loop3A_1302 = arith.index_cast %parallel_loop3A_1301 : i32 to index
        %parallel_loop3A_1303 = arith.constant 32 : index
        %parallel_loop3A_1304 = tpu.vector_load %arg13[%parallel_loop3A_1302, %parallel_loop3A_1303] {strides = array<i32>} : memref<400x64xbf16, #tpu.memory_space<vmem>>, vector<32xbf16>,
        %parallel_loop3A_1305 = tpu.unpack_subelements %parallel_loop3A_1304, 0 {pack_format = #tpu.pack_format<interleaved>} : vector<32xbf16> -> vector<16xf32>
        %parallel_loop3A_1306 = tpu.unpack_subelements %parallel_loop3A_1304, 1 {pack_format = #tpu.pack_format<interleaved>} : vector<32xbf16> -> vector<16xf32>
        %parallel_loop3A_1307 = arith.constant 1 : i32
        %parallel_loop3A_1308 = arith.addi %parallel_loop3A_1292, %parallel_loop3A_1307 : i32
        %parallel_loop3A_1309 = arith.index_cast %parallel_loop3A_1308 : i32 to index
        %parallel_loop3A_1310 = arith.constant 0 : index
        %parallel_loop3A_1311 = tpu.vector_load %arg13[%parallel_loop3A_1309, %parallel_loop3A_1310] {strides = array<i32>} : memref<400x64xbf16, #tpu.memory_space<vmem>>, vector<32xbf16>,
        %parallel_loop3A_1312 = tpu.unpack_subelements %parallel_loop3A_1311, 0 {pack_format = #tpu.pack_format<interleaved>} : vector<32xbf16> -> vector<16xf32>
        %parallel_loop3A_1313 = tpu.unpack_subelements %parallel_loop3A_1311, 1 {pack_format = #tpu.pack_format<interleaved>} : vector<32xbf16> -> vector<16xf32>
        %parallel_loop3A_1314 = arith.constant 1 : i32
        %parallel_loop3A_1315 = arith.addi %parallel_loop3A_1292, %parallel_loop3A_1314 : i32
        %parallel_loop3A_1316 = arith.index_cast %parallel_loop3A_1315 : i32 to index
        %parallel_loop3A_1317 = arith.constant 32 : index
        %parallel_loop3A_1318 = tpu.vector_load %arg13[%parallel_loop3A_1316, %parallel_loop3A_1317] {strides = array<i32>} : memref<400x64xbf16, #tpu.memory_space<vmem>>, vector<32xbf16>,
        %parallel_loop3A_1319 = tpu.unpack_subelements %parallel_loop3A_1318, 0 {pack_format = #tpu.pack_format<interleaved>} : vector<32xbf16> -> vector<16xf32>
        %parallel_loop3A_1320 = tpu.unpack_subelements %parallel_loop3A_1318, 1 {pack_format = #tpu.pack_format<interleaved>} : vector<32xbf16> -> vector<16xf32>
        %parallel_loop3A_1321 = arith.addf %parallel_loop3A_1298, %parallel_loop3A_1312 : vector<16xf32>
        %parallel_loop3A_1322 = arith.addf %parallel_loop3A_1299, %parallel_loop3A_1313 : vector<16xf32>
        %parallel_loop3A_1323 = arith.addf %parallel_loop3A_1305, %parallel_loop3A_1319 : vector<16xf32>
        %parallel_loop3A_1324 = arith.addf %parallel_loop3A_1306, %parallel_loop3A_1320 : vector<16xf32>
        %parallel_loop3A_1325 = arith.constant 2 : i32
        %parallel_loop3A_1326 = arith.addi %parallel_loop3A_1292, %parallel_loop3A_1325 : i32
        %parallel_loop3A_1327 = arith.index_cast %parallel_loop3A_1326 : i32 to index
        %parallel_loop3A_1328 = arith.constant 0 : index
        %parallel_loop3A_1329 = tpu.vector_load %arg13[%parallel_loop3A_1327, %parallel_loop3A_1328] {strides = array<i32>} : memref<400x64xbf16, #tpu.memory_space<vmem>>, vector<32xbf16>,
        %parallel_loop3A_1330 = tpu.unpack_subelements %parallel_loop3A_1329, 0 {pack_format = #tpu.pack_format<interleaved>} : vector<32xbf16> -> vector<16xf32>
        %parallel_loop3A_1331 = tpu.unpack_subelements %parallel_loop3A_1329, 1 {pack_format = #tpu.pack_format<interleaved>} : vector<32xbf16> -> vector<16xf32>
        %parallel_loop3A_1332 = arith.constant 2 : i32
        %parallel_loop3A_1333 = arith.addi %parallel_loop3A_1292, %parallel_loop3A_1332 : i32
        %parallel_loop3A_1334 = arith.index_cast %parallel_loop3A_1333 : i32 to index
        %parallel_loop3A_1335 = arith.constant 32 : index
        %parallel_loop3A_1336 = tpu.vector_load %arg13[%parallel_loop3A_1334, %parallel_loop3A_1335] {strides = array<i32>} : memref<400x64xbf16, #tpu.memory_space<vmem>>, vector<32xbf16>,
        %parallel_loop3A_1337 = tpu.unpack_subelements %parallel_loop3A_1336, 0 {pack_format = #tpu.pack_format<interleaved>} : vector<32xbf16> -> vector<16xf32>
        %parallel_loop3A_1338 = tpu.unpack_subelements %parallel_loop3A_1336, 1 {pack_format = #tpu.pack_format<interleaved>} : vector<32xbf16> -> vector<16xf32>
        %parallel_loop3A_1339 = arith.addf %parallel_loop3A_1321, %parallel_loop3A_1330 : vector<16xf32>
        %parallel_loop3A_1340 = arith.addf %parallel_loop3A_1322, %parallel_loop3A_1331 : vector<16xf32>
        %parallel_loop3A_1341 = arith.addf %parallel_loop3A_1323, %parallel_loop3A_1337 : vector<16xf32>
        %parallel_loop3A_1342 = arith.addf %parallel_loop3A_1324, %parallel_loop3A_1338 : vector<16xf32>
        %parallel_loop3A_1343 = arith.constant 3 : i32
        %parallel_loop3A_1344 = arith.addi %parallel_loop3A_1292, %parallel_loop3A_1343 : i32
        %parallel_loop3A_1345 = arith.index_cast %parallel_loop3A_1344 : i32 to index
        %parallel_loop3A_1346 = arith.constant 0 : index
        %parallel_loop3A_1347 = tpu.vector_load %arg13[%parallel_loop3A_1345, %parallel_loop3A_1346] {strides = array<i32>} : memref<400x64xbf16, #tpu.memory_space<vmem>>, vector<32xbf16>,
        %parallel_loop3A_1348 = tpu.unpack_subelements %parallel_loop3A_1347, 0 {pack_format = #tpu.pack_format<interleaved>} : vector<32xbf16> -> vector<16xf32>
        %parallel_loop3A_1349 = tpu.unpack_subelements %parallel_loop3A_1347, 1 {pack_format = #tpu.pack_format<interleaved>} : vector<32xbf16> -> vector<16xf32>
        %parallel_loop3A_1350 = arith.constant 3 : i32
        %parallel_loop3A_1351 = arith.addi %parallel_loop3A_1292, %parallel_loop3A_1350 : i32
        %parallel_loop3A_1352 = arith.index_cast %parallel_loop3A_1351 : i32 to index
        %parallel_loop3A_1353 = arith.constant 32 : index
        %parallel_loop3A_1354 = tpu.vector_load %arg13[%parallel_loop3A_1352, %parallel_loop3A_1353] {strides = array<i32>} : memref<400x64xbf16, #tpu.memory_space<vmem>>, vector<32xbf16>,
        %parallel_loop3A_1355 = tpu.unpack_subelements %parallel_loop3A_1354, 0 {pack_format = #tpu.pack_format<interleaved>} : vector<32xbf16> -> vector<16xf32>
        %parallel_loop3A_1356 = tpu.unpack_subelements %parallel_loop3A_1354, 1 {pack_format = #tpu.pack_format<interleaved>} : vector<32xbf16> -> vector<16xf32>
        %parallel_loop3A_1357 = arith.addf %parallel_loop3A_1339, %parallel_loop3A_1348 : vector<16xf32>
        %parallel_loop3A_1358 = arith.addf %parallel_loop3A_1340, %parallel_loop3A_1349 : vector<16xf32>
        %parallel_loop3A_1359 = arith.addf %parallel_loop3A_1341, %parallel_loop3A_1355 : vector<16xf32>
        %parallel_loop3A_1360 = arith.addf %parallel_loop3A_1342, %parallel_loop3A_1356 : vector<16xf32>
        %parallel_loop3A_1361 = arith.constant 4 : i32
        %parallel_loop3A_1362 = arith.addi %parallel_loop3A_1292, %parallel_loop3A_1361 : i32
        %parallel_loop3A_1363 = arith.index_cast %parallel_loop3A_1362 : i32 to index
        %parallel_loop3A_1364 = arith.constant 0 : index
        %parallel_loop3A_1365 = tpu.vector_load %arg13[%parallel_loop3A_1363, %parallel_loop3A_1364] {strides = array<i32>} : memref<400x64xbf16, #tpu.memory_space<vmem>>, vector<32xbf16>,
        %parallel_loop3A_1366 = tpu.unpack_subelements %parallel_loop3A_1365, 0 {pack_format = #tpu.pack_format<interleaved>} : vector<32xbf16> -> vector<16xf32>
        %parallel_loop3A_1367 = tpu.unpack_subelements %parallel_loop3A_1365, 1 {pack_format = #tpu.pack_format<interleaved>} : vector<32xbf16> -> vector<16xf32>
        %parallel_loop3A_1368 = arith.constant 4 : i32
        %parallel_loop3A_1369 = arith.addi %parallel_loop3A_1292, %parallel_loop3A_1368 : i32
        %parallel_loop3A_1370 = arith.index_cast %parallel_loop3A_1369 : i32 to index
        %parallel_loop3A_1371 = arith.constant 32 : index
        %parallel_loop3A_1372 = tpu.vector_load %arg13[%parallel_loop3A_1370, %parallel_loop3A_1371] {strides = array<i32>} : memref<400x64xbf16, #tpu.memory_space<vmem>>, vector<32xbf16>,
        %parallel_loop3A_1373 = tpu.unpack_subelements %parallel_loop3A_1372, 0 {pack_format = #tpu.pack_format<interleaved>} : vector<32xbf16> -> vector<16xf32>
        %parallel_loop3A_1374 = tpu.unpack_subelements %parallel_loop3A_1372, 1 {pack_format = #tpu.pack_format<interleaved>} : vector<32xbf16> -> vector<16xf32>
        %parallel_loop3A_1375 = arith.addf %parallel_loop3A_1357, %parallel_loop3A_1366 : vector<16xf32>
        %parallel_loop3A_1376 = arith.addf %parallel_loop3A_1358, %parallel_loop3A_1367 : vector<16xf32>
        %parallel_loop3A_1377 = arith.addf %parallel_loop3A_1359, %parallel_loop3A_1373 : vector<16xf32>
        %parallel_loop3A_1378 = arith.addf %parallel_loop3A_1360, %parallel_loop3A_1374 : vector<16xf32>
        %parallel_loop3A_1379 = arith.constant 5 : i32
        %parallel_loop3A_1380 = arith.addi %parallel_loop3A_1292, %parallel_loop3A_1379 : i32
        %parallel_loop3A_1381 = arith.index_cast %parallel_loop3A_1380 : i32 to index
        %parallel_loop3A_1382 = arith.constant 0 : index
        %parallel_loop3A_1383 = tpu.vector_load %arg13[%parallel_loop3A_1381, %parallel_loop3A_1382] {strides = array<i32>} : memref<400x64xbf16, #tpu.memory_space<vmem>>, vector<32xbf16>,
        %parallel_loop3A_1384 = tpu.unpack_subelements %parallel_loop3A_1383, 0 {pack_format = #tpu.pack_format<interleaved>} : vector<32xbf16> -> vector<16xf32>
        %parallel_loop3A_1385 = tpu.unpack_subelements %parallel_loop3A_1383, 1 {pack_format = #tpu.pack_format<interleaved>} : vector<32xbf16> -> vector<16xf32>
        %parallel_loop3A_1386 = arith.constant 5 : i32
        %parallel_loop3A_1387 = arith.addi %parallel_loop3A_1292, %parallel_loop3A_1386 : i32
        %parallel_loop3A_1388 = arith.index_cast %parallel_loop3A_1387 : i32 to index
        %parallel_loop3A_1389 = arith.constant 32 : index
        %parallel_loop3A_1390 = tpu.vector_load %arg13[%parallel_loop3A_1388, %parallel_loop3A_1389] {strides = array<i32>} : memref<400x64xbf16, #tpu.memory_space<vmem>>, vector<32xbf16>,
        %parallel_loop3A_1391 = tpu.unpack_subelements %parallel_loop3A_1390, 0 {pack_format = #tpu.pack_format<interleaved>} : vector<32xbf16> -> vector<16xf32>
        %parallel_loop3A_1392 = tpu.unpack_subelements %parallel_loop3A_1390, 1 {pack_format = #tpu.pack_format<interleaved>} : vector<32xbf16> -> vector<16xf32>
        %parallel_loop3A_1393 = arith.addf %parallel_loop3A_1375, %parallel_loop3A_1384 : vector<16xf32>
        %parallel_loop3A_1394 = arith.addf %parallel_loop3A_1376, %parallel_loop3A_1385 : vector<16xf32>
        %parallel_loop3A_1395 = arith.addf %parallel_loop3A_1377, %parallel_loop3A_1391 : vector<16xf32>
        %parallel_loop3A_1396 = arith.addf %parallel_loop3A_1378, %parallel_loop3A_1392 : vector<16xf32>
        %parallel_loop3A_1397 = arith.constant 6 : i32
        %parallel_loop3A_1398 = arith.addi %parallel_loop3A_1292, %parallel_loop3A_1397 : i32
        %parallel_loop3A_1399 = arith.index_cast %parallel_loop3A_1398 : i32 to index
        %parallel_loop3A_1400 = arith.constant 0 : index
        %parallel_loop3A_1401 = tpu.vector_load %arg13[%parallel_loop3A_1399, %parallel_loop3A_1400] {strides = array<i32>} : memref<400x64xbf16, #tpu.memory_space<vmem>>, vector<32xbf16>,
        %parallel_loop3A_1402 = tpu.unpack_subelements %parallel_loop3A_1401, 0 {pack_format = #tpu.pack_format<interleaved>} : vector<32xbf16> -> vector<16xf32>
        %parallel_loop3A_1403 = tpu.unpack_subelements %parallel_loop3A_1401, 1 {pack_format = #tpu.pack_format<interleaved>} : vector<32xbf16> -> vector<16xf32>
        %parallel_loop3A_1404 = arith.constant 6 : i32
        %parallel_loop3A_1405 = arith.addi %parallel_loop3A_1292, %parallel_loop3A_1404 : i32
        %parallel_loop3A_1406 = arith.index_cast %parallel_loop3A_1405 : i32 to index
        %parallel_loop3A_1407 = arith.constant 32 : index
        %parallel_loop3A_1408 = tpu.vector_load %arg13[%parallel_loop3A_1406, %parallel_loop3A_1407] {strides = array<i32>} : memref<400x64xbf16, #tpu.memory_space<vmem>>, vector<32xbf16>,
        %parallel_loop3A_1409 = tpu.unpack_subelements %parallel_loop3A_1408, 0 {pack_format = #tpu.pack_format<interleaved>} : vector<32xbf16> -> vector<16xf32>
        %parallel_loop3A_1410 = tpu.unpack_subelements %parallel_loop3A_1408, 1 {pack_format = #tpu.pack_format<interleaved>} : vector<32xbf16> -> vector<16xf32>
        %parallel_loop3A_1411 = arith.addf %parallel_loop3A_1393, %parallel_loop3A_1402 : vector<16xf32>
        %parallel_loop3A_1412 = arith.addf %parallel_loop3A_1394, %parallel_loop3A_1403 : vector<16xf32>
        %parallel_loop3A_1413 = arith.addf %parallel_loop3A_1395, %parallel_loop3A_1409 : vector<16xf32>
        %parallel_loop3A_1414 = arith.addf %parallel_loop3A_1396, %parallel_loop3A_1410 : vector<16xf32>
        %parallel_loop3A_1415 = arith.constant 7 : i32
        %parallel_loop3A_1416 = arith.addi %parallel_loop3A_1292, %parallel_loop3A_1415 : i32
        %parallel_loop3A_1417 = arith.index_cast %parallel_loop3A_1416 : i32 to index
        %parallel_loop3A_1418 = arith.constant 0 : index
        %parallel_loop3A_1419 = tpu.vector_load %arg13[%parallel_loop3A_1417, %parallel_loop3A_1418] {strides = array<i32>} : memref<400x64xbf16, #tpu.memory_space<vmem>>, vector<32xbf16>,
        %parallel_loop3A_1420 = tpu.unpack_subelements %parallel_loop3A_1419, 0 {pack_format = #tpu.pack_format<interleaved>} : vector<32xbf16> -> vector<16xf32>
        %parallel_loop3A_1421 = tpu.unpack_subelements %parallel_loop3A_1419, 1 {pack_format = #tpu.pack_format<interleaved>} : vector<32xbf16> -> vector<16xf32>
        %parallel_loop3A_1422 = arith.constant 7 : i32
        %parallel_loop3A_1423 = arith.addi %parallel_loop3A_1292, %parallel_loop3A_1422 : i32
        %parallel_loop3A_1424 = arith.index_cast %parallel_loop3A_1423 : i32 to index
        %parallel_loop3A_1425 = arith.constant 32 : index
        %parallel_loop3A_1426 = tpu.vector_load %arg13[%parallel_loop3A_1424, %parallel_loop3A_1425] {strides = array<i32>} : memref<400x64xbf16, #tpu.memory_space<vmem>>, vector<32xbf16>,
        %parallel_loop3A_1427 = tpu.unpack_subelements %parallel_loop3A_1426, 0 {pack_format = #tpu.pack_format<interleaved>} : vector<32xbf16> -> vector<16xf32>
        %parallel_loop3A_1428 = tpu.unpack_subelements %parallel_loop3A_1426, 1 {pack_format = #tpu.pack_format<interleaved>} : vector<32xbf16> -> vector<16xf32>
        %parallel_loop3A_1429 = arith.addf %parallel_loop3A_1411, %parallel_loop3A_1420 : vector<16xf32>
        %parallel_loop3A_1430 = arith.addf %parallel_loop3A_1412, %parallel_loop3A_1421 : vector<16xf32>
        %parallel_loop3A_1431 = arith.addf %parallel_loop3A_1413, %parallel_loop3A_1427 : vector<16xf32>
        %parallel_loop3A_1432 = arith.addf %parallel_loop3A_1414, %parallel_loop3A_1428 : vector<16xf32>
        %parallel_loop3A_1433 = arith.constant 8 : i32
        %parallel_loop3A_1434 = arith.addi %parallel_loop3A_1292, %parallel_loop3A_1433 : i32
        %parallel_loop3A_1435 = arith.index_cast %parallel_loop3A_1434 : i32 to index
        %parallel_loop3A_1436 = arith.constant 0 : index
        %parallel_loop3A_1437 = tpu.vector_load %arg13[%parallel_loop3A_1435, %parallel_loop3A_1436] {strides = array<i32>} : memref<400x64xbf16, #tpu.memory_space<vmem>>, vector<32xbf16>,
        %parallel_loop3A_1438 = tpu.unpack_subelements %parallel_loop3A_1437, 0 {pack_format = #tpu.pack_format<interleaved>} : vector<32xbf16> -> vector<16xf32>
        %parallel_loop3A_1439 = tpu.unpack_subelements %parallel_loop3A_1437, 1 {pack_format = #tpu.pack_format<interleaved>} : vector<32xbf16> -> vector<16xf32>
        %parallel_loop3A_1440 = arith.constant 8 : i32
        %parallel_loop3A_1441 = arith.addi %parallel_loop3A_1292, %parallel_loop3A_1440 : i32
        %parallel_loop3A_1442 = arith.index_cast %parallel_loop3A_1441 : i32 to index
        %parallel_loop3A_1443 = arith.constant 32 : index
        %parallel_loop3A_1444 = tpu.vector_load %arg13[%parallel_loop3A_1442, %parallel_loop3A_1443] {strides = array<i32>} : memref<400x64xbf16, #tpu.memory_space<vmem>>, vector<32xbf16>,
        %parallel_loop3A_1445 = tpu.unpack_subelements %parallel_loop3A_1444, 0 {pack_format = #tpu.pack_format<interleaved>} : vector<32xbf16> -> vector<16xf32>
        %parallel_loop3A_1446 = tpu.unpack_subelements %parallel_loop3A_1444, 1 {pack_format = #tpu.pack_format<interleaved>} : vector<32xbf16> -> vector<16xf32>
        %parallel_loop3A_1447 = arith.addf %parallel_loop3A_1429, %parallel_loop3A_1438 : vector<16xf32>
        %parallel_loop3A_1448 = arith.addf %parallel_loop3A_1430, %parallel_loop3A_1439 : vector<16xf32>
        %parallel_loop3A_1449 = arith.addf %parallel_loop3A_1431, %parallel_loop3A_1445 : vector<16xf32>
        %parallel_loop3A_1450 = arith.addf %parallel_loop3A_1432, %parallel_loop3A_1446 : vector<16xf32>
        %parallel_loop3A_1451 = arith.constant 9 : i32
        %parallel_loop3A_1452 = arith.addi %parallel_loop3A_1292, %parallel_loop3A_1451 : i32
        %parallel_loop3A_1453 = arith.index_cast %parallel_loop3A_1452 : i32 to index
        %parallel_loop3A_1454 = arith.constant 0 : index
        %parallel_loop3A_1455 = tpu.vector_load %arg13[%parallel_loop3A_1453, %parallel_loop3A_1454] {strides = array<i32>} : memref<400x64xbf16, #tpu.memory_space<vmem>>, vector<32xbf16>,
        %parallel_loop3A_1456 = tpu.unpack_subelements %parallel_loop3A_1455, 0 {pack_format = #tpu.pack_format<interleaved>} : vector<32xbf16> -> vector<16xf32>
        %parallel_loop3A_1457 = tpu.unpack_subelements %parallel_loop3A_1455, 1 {pack_format = #tpu.pack_format<interleaved>} : vector<32xbf16> -> vector<16xf32>
        %parallel_loop3A_1458 = arith.constant 9 : i32
        %parallel_loop3A_1459 = arith.addi %parallel_loop3A_1292, %parallel_loop3A_1458 : i32
        %parallel_loop3A_1460 = arith.index_cast %parallel_loop3A_1459 : i32 to index
        %parallel_loop3A_1461 = arith.constant 32 : index
        %parallel_loop3A_1462 = tpu.vector_load %arg13[%parallel_loop3A_1460, %parallel_loop3A_1461] {strides = array<i32>} : memref<400x64xbf16, #tpu.memory_space<vmem>>, vector<32xbf16>,
        %parallel_loop3A_1463 = tpu.unpack_subelements %parallel_loop3A_1462, 0 {pack_format = #tpu.pack_format<interleaved>} : vector<32xbf16> -> vector<16xf32>
        %parallel_loop3A_1464 = tpu.unpack_subelements %parallel_loop3A_1462, 1 {pack_format = #tpu.pack_format<interleaved>} : vector<32xbf16> -> vector<16xf32>
        %parallel_loop3A_1465 = arith.addf %parallel_loop3A_1447, %parallel_loop3A_1456 : vector<16xf32>
        %parallel_loop3A_1466 = arith.addf %parallel_loop3A_1448, %parallel_loop3A_1457 : vector<16xf32>
        %parallel_loop3A_1467 = arith.addf %parallel_loop3A_1449, %parallel_loop3A_1463 : vector<16xf32>
        %parallel_loop3A_1468 = arith.addf %parallel_loop3A_1450, %parallel_loop3A_1464 : vector<16xf32>
        %parallel_loop3A_1469 = arith.constant 80 : i32
        %parallel_loop3A_1470 = arith.addi %parallel_loop3A_1469, %parallel_loop3A_1290 : i32
        %parallel_loop3A_1471 = arith.index_cast %parallel_loop3A_1470 : i32 to index
        %parallel_loop3A_1472 = arith.constant 0 : index
        %parallel_loop3A_1473 = tpu.vector_load %arg15[%parallel_loop3A_1471, %parallel_loop3A_1472] {strides = array<i32>} : memref<160x64xf32, #tpu.memory_space<vmem>>, vector<16xf32>,
        tpu.vector_store %arg15[%parallel_loop3A_1471, %parallel_loop3A_1472], %parallel_loop3A_1465 {strides = array<i32>} : memref<160x64xf32, #tpu.memory_space<vmem>>, vector<16xf32>,
        %parallel_loop3A_1474 = arith.constant 80 : i32
        %parallel_loop3A_1475 = arith.addi %parallel_loop3A_1474, %parallel_loop3A_1290 : i32
        %parallel_loop3A_1476 = arith.index_cast %parallel_loop3A_1475 : i32 to index
        %parallel_loop3A_1477 = arith.constant 16 : index
        %parallel_loop3A_1478 = tpu.vector_load %arg15[%parallel_loop3A_1476, %parallel_loop3A_1477] {strides = array<i32>} : memref<160x64xf32, #tpu.memory_space<vmem>>, vector<16xf32>,
        tpu.vector_store %arg15[%parallel_loop3A_1476, %parallel_loop3A_1477], %parallel_loop3A_1466 {strides = array<i32>} : memref<160x64xf32, #tpu.memory_space<vmem>>, vector<16xf32>,
        %parallel_loop3A_1479 = arith.constant 80 : i32
        %parallel_loop3A_1480 = arith.addi %parallel_loop3A_1479, %parallel_loop3A_1290 : i32
        %parallel_loop3A_1481 = arith.index_cast %parallel_loop3A_1480 : i32 to index
        %parallel_loop3A_1482 = arith.constant 32 : index
        %parallel_loop3A_1483 = tpu.vector_load %arg15[%parallel_loop3A_1481, %parallel_loop3A_1482] {strides = array<i32>} : memref<160x64xf32, #tpu.memory_space<vmem>>, vector<16xf32>,
        tpu.vector_store %arg15[%parallel_loop3A_1481, %parallel_loop3A_1482], %parallel_loop3A_1467 {strides = array<i32>} : memref<160x64xf32, #tpu.memory_space<vmem>>, vector<16xf32>,
        %parallel_loop3A_1484 = arith.constant 80 : i32
        %parallel_loop3A_1485 = arith.addi %parallel_loop3A_1484, %parallel_loop3A_1290 : i32
        %parallel_loop3A_1486 = arith.index_cast %parallel_loop3A_1485 : i32 to index
        %parallel_loop3A_1487 = arith.constant 48 : index
        %parallel_loop3A_1488 = tpu.vector_load %arg15[%parallel_loop3A_1486, %parallel_loop3A_1487] {strides = array<i32>} : memref<160x64xf32, #tpu.memory_space<vmem>>, vector<16xf32>,
        tpu.vector_store %arg15[%parallel_loop3A_1486, %parallel_loop3A_1487], %parallel_loop3A_1468 {strides = array<i32>} : memref<160x64xf32, #tpu.memory_space<vmem>>, vector<16xf32>,
      } {sc.loop_unroll_factor = 4 : i64, sc.parallel_access}
      %add3A_1043 = arith.constant 3 : i32
      %add3A_1044 = arith.addi %mul3A_326, %add3A_1043 : i32
      %add3A_1045 = arith.constant 1 : i32
      %add3A_1046 = arith.addi %add3A_1044, %add3A_1045 : i32
      %rem3A_1047 = arith.constant 100 : i32
      %rem3A_1048 = arith.remsi %add3A_1046, %rem3A_1047 : i32
      %parallel_loop3A_1049 = arith.constant 0 : i32
      %parallel_loop3A_1050 = arith.constant 25 : i32
      %parallel_loop3A_1051 = arith.constant 1 : i32
      scf.for %parallel_loop3A_1290 = %parallel_loop3A_1049 to %parallel_loop3A_1050 step %parallel_loop3A_1051  : i32 {
        %parallel_loop3A_1291 = arith.constant 16 : i32
        %parallel_loop3A_1292 = arith.muli %parallel_loop3A_1290, %parallel_loop3A_1291 : i32
        %parallel_loop3A_1293 = arith.index_cast %parallel_loop3A_1292 : i32 to index
        %parallel_loop3A_1294 = tpu.vector_load %arg8[%parallel_loop3A_1293] {strides = array<i32>} : memref<400xi32, #tpu.memory_space<vmem>>, vector<16xi32>,
        %parallel_loop3A_1295 = arith.index_cast %parallel_loop3A_1292 : i32 to index
        %parallel_loop3A_1296 = tpu.vector_load %arg17[%parallel_loop3A_1295] {strides = array<i32>} : memref<400xi32, #tpu.memory_space<vmem>>, vector<16xi32>,
        %parallel_loop3A_1297 = arith.addi %parallel_loop3A_1294, %parallel_loop3A_1296 : vector<16xi32>
        %parallel_loop3A_1298 = arith.index_cast %parallel_loop3A_1292 : i32 to index
        %parallel_loop3A_1299 = tpu.vector_load %arg10[%parallel_loop3A_1298] {strides = array<i32>} : memref<400xi32, #tpu.memory_space<vmem>>, vector<16xi32>,
        tpu.vector_store %arg10[%parallel_loop3A_1298], %parallel_loop3A_1297 {strides = array<i32>} : memref<400xi32, #tpu.memory_space<vmem>>, vector<16xi32>,
      } {sc.loop_unroll_factor = 5 : i64, sc.parallel_access}
      %dma_start3A_1052 = arith.constant 0 : i32
      %dma_start3A_1053 = arith.constant 0 : i32
      %dma_start3A_1054 = tpu.memref_slice %arg13[%dma_start3A_1052, %dma_start3A_1053] : memref<400x64xbf16, #tpu.memory_space<vmem>> -> memref<40x64xbf16, #tpu.memory_space<vmem>>
      %dma_start3A_1055 = arith.constant 0 : i32
      %dma_start3A_1056 = tpu.memref_slice %arg10[%dma_start3A_1055] : memref<400xi32, #tpu.memory_space<vmem>> -> memref<40xi32, #tpu.memory_space<vmem>>
      %dma_start3A_1057 = arith.constant 0 : i32
      %dma_start3A_1058 = arith.constant 0 : i32
      %dma_start3A_1059 = tpu.memref_slice %arg2[%dma_start3A_1057, %dma_start3A_1058] : memref<200000x64xbf16, #tpu.memory_space<hbm>> -> memref<200000x64xbf16, #tpu.memory_space<hbm>>
      tpu.enqueue_indirect_dma source(%dma_start3A_1059 : memref<200000x64xbf16, #tpu.memory_space<hbm>>) target(%dma_start3A_1054 : memref<40x64xbf16, #tpu.memory_space<vmem>>) offsets(%dma_start3A_1056 : memref<40xi32, #tpu.memory_space<vmem>>) semaphore(%arg21 : memref<!tpu.dma_semaphore, #tpu.memory_space<semaphore_mem>>)
      %dma_start3A_1060 = arith.constant 40 : i32
      %dma_start3A_1061 = arith.constant 0 : i32
      %dma_start3A_1062 = tpu.memref_slice %arg13[%dma_start3A_1060, %dma_start3A_1061] : memref<400x64xbf16, #tpu.memory_space<vmem>> -> memref<40x64xbf16, #tpu.memory_space<vmem>>
      %dma_start3A_1063 = arith.constant 40 : i32
      %dma_start3A_1064 = tpu.memref_slice %arg10[%dma_start3A_1063] : memref<400xi32, #tpu.memory_space<vmem>> -> memref<40xi32, #tpu.memory_space<vmem>>
      %dma_start3A_1065 = arith.constant 0 : i32
      %dma_start3A_1066 = arith.constant 0 : i32
      %dma_start3A_1067 = tpu.memref_slice %arg2[%dma_start3A_1065, %dma_start3A_1066] : memref<200000x64xbf16, #tpu.memory_space<hbm>> -> memref<200000x64xbf16, #tpu.memory_space<hbm>>
      tpu.enqueue_indirect_dma source(%dma_start3A_1067 : memref<200000x64xbf16, #tpu.memory_space<hbm>>) target(%dma_start3A_1062 : memref<40x64xbf16, #tpu.memory_space<vmem>>) offsets(%dma_start3A_1064 : memref<40xi32, #tpu.memory_space<vmem>>) semaphore(%arg21 : memref<!tpu.dma_semaphore, #tpu.memory_space<semaphore_mem>>)
      %dma_start3A_1068 = arith.constant 80 : i32
      %dma_start3A_1069 = arith.constant 0 : i32
      %dma_start3A_1070 = tpu.memref_slice %arg13[%dma_start3A_1068, %dma_start3A_1069] : memref<400x64xbf16, #tpu.memory_space<vmem>> -> memref<40x64xbf16, #tpu.memory_space<vmem>>
      %dma_start3A_1071 = arith.constant 80 : i32
      %dma_start3A_1072 = tpu.memref_slice %arg10[%dma_start3A_1071] : memref<400xi32, #tpu.memory_space<vmem>> -> memref<40xi32, #tpu.memory_space<vmem>>
      %dma_start3A_1073 = arith.constant 0 : i32
      %dma_start3A_1074 = arith.constant 0 : i32
      %dma_start3A_1075 = tpu.memref_slice %arg2[%dma_start3A_1073, %dma_start3A_1074] : memref<200000x64xbf16, #tpu.memory_space<hbm>> -> memref<200000x64xbf16, #tpu.memory_space<hbm>>
      tpu.enqueue_indirect_dma source(%dma_start3A_1075 : memref<200000x64xbf16, #tpu.memory_space<hbm>>) target(%dma_start3A_1070 : memref<40x64xbf16, #tpu.memory_space<vmem>>) offsets(%dma_start3A_1072 : memref<40xi32, #tpu.memory_space<vmem>>) semaphore(%arg21 : memref<!tpu.dma_semaphore, #tpu.memory_space<semaphore_mem>>)
      %dma_start3A_1076 = arith.constant 120 : i32
      %dma_start3A_1077 = arith.constant 0 : i32
      %dma_start3A_1078 = tpu.memref_slice %arg13[%dma_start3A_1076, %dma_start3A_1077] : memref<400x64xbf16, #tpu.memory_space<vmem>> -> memref<40x64xbf16, #tpu.memory_space<vmem>>
      %dma_start3A_1079 = arith.constant 120 : i32
      %dma_start3A_1080 = tpu.memref_slice %arg10[%dma_start3A_1079] : memref<400xi32, #tpu.memory_space<vmem>> -> memref<40xi32, #tpu.memory_space<vmem>>
      %dma_start3A_1081 = arith.constant 0 : i32
      %dma_start3A_1082 = arith.constant 0 : i32
      %dma_start3A_1083 = tpu.memref_slice %arg2[%dma_start3A_1081, %dma_start3A_1082] : memref<200000x64xbf16, #tpu.memory_space<hbm>> -> memref<200000x64xbf16, #tpu.memory_space<hbm>>
      tpu.enqueue_indirect_dma source(%dma_start3A_1083 : memref<200000x64xbf16, #tpu.memory_space<hbm>>) target(%dma_start3A_1078 : memref<40x64xbf16, #tpu.memory_space<vmem>>) offsets(%dma_start3A_1080 : memref<40xi32, #tpu.memory_space<vmem>>) semaphore(%arg21 : memref<!tpu.dma_semaphore, #tpu.memory_space<semaphore_mem>>)
      %dma_start3A_1084 = arith.constant 160 : i32
      %dma_start3A_1085 = arith.constant 0 : i32
      %dma_start3A_1086 = tpu.memref_slice %arg13[%dma_start3A_1084, %dma_start3A_1085] : memref<400x64xbf16, #tpu.memory_space<vmem>> -> memref<40x64xbf16, #tpu.memory_space<vmem>>
      %dma_start3A_1087 = arith.constant 160 : i32
      %dma_start3A_1088 = tpu.memref_slice %arg10[%dma_start3A_1087] : memref<400xi32, #tpu.memory_space<vmem>> -> memref<40xi32, #tpu.memory_space<vmem>>
      %dma_start3A_1089 = arith.constant 0 : i32
      %dma_start3A_1090 = arith.constant 0 : i32
      %dma_start3A_1091 = tpu.memref_slice %arg2[%dma_start3A_1089, %dma_start3A_1090] : memref<200000x64xbf16, #tpu.memory_space<hbm>> -> memref<200000x64xbf16, #tpu.memory_space<hbm>>
      tpu.enqueue_indirect_dma source(%dma_start3A_1091 : memref<200000x64xbf16, #tpu.memory_space<hbm>>) target(%dma_start3A_1086 : memref<40x64xbf16, #tpu.memory_space<vmem>>) offsets(%dma_start3A_1088 : memref<40xi32, #tpu.memory_space<vmem>>) semaphore(%arg21 : memref<!tpu.dma_semaphore, #tpu.memory_space<semaphore_mem>>)
      %dma_start3A_1092 = arith.constant 200 : i32
      %dma_start3A_1093 = arith.constant 0 : i32
      %dma_start3A_1094 = tpu.memref_slice %arg13[%dma_start3A_1092, %dma_start3A_1093] : memref<400x64xbf16, #tpu.memory_space<vmem>> -> memref<40x64xbf16, #tpu.memory_space<vmem>>
      %dma_start3A_1095 = arith.constant 200 : i32
      %dma_start3A_1096 = tpu.memref_slice %arg10[%dma_start3A_1095] : memref<400xi32, #tpu.memory_space<vmem>> -> memref<40xi32, #tpu.memory_space<vmem>>
      %dma_start3A_1097 = arith.constant 0 : i32
      %dma_start3A_1098 = arith.constant 0 : i32
      %dma_start3A_1099 = tpu.memref_slice %arg2[%dma_start3A_1097, %dma_start3A_1098] : memref<200000x64xbf16, #tpu.memory_space<hbm>> -> memref<200000x64xbf16, #tpu.memory_space<hbm>>
      tpu.enqueue_indirect_dma source(%dma_start3A_1099 : memref<200000x64xbf16, #tpu.memory_space<hbm>>) target(%dma_start3A_1094 : memref<40x64xbf16, #tpu.memory_space<vmem>>) offsets(%dma_start3A_1096 : memref<40xi32, #tpu.memory_space<vmem>>) semaphore(%arg21 : memref<!tpu.dma_semaphore, #tpu.memory_space<semaphore_mem>>)
      %dma_start3A_1100 = arith.constant 240 : i32
      %dma_start3A_1101 = arith.constant 0 : i32
      %dma_start3A_1102 = tpu.memref_slice %arg13[%dma_start3A_1100, %dma_start3A_1101] : memref<400x64xbf16, #tpu.memory_space<vmem>> -> memref<40x64xbf16, #tpu.memory_space<vmem>>
      %dma_start3A_1103 = arith.constant 240 : i32
      %dma_start3A_1104 = tpu.memref_slice %arg10[%dma_start3A_1103] : memref<400xi32, #tpu.memory_space<vmem>> -> memref<40xi32, #tpu.memory_space<vmem>>
      %dma_start3A_1105 = arith.constant 0 : i32
      %dma_start3A_1106 = arith.constant 0 : i32
      %dma_start3A_1107 = tpu.memref_slice %arg2[%dma_start3A_1105, %dma_start3A_1106] : memref<200000x64xbf16, #tpu.memory_space<hbm>> -> memref<200000x64xbf16, #tpu.memory_space<hbm>>
      tpu.enqueue_indirect_dma source(%dma_start3A_1107 : memref<200000x64xbf16, #tpu.memory_space<hbm>>) target(%dma_start3A_1102 : memref<40x64xbf16, #tpu.memory_space<vmem>>) offsets(%dma_start3A_1104 : memref<40xi32, #tpu.memory_space<vmem>>) semaphore(%arg21 : memref<!tpu.dma_semaphore, #tpu.memory_space<semaphore_mem>>)
      %dma_start3A_1108 = arith.constant 280 : i32
      %dma_start3A_1109 = arith.constant 0 : i32
      %dma_start3A_1110 = tpu.memref_slice %arg13[%dma_start3A_1108, %dma_start3A_1109] : memref<400x64xbf16, #tpu.memory_space<vmem>> -> memref<40x64xbf16, #tpu.memory_space<vmem>>
      %dma_start3A_1111 = arith.constant 280 : i32
      %dma_start3A_1112 = tpu.memref_slice %arg10[%dma_start3A_1111] : memref<400xi32, #tpu.memory_space<vmem>> -> memref<40xi32, #tpu.memory_space<vmem>>
      %dma_start3A_1113 = arith.constant 0 : i32
      %dma_start3A_1114 = arith.constant 0 : i32
      %dma_start3A_1115 = tpu.memref_slice %arg2[%dma_start3A_1113, %dma_start3A_1114] : memref<200000x64xbf16, #tpu.memory_space<hbm>> -> memref<200000x64xbf16, #tpu.memory_space<hbm>>
      tpu.enqueue_indirect_dma source(%dma_start3A_1115 : memref<200000x64xbf16, #tpu.memory_space<hbm>>) target(%dma_start3A_1110 : memref<40x64xbf16, #tpu.memory_space<vmem>>) offsets(%dma_start3A_1112 : memref<40xi32, #tpu.memory_space<vmem>>) semaphore(%arg21 : memref<!tpu.dma_semaphore, #tpu.memory_space<semaphore_mem>>)
      %dma_start3A_1116 = arith.constant 320 : i32
      %dma_start3A_1117 = arith.constant 0 : i32
      %dma_start3A_1118 = tpu.memref_slice %arg13[%dma_start3A_1116, %dma_start3A_1117] : memref<400x64xbf16, #tpu.memory_space<vmem>> -> memref<40x64xbf16, #tpu.memory_space<vmem>>
      %dma_start3A_1119 = arith.constant 320 : i32
      %dma_start3A_1120 = tpu.memref_slice %arg10[%dma_start3A_1119] : memref<400xi32, #tpu.memory_space<vmem>> -> memref<40xi32, #tpu.memory_space<vmem>>
      %dma_start3A_1121 = arith.constant 0 : i32
      %dma_start3A_1122 = arith.constant 0 : i32
      %dma_start3A_1123 = tpu.memref_slice %arg2[%dma_start3A_1121, %dma_start3A_1122] : memref<200000x64xbf16, #tpu.memory_space<hbm>> -> memref<200000x64xbf16, #tpu.memory_space<hbm>>
      tpu.enqueue_indirect_dma source(%dma_start3A_1123 : memref<200000x64xbf16, #tpu.memory_space<hbm>>) target(%dma_start3A_1118 : memref<40x64xbf16, #tpu.memory_space<vmem>>) offsets(%dma_start3A_1120 : memref<40xi32, #tpu.memory_space<vmem>>) semaphore(%arg21 : memref<!tpu.dma_semaphore, #tpu.memory_space<semaphore_mem>>)
      %dma_start3A_1124 = arith.constant 360 : i32
      %dma_start3A_1125 = arith.constant 0 : i32
      %dma_start3A_1126 = tpu.memref_slice %arg13[%dma_start3A_1124, %dma_start3A_1125] : memref<400x64xbf16, #tpu.memory_space<vmem>> -> memref<40x64xbf16, #tpu.memory_space<vmem>>
      %dma_start3A_1127 = arith.constant 360 : i32
      %dma_start3A_1128 = tpu.memref_slice %arg10[%dma_start3A_1127] : memref<400xi32, #tpu.memory_space<vmem>> -> memref<40xi32, #tpu.memory_space<vmem>>
      %dma_start3A_1129 = arith.constant 0 : i32
      %dma_start3A_1130 = arith.constant 0 : i32
      %dma_start3A_1131 = tpu.memref_slice %arg2[%dma_start3A_1129, %dma_start3A_1130] : memref<200000x64xbf16, #tpu.memory_space<hbm>> -> memref<200000x64xbf16, #tpu.memory_space<hbm>>
      tpu.enqueue_indirect_dma source(%dma_start3A_1131 : memref<200000x64xbf16, #tpu.memory_space<hbm>>) target(%dma_start3A_1126 : memref<40x64xbf16, #tpu.memory_space<vmem>>) offsets(%dma_start3A_1128 : memref<40xi32, #tpu.memory_space<vmem>>) semaphore(%arg21 : memref<!tpu.dma_semaphore, #tpu.memory_space<semaphore_mem>>)
      %mul3A_1132 = arith.constant 4000 : i32
      %mul3A_1133 = arith.muli %arg1, %mul3A_1132 : i32
      %add3A_1134 = arith.constant 2 : i32
      %add3A_1135 = arith.addi %rem3A_1048, %add3A_1134 : i32
      %rem3A_1136 = arith.constant 100 : i32
      %rem3A_1137 = arith.remsi %add3A_1135, %rem3A_1136 : i32
      %mul3A_1138 = arith.constant 40 : i32
      %mul3A_1139 = arith.muli %rem3A_1137, %mul3A_1138 : i32
      %add3A_1140 = arith.addi %mul3A_1133, %mul3A_1139 : i32
      %multiple_of3A_1141 = tpu.assume_multiple %add3A_1140, 8 : i32
      %mul3A_1142 = arith.constant 10 : i32
      %mul3A_1143 = arith.muli %multiple_of3A_1141, %mul3A_1142 : i32
      %multiple_of3A_1144 = tpu.assume_multiple %mul3A_1143, 8 : i32
      %dma_start3A_1145 = tpu.memref_slice %arg3[%multiple_of3A_1144] : memref<640000xi32, #tpu.memory_space<hbm>> -> memref<400xi32, #tpu.memory_space<hbm>>
      %dma_start3A_1146 = tpu.memref_slice %arg3[%multiple_of3A_1144] : memref<640000xi32, #tpu.memory_space<hbm>> -> memref<400xi32, #tpu.memory_space<hbm>>
      tpu.enqueue_dma source(%dma_start3A_1146 : memref<400xi32, #tpu.memory_space<hbm>>) target(%arg8 : memref<400xi32, #tpu.memory_space<vmem>>) target_semaphore(%arg21 : memref<!tpu.dma_semaphore, #tpu.memory_space<semaphore_mem>>)
      %dma_wait3A_1147 = arith.constant 0 : i32
      %dma_wait3A_1148 = arith.constant 0 : i32
      %dma_wait3A_1149 = tpu.memref_slice %arg14[%dma_wait3A_1147, %dma_wait3A_1148] : memref<400x64xbf16, #tpu.memory_space<vmem>> -> memref<40x64xbf16, #tpu.memory_space<vmem>>
      %dma_wait3A_1150 = arith.constant 0 : i32
      %dma_wait3A_1151 = arith.constant 0 : i32
      %dma_wait3A_1152 = tpu.memref_slice %arg2[%dma_wait3A_1150, %dma_wait3A_1151] : memref<200000x64xbf16, #tpu.memory_space<hbm>> -> memref<40x64xbf16, #tpu.memory_space<hbm>>
      %dma_wait3A_1153 = arith.constant 0 : i32
      %dma_wait3A_1154 = arith.constant 0 : i32
      %dma_wait3A_1155 = tpu.memref_slice %arg14[%dma_wait3A_1153, %dma_wait3A_1154] : memref<400x64xbf16, #tpu.memory_space<vmem>> -> memref<40x64xbf16, #tpu.memory_space<vmem>>
      %dma_wait3A_1156 = arith.constant 0 : i32
      %dma_wait3A_1157 = arith.constant 0 : i32
      %dma_wait3A_1158 = tpu.memref_slice %arg2[%dma_wait3A_1156, %dma_wait3A_1157] : memref<200000x64xbf16, #tpu.memory_space<hbm>> -> memref<40x64xbf16, #tpu.memory_space<hbm>>
      tpu.wait_dma2 semaphore(%arg22 : memref<!tpu.dma_semaphore, #tpu.memory_space<semaphore_mem>>) src(%dma_wait3A_1158 : memref<40x64xbf16, #tpu.memory_space<hbm>>) dst(%dma_wait3A_1155 : memref<40x64xbf16, #tpu.memory_space<vmem>>)
      %dma_wait3A_1159 = arith.constant 40 : i32
      %dma_wait3A_1160 = arith.constant 0 : i32
      %dma_wait3A_1161 = tpu.memref_slice %arg14[%dma_wait3A_1159, %dma_wait3A_1160] : memref<400x64xbf16, #tpu.memory_space<vmem>> -> memref<40x64xbf16, #tpu.memory_space<vmem>>
      %dma_wait3A_1162 = arith.constant 0 : i32
      %dma_wait3A_1163 = arith.constant 0 : i32
      %dma_wait3A_1164 = tpu.memref_slice %arg2[%dma_wait3A_1162, %dma_wait3A_1163] : memref<200000x64xbf16, #tpu.memory_space<hbm>> -> memref<40x64xbf16, #tpu.memory_space<hbm>>
      %dma_wait3A_1165 = arith.constant 40 : i32
      %dma_wait3A_1166 = arith.constant 0 : i32
      %dma_wait3A_1167 = tpu.memref_slice %arg14[%dma_wait3A_1165, %dma_wait3A_1166] : memref<400x64xbf16, #tpu.memory_space<vmem>> -> memref<40x64xbf16, #tpu.memory_space<vmem>>
      %dma_wait3A_1168 = arith.constant 0 : i32
      %dma_wait3A_1169 = arith.constant 0 : i32
      %dma_wait3A_1170 = tpu.memref_slice %arg2[%dma_wait3A_1168, %dma_wait3A_1169] : memref<200000x64xbf16, #tpu.memory_space<hbm>> -> memref<40x64xbf16, #tpu.memory_space<hbm>>
      tpu.wait_dma2 semaphore(%arg22 : memref<!tpu.dma_semaphore, #tpu.memory_space<semaphore_mem>>) src(%dma_wait3A_1170 : memref<40x64xbf16, #tpu.memory_space<hbm>>) dst(%dma_wait3A_1167 : memref<40x64xbf16, #tpu.memory_space<vmem>>)
      %dma_wait3A_1171 = arith.constant 80 : i32
      %dma_wait3A_1172 = arith.constant 0 : i32
      %dma_wait3A_1173 = tpu.memref_slice %arg14[%dma_wait3A_1171, %dma_wait3A_1172] : memref<400x64xbf16, #tpu.memory_space<vmem>> -> memref<40x64xbf16, #tpu.memory_space<vmem>>
      %dma_wait3A_1174 = arith.constant 0 : i32
      %dma_wait3A_1175 = arith.constant 0 : i32
      %dma_wait3A_1176 = tpu.memref_slice %arg2[%dma_wait3A_1174, %dma_wait3A_1175] : memref<200000x64xbf16, #tpu.memory_space<hbm>> -> memref<40x64xbf16, #tpu.memory_space<hbm>>
      %dma_wait3A_1177 = arith.constant 80 : i32
      %dma_wait3A_1178 = arith.constant 0 : i32
      %dma_wait3A_1179 = tpu.memref_slice %arg14[%dma_wait3A_1177, %dma_wait3A_1178] : memref<400x64xbf16, #tpu.memory_space<vmem>> -> memref<40x64xbf16, #tpu.memory_space<vmem>>
      %dma_wait3A_1180 = arith.constant 0 : i32
      %dma_wait3A_1181 = arith.constant 0 : i32
      %dma_wait3A_1182 = tpu.memref_slice %arg2[%dma_wait3A_1180, %dma_wait3A_1181] : memref<200000x64xbf16, #tpu.memory_space<hbm>> -> memref<40x64xbf16, #tpu.memory_space<hbm>>
      tpu.wait_dma2 semaphore(%arg22 : memref<!tpu.dma_semaphore, #tpu.memory_space<semaphore_mem>>) src(%dma_wait3A_1182 : memref<40x64xbf16, #tpu.memory_space<hbm>>) dst(%dma_wait3A_1179 : memref<40x64xbf16, #tpu.memory_space<vmem>>)
      %dma_wait3A_1183 = arith.constant 120 : i32
      %dma_wait3A_1184 = arith.constant 0 : i32
      %dma_wait3A_1185 = tpu.memref_slice %arg14[%dma_wait3A_1183, %dma_wait3A_1184] : memref<400x64xbf16, #tpu.memory_space<vmem>> -> memref<40x64xbf16, #tpu.memory_space<vmem>>
      %dma_wait3A_1186 = arith.constant 0 : i32
      %dma_wait3A_1187 = arith.constant 0 : i32
      %dma_wait3A_1188 = tpu.memref_slice %arg2[%dma_wait3A_1186, %dma_wait3A_1187] : memref<200000x64xbf16, #tpu.memory_space<hbm>> -> memref<40x64xbf16, #tpu.memory_space<hbm>>
      %dma_wait3A_1189 = arith.constant 120 : i32
      %dma_wait3A_1190 = arith.constant 0 : i32
      %dma_wait3A_1191 = tpu.memref_slice %arg14[%dma_wait3A_1189, %dma_wait3A_1190] : memref<400x64xbf16, #tpu.memory_space<vmem>> -> memref<40x64xbf16, #tpu.memory_space<vmem>>
      %dma_wait3A_1192 = arith.constant 0 : i32
      %dma_wait3A_1193 = arith.constant 0 : i32
      %dma_wait3A_1194 = tpu.memref_slice %arg2[%dma_wait3A_1192, %dma_wait3A_1193] : memref<200000x64xbf16, #tpu.memory_space<hbm>> -> memref<40x64xbf16, #tpu.memory_space<hbm>>
      tpu.wait_dma2 semaphore(%arg22 : memref<!tpu.dma_semaphore, #tpu.memory_space<semaphore_mem>>) src(%dma_wait3A_1194 : memref<40x64xbf16, #tpu.memory_space<hbm>>) dst(%dma_wait3A_1191 : memref<40x64xbf16, #tpu.memory_space<vmem>>)
      %dma_wait3A_1195 = arith.constant 160 : i32
      %dma_wait3A_1196 = arith.constant 0 : i32
      %dma_wait3A_1197 = tpu.memref_slice %arg14[%dma_wait3A_1195, %dma_wait3A_1196] : memref<400x64xbf16, #tpu.memory_space<vmem>> -> memref<40x64xbf16, #tpu.memory_space<vmem>>
      %dma_wait3A_1198 = arith.constant 0 : i32
      %dma_wait3A_1199 = arith.constant 0 : i32
      %dma_wait3A_1200 = tpu.memref_slice %arg2[%dma_wait3A_1198, %dma_wait3A_1199] : memref<200000x64xbf16, #tpu.memory_space<hbm>> -> memref<40x64xbf16, #tpu.memory_space<hbm>>
      %dma_wait3A_1201 = arith.constant 160 : i32
      %dma_wait3A_1202 = arith.constant 0 : i32
      %dma_wait3A_1203 = tpu.memref_slice %arg14[%dma_wait3A_1201, %dma_wait3A_1202] : memref<400x64xbf16, #tpu.memory_space<vmem>> -> memref<40x64xbf16, #tpu.memory_space<vmem>>
      %dma_wait3A_1204 = arith.constant 0 : i32
      %dma_wait3A_1205 = arith.constant 0 : i32
      %dma_wait3A_1206 = tpu.memref_slice %arg2[%dma_wait3A_1204, %dma_wait3A_1205] : memref<200000x64xbf16, #tpu.memory_space<hbm>> -> memref<40x64xbf16, #tpu.memory_space<hbm>>
      tpu.wait_dma2 semaphore(%arg22 : memref<!tpu.dma_semaphore, #tpu.memory_space<semaphore_mem>>) src(%dma_wait3A_1206 : memref<40x64xbf16, #tpu.memory_space<hbm>>) dst(%dma_wait3A_1203 : memref<40x64xbf16, #tpu.memory_space<vmem>>)
      %dma_wait3A_1207 = arith.constant 200 : i32
      %dma_wait3A_1208 = arith.constant 0 : i32
      %dma_wait3A_1209 = tpu.memref_slice %arg14[%dma_wait3A_1207, %dma_wait3A_1208] : memref<400x64xbf16, #tpu.memory_space<vmem>> -> memref<40x64xbf16, #tpu.memory_space<vmem>>
      %dma_wait3A_1210 = arith.constant 0 : i32
      %dma_wait3A_1211 = arith.constant 0 : i32
      %dma_wait3A_1212 = tpu.memref_slice %arg2[%dma_wait3A_1210, %dma_wait3A_1211] : memref<200000x64xbf16, #tpu.memory_space<hbm>> -> memref<40x64xbf16, #tpu.memory_space<hbm>>
      %dma_wait3A_1213 = arith.constant 200 : i32
      %dma_wait3A_1214 = arith.constant 0 : i32
      %dma_wait3A_1215 = tpu.memref_slice %arg14[%dma_wait3A_1213, %dma_wait3A_1214] : memref<400x64xbf16, #tpu.memory_space<vmem>> -> memref<40x64xbf16, #tpu.memory_space<vmem>>
      %dma_wait3A_1216 = arith.constant 0 : i32
      %dma_wait3A_1217 = arith.constant 0 : i32
      %dma_wait3A_1218 = tpu.memref_slice %arg2[%dma_wait3A_1216, %dma_wait3A_1217] : memref<200000x64xbf16, #tpu.memory_space<hbm>> -> memref<40x64xbf16, #tpu.memory_space<hbm>>
      tpu.wait_dma2 semaphore(%arg22 : memref<!tpu.dma_semaphore, #tpu.memory_space<semaphore_mem>>) src(%dma_wait3A_1218 : memref<40x64xbf16, #tpu.memory_space<hbm>>) dst(%dma_wait3A_1215 : memref<40x64xbf16, #tpu.memory_space<vmem>>)
      %dma_wait3A_1219 = arith.constant 240 : i32
      %dma_wait3A_1220 = arith.constant 0 : i32
      %dma_wait3A_1221 = tpu.memref_slice %arg14[%dma_wait3A_1219, %dma_wait3A_1220] : memref<400x64xbf16, #tpu.memory_space<vmem>> -> memref<40x64xbf16, #tpu.memory_space<vmem>>
      %dma_wait3A_1222 = arith.constant 0 : i32
      %dma_wait3A_1223 = arith.constant 0 : i32
      %dma_wait3A_1224 = tpu.memref_slice %arg2[%dma_wait3A_1222, %dma_wait3A_1223] : memref<200000x64xbf16, #tpu.memory_space<hbm>> -> memref<40x64xbf16, #tpu.memory_space<hbm>>
      %dma_wait3A_1225 = arith.constant 240 : i32
      %dma_wait3A_1226 = arith.constant 0 : i32
      %dma_wait3A_1227 = tpu.memref_slice %arg14[%dma_wait3A_1225, %dma_wait3A_1226] : memref<400x64xbf16, #tpu.memory_space<vmem>> -> memref<40x64xbf16, #tpu.memory_space<vmem>>
      %dma_wait3A_1228 = arith.constant 0 : i32
      %dma_wait3A_1229 = arith.constant 0 : i32
      %dma_wait3A_1230 = tpu.memref_slice %arg2[%dma_wait3A_1228, %dma_wait3A_1229] : memref<200000x64xbf16, #tpu.memory_space<hbm>> -> memref<40x64xbf16, #tpu.memory_space<hbm>>
      tpu.wait_dma2 semaphore(%arg22 : memref<!tpu.dma_semaphore, #tpu.memory_space<semaphore_mem>>) src(%dma_wait3A_1230 : memref<40x64xbf16, #tpu.memory_space<hbm>>) dst(%dma_wait3A_1227 : memref<40x64xbf16, #tpu.memory_space<vmem>>)
      %dma_wait3A_1231 = arith.constant 280 : i32
      %dma_wait3A_1232 = arith.constant 0 : i32
      %dma_wait3A_1233 = tpu.memref_slice %arg14[%dma_wait3A_1231, %dma_wait3A_1232] : memref<400x64xbf16, #tpu.memory_space<vmem>> -> memref<40x64xbf16, #tpu.memory_space<vmem>>
      %dma_wait3A_1234 = arith.constant 0 : i32
      %dma_wait3A_1235 = arith.constant 0 : i32
      %dma_wait3A_1236 = tpu.memref_slice %arg2[%dma_wait3A_1234, %dma_wait3A_1235] : memref<200000x64xbf16, #tpu.memory_space<hbm>> -> memref<40x64xbf16, #tpu.memory_space<hbm>>
      %dma_wait3A_1237 = arith.constant 280 : i32
      %dma_wait3A_1238 = arith.constant 0 : i32
      %dma_wait3A_1239 = tpu.memref_slice %arg14[%dma_wait3A_1237, %dma_wait3A_1238] : memref<400x64xbf16, #tpu.memory_space<vmem>> -> memref<40x64xbf16, #tpu.memory_space<vmem>>
      %dma_wait3A_1240 = arith.constant 0 : i32
      %dma_wait3A_1241 = arith.constant 0 : i32
      %dma_wait3A_1242 = tpu.memref_slice %arg2[%dma_wait3A_1240, %dma_wait3A_1241] : memref<200000x64xbf16, #tpu.memory_space<hbm>> -> memref<40x64xbf16, #tpu.memory_space<hbm>>
      tpu.wait_dma2 semaphore(%arg22 : memref<!tpu.dma_semaphore, #tpu.memory_space<semaphore_mem>>) src(%dma_wait3A_1242 : memref<40x64xbf16, #tpu.memory_space<hbm>>) dst(%dma_wait3A_1239 : memref<40x64xbf16, #tpu.memory_space<vmem>>)
      %dma_wait3A_1243 = arith.constant 320 : i32
      %dma_wait3A_1244 = arith.constant 0 : i32
      %dma_wait3A_1245 = tpu.memref_slice %arg14[%dma_wait3A_1243, %dma_wait3A_1244] : memref<400x64xbf16, #tpu.memory_space<vmem>> -> memref<40x64xbf16, #tpu.memory_space<vmem>>
      %dma_wait3A_1246 = arith.constant 0 : i32
      %dma_wait3A_1247 = arith.constant 0 : i32
      %dma_wait3A_1248 = tpu.memref_slice %arg2[%dma_wait3A_1246, %dma_wait3A_1247] : memref<200000x64xbf16, #tpu.memory_space<hbm>> -> memref<40x64xbf16, #tpu.memory_space<hbm>>
      %dma_wait3A_1249 = arith.constant 320 : i32
      %dma_wait3A_1250 = arith.constant 0 : i32
      %dma_wait3A_1251 = tpu.memref_slice %arg14[%dma_wait3A_1249, %dma_wait3A_1250] : memref<400x64xbf16, #tpu.memory_space<vmem>> -> memref<40x64xbf16, #tpu.memory_space<vmem>>
      %dma_wait3A_1252 = arith.constant 0 : i32
      %dma_wait3A_1253 = arith.constant 0 : i32
      %dma_wait3A_1254 = tpu.memref_slice %arg2[%dma_wait3A_1252, %dma_wait3A_1253] : memref<200000x64xbf16, #tpu.memory_space<hbm>> -> memref<40x64xbf16, #tpu.memory_space<hbm>>
      tpu.wait_dma2 semaphore(%arg22 : memref<!tpu.dma_semaphore, #tpu.memory_space<semaphore_mem>>) src(%dma_wait3A_1254 : memref<40x64xbf16, #tpu.memory_space<hbm>>) dst(%dma_wait3A_1251 : memref<40x64xbf16, #tpu.memory_space<vmem>>)
      %dma_wait3A_1255 = arith.constant 360 : i32
      %dma_wait3A_1256 = arith.constant 0 : i32
      %dma_wait3A_1257 = tpu.memref_slice %arg14[%dma_wait3A_1255, %dma_wait3A_1256] : memref<400x64xbf16, #tpu.memory_space<vmem>> -> memref<40x64xbf16, #tpu.memory_space<vmem>>
      %dma_wait3A_1258 = arith.constant 0 : i32
      %dma_wait3A_1259 = arith.constant 0 : i32
      %dma_wait3A_1260 = tpu.memref_slice %arg2[%dma_wait3A_1258, %dma_wait3A_1259] : memref<200000x64xbf16, #tpu.memory_space<hbm>> -> memref<40x64xbf16, #tpu.memory_space<hbm>>
      %dma_wait3A_1261 = arith.constant 360 : i32
      %dma_wait3A_1262 = arith.constant 0 : i32
      %dma_wait3A_1263 = tpu.memref_slice %arg14[%dma_wait3A_1261, %dma_wait3A_1262] : memref<400x64xbf16, #tpu.memory_space<vmem>> -> memref<40x64xbf16, #tpu.memory_space<vmem>>
      %dma_wait3A_1264 = arith.constant 0 : i32
      %dma_wait3A_1265 = arith.constant 0 : i32
      %dma_wait3A_1266 = tpu.memref_slice %arg2[%dma_wait3A_1264, %dma_wait3A_1265] : memref<200000x64xbf16, #tpu.memory_space<hbm>> -> memref<40x64xbf16, #tpu.memory_space<hbm>>
      tpu.wait_dma2 semaphore(%arg22 : memref<!tpu.dma_semaphore, #tpu.memory_space<semaphore_mem>>) src(%dma_wait3A_1266 : memref<40x64xbf16, #tpu.memory_space<hbm>>) dst(%dma_wait3A_1263 : memref<40x64xbf16, #tpu.memory_space<vmem>>)
      %dma_wait3A_1267 = arith.constant 0 : i32
      %dma_wait3A_1268 = tpu.memref_slice %arg3[%dma_wait3A_1267] : memref<640000xi32, #tpu.memory_space<hbm>> -> memref<400xi32, #tpu.memory_space<hbm>>
      %dma_wait3A_1269 = arith.constant 0 : i32
      %dma_wait3A_1270 = tpu.memref_slice %arg3[%dma_wait3A_1269] : memref<640000xi32, #tpu.memory_space<hbm>> -> memref<400xi32, #tpu.memory_space<hbm>>
      tpu.wait_dma2 semaphore(%arg22 : memref<!tpu.dma_semaphore, #tpu.memory_space<semaphore_mem>>) src(%dma_wait3A_1270 : memref<400xi32, #tpu.memory_space<hbm>>) dst(%arg9 : memref<400xi32, #tpu.memory_space<vmem>>)
      %parallel_loop3A_1271 = arith.constant 0 : i32
      %parallel_loop3A_1272 = arith.constant 40 : i32
      %parallel_loop3A_1273 = arith.constant 1 : i32
      scf.for %parallel_loop3A_1290 = %parallel_loop3A_1271 to %parallel_loop3A_1272 step %parallel_loop3A_1273  : i32 {
        %parallel_loop3A_1291 = arith.constant 10 : i32
        %parallel_loop3A_1292 = arith.muli %parallel_loop3A_1290, %parallel_loop3A_1291 : i32
        %parallel_loop3A_1293 = arith.constant 0 : i32
        %parallel_loop3A_1294 = arith.addi %parallel_loop3A_1292, %parallel_loop3A_1293 : i32
        %parallel_loop3A_1295 = arith.index_cast %parallel_loop3A_1294 : i32 to index
        %parallel_loop3A_1296 = arith.constant 0 : index
        %parallel_loop3A_1297 = tpu.vector_load %arg14[%parallel_loop3A_1295, %parallel_loop3A_1296] {strides = array<i32>} : memref<400x64xbf16, #tpu.memory_space<vmem>>, vector<32xbf16>,
        %parallel_loop3A_1298 = tpu.unpack_subelements %parallel_loop3A_1297, 0 {pack_format = #tpu.pack_format<interleaved>} : vector<32xbf16> -> vector<16xf32>
        %parallel_loop3A_1299 = tpu.unpack_subelements %parallel_loop3A_1297, 1 {pack_format = #tpu.pack_format<interleaved>} : vector<32xbf16> -> vector<16xf32>
        %parallel_loop3A_1300 = arith.constant 0 : i32
        %parallel_loop3A_1301 = arith.addi %parallel_loop3A_1292, %parallel_loop3A_1300 : i32
        %parallel_loop3A_1302 = arith.index_cast %parallel_loop3A_1301 : i32 to index
        %parallel_loop3A_1303 = arith.constant 32 : index
        %parallel_loop3A_1304 = tpu.vector_load %arg14[%parallel_loop3A_1302, %parallel_loop3A_1303] {strides = array<i32>} : memref<400x64xbf16, #tpu.memory_space<vmem>>, vector<32xbf16>,
        %parallel_loop3A_1305 = tpu.unpack_subelements %parallel_loop3A_1304, 0 {pack_format = #tpu.pack_format<interleaved>} : vector<32xbf16> -> vector<16xf32>
        %parallel_loop3A_1306 = tpu.unpack_subelements %parallel_loop3A_1304, 1 {pack_format = #tpu.pack_format<interleaved>} : vector<32xbf16> -> vector<16xf32>
        %parallel_loop3A_1307 = arith.constant 1 : i32
        %parallel_loop3A_1308 = arith.addi %parallel_loop3A_1292, %parallel_loop3A_1307 : i32
        %parallel_loop3A_1309 = arith.index_cast %parallel_loop3A_1308 : i32 to index
        %parallel_loop3A_1310 = arith.constant 0 : index
        %parallel_loop3A_1311 = tpu.vector_load %arg14[%parallel_loop3A_1309, %parallel_loop3A_1310] {strides = array<i32>} : memref<400x64xbf16, #tpu.memory_space<vmem>>, vector<32xbf16>,
        %parallel_loop3A_1312 = tpu.unpack_subelements %parallel_loop3A_1311, 0 {pack_format = #tpu.pack_format<interleaved>} : vector<32xbf16> -> vector<16xf32>
        %parallel_loop3A_1313 = tpu.unpack_subelements %parallel_loop3A_1311, 1 {pack_format = #tpu.pack_format<interleaved>} : vector<32xbf16> -> vector<16xf32>
        %parallel_loop3A_1314 = arith.constant 1 : i32
        %parallel_loop3A_1315 = arith.addi %parallel_loop3A_1292, %parallel_loop3A_1314 : i32
        %parallel_loop3A_1316 = arith.index_cast %parallel_loop3A_1315 : i32 to index
        %parallel_loop3A_1317 = arith.constant 32 : index
        %parallel_loop3A_1318 = tpu.vector_load %arg14[%parallel_loop3A_1316, %parallel_loop3A_1317] {strides = array<i32>} : memref<400x64xbf16, #tpu.memory_space<vmem>>, vector<32xbf16>,
        %parallel_loop3A_1319 = tpu.unpack_subelements %parallel_loop3A_1318, 0 {pack_format = #tpu.pack_format<interleaved>} : vector<32xbf16> -> vector<16xf32>
        %parallel_loop3A_1320 = tpu.unpack_subelements %parallel_loop3A_1318, 1 {pack_format = #tpu.pack_format<interleaved>} : vector<32xbf16> -> vector<16xf32>
        %parallel_loop3A_1321 = arith.addf %parallel_loop3A_1298, %parallel_loop3A_1312 : vector<16xf32>
        %parallel_loop3A_1322 = arith.addf %parallel_loop3A_1299, %parallel_loop3A_1313 : vector<16xf32>
        %parallel_loop3A_1323 = arith.addf %parallel_loop3A_1305, %parallel_loop3A_1319 : vector<16xf32>
        %parallel_loop3A_1324 = arith.addf %parallel_loop3A_1306, %parallel_loop3A_1320 : vector<16xf32>
        %parallel_loop3A_1325 = arith.constant 2 : i32
        %parallel_loop3A_1326 = arith.addi %parallel_loop3A_1292, %parallel_loop3A_1325 : i32
        %parallel_loop3A_1327 = arith.index_cast %parallel_loop3A_1326 : i32 to index
        %parallel_loop3A_1328 = arith.constant 0 : index
        %parallel_loop3A_1329 = tpu.vector_load %arg14[%parallel_loop3A_1327, %parallel_loop3A_1328] {strides = array<i32>} : memref<400x64xbf16, #tpu.memory_space<vmem>>, vector<32xbf16>,
        %parallel_loop3A_1330 = tpu.unpack_subelements %parallel_loop3A_1329, 0 {pack_format = #tpu.pack_format<interleaved>} : vector<32xbf16> -> vector<16xf32>
        %parallel_loop3A_1331 = tpu.unpack_subelements %parallel_loop3A_1329, 1 {pack_format = #tpu.pack_format<interleaved>} : vector<32xbf16> -> vector<16xf32>
        %parallel_loop3A_1332 = arith.constant 2 : i32
        %parallel_loop3A_1333 = arith.addi %parallel_loop3A_1292, %parallel_loop3A_1332 : i32
        %parallel_loop3A_1334 = arith.index_cast %parallel_loop3A_1333 : i32 to index
        %parallel_loop3A_1335 = arith.constant 32 : index
        %parallel_loop3A_1336 = tpu.vector_load %arg14[%parallel_loop3A_1334, %parallel_loop3A_1335] {strides = array<i32>} : memref<400x64xbf16, #tpu.memory_space<vmem>>, vector<32xbf16>,
        %parallel_loop3A_1337 = tpu.unpack_subelements %parallel_loop3A_1336, 0 {pack_format = #tpu.pack_format<interleaved>} : vector<32xbf16> -> vector<16xf32>
        %parallel_loop3A_1338 = tpu.unpack_subelements %parallel_loop3A_1336, 1 {pack_format = #tpu.pack_format<interleaved>} : vector<32xbf16> -> vector<16xf32>
        %parallel_loop3A_1339 = arith.addf %parallel_loop3A_1321, %parallel_loop3A_1330 : vector<16xf32>
        %parallel_loop3A_1340 = arith.addf %parallel_loop3A_1322, %parallel_loop3A_1331 : vector<16xf32>
        %parallel_loop3A_1341 = arith.addf %parallel_loop3A_1323, %parallel_loop3A_1337 : vector<16xf32>
        %parallel_loop3A_1342 = arith.addf %parallel_loop3A_1324, %parallel_loop3A_1338 : vector<16xf32>
        %parallel_loop3A_1343 = arith.constant 3 : i32
        %parallel_loop3A_1344 = arith.addi %parallel_loop3A_1292, %parallel_loop3A_1343 : i32
        %parallel_loop3A_1345 = arith.index_cast %parallel_loop3A_1344 : i32 to index
        %parallel_loop3A_1346 = arith.constant 0 : index
        %parallel_loop3A_1347 = tpu.vector_load %arg14[%parallel_loop3A_1345, %parallel_loop3A_1346] {strides = array<i32>} : memref<400x64xbf16, #tpu.memory_space<vmem>>, vector<32xbf16>,
        %parallel_loop3A_1348 = tpu.unpack_subelements %parallel_loop3A_1347, 0 {pack_format = #tpu.pack_format<interleaved>} : vector<32xbf16> -> vector<16xf32>
        %parallel_loop3A_1349 = tpu.unpack_subelements %parallel_loop3A_1347, 1 {pack_format = #tpu.pack_format<interleaved>} : vector<32xbf16> -> vector<16xf32>
        %parallel_loop3A_1350 = arith.constant 3 : i32
        %parallel_loop3A_1351 = arith.addi %parallel_loop3A_1292, %parallel_loop3A_1350 : i32
        %parallel_loop3A_1352 = arith.index_cast %parallel_loop3A_1351 : i32 to index
        %parallel_loop3A_1353 = arith.constant 32 : index
        %parallel_loop3A_1354 = tpu.vector_load %arg14[%parallel_loop3A_1352, %parallel_loop3A_1353] {strides = array<i32>} : memref<400x64xbf16, #tpu.memory_space<vmem>>, vector<32xbf16>,
        %parallel_loop3A_1355 = tpu.unpack_subelements %parallel_loop3A_1354, 0 {pack_format = #tpu.pack_format<interleaved>} : vector<32xbf16> -> vector<16xf32>
        %parallel_loop3A_1356 = tpu.unpack_subelements %parallel_loop3A_1354, 1 {pack_format = #tpu.pack_format<interleaved>} : vector<32xbf16> -> vector<16xf32>
        %parallel_loop3A_1357 = arith.addf %parallel_loop3A_1339, %parallel_loop3A_1348 : vector<16xf32>
        %parallel_loop3A_1358 = arith.addf %parallel_loop3A_1340, %parallel_loop3A_1349 : vector<16xf32>
        %parallel_loop3A_1359 = arith.addf %parallel_loop3A_1341, %parallel_loop3A_1355 : vector<16xf32>
        %parallel_loop3A_1360 = arith.addf %parallel_loop3A_1342, %parallel_loop3A_1356 : vector<16xf32>
        %parallel_loop3A_1361 = arith.constant 4 : i32
        %parallel_loop3A_1362 = arith.addi %parallel_loop3A_1292, %parallel_loop3A_1361 : i32
        %parallel_loop3A_1363 = arith.index_cast %parallel_loop3A_1362 : i32 to index
        %parallel_loop3A_1364 = arith.constant 0 : index
        %parallel_loop3A_1365 = tpu.vector_load %arg14[%parallel_loop3A_1363, %parallel_loop3A_1364] {strides = array<i32>} : memref<400x64xbf16, #tpu.memory_space<vmem>>, vector<32xbf16>,
        %parallel_loop3A_1366 = tpu.unpack_subelements %parallel_loop3A_1365, 0 {pack_format = #tpu.pack_format<interleaved>} : vector<32xbf16> -> vector<16xf32>
        %parallel_loop3A_1367 = tpu.unpack_subelements %parallel_loop3A_1365, 1 {pack_format = #tpu.pack_format<interleaved>} : vector<32xbf16> -> vector<16xf32>
        %parallel_loop3A_1368 = arith.constant 4 : i32
        %parallel_loop3A_1369 = arith.addi %parallel_loop3A_1292, %parallel_loop3A_1368 : i32
        %parallel_loop3A_1370 = arith.index_cast %parallel_loop3A_1369 : i32 to index
        %parallel_loop3A_1371 = arith.constant 32 : index
        %parallel_loop3A_1372 = tpu.vector_load %arg14[%parallel_loop3A_1370, %parallel_loop3A_1371] {strides = array<i32>} : memref<400x64xbf16, #tpu.memory_space<vmem>>, vector<32xbf16>,
        %parallel_loop3A_1373 = tpu.unpack_subelements %parallel_loop3A_1372, 0 {pack_format = #tpu.pack_format<interleaved>} : vector<32xbf16> -> vector<16xf32>
        %parallel_loop3A_1374 = tpu.unpack_subelements %parallel_loop3A_1372, 1 {pack_format = #tpu.pack_format<interleaved>} : vector<32xbf16> -> vector<16xf32>
        %parallel_loop3A_1375 = arith.addf %parallel_loop3A_1357, %parallel_loop3A_1366 : vector<16xf32>
        %parallel_loop3A_1376 = arith.addf %parallel_loop3A_1358, %parallel_loop3A_1367 : vector<16xf32>
        %parallel_loop3A_1377 = arith.addf %parallel_loop3A_1359, %parallel_loop3A_1373 : vector<16xf32>
        %parallel_loop3A_1378 = arith.addf %parallel_loop3A_1360, %parallel_loop3A_1374 : vector<16xf32>
        %parallel_loop3A_1379 = arith.constant 5 : i32
        %parallel_loop3A_1380 = arith.addi %parallel_loop3A_1292, %parallel_loop3A_1379 : i32
        %parallel_loop3A_1381 = arith.index_cast %parallel_loop3A_1380 : i32 to index
        %parallel_loop3A_1382 = arith.constant 0 : index
        %parallel_loop3A_1383 = tpu.vector_load %arg14[%parallel_loop3A_1381, %parallel_loop3A_1382] {strides = array<i32>} : memref<400x64xbf16, #tpu.memory_space<vmem>>, vector<32xbf16>,
        %parallel_loop3A_1384 = tpu.unpack_subelements %parallel_loop3A_1383, 0 {pack_format = #tpu.pack_format<interleaved>} : vector<32xbf16> -> vector<16xf32>
        %parallel_loop3A_1385 = tpu.unpack_subelements %parallel_loop3A_1383, 1 {pack_format = #tpu.pack_format<interleaved>} : vector<32xbf16> -> vector<16xf32>
        %parallel_loop3A_1386 = arith.constant 5 : i32
        %parallel_loop3A_1387 = arith.addi %parallel_loop3A_1292, %parallel_loop3A_1386 : i32
        %parallel_loop3A_1388 = arith.index_cast %parallel_loop3A_1387 : i32 to index
        %parallel_loop3A_1389 = arith.constant 32 : index
        %parallel_loop3A_1390 = tpu.vector_load %arg14[%parallel_loop3A_1388, %parallel_loop3A_1389] {strides = array<i32>} : memref<400x64xbf16, #tpu.memory_space<vmem>>, vector<32xbf16>,
        %parallel_loop3A_1391 = tpu.unpack_subelements %parallel_loop3A_1390, 0 {pack_format = #tpu.pack_format<interleaved>} : vector<32xbf16> -> vector<16xf32>
        %parallel_loop3A_1392 = tpu.unpack_subelements %parallel_loop3A_1390, 1 {pack_format = #tpu.pack_format<interleaved>} : vector<32xbf16> -> vector<16xf32>
        %parallel_loop3A_1393 = arith.addf %parallel_loop3A_1375, %parallel_loop3A_1384 : vector<16xf32>
        %parallel_loop3A_1394 = arith.addf %parallel_loop3A_1376, %parallel_loop3A_1385 : vector<16xf32>
        %parallel_loop3A_1395 = arith.addf %parallel_loop3A_1377, %parallel_loop3A_1391 : vector<16xf32>
        %parallel_loop3A_1396 = arith.addf %parallel_loop3A_1378, %parallel_loop3A_1392 : vector<16xf32>
        %parallel_loop3A_1397 = arith.constant 6 : i32
        %parallel_loop3A_1398 = arith.addi %parallel_loop3A_1292, %parallel_loop3A_1397 : i32
        %parallel_loop3A_1399 = arith.index_cast %parallel_loop3A_1398 : i32 to index
        %parallel_loop3A_1400 = arith.constant 0 : index
        %parallel_loop3A_1401 = tpu.vector_load %arg14[%parallel_loop3A_1399, %parallel_loop3A_1400] {strides = array<i32>} : memref<400x64xbf16, #tpu.memory_space<vmem>>, vector<32xbf16>,
        %parallel_loop3A_1402 = tpu.unpack_subelements %parallel_loop3A_1401, 0 {pack_format = #tpu.pack_format<interleaved>} : vector<32xbf16> -> vector<16xf32>
        %parallel_loop3A_1403 = tpu.unpack_subelements %parallel_loop3A_1401, 1 {pack_format = #tpu.pack_format<interleaved>} : vector<32xbf16> -> vector<16xf32>
        %parallel_loop3A_1404 = arith.constant 6 : i32
        %parallel_loop3A_1405 = arith.addi %parallel_loop3A_1292, %parallel_loop3A_1404 : i32
        %parallel_loop3A_1406 = arith.index_cast %parallel_loop3A_1405 : i32 to index
        %parallel_loop3A_1407 = arith.constant 32 : index
        %parallel_loop3A_1408 = tpu.vector_load %arg14[%parallel_loop3A_1406, %parallel_loop3A_1407] {strides = array<i32>} : memref<400x64xbf16, #tpu.memory_space<vmem>>, vector<32xbf16>,
        %parallel_loop3A_1409 = tpu.unpack_subelements %parallel_loop3A_1408, 0 {pack_format = #tpu.pack_format<interleaved>} : vector<32xbf16> -> vector<16xf32>
        %parallel_loop3A_1410 = tpu.unpack_subelements %parallel_loop3A_1408, 1 {pack_format = #tpu.pack_format<interleaved>} : vector<32xbf16> -> vector<16xf32>
        %parallel_loop3A_1411 = arith.addf %parallel_loop3A_1393, %parallel_loop3A_1402 : vector<16xf32>
        %parallel_loop3A_1412 = arith.addf %parallel_loop3A_1394, %parallel_loop3A_1403 : vector<16xf32>
        %parallel_loop3A_1413 = arith.addf %parallel_loop3A_1395, %parallel_loop3A_1409 : vector<16xf32>
        %parallel_loop3A_1414 = arith.addf %parallel_loop3A_1396, %parallel_loop3A_1410 : vector<16xf32>
        %parallel_loop3A_1415 = arith.constant 7 : i32
        %parallel_loop3A_1416 = arith.addi %parallel_loop3A_1292, %parallel_loop3A_1415 : i32
        %parallel_loop3A_1417 = arith.index_cast %parallel_loop3A_1416 : i32 to index
        %parallel_loop3A_1418 = arith.constant 0 : index
        %parallel_loop3A_1419 = tpu.vector_load %arg14[%parallel_loop3A_1417, %parallel_loop3A_1418] {strides = array<i32>} : memref<400x64xbf16, #tpu.memory_space<vmem>>, vector<32xbf16>,
        %parallel_loop3A_1420 = tpu.unpack_subelements %parallel_loop3A_1419, 0 {pack_format = #tpu.pack_format<interleaved>} : vector<32xbf16> -> vector<16xf32>
        %parallel_loop3A_1421 = tpu.unpack_subelements %parallel_loop3A_1419, 1 {pack_format = #tpu.pack_format<interleaved>} : vector<32xbf16> -> vector<16xf32>
        %parallel_loop3A_1422 = arith.constant 7 : i32
        %parallel_loop3A_1423 = arith.addi %parallel_loop3A_1292, %parallel_loop3A_1422 : i32
        %parallel_loop3A_1424 = arith.index_cast %parallel_loop3A_1423 : i32 to index
        %parallel_loop3A_1425 = arith.constant 32 : index
        %parallel_loop3A_1426 = tpu.vector_load %arg14[%parallel_loop3A_1424, %parallel_loop3A_1425] {strides = array<i32>} : memref<400x64xbf16, #tpu.memory_space<vmem>>, vector<32xbf16>,
        %parallel_loop3A_1427 = tpu.unpack_subelements %parallel_loop3A_1426, 0 {pack_format = #tpu.pack_format<interleaved>} : vector<32xbf16> -> vector<16xf32>
        %parallel_loop3A_1428 = tpu.unpack_subelements %parallel_loop3A_1426, 1 {pack_format = #tpu.pack_format<interleaved>} : vector<32xbf16> -> vector<16xf32>
        %parallel_loop3A_1429 = arith.addf %parallel_loop3A_1411, %parallel_loop3A_1420 : vector<16xf32>
        %parallel_loop3A_1430 = arith.addf %parallel_loop3A_1412, %parallel_loop3A_1421 : vector<16xf32>
        %parallel_loop3A_1431 = arith.addf %parallel_loop3A_1413, %parallel_loop3A_1427 : vector<16xf32>
        %parallel_loop3A_1432 = arith.addf %parallel_loop3A_1414, %parallel_loop3A_1428 : vector<16xf32>
        %parallel_loop3A_1433 = arith.constant 8 : i32
        %parallel_loop3A_1434 = arith.addi %parallel_loop3A_1292, %parallel_loop3A_1433 : i32
        %parallel_loop3A_1435 = arith.index_cast %parallel_loop3A_1434 : i32 to index
        %parallel_loop3A_1436 = arith.constant 0 : index
        %parallel_loop3A_1437 = tpu.vector_load %arg14[%parallel_loop3A_1435, %parallel_loop3A_1436] {strides = array<i32>} : memref<400x64xbf16, #tpu.memory_space<vmem>>, vector<32xbf16>,
        %parallel_loop3A_1438 = tpu.unpack_subelements %parallel_loop3A_1437, 0 {pack_format = #tpu.pack_format<interleaved>} : vector<32xbf16> -> vector<16xf32>
        %parallel_loop3A_1439 = tpu.unpack_subelements %parallel_loop3A_1437, 1 {pack_format = #tpu.pack_format<interleaved>} : vector<32xbf16> -> vector<16xf32>
        %parallel_loop3A_1440 = arith.constant 8 : i32
        %parallel_loop3A_1441 = arith.addi %parallel_loop3A_1292, %parallel_loop3A_1440 : i32
        %parallel_loop3A_1442 = arith.index_cast %parallel_loop3A_1441 : i32 to index
        %parallel_loop3A_1443 = arith.constant 32 : index
        %parallel_loop3A_1444 = tpu.vector_load %arg14[%parallel_loop3A_1442, %parallel_loop3A_1443] {strides = array<i32>} : memref<400x64xbf16, #tpu.memory_space<vmem>>, vector<32xbf16>,
        %parallel_loop3A_1445 = tpu.unpack_subelements %parallel_loop3A_1444, 0 {pack_format = #tpu.pack_format<interleaved>} : vector<32xbf16> -> vector<16xf32>
        %parallel_loop3A_1446 = tpu.unpack_subelements %parallel_loop3A_1444, 1 {pack_format = #tpu.pack_format<interleaved>} : vector<32xbf16> -> vector<16xf32>
        %parallel_loop3A_1447 = arith.addf %parallel_loop3A_1429, %parallel_loop3A_1438 : vector<16xf32>
        %parallel_loop3A_1448 = arith.addf %parallel_loop3A_1430, %parallel_loop3A_1439 : vector<16xf32>
        %parallel_loop3A_1449 = arith.addf %parallel_loop3A_1431, %parallel_loop3A_1445 : vector<16xf32>
        %parallel_loop3A_1450 = arith.addf %parallel_loop3A_1432, %parallel_loop3A_1446 : vector<16xf32>
        %parallel_loop3A_1451 = arith.constant 9 : i32
        %parallel_loop3A_1452 = arith.addi %parallel_loop3A_1292, %parallel_loop3A_1451 : i32
        %parallel_loop3A_1453 = arith.index_cast %parallel_loop3A_1452 : i32 to index
        %parallel_loop3A_1454 = arith.constant 0 : index
        %parallel_loop3A_1455 = tpu.vector_load %arg14[%parallel_loop3A_1453, %parallel_loop3A_1454] {strides = array<i32>} : memref<400x64xbf16, #tpu.memory_space<vmem>>, vector<32xbf16>,
        %parallel_loop3A_1456 = tpu.unpack_subelements %parallel_loop3A_1455, 0 {pack_format = #tpu.pack_format<interleaved>} : vector<32xbf16> -> vector<16xf32>
        %parallel_loop3A_1457 = tpu.unpack_subelements %parallel_loop3A_1455, 1 {pack_format = #tpu.pack_format<interleaved>} : vector<32xbf16> -> vector<16xf32>
        %parallel_loop3A_1458 = arith.constant 9 : i32
        %parallel_loop3A_1459 = arith.addi %parallel_loop3A_1292, %parallel_loop3A_1458 : i32
        %parallel_loop3A_1460 = arith.index_cast %parallel_loop3A_1459 : i32 to index
        %parallel_loop3A_1461 = arith.constant 32 : index
        %parallel_loop3A_1462 = tpu.vector_load %arg14[%parallel_loop3A_1460, %parallel_loop3A_1461] {strides = array<i32>} : memref<400x64xbf16, #tpu.memory_space<vmem>>, vector<32xbf16>,
        %parallel_loop3A_1463 = tpu.unpack_subelements %parallel_loop3A_1462, 0 {pack_format = #tpu.pack_format<interleaved>} : vector<32xbf16> -> vector<16xf32>
        %parallel_loop3A_1464 = tpu.unpack_subelements %parallel_loop3A_1462, 1 {pack_format = #tpu.pack_format<interleaved>} : vector<32xbf16> -> vector<16xf32>
        %parallel_loop3A_1465 = arith.addf %parallel_loop3A_1447, %parallel_loop3A_1456 : vector<16xf32>
        %parallel_loop3A_1466 = arith.addf %parallel_loop3A_1448, %parallel_loop3A_1457 : vector<16xf32>
        %parallel_loop3A_1467 = arith.addf %parallel_loop3A_1449, %parallel_loop3A_1463 : vector<16xf32>
        %parallel_loop3A_1468 = arith.addf %parallel_loop3A_1450, %parallel_loop3A_1464 : vector<16xf32>
        %parallel_loop3A_1469 = arith.constant 120 : i32
        %parallel_loop3A_1470 = arith.addi %parallel_loop3A_1469, %parallel_loop3A_1290 : i32
        %parallel_loop3A_1471 = arith.index_cast %parallel_loop3A_1470 : i32 to index
        %parallel_loop3A_1472 = arith.constant 0 : index
        %parallel_loop3A_1473 = tpu.vector_load %arg15[%parallel_loop3A_1471, %parallel_loop3A_1472] {strides = array<i32>} : memref<160x64xf32, #tpu.memory_space<vmem>>, vector<16xf32>,
        tpu.vector_store %arg15[%parallel_loop3A_1471, %parallel_loop3A_1472], %parallel_loop3A_1465 {strides = array<i32>} : memref<160x64xf32, #tpu.memory_space<vmem>>, vector<16xf32>,
        %parallel_loop3A_1474 = arith.constant 120 : i32
        %parallel_loop3A_1475 = arith.addi %parallel_loop3A_1474, %parallel_loop3A_1290 : i32
        %parallel_loop3A_1476 = arith.index_cast %parallel_loop3A_1475 : i32 to index
        %parallel_loop3A_1477 = arith.constant 16 : index
        %parallel_loop3A_1478 = tpu.vector_load %arg15[%parallel_loop3A_1476, %parallel_loop3A_1477] {strides = array<i32>} : memref<160x64xf32, #tpu.memory_space<vmem>>, vector<16xf32>,
        tpu.vector_store %arg15[%parallel_loop3A_1476, %parallel_loop3A_1477], %parallel_loop3A_1466 {strides = array<i32>} : memref<160x64xf32, #tpu.memory_space<vmem>>, vector<16xf32>,
        %parallel_loop3A_1479 = arith.constant 120 : i32
        %parallel_loop3A_1480 = arith.addi %parallel_loop3A_1479, %parallel_loop3A_1290 : i32
        %parallel_loop3A_1481 = arith.index_cast %parallel_loop3A_1480 : i32 to index
        %parallel_loop3A_1482 = arith.constant 32 : index
        %parallel_loop3A_1483 = tpu.vector_load %arg15[%parallel_loop3A_1481, %parallel_loop3A_1482] {strides = array<i32>} : memref<160x64xf32, #tpu.memory_space<vmem>>, vector<16xf32>,
        tpu.vector_store %arg15[%parallel_loop3A_1481, %parallel_loop3A_1482], %parallel_loop3A_1467 {strides = array<i32>} : memref<160x64xf32, #tpu.memory_space<vmem>>, vector<16xf32>,
        %parallel_loop3A_1484 = arith.constant 120 : i32
        %parallel_loop3A_1485 = arith.addi %parallel_loop3A_1484, %parallel_loop3A_1290 : i32
        %parallel_loop3A_1486 = arith.index_cast %parallel_loop3A_1485 : i32 to index
        %parallel_loop3A_1487 = arith.constant 48 : index
        %parallel_loop3A_1488 = tpu.vector_load %arg15[%parallel_loop3A_1486, %parallel_loop3A_1487] {strides = array<i32>} : memref<160x64xf32, #tpu.memory_space<vmem>>, vector<16xf32>,
        tpu.vector_store %arg15[%parallel_loop3A_1486, %parallel_loop3A_1487], %parallel_loop3A_1468 {strides = array<i32>} : memref<160x64xf32, #tpu.memory_space<vmem>>, vector<16xf32>,
      } {sc.loop_unroll_factor = 4 : i64, sc.parallel_access}
      %mul3A_1274 = arith.constant 64000 : i32
      %mul3A_1275 = arith.muli %arg0, %mul3A_1274 : i32
      %add3A_1276 = arith.addi %mul3A_1275, %multiple_of3A_349 : i32
      %multiple_of3A_1277 = tpu.assume_multiple %add3A_1276, 8 : i32
      %dma_start3A_1278 = arith.constant 0 : i32
      %dma_start3A_1279 = tpu.memref_slice %arg5[%multiple_of3A_1277, %dma_start3A_1278] : memref<128000x64xf32, #tpu.memory_space<hbm>> -> memref<160x64xf32, #tpu.memory_space<hbm>>
      %dma_start3A_1280 = arith.constant 0 : i32
      %dma_start3A_1281 = tpu.memref_slice %arg5[%multiple_of3A_1277, %dma_start3A_1280] : memref<128000x64xf32, #tpu.memory_space<hbm>> -> memref<160x64xf32, #tpu.memory_space<hbm>>
      tpu.enqueue_dma source(%arg15 : memref<160x64xf32, #tpu.memory_space<vmem>>) target(%dma_start3A_1281 : memref<160x64xf32, #tpu.memory_space<hbm>>) target_semaphore(%arg23 : memref<!tpu.dma_semaphore, #tpu.memory_space<semaphore_mem>>)
      %dma_start3A_1282 = arith.constant 0 : i32
      %dma_start3A_1283 = arith.constant 0 : i32
      %dma_start3A_1284 = tpu.memref_slice %arg19[%dma_start3A_1282, %dma_start3A_1283] : memref<10240x64xf32, #tpu.memory_space<vmem_shared>> -> memref<10240x64xf32, #tpu.memory_space<vmem_shared>>
      tpu.enqueue_indirect_dma source(%arg15 : memref<160x64xf32, #tpu.memory_space<vmem>>) target(%dma_start3A_1284 : memref<10240x64xf32, #tpu.memory_space<vmem_shared>>) offsets(%arg12 : memref<160xi32, #tpu.memory_space<vmem>>) semaphore(%arg24 : memref<!tpu.dma_semaphore, #tpu.memory_space<semaphore_mem>>) {add = true}
      %eq3A_1285 = arith.constant 0 : i32
      %eq3A_1286 = arith.cmpi eq, %arg0, %eq3A_1285 : i32
      %convert_element_type3A_1287 = arith.extui %eq3A_1286 : i1 to i32
      %cond3A_1288 = arith.constant 0 : i32
      %cond3A_1289 = arith.cmpi ne, %convert_element_type3A_1287, %cond3A_1288 : i32
      scf.if %cond3A_1289 {
        %dma_start3A_1290 = arith.constant 0 : i32
        %dma_start3A_1291 = arith.constant 0 : i32
        %dma_start3A_1292 = tpu.memref_slice %arg20[%dma_start3A_1290, %dma_start3A_1291] : memref<10240x16xf32, #tpu.memory_space<vmem_shared>> -> memref<10240x16xf32, #tpu.memory_space<vmem_shared>>
        tpu.enqueue_indirect_dma source(%arg16 : memref<160x16xf32, #tpu.memory_space<vmem>>) target(%dma_start3A_1292 : memref<10240x16xf32, #tpu.memory_space<vmem_shared>>) offsets(%arg12 : memref<160xi32, #tpu.memory_space<vmem>>) semaphore(%arg25 : memref<!tpu.dma_semaphore, #tpu.memory_space<semaphore_mem>>) {add = true}
      } else {
      }
    }
    %scan3A_171 = arith.constant 25 : i32
    %dma_wait3A = arith.constant 0 : i32
    %dma_wait3A_172 = arith.constant 0 : i32
    %dma_wait3A_173 = tpu.memref_slice %arg13[%dma_wait3A, %dma_wait3A_172] : memref<400x64xbf16, #tpu.memory_space<vmem>> -> memref<40x64xbf16, #tpu.memory_space<vmem>>
    %dma_wait3A_174 = arith.constant 0 : i32
    %dma_wait3A_175 = arith.constant 0 : i32
    %dma_wait3A_176 = tpu.memref_slice %arg2[%dma_wait3A_174, %dma_wait3A_175] : memref<200000x64xbf16, #tpu.memory_space<hbm>> -> memref<40x64xbf16, #tpu.memory_space<hbm>>
    %dma_wait3A_177 = arith.constant 0 : i32
    %dma_wait3A_178 = arith.constant 0 : i32
    %dma_wait3A_179 = tpu.memref_slice %arg13[%dma_wait3A_177, %dma_wait3A_178] : memref<400x64xbf16, #tpu.memory_space<vmem>> -> memref<40x64xbf16, #tpu.memory_space<vmem>>
    %dma_wait3A_180 = arith.constant 0 : i32
    %dma_wait3A_181 = arith.constant 0 : i32
    %dma_wait3A_182 = tpu.memref_slice %arg2[%dma_wait3A_180, %dma_wait3A_181] : memref<200000x64xbf16, #tpu.memory_space<hbm>> -> memref<40x64xbf16, #tpu.memory_space<hbm>>
    tpu.wait_dma2 semaphore(%arg21 : memref<!tpu.dma_semaphore, #tpu.memory_space<semaphore_mem>>) src(%dma_wait3A_182 : memref<40x64xbf16, #tpu.memory_space<hbm>>) dst(%dma_wait3A_179 : memref<40x64xbf16, #tpu.memory_space<vmem>>)
    %dma_wait3A_183 = arith.constant 40 : i32
    %dma_wait3A_184 = arith.constant 0 : i32
    %dma_wait3A_185 = tpu.memref_slice %arg13[%dma_wait3A_183, %dma_wait3A_184] : memref<400x64xbf16, #tpu.memory_space<vmem>> -> memref<40x64xbf16, #tpu.memory_space<vmem>>
    %dma_wait3A_186 = arith.constant 0 : i32
    %dma_wait3A_187 = arith.constant 0 : i32
    %dma_wait3A_188 = tpu.memref_slice %arg2[%dma_wait3A_186, %dma_wait3A_187] : memref<200000x64xbf16, #tpu.memory_space<hbm>> -> memref<40x64xbf16, #tpu.memory_space<hbm>>
    %dma_wait3A_189 = arith.constant 40 : i32
    %dma_wait3A_190 = arith.constant 0 : i32
    %dma_wait3A_191 = tpu.memref_slice %arg13[%dma_wait3A_189, %dma_wait3A_190] : memref<400x64xbf16, #tpu.memory_space<vmem>> -> memref<40x64xbf16, #tpu.memory_space<vmem>>
    %dma_wait3A_192 = arith.constant 0 : i32
    %dma_wait3A_193 = arith.constant 0 : i32
    %dma_wait3A_194 = tpu.memref_slice %arg2[%dma_wait3A_192, %dma_wait3A_193] : memref<200000x64xbf16, #tpu.memory_space<hbm>> -> memref<40x64xbf16, #tpu.memory_space<hbm>>
    tpu.wait_dma2 semaphore(%arg21 : memref<!tpu.dma_semaphore, #tpu.memory_space<semaphore_mem>>) src(%dma_wait3A_194 : memref<40x64xbf16, #tpu.memory_space<hbm>>) dst(%dma_wait3A_191 : memref<40x64xbf16, #tpu.memory_space<vmem>>)
    %dma_wait3A_195 = arith.constant 80 : i32
    %dma_wait3A_196 = arith.constant 0 : i32
    %dma_wait3A_197 = tpu.memref_slice %arg13[%dma_wait3A_195, %dma_wait3A_196] : memref<400x64xbf16, #tpu.memory_space<vmem>> -> memref<40x64xbf16, #tpu.memory_space<vmem>>
    %dma_wait3A_198 = arith.constant 0 : i32
    %dma_wait3A_199 = arith.constant 0 : i32
    %dma_wait3A_200 = tpu.memref_slice %arg2[%dma_wait3A_198, %dma_wait3A_199] : memref<200000x64xbf16, #tpu.memory_space<hbm>> -> memref<40x64xbf16, #tpu.memory_space<hbm>>
    %dma_wait3A_201 = arith.constant 80 : i32
    %dma_wait3A_202 = arith.constant 0 : i32
    %dma_wait3A_203 = tpu.memref_slice %arg13[%dma_wait3A_201, %dma_wait3A_202] : memref<400x64xbf16, #tpu.memory_space<vmem>> -> memref<40x64xbf16, #tpu.memory_space<vmem>>
    %dma_wait3A_204 = arith.constant 0 : i32
    %dma_wait3A_205 = arith.constant 0 : i32
    %dma_wait3A_206 = tpu.memref_slice %arg2[%dma_wait3A_204, %dma_wait3A_205] : memref<200000x64xbf16, #tpu.memory_space<hbm>> -> memref<40x64xbf16, #tpu.memory_space<hbm>>
    tpu.wait_dma2 semaphore(%arg21 : memref<!tpu.dma_semaphore, #tpu.memory_space<semaphore_mem>>) src(%dma_wait3A_206 : memref<40x64xbf16, #tpu.memory_space<hbm>>) dst(%dma_wait3A_203 : memref<40x64xbf16, #tpu.memory_space<vmem>>)
    %dma_wait3A_207 = arith.constant 120 : i32
    %dma_wait3A_208 = arith.constant 0 : i32
    %dma_wait3A_209 = tpu.memref_slice %arg13[%dma_wait3A_207, %dma_wait3A_208] : memref<400x64xbf16, #tpu.memory_space<vmem>> -> memref<40x64xbf16, #tpu.memory_space<vmem>>
    %dma_wait3A_210 = arith.constant 0 : i32
    %dma_wait3A_211 = arith.constant 0 : i32
    %dma_wait3A_212 = tpu.memref_slice %arg2[%dma_wait3A_210, %dma_wait3A_211] : memref<200000x64xbf16, #tpu.memory_space<hbm>> -> memref<40x64xbf16, #tpu.memory_space<hbm>>
    %dma_wait3A_213 = arith.constant 120 : i32
    %dma_wait3A_214 = arith.constant 0 : i32
    %dma_wait3A_215 = tpu.memref_slice %arg13[%dma_wait3A_213, %dma_wait3A_214] : memref<400x64xbf16, #tpu.memory_space<vmem>> -> memref<40x64xbf16, #tpu.memory_space<vmem>>
    %dma_wait3A_216 = arith.constant 0 : i32
    %dma_wait3A_217 = arith.constant 0 : i32
    %dma_wait3A_218 = tpu.memref_slice %arg2[%dma_wait3A_216, %dma_wait3A_217] : memref<200000x64xbf16, #tpu.memory_space<hbm>> -> memref<40x64xbf16, #tpu.memory_space<hbm>>
    tpu.wait_dma2 semaphore(%arg21 : memref<!tpu.dma_semaphore, #tpu.memory_space<semaphore_mem>>) src(%dma_wait3A_218 : memref<40x64xbf16, #tpu.memory_space<hbm>>) dst(%dma_wait3A_215 : memref<40x64xbf16, #tpu.memory_space<vmem>>)
    %dma_wait3A_219 = arith.constant 160 : i32
    %dma_wait3A_220 = arith.constant 0 : i32
    %dma_wait3A_221 = tpu.memref_slice %arg13[%dma_wait3A_219, %dma_wait3A_220] : memref<400x64xbf16, #tpu.memory_space<vmem>> -> memref<40x64xbf16, #tpu.memory_space<vmem>>
    %dma_wait3A_222 = arith.constant 0 : i32
    %dma_wait3A_223 = arith.constant 0 : i32
    %dma_wait3A_224 = tpu.memref_slice %arg2[%dma_wait3A_222, %dma_wait3A_223] : memref<200000x64xbf16, #tpu.memory_space<hbm>> -> memref<40x64xbf16, #tpu.memory_space<hbm>>
    %dma_wait3A_225 = arith.constant 160 : i32
    %dma_wait3A_226 = arith.constant 0 : i32
    %dma_wait3A_227 = tpu.memref_slice %arg13[%dma_wait3A_225, %dma_wait3A_226] : memref<400x64xbf16, #tpu.memory_space<vmem>> -> memref<40x64xbf16, #tpu.memory_space<vmem>>
    %dma_wait3A_228 = arith.constant 0 : i32
    %dma_wait3A_229 = arith.constant 0 : i32
    %dma_wait3A_230 = tpu.memref_slice %arg2[%dma_wait3A_228, %dma_wait3A_229] : memref<200000x64xbf16, #tpu.memory_space<hbm>> -> memref<40x64xbf16, #tpu.memory_space<hbm>>
    tpu.wait_dma2 semaphore(%arg21 : memref<!tpu.dma_semaphore, #tpu.memory_space<semaphore_mem>>) src(%dma_wait3A_230 : memref<40x64xbf16, #tpu.memory_space<hbm>>) dst(%dma_wait3A_227 : memref<40x64xbf16, #tpu.memory_space<vmem>>)
    %dma_wait3A_231 = arith.constant 200 : i32
    %dma_wait3A_232 = arith.constant 0 : i32
    %dma_wait3A_233 = tpu.memref_slice %arg13[%dma_wait3A_231, %dma_wait3A_232] : memref<400x64xbf16, #tpu.memory_space<vmem>> -> memref<40x64xbf16, #tpu.memory_space<vmem>>
    %dma_wait3A_234 = arith.constant 0 : i32
    %dma_wait3A_235 = arith.constant 0 : i32
    %dma_wait3A_236 = tpu.memref_slice %arg2[%dma_wait3A_234, %dma_wait3A_235] : memref<200000x64xbf16, #tpu.memory_space<hbm>> -> memref<40x64xbf16, #tpu.memory_space<hbm>>
    %dma_wait3A_237 = arith.constant 200 : i32
    %dma_wait3A_238 = arith.constant 0 : i32
    %dma_wait3A_239 = tpu.memref_slice %arg13[%dma_wait3A_237, %dma_wait3A_238] : memref<400x64xbf16, #tpu.memory_space<vmem>> -> memref<40x64xbf16, #tpu.memory_space<vmem>>
    %dma_wait3A_240 = arith.constant 0 : i32
    %dma_wait3A_241 = arith.constant 0 : i32
    %dma_wait3A_242 = tpu.memref_slice %arg2[%dma_wait3A_240, %dma_wait3A_241] : memref<200000x64xbf16, #tpu.memory_space<hbm>> -> memref<40x64xbf16, #tpu.memory_space<hbm>>
    tpu.wait_dma2 semaphore(%arg21 : memref<!tpu.dma_semaphore, #tpu.memory_space<semaphore_mem>>) src(%dma_wait3A_242 : memref<40x64xbf16, #tpu.memory_space<hbm>>) dst(%dma_wait3A_239 : memref<40x64xbf16, #tpu.memory_space<vmem>>)
    %dma_wait3A_243 = arith.constant 240 : i32
    %dma_wait3A_244 = arith.constant 0 : i32
    %dma_wait3A_245 = tpu.memref_slice %arg13[%dma_wait3A_243, %dma_wait3A_244] : memref<400x64xbf16, #tpu.memory_space<vmem>> -> memref<40x64xbf16, #tpu.memory_space<vmem>>
    %dma_wait3A_246 = arith.constant 0 : i32
    %dma_wait3A_247 = arith.constant 0 : i32
    %dma_wait3A_248 = tpu.memref_slice %arg2[%dma_wait3A_246, %dma_wait3A_247] : memref<200000x64xbf16, #tpu.memory_space<hbm>> -> memref<40x64xbf16, #tpu.memory_space<hbm>>
    %dma_wait3A_249 = arith.constant 240 : i32
    %dma_wait3A_250 = arith.constant 0 : i32
    %dma_wait3A_251 = tpu.memref_slice %arg13[%dma_wait3A_249, %dma_wait3A_250] : memref<400x64xbf16, #tpu.memory_space<vmem>> -> memref<40x64xbf16, #tpu.memory_space<vmem>>
    %dma_wait3A_252 = arith.constant 0 : i32
    %dma_wait3A_253 = arith.constant 0 : i32
    %dma_wait3A_254 = tpu.memref_slice %arg2[%dma_wait3A_252, %dma_wait3A_253] : memref<200000x64xbf16, #tpu.memory_space<hbm>> -> memref<40x64xbf16, #tpu.memory_space<hbm>>
    tpu.wait_dma2 semaphore(%arg21 : memref<!tpu.dma_semaphore, #tpu.memory_space<semaphore_mem>>) src(%dma_wait3A_254 : memref<40x64xbf16, #tpu.memory_space<hbm>>) dst(%dma_wait3A_251 : memref<40x64xbf16, #tpu.memory_space<vmem>>)
    %dma_wait3A_255 = arith.constant 280 : i32
    %dma_wait3A_256 = arith.constant 0 : i32
    %dma_wait3A_257 = tpu.memref_slice %arg13[%dma_wait3A_255, %dma_wait3A_256] : memref<400x64xbf16, #tpu.memory_space<vmem>> -> memref<40x64xbf16, #tpu.memory_space<vmem>>
    %dma_wait3A_258 = arith.constant 0 : i32
    %dma_wait3A_259 = arith.constant 0 : i32
    %dma_wait3A_260 = tpu.memref_slice %arg2[%dma_wait3A_258, %dma_wait3A_259] : memref<200000x64xbf16, #tpu.memory_space<hbm>> -> memref<40x64xbf16, #tpu.memory_space<hbm>>
    %dma_wait3A_261 = arith.constant 280 : i32
    %dma_wait3A_262 = arith.constant 0 : i32
    %dma_wait3A_263 = tpu.memref_slice %arg13[%dma_wait3A_261, %dma_wait3A_262] : memref<400x64xbf16, #tpu.memory_space<vmem>> -> memref<40x64xbf16, #tpu.memory_space<vmem>>
    %dma_wait3A_264 = arith.constant 0 : i32
    %dma_wait3A_265 = arith.constant 0 : i32
    %dma_wait3A_266 = tpu.memref_slice %arg2[%dma_wait3A_264, %dma_wait3A_265] : memref<200000x64xbf16, #tpu.memory_space<hbm>> -> memref<40x64xbf16, #tpu.memory_space<hbm>>
    tpu.wait_dma2 semaphore(%arg21 : memref<!tpu.dma_semaphore, #tpu.memory_space<semaphore_mem>>) src(%dma_wait3A_266 : memref<40x64xbf16, #tpu.memory_space<hbm>>) dst(%dma_wait3A_263 : memref<40x64xbf16, #tpu.memory_space<vmem>>)
    %dma_wait3A_267 = arith.constant 320 : i32
    %dma_wait3A_268 = arith.constant 0 : i32
    %dma_wait3A_269 = tpu.memref_slice %arg13[%dma_wait3A_267, %dma_wait3A_268] : memref<400x64xbf16, #tpu.memory_space<vmem>> -> memref<40x64xbf16, #tpu.memory_space<vmem>>
    %dma_wait3A_270 = arith.constant 0 : i32
    %dma_wait3A_271 = arith.constant 0 : i32
    %dma_wait3A_272 = tpu.memref_slice %arg2[%dma_wait3A_270, %dma_wait3A_271] : memref<200000x64xbf16, #tpu.memory_space<hbm>> -> memref<40x64xbf16, #tpu.memory_space<hbm>>
    %dma_wait3A_273 = arith.constant 320 : i32
    %dma_wait3A_274 = arith.constant 0 : i32
    %dma_wait3A_275 = tpu.memref_slice %arg13[%dma_wait3A_273, %dma_wait3A_274] : memref<400x64xbf16, #tpu.memory_space<vmem>> -> memref<40x64xbf16, #tpu.memory_space<vmem>>
    %dma_wait3A_276 = arith.constant 0 : i32
    %dma_wait3A_277 = arith.constant 0 : i32
    %dma_wait3A_278 = tpu.memref_slice %arg2[%dma_wait3A_276, %dma_wait3A_277] : memref<200000x64xbf16, #tpu.memory_space<hbm>> -> memref<40x64xbf16, #tpu.memory_space<hbm>>
    tpu.wait_dma2 semaphore(%arg21 : memref<!tpu.dma_semaphore, #tpu.memory_space<semaphore_mem>>) src(%dma_wait3A_278 : memref<40x64xbf16, #tpu.memory_space<hbm>>) dst(%dma_wait3A_275 : memref<40x64xbf16, #tpu.memory_space<vmem>>)
    %dma_wait3A_279 = arith.constant 360 : i32
    %dma_wait3A_280 = arith.constant 0 : i32
    %dma_wait3A_281 = tpu.memref_slice %arg13[%dma_wait3A_279, %dma_wait3A_280] : memref<400x64xbf16, #tpu.memory_space<vmem>> -> memref<40x64xbf16, #tpu.memory_space<vmem>>
    %dma_wait3A_282 = arith.constant 0 : i32
    %dma_wait3A_283 = arith.constant 0 : i32
    %dma_wait3A_284 = tpu.memref_slice %arg2[%dma_wait3A_282, %dma_wait3A_283] : memref<200000x64xbf16, #tpu.memory_space<hbm>> -> memref<40x64xbf16, #tpu.memory_space<hbm>>
    %dma_wait3A_285 = arith.constant 360 : i32
    %dma_wait3A_286 = arith.constant 0 : i32
    %dma_wait3A_287 = tpu.memref_slice %arg13[%dma_wait3A_285, %dma_wait3A_286] : memref<400x64xbf16, #tpu.memory_space<vmem>> -> memref<40x64xbf16, #tpu.memory_space<vmem>>
    %dma_wait3A_288 = arith.constant 0 : i32
    %dma_wait3A_289 = arith.constant 0 : i32
    %dma_wait3A_290 = tpu.memref_slice %arg2[%dma_wait3A_288, %dma_wait3A_289] : memref<200000x64xbf16, #tpu.memory_space<hbm>> -> memref<40x64xbf16, #tpu.memory_space<hbm>>
    tpu.wait_dma2 semaphore(%arg21 : memref<!tpu.dma_semaphore, #tpu.memory_space<semaphore_mem>>) src(%dma_wait3A_290 : memref<40x64xbf16, #tpu.memory_space<hbm>>) dst(%dma_wait3A_287 : memref<40x64xbf16, #tpu.memory_space<vmem>>)
    %dma_wait3A_291 = arith.constant 0 : i32
    %dma_wait3A_292 = tpu.memref_slice %arg3[%dma_wait3A_291] : memref<640000xi32, #tpu.memory_space<hbm>> -> memref<400xi32, #tpu.memory_space<hbm>>
    %dma_wait3A_293 = arith.constant 0 : i32
    %dma_wait3A_294 = tpu.memref_slice %arg3[%dma_wait3A_293] : memref<640000xi32, #tpu.memory_space<hbm>> -> memref<400xi32, #tpu.memory_space<hbm>>
    tpu.wait_dma2 semaphore(%arg21 : memref<!tpu.dma_semaphore, #tpu.memory_space<semaphore_mem>>) src(%dma_wait3A_294 : memref<400xi32, #tpu.memory_space<hbm>>) dst(%arg8 : memref<400xi32, #tpu.memory_space<vmem>>)
    %dma_wait3A_295 = arith.constant 0 : i32
    %dma_wait3A_296 = arith.constant 0 : i32
    %dma_wait3A_297 = tpu.memref_slice %arg5[%dma_wait3A_295, %dma_wait3A_296] : memref<128000x64xf32, #tpu.memory_space<hbm>> -> memref<160x64xf32, #tpu.memory_space<hbm>>
    %dma_wait3A_298 = arith.constant 0 : i32
    %dma_wait3A_299 = arith.constant 0 : i32
    %dma_wait3A_300 = tpu.memref_slice %arg5[%dma_wait3A_298, %dma_wait3A_299] : memref<128000x64xf32, #tpu.memory_space<hbm>> -> memref<160x64xf32, #tpu.memory_space<hbm>>
    tpu.wait_dma2 semaphore(%arg23 : memref<!tpu.dma_semaphore, #tpu.memory_space<semaphore_mem>>) src(%arg15 : memref<160x64xf32, #tpu.memory_space<vmem>>) dst(%dma_wait3A_300 : memref<160x64xf32, #tpu.memory_space<hbm>>)
    %dma_wait3A_301 = arith.constant 0 : i32
    %dma_wait3A_302 = arith.constant 0 : i32
    %dma_wait3A_303 = tpu.memref_slice %arg19[%dma_wait3A_301, %dma_wait3A_302] : memref<10240x64xf32, #tpu.memory_space<vmem_shared>> -> memref<160x64xf32, #tpu.memory_space<vmem_shared>>
    %dma_wait3A_304 = arith.constant 0 : i32
    %dma_wait3A_305 = arith.constant 0 : i32
    %dma_wait3A_306 = tpu.memref_slice %arg19[%dma_wait3A_304, %dma_wait3A_305] : memref<10240x64xf32, #tpu.memory_space<vmem_shared>> -> memref<160x64xf32, #tpu.memory_space<vmem_shared>>
    tpu.wait_dma2 semaphore(%arg24 : memref<!tpu.dma_semaphore, #tpu.memory_space<semaphore_mem>>) src(%arg15 : memref<160x64xf32, #tpu.memory_space<vmem>>) dst(%dma_wait3A_306 : memref<160x64xf32, #tpu.memory_space<vmem_shared>>)
    %eq3A_307 = arith.constant 0 : i32
    %eq3A_308 = arith.cmpi eq, %arg0, %eq3A_307 : i32
    %convert_element_type3A_309 = arith.extui %eq3A_308 : i1 to i32
    %cond3A_310 = arith.constant 0 : i32
    %cond3A_311 = arith.cmpi ne, %convert_element_type3A_309, %cond3A_310 : i32
    scf.if %cond3A_311 {
      %dma_wait3A_324 = arith.constant 0 : i32
      %dma_wait3A_325 = arith.constant 0 : i32
      %dma_wait3A_326 = tpu.memref_slice %arg20[%dma_wait3A_324, %dma_wait3A_325] : memref<10240x16xf32, #tpu.memory_space<vmem_shared>> -> memref<160x16xf32, #tpu.memory_space<vmem_shared>>
      %dma_wait3A_327 = arith.constant 0 : i32
      %dma_wait3A_328 = arith.constant 0 : i32
      %dma_wait3A_329 = tpu.memref_slice %arg20[%dma_wait3A_327, %dma_wait3A_328] : memref<10240x16xf32, #tpu.memory_space<vmem_shared>> -> memref<160x16xf32, #tpu.memory_space<vmem_shared>>
      tpu.wait_dma2 semaphore(%arg25 : memref<!tpu.dma_semaphore, #tpu.memory_space<semaphore_mem>>) src(%arg16 : memref<160x16xf32, #tpu.memory_space<vmem>>) dst(%dma_wait3A_329 : memref<160x16xf32, #tpu.memory_space<vmem_shared>>)
    } else {
    }
    %barrier3A_312 = arith.constant 0 : index
    tpu.barrier barrier_id(%barrier3A_312)
    %mul3A_313 = arith.constant 640 : i32
    %mul3A_314 = arith.muli %arg1, %mul3A_313 : i32
    %multiple_of3A_315 = tpu.assume_multiple %mul3A_314, 8 : i32
    %mul3A_316 = arith.constant 10240 : i32
    %mul3A_317 = arith.muli %arg0, %mul3A_316 : i32
    %add3A_318 = arith.addi %mul3A_317, %multiple_of3A_315 : i32
    %multiple_of3A_319 = tpu.assume_multiple %add3A_318, 8 : i32
    "tpu.region"() ({
      %run_scoped3A = tpu.sem_alloc : memref<!tpu.dma_semaphore, #tpu.memory_space<semaphore_mem>>
      %dma_start3A_324 = arith.constant 0 : i32
      %dma_start3A_325 = tpu.memref_slice %arg6[%multiple_of3A_319, %dma_start3A_324] : memref<20480x64xf32, #tpu.memory_space<hbm>> -> memref<640x64xf32, #tpu.memory_space<hbm>>
      %dma_start3A_326 = arith.constant 0 : i32
      %dma_start3A_327 = tpu.memref_slice %arg19[%multiple_of3A_315, %dma_start3A_326] : memref<10240x64xf32, #tpu.memory_space<vmem_shared>> -> memref<640x64xf32, #tpu.memory_space<vmem_shared>>
      tpu.enqueue_dma source(%dma_start3A_327 : memref<640x64xf32, #tpu.memory_space<vmem_shared>>) target(%dma_start3A_325 : memref<640x64xf32, #tpu.memory_space<hbm>>) target_semaphore(%run_scoped3A : memref<!tpu.dma_semaphore, #tpu.memory_space<semaphore_mem>>)
      %dma_wait3A_328 = arith.constant 0 : i32
      %dma_wait3A_329 = tpu.memref_slice %arg6[%multiple_of3A_319, %dma_wait3A_328] : memref<20480x64xf32, #tpu.memory_space<hbm>> -> memref<640x64xf32, #tpu.memory_space<hbm>>
      %dma_wait3A_330 = arith.constant 0 : i32
      %dma_wait3A_331 = tpu.memref_slice %arg19[%multiple_of3A_315, %dma_wait3A_330] : memref<10240x64xf32, #tpu.memory_space<vmem_shared>> -> memref<640x64xf32, #tpu.memory_space<vmem_shared>>
      tpu.wait_dma2 semaphore(%run_scoped3A : memref<!tpu.dma_semaphore, #tpu.memory_space<semaphore_mem>>) src(%dma_wait3A_331 : memref<640x64xf32, #tpu.memory_space<vmem_shared>>) dst(%dma_wait3A_329 : memref<640x64xf32, #tpu.memory_space<hbm>>)
      tpu.yield
    }) : () -> ()
    %mul3A_320 = arith.constant 10240 : i32
    %mul3A_321 = arith.muli %arg0, %mul3A_320 : i32
    %add3A_322 = arith.addi %mul3A_321, %multiple_of3A_315 : i32
    %multiple_of3A_323 = tpu.assume_multiple %add3A_322, 8 : i32
    "tpu.region"() ({
      %run_scoped3A = tpu.sem_alloc : memref<!tpu.dma_semaphore, #tpu.memory_space<semaphore_mem>>
      %dma_start3A_324 = arith.constant 0 : i32
      %dma_start3A_325 = tpu.memref_slice %arg7[%multiple_of3A_323, %dma_start3A_324] : memref<20480x16xf32, #tpu.memory_space<hbm>> -> memref<640x16xf32, #tpu.memory_space<hbm>>
      %dma_start3A_326 = arith.constant 0 : i32
      %dma_start3A_327 = tpu.memref_slice %arg20[%multiple_of3A_315, %dma_start3A_326] : memref<10240x16xf32, #tpu.memory_space<vmem_shared>> -> memref<640x16xf32, #tpu.memory_space<vmem_shared>>
      tpu.enqueue_dma source(%dma_start3A_327 : memref<640x16xf32, #tpu.memory_space<vmem_shared>>) target(%dma_start3A_325 : memref<640x16xf32, #tpu.memory_space<hbm>>) target_semaphore(%run_scoped3A : memref<!tpu.dma_semaphore, #tpu.memory_space<semaphore_mem>>)
      %dma_wait3A_328 = arith.constant 0 : i32
      %dma_wait3A_329 = tpu.memref_slice %arg7[%multiple_of3A_323, %dma_wait3A_328] : memref<20480x16xf32, #tpu.memory_space<hbm>> -> memref<640x16xf32, #tpu.memory_space<hbm>>
      %dma_wait3A_330 = arith.constant 0 : i32
      %dma_wait3A_331 = tpu.memref_slice %arg20[%multiple_of3A_315, %dma_wait3A_330] : memref<10240x16xf32, #tpu.memory_space<vmem_shared>> -> memref<640x16xf32, #tpu.memory_space<vmem_shared>>
      tpu.wait_dma2 semaphore(%run_scoped3A : memref<!tpu.dma_semaphore, #tpu.memory_space<semaphore_mem>>) src(%dma_wait3A_331 : memref<640x16xf32, #tpu.memory_space<vmem_shared>>) dst(%dma_wait3A_329 : memref<640x16xf32, #tpu.memory_space<hbm>>)
      tpu.yield
    }) : () -> ()
    return
  }
}

module attributes {stable_mosaic.version = 14 : i64} {
  func.func @_tables_body(%arg0: i32, %arg1: i32, %arg2: i32, %arg3: memref<2000x128xf32, #tpu.memory_space<vmem>>, %arg4: memref<1x64x128xf32, #tpu.memory_space<vmem>>, %arg5: memref<1x1x64xf32, #tpu.memory_space<vmem>>, %arg6: memref<2000x64xbf16, #tpu.memory_space<vmem>>) attributes {dimension_semantics = [#tpu.dimension_semantics<arbitrary>, #tpu.dimension_semantics<arbitrary>, #tpu.dimension_semantics<arbitrary>], iteration_bounds = array<i64: 2, 10, 5>, scalar_prefetch = 0 : i64, scratch_operands = 0 : i64, tpu.core_type = #tpu.core_type<tc>, window_params = [{transform_indices = @transform_0, window_bounds = array<i64: 2000, 128>}, {transform_indices = @transform_1, window_bounds = array<i64: 1, 64, 128>}, {transform_indices = @transform_2, window_bounds = array<i64: 1, 1, 64>}, {transform_indices = @transform_3, window_bounds = array<i64: 2000, 64>}]} {
    %get3A = arith.constant 0 : index
    %get3A_0 = arith.constant 0 : index
    %get3A_1 = arith.constant 0 : index
    %get3A_2 = vector.load %arg4[%get3A, %get3A_0, %get3A_1] : memref<1x64x128xf32, #tpu.memory_space<vmem>>, vector<1x64x128xf32>
    %reshape3A = vector.shape_cast %get3A_2 : vector<1x64x128xf32> to vector<64x128xf32>
    %get3A_3 = arith.constant 0 : index
    %get3A_4 = arith.constant 0 : index
    %get3A_5 = vector.load %arg3[%get3A_3, %get3A_4] : memref<2000x128xf32, #tpu.memory_space<vmem>>, vector<2000x128xf32>
    %dot_general3A = arith.constant dense<0.000000e+00> : vector<2000x64xf32>
    %dot_general3A_6 = tpu.matmul %get3A_5, %reshape3A, %dot_general3A {dimension_numbers = #tpu.dot_dimension_numbers<[1], [1], [0], [0], [0, 0, 1, 0], [], []>, transpose_lhs_hint = false} : vector<2000x128xf32>, vector<64x128xf32>, vector<2000x64xf32> -> vector<2000x64xf32>
    %mul3A = arith.constant 5.000000e-01 : f32
    %mul3A_7 = vector.broadcast %mul3A : f32 to vector<2000x64xf32>
    %mul3A_8 = arith.mulf %dot_general3A_6, %mul3A_7 : vector<2000x64xf32>
    %eq3A = arith.constant 0 : i32
    %eq3A_9 = arith.cmpi eq, %arg1, %eq3A : i32
    %convert_element_type3A = arith.extui %eq3A_9 : i1 to i32
    %cond3A = arith.constant 0 : i32
    %cond3A_10 = arith.cmpi ne, %convert_element_type3A, %cond3A : i32
    scf.if %cond3A_10 {
      %get3A_15 = arith.constant 0 : index
      %get3A_16 = arith.constant 0 : index
      %get3A_17 = arith.constant 0 : index
      %get3A_18 = vector.load %arg5[%get3A_15, %get3A_16, %get3A_17] : memref<1x1x64xf32, #tpu.memory_space<vmem>>, vector<1x1x64xf32>
      %reshape3A_19 = vector.shape_cast %get3A_18 : vector<1x1x64xf32> to vector<1x64xf32>
      %add3A = vector.broadcast %reshape3A_19 : vector<1x64xf32> to vector<2000x64xf32>
      %add3A_20 = arith.addf %mul3A_8, %add3A : vector<2000x64xf32>
      %convert_element_type3A_21 = arith.truncf %add3A_20 : vector<2000x64xf32> to vector<2000x64xbf16>
      %swap3A = arith.constant 0 : index
      %swap3A_22 = arith.constant 0 : index
      %swap3A_23 = vector.load %arg6[%swap3A, %swap3A_22] : memref<2000x64xbf16, #tpu.memory_space<vmem>>, vector<2000x64xbf16>
      tpu.vector_store %arg6[%swap3A, %swap3A_22], %convert_element_type3A_21 {strides = array<i32>} : memref<2000x64xbf16, #tpu.memory_space<vmem>>, vector<2000x64xbf16>,
    } else {
    }
    %ne3A = arith.constant 0 : i32
    %ne3A_11 = arith.cmpi ne, %arg1, %ne3A : i32
    %convert_element_type3A_12 = arith.extui %ne3A_11 : i1 to i32
    %cond3A_13 = arith.constant 0 : i32
    %cond3A_14 = arith.cmpi ne, %convert_element_type3A_12, %cond3A_13 : i32
    scf.if %cond3A_14 {
      %convert_element_type3A_15 = arith.truncf %mul3A_8 : vector<2000x64xf32> to vector<2000x64xbf16>
      %swap3A = arith.constant 0 : index
      %swap3A_16 = arith.constant 0 : index
      %swap3A_17 = vector.load %arg6[%swap3A, %swap3A_16] : memref<2000x64xbf16, #tpu.memory_space<vmem>>, vector<2000x64xbf16>
      tpu.vector_store %arg6[%swap3A, %swap3A_16], %convert_element_type3A_15 {strides = array<i32>} : memref<2000x64xbf16, #tpu.memory_space<vmem>>, vector<2000x64xbf16>,
    } else {
    }
    return
  }
  func.func @transform_0(%arg0: i32, %arg1: i32, %arg2: i32) -> (i32, i32) {
    %c0_i32 = arith.constant 0 : i32
    %c0_i32_0 = arith.constant 0 : i32
    return %arg2, %c0_i32 : i32, i32
  }
  func.func @transform_1(%arg0: i32, %arg1: i32, %arg2: i32) -> (i32, i32, i32) {
    %c0_i32 = arith.constant 0 : i32
    %c0_i32_0 = arith.constant 0 : i32
    return %arg1, %arg0, %c0_i32 : i32, i32, i32
  }
  func.func @transform_2(%arg0: i32, %arg1: i32, %arg2: i32) -> (i32, i32, i32) {
    %c0_i32 = arith.constant 0 : i32
    %c0_i32_0 = arith.constant 0 : i32
    %c0_i32_1 = arith.constant 0 : i32
    return %arg0, %c0_i32, %c0_i32_0 : i32, i32, i32
  }
  func.func @transform_3(%arg0: i32, %arg1: i32, %arg2: i32) -> (i32, i32) {
    %mul3A = arith.constant 10 : i32
    %mul3A_0 = arith.muli %arg0, %mul3A : i32
    %mul3A_1 = arith.constant 5 : i32
    %mul3A_2 = arith.muli %mul3A_0, %mul3A_1 : i32
    %mul3A_3 = arith.constant 5 : i32
    %mul3A_4 = arith.muli %arg1, %mul3A_3 : i32
    %add3A = arith.addi %mul3A_2, %mul3A_4 : i32
    %add3A_5 = arith.addi %add3A, %arg2 : i32
    %c0_i32 = arith.constant 0 : i32
    %c0_i32_6 = arith.constant 0 : i32
    return %add3A_5, %c0_i32 : i32, i32
  }
}

module attributes {stable_mosaic.version = 14 : i64} {
  func.func @_asm_body(%arg0: i32, %arg1: memref<2x2000x64xf32, #tpu.memory_space<vmem>>, %arg2: memref<2000x128xf32, #tpu.memory_space<vmem>>) attributes {dimension_semantics = [#tpu.dimension_semantics<arbitrary>], iteration_bounds = array<i64: 32>, scalar_prefetch = 0 : i64, scratch_operands = 0 : i64, tpu.core_type = #tpu.core_type<tc>, window_params = [{transform_indices = @transform_0, window_bounds = array<i64: 2, 2000, 64>}, {transform_indices = @transform_1, window_bounds = array<i64: 2000, 128>}]} {
    %get3A = arith.constant 0 : index
    %get3A_0 = arith.constant 0 : index
    %get3A_1 = arith.constant 0 : index
    %get3A_2 = vector.load %arg1[%get3A, %get3A_0, %get3A_1] : memref<2x2000x64xf32, #tpu.memory_space<vmem>>, vector<2x2000x64xf32>
    %slice3A = vector.extract_strided_slice %get3A_2 {offsets = [0, 0, 0], sizes = [1, 2000, 64], strides = [1, 1, 1]} : vector<2x2000x64xf32> to vector<1x2000x64xf32>
    %squeeze3A = vector.shape_cast %slice3A : vector<1x2000x64xf32> to vector<2000x64xf32>
    %slice3A_3 = vector.extract_strided_slice %get3A_2 {offsets = [1, 0, 0], sizes = [1, 2000, 64], strides = [1, 1, 1]} : vector<2x2000x64xf32> to vector<1x2000x64xf32>
    %squeeze3A_4 = vector.shape_cast %slice3A_3 : vector<1x2000x64xf32> to vector<2000x64xf32>
    %concatenate3A = tpu.concatenate %squeeze3A, %squeeze3A_4 in 1 : vector<2000x64xf32>, vector<2000x64xf32> -> vector<2000x128xf32>
    %swap3A = arith.constant 0 : index
    %swap3A_5 = arith.constant 0 : index
    %swap3A_6 = vector.load %arg2[%swap3A, %swap3A_5] : memref<2000x128xf32, #tpu.memory_space<vmem>>, vector<2000x128xf32>
    tpu.vector_store %arg2[%swap3A, %swap3A_5], %concatenate3A {strides = array<i32>} : memref<2000x128xf32, #tpu.memory_space<vmem>>, vector<2000x128xf32>,
    return
  }
  func.func @transform_0(%arg0: i32) -> (i32, i32, i32) {
    %c0_i32 = arith.constant 0 : i32
    %c0_i32_0 = arith.constant 0 : i32
    %c0_i32_1 = arith.constant 0 : i32
    return %c0_i32, %arg0, %c0_i32_0 : i32, i32, i32
  }
  func.func @transform_1(%arg0: i32) -> (i32, i32) {
    %c0_i32 = arith.constant 0 : i32
    %c0_i32_0 = arith.constant 0 : i32
    return %arg0, %c0_i32 : i32, i32
  }
}

module attributes {stable_mosaic.version = 14 : i64} {
  func.func @_final_body(%arg0: i32, %arg1: memref<2x2000x64xf32, #tpu.memory_space<vmem>>, %arg2: memref<2x2000x16xf32, #tpu.memory_space<vmem>>, %arg3: memref<2000x128xf32, #tpu.memory_space<vmem>>) attributes {dimension_semantics = [#tpu.dimension_semantics<arbitrary>], iteration_bounds = array<i64: 5>, scalar_prefetch = 0 : i64, scratch_operands = 0 : i64, tpu.core_type = #tpu.core_type<tc>, window_params = [{transform_indices = @transform_0, window_bounds = array<i64: 2, 2000, 64>}, {transform_indices = @transform_1, window_bounds = array<i64: 2, 2000, 16>}, {transform_indices = @transform_2, window_bounds = array<i64: 2000, 128>}]} {
    %get3A = arith.constant 0 : index
    %get3A_0 = arith.constant 0 : index
    %get3A_1 = arith.constant 0 : index
    %get3A_2 = vector.load %arg1[%get3A, %get3A_0, %get3A_1] : memref<2x2000x64xf32, #tpu.memory_space<vmem>>, vector<2x2000x64xf32>
    %get3A_3 = arith.constant 0 : index
    %get3A_4 = arith.constant 0 : index
    %get3A_5 = arith.constant 0 : index
    %get3A_6 = vector.load %arg2[%get3A_3, %get3A_4, %get3A_5] : memref<2x2000x16xf32, #tpu.memory_space<vmem>>, vector<2x2000x16xf32>
    %reduce_sum3A = arith.constant dense<0.000000e+00> : vector<2000xf32>
    %reduce_sum3A_7 = vector.multi_reduction <add>, %get3A_6, %reduce_sum3A [0, 2] : vector<2x2000x16xf32> to vector<2000xf32>
    %mul3A = arith.constant 6.250000e-02 : f32
    %mul3A_8 = vector.broadcast %mul3A : f32 to vector<2000xf32>
    %mul3A_9 = arith.mulf %reduce_sum3A_7, %mul3A_8 : vector<2000xf32>
    %slice3A = vector.extract_strided_slice %get3A_2 {offsets = [0, 0, 0], sizes = [1, 2000, 64], strides = [1, 1, 1]} : vector<2x2000x64xf32> to vector<1x2000x64xf32>
    %squeeze3A = vector.shape_cast %slice3A : vector<1x2000x64xf32> to vector<2000x64xf32>
    %slice3A_10 = vector.extract_strided_slice %get3A_2 {offsets = [1, 0, 0], sizes = [1, 2000, 64], strides = [1, 1, 1]} : vector<2x2000x64xf32> to vector<1x2000x64xf32>
    %squeeze3A_11 = vector.shape_cast %slice3A_10 : vector<1x2000x64xf32> to vector<2000x64xf32>
    %concatenate3A = tpu.concatenate %squeeze3A, %squeeze3A_11 in 1 : vector<2000x64xf32>, vector<2000x64xf32> -> vector<2000x128xf32>
    %broadcast_in_dim3A = vector.shape_cast %mul3A_9 : vector<2000xf32> to vector<2000x1xf32>
    %div3A = vector.broadcast %broadcast_in_dim3A : vector<2000x1xf32> to vector<2000x128xf32>
    %div3A_12 = arith.divf %concatenate3A, %div3A : vector<2000x128xf32>
    %swap3A = arith.constant 0 : index
    %swap3A_13 = arith.constant 0 : index
    %swap3A_14 = vector.load %arg3[%swap3A, %swap3A_13] : memref<2000x128xf32, #tpu.memory_space<vmem>>, vector<2000x128xf32>
    tpu.vector_store %arg3[%swap3A, %swap3A_13], %div3A_12 {strides = array<i32>} : memref<2000x128xf32, #tpu.memory_space<vmem>>, vector<2000x128xf32>,
    return
  }
  func.func @transform_0(%arg0: i32) -> (i32, i32, i32) {
    %c0_i32 = arith.constant 0 : i32
    %c0_i32_0 = arith.constant 0 : i32
    %c0_i32_1 = arith.constant 0 : i32
    return %c0_i32, %arg0, %c0_i32_0 : i32, i32, i32
  }
  func.func @transform_1(%arg0: i32) -> (i32, i32, i32) {
    %c0_i32 = arith.constant 0 : i32
    %c0_i32_0 = arith.constant 0 : i32
    %c0_i32_1 = arith.constant 0 : i32
    return %c0_i32, %arg0, %c0_i32_0 : i32, i32, i32
  }
  func.func @transform_2(%arg0: i32) -> (i32, i32) {
    %c0_i32 = arith.constant 0 : i32
    %c0_i32_0 = arith.constant 0 : i32
    return %arg0, %c0_i32 : i32, i32
  }
}

</mosaic_0001>

<sc_bundles>
// kernel: kernel.6.cloned.1.call-start
scs
__scs_entry_jumppad:
0x0: {  	(pc) =	sbr.rel $0x88, $3  }
0x1: {  	(tag) =	ssettag $0x0;
	lr =	simm.s32 $0x1  }
0x2: {  	[smem:$0x3F9C] =	sst lr;
	_ =	strace $0xD0000000  }
0x3: {  	_ = 	snop  }
0x4: {  	_ = 	snop  }
0x5: {  	_ = 	snop  }
0x6: {  	_ = 	snop  }
0x7: {  	_ = 	snop  }
__scs_overlays_trampoline_lowered:
0x8: {  	[smem:$0x3FAB] =	sst s0  }
0x9: {  	[smem:$0x3FAC] =	sst s1  }
0xa: {  	[smem:$0x3FAD] =	sst s2  }
0xb: {  	[smem:$0x3FAE] =	sst s3  }
0xc: {  	[smem:$0x3FAF] =	sst s4  }
0xd: {  	[smem:$0x3FB0] =	sst s5  }
0xe: {  	[smem:$0x3FB1] =	sst s6  }
0xf: {  	[smem:$0x3FB2] =	sst s7  }
0x10: {  	[smem:$0x3FB3] =	sst s8  }
0x11: {  	[smem:$0x3FB4] =	sst s9;
	s0 =	simm.s32 @!p0 $0x0  }
0x12: {  	s1 =	sld [smem:$0x3F9A];
	s0 =	simm.s32 @p0 $0x1  }
0x13: {  	[smem:$0x3FB5] =	sst s0;
	s0 =	simm.s32 @!p1 $0x0  }
0x14: {  	s2 =	sld [smem:$0x3F99];
	s0 =	simm.s32 @p1 $0x1  }
0x15: {  	[smem:$0x3FB6] =	sst s0;
	s0 =	simm.s32 @!p2 $0x0  }
0x16: {  	s3 =	sld [smem:$0x3FDB];
	s0 =	simm.s32 @p2 $0x1  }
0x17: {  	s4 =	simm.s32 $0x1BF5;
	[smem:$0x3FB8] =	sst s0  }
0x18: {  	s0 =	sld [smem:$0x3F9B];
	_ =	swait.ge [sflag:s4], $0x0  }
0x19: {  	s7 =	sld [smem:$0x3F9C]  }
0x1a: {  	s8 =	sadd.s32 $0xFFFFE003, lr  }
0x1b: {  	s9 =	sadd.s32 $0xFFFFFEF7, lr;
	s5 =	simm.s32 $0xFFFFFFFF;
	p2 =	slt.u32 s8, $0xFFFFF086  }
0x1c: {  	p1 =	slt.u32 s9, $0xF7A;
	s5 =	simm.s32 @!p2 $0x0  }
0x1d: {  	s5 =	simm.s32 @p1 $0x1;
	p0 =	seq.s32 s7, s2  }
0x1e: {  	s7 =	smul.u32 @!p0 $0xF7A, s2;
	p2 =	seq.s32 @!p0 s5, $0x0  }
0x1f: {  	s9 =	smul.u32 $0xF7A, s1;
	s8 =	simm.s32 @!p0 $0x1BF5;
	p2 =	por !p2, p0  }
0x20: {  	[sflag:s8] =	ssyncset.s32 @!p0 $0xFFFFF086;
	s6 =	sadd.s32 @!p0 s3, s7;
	s7 =	simm.s32 @!p0 $0x108  }
0x21: {  	s3 =	sadd.s32 s3, s9;
	s6 =	sadd.s32 @!p0 $0x88, s6;
	s7 =	simm.s32 @p2 $0x1082  }
0x22: {  	[simem:s7], [sflag:s8] =	dma.local @!p0 [hbm:s6], $0xF7A  }
0x23: {  	s9 =	sor.u32 $0xD0000000, s2;
	s6 =	simm.s32 $0x108;
	_ =	swait.ge @!p0 [sflag:s8], $0x0  }
0x24: {  	s3 =	sadd.s32 $0x88, s3;
	s6 =	simm.s32 @!p1 $0x1082;
	[sflag:s4] =	ssyncset.s32 $0xFFFFF086  }
0x25: {  	[simem:s6], [sflag:s4] =	dma.local [hbm:s3], $0xF7A  }
0x26: {  	[smem:$0x3F9C] =	sst s1;
	(tag) =	ssettag s2;
	_ =	strace s9  }
0x27: {  	s1 =	sld [smem:$0x3FAC]  }
0x28: {  	s2 =	sld [smem:$0x3FAD]  }
0x29: {  	s4 =	sld [smem:$0x3FAF]  }
0x2a: {  	p0 =	seq.s32 s5, $0x0;
	s5 =	sld [smem:$0x3FB0]  }
0x2b: {  	s6 =	sld [smem:$0x3FB1]  }
0x2c: {  	s7 =	sld [smem:$0x3FB2]  }
0x2d: {  	s3 =	simm.s32 $0x108;
	s8 =	sld [smem:$0x3FB3]  }
0x2e: {  	s3 =	simm.s32 @!p0 $0x1082;
	s9 =	sld [smem:$0x3FB4]  }
0x2f: {  	lr =	sadd.s32 s0, s3;
	s0 =	sld [smem:$0x3FAB]  }
0x30: {  	s3 =	sld [smem:$0x3FAE]  }
0x31: {  	[smem:$0x3FB7] =	sst s10  }
0x32: {  	s10 =	sld [smem:$0x3FB5];
	_ =	sdelay $0x3  }
0x33: {  	p0 =	seq.s32 s10, $0x1;
	s10 =	sld [smem:$0x3FB7];
	_ =	sdelay $0x3  }
0x34: {  	[smem:$0x3FB7] =	sst s10  }
0x35: {  	s10 =	sld [smem:$0x3FB6];
	_ =	sdelay $0x3  }
0x36: {  	p1 =	seq.s32 s10, $0x1;
	s10 =	sld [smem:$0x3FB7];
	_ =	sdelay $0x3  }
0x37: {  	[smem:$0x3FB7] =	sst s10  }
0x38: {  	s10 =	sld [smem:$0x3FB8]  }
0x39: {  	_ = 	snop;
	(pc) =	sbr.ind lr, $3  }
0x3a: {  	_ = 	snop  }
0x3b: {  	_ = 	snop  }
0x3c: {  	p2 =	seq.s32 s10, $0x1;
	s10 =	sld [smem:$0x3FB7]  }
0x3d: {  	_ =	shalt  }
0x3e: {  	_ =	shalt  }
0x3f: {  	_ =	shalt  }
0x40: {  	_ =	shalt  }
0x41: {  	_ =	shalt  }
0x42: {  	_ =	shalt  }
0x43: {  	_ =	shalt  }
0x44: {  	_ =	shalt  }
0x45: {  	_ =	shalt  }
0x46: {  	_ =	shalt  }
0x47: {  	_ =	shalt  }
0x48: {  	_ =	shalt  }
0x49: {  	_ =	shalt  }
0x4a: {  	_ =	shalt  }
0x4b: {  	_ =	shalt  }
0x4c: {  	_ =	shalt  }
0x4d: {  	_ =	shalt  }
0x4e: {  	_ =	shalt  }
0x4f: {  	_ =	shalt  }
0x50: {  	_ =	shalt  }
0x51: {  	_ =	shalt  }
0x52: {  	_ =	shalt  }
0x53: {  	_ =	shalt  }
0x54: {  	_ =	shalt  }
0x55: {  	_ =	shalt  }
0x56: {  	_ =	shalt  }
0x57: {  	_ =	shalt  }
0x58: {  	_ =	shalt  }
0x59: {  	_ =	shalt  }
0x5a: {  	_ =	shalt  }
0x5b: {  	_ =	shalt  }
0x5c: {  	_ =	shalt  }
0x5d: {  	_ =	shalt  }
0x5e: {  	_ =	shalt  }
0x5f: {  	_ =	shalt  }
0x60: {  	_ =	shalt  }
0x61: {  	_ =	shalt  }
0x62: {  	_ =	shalt  }
0x63: {  	_ =	shalt  }
0x64: {  	_ =	shalt  }
0x65: {  	_ =	shalt  }
0x66: {  	_ =	shalt  }
0x67: {  	_ =	shalt  }
0x68: {  	_ =	shalt  }
0x69: {  	_ =	shalt  }
0x6a: {  	_ =	shalt  }
0x6b: {  	_ =	shalt  }
0x6c: {  	_ =	shalt  }
0x6d: {  	_ =	shalt  }
0x6e: {  	_ =	shalt  }
0x6f: {  	_ =	shalt  }
0x70: {  	_ =	shalt  }
0x71: {  	_ =	shalt  }
0x72: {  	_ =	shalt  }
0x73: {  	_ =	shalt  }
0x74: {  	_ =	shalt  }
0x75: {  	_ =	shalt  }
0x76: {  	_ =	shalt  }
0x77: {  	_ =	shalt  }
0x78: {  	_ =	shalt  }
0x79: {  	_ =	shalt  }
0x7a: {  	_ =	shalt  }
0x7b: {  	_ =	shalt  }
0x7c: {  	_ =	shalt  }
0x7d: {  	_ =	shalt  }
0x7e: {  	_ =	shalt  }
0x7f: {  	_ =	shalt  }
0x80: {  	_ =	shalt  }
0x81: {  	_ =	shalt  }
0x82: {  	_ =	shalt  }
0x83: {  	_ =	shalt  }
0x84: {  	_ =	shalt  }
0x85: {  	_ =	shalt  }
0x86: {  	_ =	shalt  }
0x87: {  	_ =	shalt  }
.Lfunc_end0:
.L_simem_size_0:
called_computation_lowered:
.L_overlay_start_0:
0x88: {  	s2 =	sld [smem:$0x3FD9]  }
0x89: {  	s3 =	sld [smem:$0x3FFE];
	_ =	sdelay $0x1  }
0x8a: {  	s1 =	srdreg.scid  }
0x8b: {  	s0 =	sand.u32 $0x1, s1  }
0x8c: {  	s14 =	sshll.u32 s0, $0xA;
	s2 =	sadd.s32 s3, s2  }
0x8d: {  	s2 =	sadd.s32 s2, s14  }
0x8e: {  	[smem:$0x3FC3] =	sst s2  }
0x8f: {  	_ = 	snop  }
0x90: {  	s2 =	sld [smem:$0x3FD0];
	_ =	sdelay $0x2  }
0x91: {  	s4 =	simm.s32 $0xA;
	s5 =	simm.s32 $0x10;
	s15 =	sld [smem:$0x3FC8]  }
0x92: {  	[smem:s5], [sflag:s4] =	dma.local [hbm:s2], $0x1  }
0x93: {  	_ =	swait.eq [sflag:s4], $0x1  }
0x94: {  	[sflag:s4] =	ssyncset.done $0x0  }
0x95: {  	s16 =	sld [smem:$0x10];
	[sflag:s4] =	ssyncadd.s32 $0xFFFFFFFF  }
0x96: {  	s17 =	sld [smem:$0x11];
	(tm) =	ssettm $0x1  }
0x97: {  	s18 =	sld [smem:$0x3FFB];
	_ =	sdelay $0x3  }
0x98: {  	_ =	strace s18  }
0x99: {  	s5 =	sld [smem:$0x3FFC];
	_ =	sdelay $0x3  }
0x9a: {  	_ =	strace s5  }
0x9b: {  	s5 =	sld [smem:$0x3FFD];
	_ =	sdelay $0x3  }
0x9c: {  	_ =	strace s5  }
0x9d: {  	_ =	strace $0x8FFFFFFF  }
0x9e: {  	s19 =	sld [smem:$0x3FDB];
	_ =	sdelay $0x1  }
0x9f: {  	s6 =	simm.s32 $_scs_section_size  }
0xa0: {  	s7 =	simm.s32 $_size__tile_overlayer_lowered;
	s8 =	simm.s32 $_tile_overlayer_lowered  }
0xa1: {  	s22 =	simm.s32 $0x1BFF;
	s21 =	sshll.u32 s8, $0x1;
	s5 =	sadd.s32 s6, s19  }
0xa2: {  	s9 =	simm.s32 $0x0;
	s20 =	sshll.u32 s7, $0x1;
	s7 =	sadd.s32 s21, s5  }
0xa3: {  	[timem:s9], [sflag:s22] =	dma.local [hbm:s7], s20  }
0xa4: {  	_ =	swait.ge [sflag:s22], s20  }
0xa5: {  	s6 =	ssub.s32 $0x0, s20;
	[sflag:s22] =	ssyncset.done $0x0  }
0xa6: {  	[sflag:s22] =	ssyncadd.s32 s6;
	_ =	sdelay $0x1  }
0xa7: {  	s23 =	simm.s32 $0x1B8B  }
0xa8: {  	_ =	swait.ge [sflag:s23], $0x1  }
0xa9: {  	[sflag:s23] =	ssyncset.done $0x0  }
0xaa: {  	s25 =	simm.s32 $0x1B8E;
	s24 =	sld [smem:$0x3FFE];
	[sflag:s23] =	ssyncadd.s32 $0xFFFFFFFF  }
0xab: {  	s26 =	simm.s32 $execute0_lowered;
	[smem:$0x3FD2] =	sst s25  }
0xac: {  	s7 =	sshll.u32 s26, $0x1;
	_ =	strace $0x80000046;
	[dreg:$0x1] =	wrdreg $0xFFFFFFFF  }
0xad: {  	s28 =	simm.s32 $_size_execute0_lowered;
	s5 =	sadd.s32 s5, s7;
	[dreg:$0x0] =	wrdreg $0x0  }
0xae: {  	s7 =	sshll.u32 s28, $0x1;
	[dreg:$0x2] =	wrdreg s5  }
0xaf: {  	[dreg:$0x3] =	wrdreg s7  }
0xb0: {  	[dreg:$0x4] =	wrdreg $0xC0  }
0xb1: {  	_ =	task [dreg:s9], $0x5FFFF  }
0xb2: {  	[dreg:$0x1] =	wrdreg $0xFFFFFFFF  }
0xb3: {  	[dreg:$0x0] =	wrdreg $0x60  }
0xb4: {  	[dreg:$0x2] =	wrdreg s24  }
0xb5: {  	[dreg:$0x3] =	wrdreg s17  }
0xb6: {  	[dreg:$0x4] =	wrdreg s15  }
0xb7: {  	[dreg:$0x5] =	wrdreg s16  }
0xb8: {  	[dreg:$0x6] =	wrdreg $0xA6700  }
0xb9: {  	[dreg:$0x7] =	wrdreg $0x146700  }
0xba: {  	[dreg:$0x8] =	wrdreg $0x9  }
0xbb: {  	_ =	task.clear_ibuf [dreg:s9], $0x9FFFF;
	_ =	strace $0x90000046  }
0xbc: {  	s29 =	simm.s32 $0x9;
	_ =	strace $0x80000048  }
0xbd: {  	_ =	swait.ge [sflag:s29], $0x1  }
0xbe: {  	[sflag:s29] =	ssyncadd.s32 $0xFFFFFFFF  }
0xbf: {  	_ =	strace $0x90000048  }
0xc0: {  	_ =	sfence  }
0xc1: {  	s30 =	sld [smem:$0x0];
	_ =	sdelay $0x2  }
0xc2: {  	s31 =	sshll.u32 s1, $0xD;
	s1 =	sshrl.u32 s1, $0x2  }
0xc3: {  	s3 =	sand.u32 $0x4000, s31;
	s1 =	sadd.s32 s1, s30  }
0xc4: {  	s0 =	sor.u32 s3, s0;
	s1 =	sshll.u32 s1, $0x11  }
0xc5: {  	s0 =	sor.u32 s1, s0  }
0xc6: {  	s0 =	sadd.s32 $0x8F2B, s0  }
0xc7: {  	[sflag:s0] =	ssyncadd.remote.s32 $0x1  }
0xc8: {  	_ =	sfence.sel $0xFFFF  }
0xc9: {  	[dreg:$0x0] =	wrdreg $0xFFFFFFFF;
	(pc) =	sbr.abs _section_cstart, $3  }
0xca: {  	[dreg:$0x1] =	wrdreg $0xFFFFFFFF  }
0xcb: {  	_ =	task.clear_ibuf [dreg:s9], $0x2FFFF;
	_ =	strace $0x9FFFFFFF  }
0xcc: {  	(tm) =	ssettm $0x7FFFFFFF  }
0xcd: {  	_ =	shalt  }
tec
execute0_lowered:
.L_overlay_start_1:
0x0: {  	(tag) =	ssettag $0x1  }
0x1: {  	s0 =	rddreg [dreg:$0x0]  }
0x2: {  	s1 =	rddreg [dreg:$0x1]  }
0x3: {  	s14 =	rddreg [dreg:$0x4]  }
0x4: {  	s15 =	rddreg [dreg:$0x5]  }
0x5: {  	s2 =	srdreg.scid;
	s13 =	stileid.u32  }
0x6: {  	s7 =	simm.s32 $0x0;
	s28 =	simm.s32 $0x1FE0;
	s29 =	simm.s32 $0x410  }
0x7: {  	s30 =	simm.s32 $0x24E0;
	s31 =	simm.s32 $0x1;
	s3 =	smul.u32 $0x280, s13  }
0x8: {  	s2 =	sand.u32 $0x1, s2;
	[smem:$0x7FF] =	sst s7;
	s10 =	smul.u32 $0x28000, s13  }
0x9: {  	s8 =	sadd.s32 $0x1400, s0;
	s5 =	sadd.s32 $0xC4A00, s0;
	s11 =	smul.u32 $0xA000, s13  }
0xa: {  	s4 =	smul.u32 $0x2800, s2;
	_ =	strace $0x80000047;
	s9 =	ssub.s32 $0x2, s2  }
0xb: {  	p0 =	sne.s32 s2, $0x0;
	s22 =	sshrl.u32 s9, $0x1;
	s23 =	sshrl.u32 s10, $0x2  }
0xc: {  	s24 =	sadd.s32 $0x80, s3;
	s25 =	sshrl.u32 s11, $0x2;
	s16 =	sadd.s32 $0x100, s3  }
0xd: {  	s19 =	sadd.s32 $0x180, s3;
	s4 =	sadd.s32 s3, s4;
	s17 =	sadd.s32 s23, s14  }
0xe: {  	s26 =	sshll.u32 s24, $0x6;
	s18 =	sadd.s32 s25, s15;
	s12 =	sshll.u32 s24, $0x4  }
0xf: {  	s20 =	sshll.u32 s16, $0x6;
	s3 =	sadd.s32 $0x200, s3;
	s23 =	smul.u32 $0xA0000, s2  }
0x10: {  	s25 =	smul.u32 $0x9C40, s13;
	s6 =	sshll.u32 s4, $0x1;
	s11 =	sadd.s32 s26, s14  }
0x11: {  	s24 =	sshll.u32 s3, $0x6;
	s3 =	sshll.u32 s3, $0x4;
	[dreg:$0x7] =	wrdreg s17  }
0x12: {  	s4 =	sshll.u32 s4, $0x3;
	s26 =	smul.u32 $0x1388, s13;
	[dreg:$0x8] =	wrdreg s18  }
0x13: {  	s0 =	sadd.s32 s6, s0;
	s6 =	ssub.s32 s9, s22;
	[dreg:$0x9] =	wrdreg s11  }
0x14: {  	s9 =	sadd.s32 s12, s15;
	s12 =	sshll.u32 s19, $0x6;
	s11 =	sadd.s32 s20, s14  }
0x15: {  	s22 =	sshll.u32 s19, $0x4;
	s10 =	sshrl.u32 s23, $0x3;
	s4 =	sadd.s32 s5, s4  }
0x16: {  	s3 =	sadd.s32 s3, s15;
	s23 =	sadd.s32 $0x9C400, s14;
	[dreg:$0xa] =	wrdreg s9  }
0x17: {  	s9 =	sshll.u32 s16, $0x4;
	[dreg:$0xb] =	wrdreg s11;
	s21 =	sadd.s32 s12, s14  }
0x18: {  	s10 =	sadd.s32 s5, s10;
	[dreg:$0xf] =	wrdreg s4;
	s16 =	smul.u32 $0x186A0, s2  }
0x19: {  	[dreg:$0x11] =	wrdreg s3;
	s12 =	sshrl.u32 s25, $0x3;
	s2 =	smul.u32 $0xFA00, s2  }
0x1a: {  	s4 =	sadd.s32 s1, s26;
	s25 =	smul.u32 $0xFA0, s13;
	[dreg:$0x19] =	wrdreg s23  }
0x1b: {  	s0 =	sadd.s32 $0xECA00, s0;
	s13 =	simm.s32 $0x28;
	[dreg:$0xd] =	wrdreg s21  }
0x1c: {  	s11 =	simm.s32 $0x460;
	s5 =	simm.s32 $0x33E0;
	[dreg:$0x12] =	wrdreg s4  }
0x1d: {  	s9 =	sadd.s32 s9, s15;
	s3 =	sadd.s32 s1, s12;
	[dreg:$0x17] =	wrdreg s0  }
0x1e: {  	s21 =	sadd.s32 $0x13880, s10;
	s0 =	simm.s32 $0x6AE0;
	[dreg:$0xc] =	wrdreg s9  }
0x1f: {  	s4 =	simm.s32 $0x6;
	s10 =	simm.s32 $0x29E0;
	[dreg:$0x13] =	wrdreg s2  }
0x20: {  	s12 =	simm.s32 $0x2;
	s9 =	sadd.s32 s22, s15;
	[dreg:$0x16] =	wrdreg s21  }
0x21: {  	s19 =	sadd.s32 $0x32, s3;
	s20 =	sadd.s32 $0x64, s3;
	[dreg:$0xe] =	wrdreg s9  }
0x22: {  	s22 =	smax.u32 s6, $0x1;
	s26 =	sadd.s32 $0x78, s25;
	[dreg:$0x14] =	wrdreg s19  }
0x23: {  	s2 =	simm.s32 $0x2EE0;
	s3 =	simm.s32 $0x488;
	[dreg:$0x15] =	wrdreg s20  }
0x24: {  	s6 =	simm.s32 $0x3;
	s21 =	simm.s32 $0x4;
	[dreg:$0x18] =	wrdreg s22  }
0x25: {  	s9 =	sadd.s32 s24, s14;
	s24 =	sadd.s32 $0x27100, s15;
	[dreg:$0x1b] =	wrdreg s26  }
0x26: {  	v1 =	vimm.f32 $1.000000000e+00;
	s26 =	simm.s32 $0x3E8;
	s19 =	simm.s32 $0x640;
	[dreg:$0x10] =	wrdreg s9  }
0x27: {  	v2 =	vlaneseq.u32;
	v3 =	vimm.f32 $0.0e+00;
	v0 =	vmov s16;
	s15 =	simm.s32 $0x0;
	[dreg:$0x1a] =	wrdreg s24;
	s9 =	simm.s32 $0x438  }
.LBB2_1:
0x28: {  	[dreg:$0x1c] =	wrdreg s15;
	s14 =	simm.s32 $0x0  }
.LBB2_2:
0x29: {  	p1 =	sne.s32 s14, $0x27C0  }
.Ltmp0:
0x2a: {  	_ = 	snop;
	(pc) =	sbr.rel @p1 .LBB2_2-.Ltmp0, $3  }
0x2b: {  	_ =	sdelay $0x1  }
0x2c: {  	s15 =	sshra.s32 s14, $0x2  }
0x2d: {  	s14 =	sadd.s32 $0x40, s14;
	[tilespmem:s15+$0x92E0] =	vst v1  }
0x2e: {  	s14 =	simm.s32 $0x0  }
0x2f: {  	v5 =	vor.u32 s14, v2  }
0x30: {  	v4 =	vmulhi.u32 $0xCCCCCCCD, v5;
	_ =	sdelay $0x1  }
0x31: {  	v4 =	vshrl.u32 v4, $0x3  }
0x32: {  	v6 =	vmul.u32 $0xA, v4  }
0x33: {  	s15 =	simm.s32 $0x10  }
0x34: {  	v4 =	vor.u32 s15, v2;
	v5 =	vsub.s32 v5, v6  }
0x35: {  	v6 =	vmulhi.u32 $0xCCCCCCCD, v4;
	v5 =	vmul.u32 $0x2710, v5;
	_ =	sdelay $0x1  }
0x36: {  	s15 =	simm.s32 $0x9CE0;
	v6 =	vshrl.u32 v6, $0x3;
	v7 =	vadd.s32 v0, v5  }
0x37: {  	s16 =	simm.s32 $0x20;
	v5 =	vmul.u32 $0xA, v6;
	[tilespmem:s15+$0x0] =	vst v7  }
.LBB2_4:
0x38: {  	p1 =	sne.s32 s16, $0x180  }
.Ltmp1:
0x39: {  	v5 =	vsub.s32 v4, v5;
	v4 =	vor.u32 s16, v2;
	s16 =	sadd.s32 $0x10, s16;
	(pc) =	sbr.rel @p1 .LBB2_4-.Ltmp1, $3  }
0x3a: {  	v6 =	vmulhi.u32 $0xCCCCCCCD, v4;
	v5 =	vmul.u32 $0x2710, v5;
	_ =	sdelay $0x1  }
0x3b: {  	s15 =	sadd.s32 $0x10, s15;
	v6 =	vshrl.u32 v6, $0x3;
	v7 =	vadd.s32 v0, v5  }
0x3c: {  	v5 =	vmul.u32 $0xA, v6;
	[tilespmem:s15+$0x0] =	vst v7  }
0x3d: {  	_ = 	snop  }
0x3e: {  	v4 =	vsub.s32 v4, v5  }
0x3f: {  	v4 =	vmul.u32 $0x2710, v4;
	_ =	sdelay $0x1  }
0x40: {  	s15 =	sadd.s32 $0x10, s15;
	v4 =	vadd.s32 v0, v4  }
0x41: {  	[tilespmem:s15+$0x0] =	vst v4  }
.LBB2_6:
0x42: {  	p1 =	sne.s32 s14, $0x1FC0  }
.Ltmp2:
0x43: {  	_ = 	snop;
	(pc) =	sbr.rel @p1 .LBB2_6-.Ltmp2, $3  }
0x44: {  	_ =	sdelay $0x1  }
0x45: {  	s15 =	sshra.s32 s14, $0x2  }
0x46: {  	s14 =	sadd.s32 $0x40, s14;
	[tilespmem:s15+$0x9E70] =	vst v3  }
0x47: {  	s14 =	simm.s32 $0x6AE0  }
0x48: {  	s15 =	simm.s32 $0x1;
	[tilespmem:s14+$0x0] =	vst v3  }
.LBB2_8:
0x49: {  	p1 =	sne.s32 s15, $0x1FF  }
.Ltmp3:
0x4a: {  	_ = 	snop;
	(pc) =	sbr.rel @p1 .LBB2_8-.Ltmp3, $3  }
0x4b: {  	_ =	sdelay $0x1  }
0x4c: {  	s15 =	sadd.s32 $0x1, s15;
	s14 =	sadd.s32 $0x10, s14  }
0x4d: {  	[tilespmem:s14+$0x0] =	vst v3  }
0x4e: {  	[spmem:s17] =	stream.linear.scatter [tilespmem:s0], [sflag:$0x6], $0x2000, $0x38;
	[tilespmem:$0x16E70] =	vst v63  }
0x4f: {  	_ =	swait.ge [sflag:s4], $0x2000  }
0x50: {  	[sflag:s4] =	ssyncset.done $0x0  }
0x51: {  	s15 =	simm.s32 $0x9E70;
	[sflag:s4] =	ssyncadd.s32 $0xFFFFE000  }
0x52: {  	[spmem:s18] =	stream.linear.scatter [tilespmem:s15], [sflag:$0x6], $0x800, $0x38;
	[tilespmem:$0x16E70] =	vst v63  }
0x53: {  	_ =	swait.ge [sflag:s4], $0x800  }
0x54: {  	[sflag:s4] =	ssyncset.done $0x0  }
0x55: {  	s14 =	rddreg [dreg:$0x9];
	[sflag:s4] =	ssyncadd.s32 $0xFFFFF800  }
0x56: {  	[spmem:s14] =	stream.linear.scatter [tilespmem:s0], [sflag:$0x6], $0x2000, $0x38;
	[tilespmem:$0x16E70] =	vst v63  }
0x57: {  	_ =	swait.ge [sflag:s4], $0x2000  }
0x58: {  	[sflag:s4] =	ssyncset.done $0x0  }
0x59: {  	s20 =	rddreg [dreg:$0xa];
	[sflag:s4] =	ssyncadd.s32 $0xFFFFE000  }
0x5a: {  	[spmem:s20] =	stream.linear.scatter [tilespmem:s15], [sflag:$0x6], $0x800, $0x38;
	[tilespmem:$0x16E70] =	vst v63  }
0x5b: {  	_ =	swait.ge [sflag:s4], $0x800  }
0x5c: {  	[sflag:s4] =	ssyncset.done $0x0  }
0x5d: {  	s22 =	rddreg [dreg:$0xb];
	[sflag:s4] =	ssyncadd.s32 $0xFFFFF800  }
0x5e: {  	[spmem:s22] =	stream.linear.scatter [tilespmem:s0], [sflag:$0x6], $0x2000, $0x38;
	[tilespmem:$0x16E70] =	vst v63  }
0x5f: {  	_ =	swait.ge [sflag:s4], $0x2000  }
0x60: {  	[sflag:s4] =	ssyncset.done $0x0  }
0x61: {  	s23 =	rddreg [dreg:$0xc];
	[sflag:s4] =	ssyncadd.s32 $0xFFFFE000  }
0x62: {  	[spmem:s23] =	stream.linear.scatter [tilespmem:s15], [sflag:$0x6], $0x800, $0x38;
	[tilespmem:$0x16E70] =	vst v63  }
0x63: {  	_ =	swait.ge [sflag:s4], $0x800  }
0x64: {  	[sflag:s4] =	ssyncset.done $0x0  }
0x65: {  	s24 =	rddreg [dreg:$0xd];
	[sflag:s4] =	ssyncadd.s32 $0xFFFFF800  }
0x66: {  	[spmem:s24] =	stream.linear.scatter [tilespmem:s0], [sflag:$0x6], $0x2000, $0x38;
	[tilespmem:$0x16E70] =	vst v63  }
0x67: {  	_ =	swait.ge [sflag:s4], $0x2000  }
0x68: {  	[sflag:s4] =	ssyncset.done $0x0  }
0x69: {  	s16 =	rddreg [dreg:$0xe];
	[sflag:s4] =	ssyncadd.s32 $0xFFFFE000  }
0x6a: {  	[spmem:s16] =	stream.linear.scatter [tilespmem:s15], [sflag:$0x6], $0x800, $0x38;
	[tilespmem:$0x16E70] =	vst v63  }
0x6b: {  	_ =	swait.ge [sflag:s4], $0x800  }
0x6c: {  	[sflag:s4] =	ssyncset.done $0x0  }
0x6d: {  	s17 =	rddreg [dreg:$0x10];
	[sflag:s4] =	ssyncadd.s32 $0xFFFFF800  }
0x6e: {  	[spmem:s17] =	stream.linear.scatter [tilespmem:s0], [sflag:$0x6], $0x2000, $0x38;
	[tilespmem:$0x16E70] =	vst v63  }
0x6f: {  	_ =	swait.ge [sflag:s4], $0x2000  }
0x70: {  	[sflag:s4] =	ssyncset.done $0x0  }
0x71: {  	s18 =	rddreg [dreg:$0x11];
	[sflag:s4] =	ssyncadd.s32 $0xFFFFE000  }
0x72: {  	[spmem:s18] =	stream.linear.scatter [tilespmem:s15], [sflag:$0x6], $0x800, $0x38;
	[tilespmem:$0x16E70] =	vst v63  }
0x73: {  	_ =	swait.ge [sflag:s4], $0x800  }
0x74: {  	[sflag:s4] =	ssyncset.done $0x0  }
0x75: {  	[sflag:s4] =	ssyncadd.s32 $0xFFFFF800  }
0x76: {  	[bflag:$0x0] =	sbarrier.arrive $0xFFFF  }
0x77: {  	s20 =	rddreg [dreg:$0x12]  }
0x78: {  	[tilespmem:s7], [sflag:$0x6] =	stream.linear.gather [hbm4b:s20+s7], $0x190, $0x38;
	[tilespmem:$0x16E70] =	vst v63  }
0x79: {  	_ =	swait.ge [sflag:s4], $0x190  }
0x7a: {  	[sflag:s4] =	ssyncset.done $0x0  }
0x7b: {  	s23 =	simm.s32 $0x190;
	s22 =	rddreg [dreg:$0x14];
	[sflag:s4] =	ssyncadd.s32 $0xFFFFFE70  }
0x7c: {  	[tilespmem:s23], [sflag:$0x6] =	stream.linear.gather [hbm4b:s22+s7], $0x190, $0x38;
	[tilespmem:$0x16E70] =	vst v63  }
0x7d: {  	_ =	swait.ge [sflag:s4], $0x190  }
0x7e: {  	[sflag:s4] =	ssyncset.done $0x0  }
0x7f: {  	s24 =	simm.s32 $0x20;
	[sflag:s4] =	ssyncadd.s32 $0xFFFFFE70  }
0x80: {  	s14 =	simm.s32 $0x9D00;
	v8 =	vld [tilespmem:s24+$0x20]  }
0x81: {  	v9 =	vld [tilespmem:s14+$0x20]  }
0x82: {  	v4 =	vld [tilespmem:s14+$0xFFFFFFE0]  }
0x83: {  	v10 =	vld [tilespmem:s24+$0xFFFFFFF0]  }
0x84: {  	v11 =	vld [tilespmem:s14+$0xFFFFFFF0]  }
0x85: {  	v5 =	vld [tilespmem:s24+$0x0]  }
0x86: {  	v7 =	vld [tilespmem:s14+$0x0]  }
0x87: {  	v6 =	vld [tilespmem:s24+$0x10]  }
0x88: {  	s15 =	simm.s32 $0x340;
	v9 =	vadd.s32 v8, v9;
	v8 =	vld [tilespmem:s14+$0x10]  }
0x89: {  	s16 =	simm.s32 $0x0;
	s17 =	simm.s32 $0x70;
	v10 =	vadd.s32 v10, v11;
	[tilespmem:s15+$0x20] =	vst v9;
	v9 =	vld [tilespmem:s24+$0xFFFFFFE0]  }
.LBB2_10:
0x8a: {  	v11 =	vld [tilespmem:s17+$0x20];
	[tilespmem:s15+$0xFFFFFFF0] =	vst v10;
	s14 =	sadd.s32 $0x50, s14  }
0x8b: {  	s16 =	sadd.s32 $0x5, s16;
	v10 =	vld [tilespmem:s14+$0x20];
	v5 =	vadd.s32 v5, v7  }
0x8c: {  	p1 =	slt.u32 s16, $0x14;
	v12 =	vld [tilespmem:s14+$0xFFFFFFE0];
	[tilespmem:s15+$0x0] =	vst v5  }
0x8d: {  	v13 =	vld [tilespmem:s17+$0xFFFFFFF0];
	v5 =	vadd.s32 v6, v8  }
0x8e: {  	v14 =	vld [tilespmem:s14+$0xFFFFFFF0];
	v4 =	vadd.s32 v9, v4;
	[tilespmem:s15+$0x10] =	vst v5  }
.Ltmp4:
0x8f: {  	v5 =	vld [tilespmem:s17+$0x0];
	[tilespmem:s15+$0xFFFFFFE0] =	vst v4;
	(pc) =	sbr.rel @p1 .LBB2_10-.Ltmp4, $4  }
0x90: {  	s15 =	sadd.s32 $0x50, s15;
	v7 =	vld [tilespmem:s14+$0x0];
	v8 =	vadd.s32 v11, v10  }
0x91: {  	v6 =	vld [tilespmem:s17+$0x10];
	[tilespmem:s15+$0x20] =	vst v8;
	v4 =	vmov v12  }
0x92: {  	v8 =	vld [tilespmem:s14+$0x10]  }
0x93: {  	v9 =	vld [tilespmem:s17+$0xFFFFFFE0];
	v10 =	vadd.s32 v13, v14;
	s17 =	sadd.s32 $0x50, s17  }
0x94: {  	_ =	sdelay $0x1  }
0x95: {  	[tilespmem:s15+$0xFFFFFFF0] =	vst v10;
	v5 =	vadd.s32 v5, v7  }
0x96: {  	[tilespmem:s15+$0x0] =	vst v5;
	v5 =	vadd.s32 v6, v8  }
0x97: {  	v4 =	vadd.s32 v9, v4;
	[tilespmem:s15+$0x10] =	vst v5  }
0x98: {  	s14 =	simm.s32 $0x320;
	s18 =	simm.s32 $0x6E0;
	[tilespmem:s15+$0xFFFFFFE0] =	vst v4  }
0x99: {  	[tilespmem:s18], [sflag:$0x1] =	stream.indirect.gather [hbm4b:s8+s13], $0x20, s14, s13, $0xb8;
	[tilespmem:$0x16E70] =	vst v63  }
0x9a: {  	s20 =	simm.s32 $0x348;
	s22 =	simm.s32 $0xBE0  }
0x9b: {  	[tilespmem:s22], [sflag:$0x1] =	stream.indirect.gather [hbm4b:s8+s13], $0x20, s20, s13, $0xb8;
	[tilespmem:$0x16E70] =	vst v63  }
0x9c: {  	s23 =	simm.s32 $0x370;
	s24 =	simm.s32 $0x10E0  }
0x9d: {  	[tilespmem:s24], [sflag:$0x1] =	stream.indirect.gather [hbm4b:s8+s13], $0x20, s23, s13, $0xb8;
	[tilespmem:$0x16E70] =	vst v63  }
0x9e: {  	s16 =	simm.s32 $0x398;
	s17 =	simm.s32 $0x15E0  }
0x9f: {  	[tilespmem:s17], [sflag:$0x1] =	stream.indirect.gather [hbm4b:s8+s13], $0x20, s16, s13, $0xb8;
	[tilespmem:$0x16E70] =	vst v63  }
0xa0: {  	s18 =	simm.s32 $0x3C0;
	s20 =	simm.s32 $0x1AE0  }
0xa1: {  	[tilespmem:s20], [sflag:$0x1] =	stream.indirect.gather [hbm4b:s8+s13], $0x20, s18, s13, $0xb8;
	[tilespmem:$0x16E70] =	vst v63  }
0xa2: {  	_ = 	snop  }
0xa3: {  	[tilespmem:s28], [sflag:$0x1] =	stream.indirect.gather [hbm4b:s8+s13], $0x20, s26, s13, $0xb8;
	[tilespmem:$0x16E70] =	vst v63  }
0xa4: {  	_ = 	snop  }
0xa5: {  	[tilespmem:s30], [sflag:$0x1] =	stream.indirect.gather [hbm4b:s8+s13], $0x20, s29, s13, $0xb8;
	[tilespmem:$0x16E70] =	vst v63  }
0xa6: {  	_ = 	snop  }
0xa7: {  	[tilespmem:s10], [sflag:$0x1] =	stream.indirect.gather [hbm4b:s8+s13], $0x20, s9, s13, $0xb8;
	[tilespmem:$0x16E70] =	vst v63  }
0xa8: {  	_ = 	snop  }
0xa9: {  	[tilespmem:s2], [sflag:$0x1] =	stream.indirect.gather [hbm4b:s8+s13], $0x20, s11, s13, $0xb8;
	[tilespmem:$0x16E70] =	vst v63  }
0xaa: {  	_ = 	snop  }
0xab: {  	[tilespmem:s5], [sflag:$0x1] =	stream.indirect.gather [hbm4b:s8+s13], $0x20, s3, s13, $0xb8;
	[tilespmem:$0x16E70] =	vst v63  }
0xac: {  	s22 =	rddreg [dreg:$0x15]  }
0xad: {  	[tilespmem:s7], [sflag:$0x1] =	stream.linear.gather [hbm4b:s22+s7], $0x190, $0x38;
	[tilespmem:$0x16E70] =	vst v63  }
0xae: {  	s23 =	rddreg [dreg:$0x16]  }
0xaf: {  	[hbm4b:s23+s7] =	stream.linear.scatter [tilespmem:s0], [sflag:$0x3], $0x2800, $0x38;
	[tilespmem:$0x16E70] =	vst v63  }
0xb0: {  	s24 =	rddreg [dreg:$0x19]  }
0xb1: {  	[spmem:s24] =	stream.linear.scatter [tilespmem:s0], [sflag:$0x4], $0x2800, $0x38;
	[tilespmem:$0x16E70] =	vst v63  }
0xb2: {  	s14 =	simm.s32 @!p0 $0x92E0;
	s15 =	rddreg [dreg:$0x1a]  }
0xb3: {  	[spmem:s15] =	stream.linear.scatter @!p0 [tilespmem:s14], [sflag:$0x5], $0xA00, $0x38;
	[tilespmem:$0x16E70] =	vst v63  }
0xb4: {  	s14 =	simm.s32 $0x0  }
.LBB2_12:
0xb5: {  	_ =	swait.ge [sflag:s6], $0x2800  }
0xb6: {  	[sflag:s6] =	ssyncset.done $0x0  }
0xb7: {  	[sflag:s6] =	ssyncadd.s32 $0xFFFFD800  }
0xb8: {  	_ =	swait.ge [sflag:s21], $0x2800  }
0xb9: {  	[sflag:s21] =	ssyncset.done $0x0  }
0xba: {  	s16 =	simm.s32 @!p0 $0x5;
	[sflag:s21] =	ssyncadd.s32 $0xFFFFD800  }
0xbb: {  	s17 =	smul.u32 $0xA0, s14;
	_ =	swait.ge @!p0 [sflag:s16], $0xA00  }
0xbc: {  	[sflag:s16] =	ssyncset.done @!p0 $0x0  }
0xbd: {  	s15 =	sadd.s32 s25, s17;
	[sflag:s16] =	ssyncadd.s32 @!p0 $0xFFFFF600  }
0xbe: {  	s18 =	sshrl.u32 s15, $0x3;
	s16 =	rddreg [dreg:$0x2]  }
0xbf: {  	s16 =	sadd.s32 s16, s18  }
0xc0: {  	[tilespmem:s19], [sflag:$0x6] =	stream.linear.gather [hbm4b:s16+s7], $0xA0, $0x38;
	[tilespmem:$0x16E70] =	vst v63  }
0xc1: {  	_ =	swait.ge [sflag:s4], $0xA0  }
0xc2: {  	[sflag:s4] =	ssyncset.done $0x0  }
0xc3: {  	s22 =	simm.s32 $0x1B0;
	[sflag:s4] =	ssyncadd.s32 $0xFFFFFF60  }
0xc4: {  	s18 =	simm.s32 $0x9D00;
	v8 =	vld [tilespmem:s22+$0x20]  }
0xc5: {  	v9 =	vld [tilespmem:s18+$0x20]  }
0xc6: {  	v4 =	vld [tilespmem:s18+$0xFFFFFFE0]  }
0xc7: {  	v10 =	vld [tilespmem:s22+$0xFFFFFFF0]  }
0xc8: {  	v11 =	vld [tilespmem:s18+$0xFFFFFFF0]  }
0xc9: {  	v5 =	vld [tilespmem:s22+$0x0]  }
0xca: {  	v7 =	vld [tilespmem:s18+$0x0]  }
0xcb: {  	v6 =	vld [tilespmem:s22+$0x10]  }
0xcc: {  	s19 =	simm.s32 $0x4D0;
	v9 =	vadd.s32 v8, v9;
	v8 =	vld [tilespmem:s18+$0x10]  }
0xcd: {  	s20 =	simm.s32 $0x0;
	s16 =	sshll.u32 s14, $0x2;
	v10 =	vadd.s32 v10, v11;
	[tilespmem:s19+$0x20] =	vst v9;
	v9 =	vld [tilespmem:s22+$0xFFFFFFE0];
	s22 =	simm.s32 $0x200  }
.LBB2_13:
0xce: {  	v11 =	vld [tilespmem:s22+$0x20];
	[tilespmem:s19+$0xFFFFFFF0] =	vst v10;
	s18 =	sadd.s32 $0x50, s18  }
0xcf: {  	s20 =	sadd.s32 $0x5, s20;
	v10 =	vld [tilespmem:s18+$0x20];
	v5 =	vadd.s32 v5, v7  }
0xd0: {  	p1 =	slt.u32 s20, $0x14;
	v12 =	vld [tilespmem:s18+$0xFFFFFFE0];
	[tilespmem:s19+$0x0] =	vst v5  }
0xd1: {  	v13 =	vld [tilespmem:s22+$0xFFFFFFF0];
	v5 =	vadd.s32 v6, v8  }
0xd2: {  	v14 =	vld [tilespmem:s18+$0xFFFFFFF0];
	v4 =	vadd.s32 v9, v4;
	[tilespmem:s19+$0x10] =	vst v5  }
.Ltmp5:
0xd3: {  	v5 =	vld [tilespmem:s22+$0x0];
	[tilespmem:s19+$0xFFFFFFE0] =	vst v4;
	(pc) =	sbr.rel @p1 .LBB2_13-.Ltmp5, $4  }
0xd4: {  	s19 =	sadd.s32 $0x50, s19;
	v7 =	vld [tilespmem:s18+$0x0];
	v8 =	vadd.s32 v11, v10  }
0xd5: {  	v6 =	vld [tilespmem:s22+$0x10];
	[tilespmem:s19+$0x20] =	vst v8;
	v4 =	vmov v12  }
0xd6: {  	v8 =	vld [tilespmem:s18+$0x10]  }
0xd7: {  	v9 =	vld [tilespmem:s22+$0xFFFFFFE0];
	v10 =	vadd.s32 v13, v14;
	s22 =	sadd.s32 $0x50, s22  }
0xd8: {  	_ =	sdelay $0x1  }
0xd9: {  	[tilespmem:s19+$0xFFFFFFF0] =	vst v10;
	v5 =	vadd.s32 v5, v7  }
0xda: {  	[tilespmem:s19+$0x0] =	vst v5;
	v5 =	vadd.s32 v6, v8  }
0xdb: {  	v4 =	vadd.s32 v9, v4;
	[tilespmem:s19+$0x10] =	vst v5  }
0xdc: {  	s18 =	simm.s32 $0x4B0;
	s24 =	simm.s32 $0x38E0;
	[tilespmem:s19+$0xFFFFFFE0] =	vst v4  }
0xdd: {  	[tilespmem:s24], [sflag:$0x2] =	stream.indirect.gather [hbm4b:s8+s13], $0x20, s18, s13, $0xb8;
	[tilespmem:$0x16E70] =	vst v63  }
0xde: {  	s20 =	simm.s32 $0x4D8;
	s22 =	simm.s32 $0x3DE0  }
0xdf: {  	[tilespmem:s22], [sflag:$0x2] =	stream.indirect.gather [hbm4b:s8+s13], $0x20, s20, s13, $0xb8;
	[tilespmem:$0x16E70] =	vst v63  }
0xe0: {  	s23 =	simm.s32 $0x500;
	s24 =	simm.s32 $0x42E0  }
0xe1: {  	[tilespmem:s24], [sflag:$0x2] =	stream.indirect.gather [hbm4b:s8+s13], $0x20, s23, s13, $0xb8;
	[tilespmem:$0x16E70] =	vst v63  }
0xe2: {  	s20 =	simm.s32 $0x528;
	s22 =	simm.s32 $0x47E0  }
0xe3: {  	[tilespmem:s22], [sflag:$0x2] =	stream.indirect.gather [hbm4b:s8+s13], $0x20, s20, s13, $0xb8;
	[tilespmem:$0x16E70] =	vst v63  }
0xe4: {  	s23 =	simm.s32 $0x550;
	s24 =	simm.s32 $0x4CE0  }
0xe5: {  	[tilespmem:s24], [sflag:$0x2] =	stream.indirect.gather [hbm4b:s8+s13], $0x20, s23, s13, $0xb8;
	[tilespmem:$0x16E70] =	vst v63  }
0xe6: {  	s20 =	simm.s32 $0x578;
	s22 =	simm.s32 $0x51E0  }
0xe7: {  	[tilespmem:s22], [sflag:$0x2] =	stream.indirect.gather [hbm4b:s8+s13], $0x20, s20, s13, $0xb8;
	[tilespmem:$0x16E70] =	vst v63  }
0xe8: {  	s19 =	rddreg [dreg:$0x1b];
	s23 =	simm.s32 $0x5A0;
	s24 =	simm.s32 $0x56E0  }
0xe9: {  	[tilespmem:s24], [sflag:$0x2] =	stream.indirect.gather [hbm4b:s8+s13], $0x20, s23, s13, $0xb8;
	[tilespmem:$0x16E70] =	vst v63  }
0xea: {  	s17 =	sadd.s32 s19, s17;
	s20 =	simm.s32 $0x5C8;
	s22 =	simm.s32 $0x5BE0  }
0xeb: {  	[tilespmem:s22], [sflag:$0x2] =	stream.indirect.gather [hbm4b:s8+s13], $0x20, s20, s13, $0xb8;
	[tilespmem:$0x16E70] =	vst v63  }
0xec: {  	s17 =	smul.u32 $0xA, s17;
	s23 =	simm.s32 $0x5F0;
	s24 =	simm.s32 $0x60E0  }
0xed: {  	[tilespmem:s24], [sflag:$0x2] =	stream.indirect.gather [hbm4b:s8+s13], $0x20, s23, s13, $0xb8;
	[tilespmem:$0x16E70] =	vst v63  }
0xee: {  	s17 =	sshrl.u32 s17, $0x3;
	s20 =	simm.s32 $0x618;
	s22 =	simm.s32 $0x65E0  }
0xef: {  	[tilespmem:s22], [sflag:$0x2] =	stream.indirect.gather [hbm4b:s8+s13], $0x20, s20, s13, $0xb8;
	[tilespmem:$0x16E70] =	vst v63  }
0xf0: {  	s17 =	sadd.s32 s1, s17;
	s23 =	simm.s32 $0x190  }
0xf1: {  	[tilespmem:s23], [sflag:$0x2] =	stream.linear.gather [hbm4b:s17+s7], $0x190, $0x38;
	[tilespmem:$0x16E70] =	vst v63  }
0xf2: {  	_ =	swait.ge [sflag:s31], $0x500  }
0xf3: {  	[sflag:s31] =	ssyncset.done $0x0  }
0xf4: {  	[sflag:s31] =	ssyncadd.s32 $0xFFFFFB00  }
0xf5: {  	_ =	swait.ge [sflag:s31], $0x500  }
0xf6: {  	[sflag:s31] =	ssyncset.done $0x0  }
0xf7: {  	[sflag:s31] =	ssyncadd.s32 $0xFFFFFB00  }
0xf8: {  	_ =	swait.ge [sflag:s31], $0x500  }
0xf9: {  	[sflag:s31] =	ssyncset.done $0x0  }
0xfa: {  	[sflag:s31] =	ssyncadd.s32 $0xFFFFFB00  }
0xfb: {  	_ =	swait.ge [sflag:s31], $0x500  }
0xfc: {  	[sflag:s31] =	ssyncset.done $0x0  }
0xfd: {  	[sflag:s31] =	ssyncadd.s32 $0xFFFFFB00  }
0xfe: {  	_ =	swait.ge [sflag:s31], $0x500  }
0xff: {  	[sflag:s31] =	ssyncset.done $0x0  }
0x100: {  	[sflag:s31] =	ssyncadd.s32 $0xFFFFFB00  }
0x101: {  	_ =	swait.ge [sflag:s31], $0x500  }
0x102: {  	[sflag:s31] =	ssyncset.done $0x0  }
0x103: {  	[sflag:s31] =	ssyncadd.s32 $0xFFFFFB00  }
0x104: {  	_ =	swait.ge [sflag:s31], $0x500  }
0x105: {  	[sflag:s31] =	ssyncset.done $0x0  }
0x106: {  	[sflag:s31] =	ssyncadd.s32 $0xFFFFFB00  }
0x107: {  	_ =	swait.ge [sflag:s31], $0x500  }
0x108: {  	[sflag:s31] =	ssyncset.done $0x0  }
0x109: {  	[sflag:s31] =	ssyncadd.s32 $0xFFFFFB00  }
0x10a: {  	_ =	swait.ge [sflag:s31], $0x500  }
0x10b: {  	[sflag:s31] =	ssyncset.done $0x0  }
0x10c: {  	[sflag:s31] =	ssyncadd.s32 $0xFFFFFB00  }
0x10d: {  	_ =	swait.ge [sflag:s31], $0x500  }
0x10e: {  	[sflag:s31] =	ssyncset.done $0x0  }
0x10f: {  	[sflag:s31] =	ssyncadd.s32 $0xFFFFFB00  }
0x110: {  	_ =	swait.ge [sflag:s31], $0x190  }
0x111: {  	[sflag:s31] =	ssyncset.done $0x0  }
0x112: {  	s24 =	simm.s32 $0x960;
	[sflag:s31] =	ssyncadd.s32 $0xFFFFFE70  }
0x113: {  	v4 =	vld [tilespmem:s24+$0x150]  }
0x114: {  	v5 =	vld [tilespmem:s24+$0x170]  }
0x115: {  	v6 =	vld [tilespmem:s24+$0xFFFFFD90]  }
0x116: {  	v7 =	vld [tilespmem:s24+$0x190]  }
0x117: {  	v8 =	vld [tilespmem:s24+$0xFFFFFDA0]  }
0x118: {  	v30 =	vld [tilespmem:s24+$0x180]  }
0x119: {  	v31 =	vld [tilespmem:s24+$0x140]  }
0x11a: {  	v33 =	vld [tilespmem:s24+$0x160]  }
0x11b: {  	v34 =	vld [tilespmem:s24+$0xFFFFFEF0]  }
0x11c: {  	v47 =	vld [tilespmem:s24+$0x10]  }
0x11d: {  	v36 =	vld [tilespmem:s24+$0x20]  }
0x11e: {  	v38 =	vld [tilespmem:s24+$0x30];
	v10 =	vunpack.i.l.bf16.f32 v4;
	v4 =	vunpack.i.u.bf16.f32 v4  }
0x11f: {  	v41 =	vld [tilespmem:s24+$0xFFFFFDD0];
	v12 =	vunpack.i.u.bf16.f32 v5;
	v5 =	vunpack.i.l.bf16.f32 v5;
	v13 =	vunpack.i.u.bf16.f32 v6  }
0x120: {  	v42 =	vld [tilespmem:s24+$0xFFFFFF00];
	v6 =	vunpack.i.l.bf16.f32 v6;
	v18 =	vunpack.i.u.bf16.f32 v8;
	v19 =	vunpack.i.l.bf16.f32 v8  }
0x121: {  	v53 =	vld [tilespmem:s24+$0x40];
	v35 =	vunpack.i.u.bf16.f32 v30;
	v30 =	vunpack.i.l.bf16.f32 v30;
	v37 =	vunpack.i.u.bf16.f32 v31  }
0x122: {  	v46 =	vld [tilespmem:s24+$0xFFFFFDF0];
	v31 =	vunpack.i.l.bf16.f32 v31;
	v39 =	vunpack.i.u.bf16.f32 v33;
	v33 =	vunpack.i.l.bf16.f32 v33  }
0x123: {  	v9 =	vld [tilespmem:s24+$0x1B0];
	v40 =	vunpack.i.u.bf16.f32 v34;
	v34 =	vunpack.i.l.bf16.f32 v34;
	v50 =	vunpack.i.u.bf16.f32 v47  }
0x124: {  	v48 =	vld [tilespmem:s24+$0xFFFFFDC0];
	v43 =	vunpack.i.u.bf16.f32 v36;
	v36 =	vunpack.i.l.bf16.f32 v36;
	v44 =	vunpack.i.u.bf16.f32 v38  }
0x125: {  	v51 =	vld [tilespmem:s24+$0xFFFFFF10];
	v38 =	vunpack.i.l.bf16.f32 v38;
	v56 =	vunpack.i.u.bf16.f32 v41;
	v41 =	vunpack.i.l.bf16.f32 v41  }
0x126: {  	v11 =	vld [tilespmem:s24+$0xFFFFFDB0];
	v57 =	vunpack.i.u.bf16.f32 v42;
	v42 =	vunpack.i.l.bf16.f32 v42;
	v58 =	vunpack.i.u.bf16.f32 v53  }
0x127: {  	v14 =	vld [tilespmem:s24+$0x1D0];
	v61 =	vunpack.i.u.bf16.f32 v46;
	v46 =	vunpack.i.l.bf16.f32 v46;
	v4 =	vadd.f32 v12, v4  }
0x128: {  	v15 =	vld [tilespmem:s24+$0x1F0];
	v5 =	vadd.f32 v5, v10;
	v10 =	vunpack.i.u.bf16.f32 v7;
	v7 =	vunpack.i.l.bf16.f32 v7  }
0x129: {  	v16 =	vld [tilespmem:s24+$0x210];
	v31 =	vadd.f32 v33, v31;
	v37 =	vadd.f32 v39, v37;
	v33 =	vunpack.i.l.bf16.f32 v48  }
0x12a: {  	v8 =	vld [tilespmem:s24+$0xFFFFFED0];
	v55 =	vadd.f32 v44, v50;
	v39 =	vunpack.i.l.bf16.f32 v51;
	v4 =	vadd.f32 v10, v4  }
0x12b: {  	v12 =	vld [tilespmem:s24+$0xFFFFFEC0];
	v5 =	vadd.f32 v7, v5;
	v7 =	vunpack.i.u.bf16.f32 v9;
	v10 =	vunpack.i.l.bf16.f32 v11  }
0x12c: {  	v11 =	vunpack.i.u.bf16.f32 v11;
	v30 =	vadd.f32 v30, v31;
	v31 =	vadd.f32 v35, v37  }
0x12d: {  	v45 =	vld [tilespmem:s24+$0xFFFFFDE0];
	v9 =	vunpack.i.l.bf16.f32 v9;
	v20 =	vadd.f32 v10, v6;
	v21 =	vadd.f32 v11, v13  }
0x12e: {  	v59 =	vld [tilespmem:s24+$0x60];
	v13 =	vunpack.i.u.bf16.f32 v15;
	v4 =	vadd.f32 v7, v4;
	v7 =	vunpack.i.u.bf16.f32 v14  }
0x12f: {  	v62 =	vld [tilespmem:s24+$0xFFFFFE00];
	v5 =	vadd.f32 v9, v5;
	v22 =	vunpack.i.u.bf16.f32 v8;
	v23 =	vunpack.i.l.bf16.f32 v8  }
0x130: {  	v8 =	vunpack.i.u.bf16.f32 v16;
	v10 =	vunpack.i.u.bf16.f32 v12;
	v23 =	vadd.f32 v34, v23  }
0x131: {  	v6 =	vld [tilespmem:s24+$0xFFFFFEE0];
	v12 =	vunpack.i.l.bf16.f32 v12;
	v22 =	vadd.f32 v40, v22;
	v20 =	vadd.f32 v41, v20  }
0x132: {  	v24 =	vld [tilespmem:s24+$0x270];
	v21 =	vadd.f32 v56, v21;
	v40 =	vunpack.i.u.bf16.f32 v45;
	v45 =	vunpack.i.l.bf16.f32 v45  }
0x133: {  	v11 =	vld [tilespmem:s24+$0x230];
	v56 =	vunpack.i.u.bf16.f32 v59;
	v4 =	vadd.f32 v7, v4;
	v7 =	vunpack.i.l.bf16.f32 v14  }
0x134: {  	v28 =	vld [tilespmem:s24+$0x1C0];
	v41 =	vunpack.i.l.bf16.f32 v59;
	v59 =	vunpack.i.u.bf16.f32 v62;
	v5 =	vadd.f32 v7, v5  }
0x135: {  	v14 =	vld [tilespmem:s24+$0x250];
	v7 =	vunpack.i.l.bf16.f32 v15;
	v23 =	vadd.f32 v39, v23;
	v20 =	vadd.f32 v46, v20  }
0x136: {  	v60 =	vld [tilespmem:s24+$0x70];
	v21 =	vadd.f32 v61, v21;
	v4 =	vadd.f32 v13, v4;
	v13 =	vunpack.i.l.bf16.f32 v6  }
0x137: {  	v15 =	vld [tilespmem:s24+$0x240];
	v39 =	vunpack.i.l.bf16.f32 v62;
	v6 =	vunpack.i.u.bf16.f32 v6;
	v25 =	vadd.f32 v13, v12  }
0x138: {  	v9 =	vld [tilespmem:s24+$0x260];
	v17 =	vunpack.i.l.bf16.f32 v11;
	v26 =	vadd.f32 v6, v10;
	v5 =	vadd.f32 v7, v5  }
0x139: {  	v6 =	vunpack.i.u.bf16.f32 v11;
	v7 =	vunpack.i.l.bf16.f32 v16;
	v16 =	vld [tilespmem:s24+$0x1E0];
	v4 =	vadd.f32 v8, v4  }
0x13a: {  	v8 =	vld [tilespmem:s24+$0x220];
	v27 =	vunpack.i.l.bf16.f32 v14;
	v5 =	vadd.f32 v7, v5;
	v25 =	vadd.f32 v42, v25  }
0x13b: {  	v26 =	vadd.f32 v57, v26;
	v42 =	vunpack.i.l.bf16.f32 v60;
	v4 =	vadd.f32 v6, v4  }
0x13c: {  	v6 =	vunpack.i.u.bf16.f32 v14;
	v7 =	vunpack.i.l.bf16.f32 v15;
	v14 =	vunpack.i.u.bf16.f32 v24  }
0x13d: {  	v29 =	vld [tilespmem:s24+$0x1A0];
	v24 =	vunpack.i.l.bf16.f32 v24;
	v32 =	vadd.f32 v17, v5;
	v5 =	vunpack.i.l.bf16.f32 v9  }
0x13e: {  	v13 =	vld [tilespmem:s24+$0x200];
	v17 =	vunpack.i.l.bf16.f32 v28;
	v12 =	vadd.f32 v6, v4;
	v4 =	vunpack.i.u.bf16.f32 v9  }
0x13f: {  	v6 =	vunpack.i.u.bf16.f32 v15;
	v15 =	vunpack.i.l.bf16.f32 v16;
	v10 =	vunpack.i.u.bf16.f32 v8  }
0x140: {  	v57 =	vld [tilespmem:s24+$0xFFFFFF40];
	v11 =	vunpack.i.l.bf16.f32 v8;
	v9 =	vadd.f32 v27, v32;
	v32 =	vunpack.i.l.bf16.f32 v47  }
0x141: {  	v27 =	vld [tilespmem:s24+$0x0];
	v47 =	vunpack.i.u.bf16.f32 v51;
	v8 =	vadd.f32 v14, v12;
	v14 =	vunpack.i.u.bf16.f32 v16  }
0x142: {  	v16 =	vunpack.i.u.bf16.f32 v28;
	v28 =	vunpack.i.u.bf16.f32 v29;
	v29 =	vunpack.i.l.bf16.f32 v29  }
0x143: {  	v54 =	vld [tilespmem:s24+$0x50];
	v12 =	vunpack.i.u.bf16.f32 v13;
	v32 =	vadd.f32 v38, v32;
	v29 =	vadd.f32 v29, v30  }
0x144: {  	v13 =	vunpack.i.l.bf16.f32 v13;
	v9 =	vadd.f32 v24, v9;
	v24 =	vld [tilespmem:s24+$0xFFFFFD80];
	v28 =	vadd.f32 v28, v31  }
0x145: {  	v22 =	vadd.f32 v47, v22;
	v50 =	vunpack.i.u.bf16.f32 v57;
	v17 =	vadd.f32 v17, v29  }
0x146: {  	v61 =	vld [tilespmem:s24+$0x80];
	v16 =	vadd.f32 v16, v28;
	v49 =	vunpack.i.u.bf16.f32 v27;
	v27 =	vunpack.i.l.bf16.f32 v27  }
0x147: {  	v51 =	vunpack.i.l.bf16.f32 v57;
	v27 =	vadd.f32 v36, v27;
	v34 =	vadd.f32 v43, v49  }
0x148: {  	v44 =	vld [tilespmem:s24+$0xE0];
	v36 =	vunpack.i.l.bf16.f32 v54;
	v15 =	vadd.f32 v15, v17;
	v14 =	vadd.f32 v14, v16  }
0x149: {  	v52 =	vunpack.i.u.bf16.f32 v24;
	v24 =	vunpack.i.l.bf16.f32 v24;
	v32 =	vadd.f32 v36, v32  }
0x14a: {  	v43 =	vunpack.i.l.bf16.f32 v53;
	v49 =	vld [tilespmem:s24+$0xFFFFFF30];
	v19 =	vadd.f32 v19, v24;
	v18 =	vadd.f32 v18, v52  }
0x14b: {  	v31 =	vunpack.i.u.bf16.f32 v61;
	v27 =	vadd.f32 v43, v27;
	v13 =	vadd.f32 v13, v15  }
0x14c: {  	v24 =	vunpack.i.u.bf16.f32 v48;
	v12 =	vadd.f32 v12, v14;
	v32 =	vadd.f32 v42, v32  }
0x14d: {  	v48 =	vld [tilespmem:s24+$0xFFFFFF20];
	v15 =	vunpack.i.u.bf16.f32 v44;
	v19 =	vadd.f32 v33, v19;
	v18 =	vadd.f32 v24, v18  }
0x14e: {  	v24 =	vunpack.i.u.bf16.f32 v54;
	v33 =	vadd.f32 v58, v34;
	v27 =	vadd.f32 v41, v27  }
0x14f: {  	v52 =	vld [tilespmem:s24+$0xFFFFFE10];
	v24 =	vadd.f32 v24, v55;
	v55 =	vunpack.i.l.bf16.f32 v49;
	v19 =	vadd.f32 v45, v19  }
0x150: {  	v57 =	vld [tilespmem:s24+$0xFFFFFF70];
	v54 =	vunpack.i.u.bf16.f32 v49;
	v18 =	vadd.f32 v40, v18;
	v23 =	vadd.f32 v55, v23  }
0x151: {  	v58 =	vunpack.i.u.bf16.f32 v60;
	v60 =	vld [tilespmem:s24+$0xFFFFFF50];
	v22 =	vadd.f32 v54, v22;
	v33 =	vadd.f32 v56, v33  }
0x152: {  	v49 =	vld [tilespmem:s24+$0xFFFFFE20];
	v54 =	vunpack.i.l.bf16.f32 v61;
	v53 =	vunpack.i.l.bf16.f32 v48;
	v24 =	vadd.f32 v58, v24  }
0x153: {  	v63 =	vunpack.i.u.bf16.f32 v48;
	v27 =	vadd.f32 v54, v27;
	v25 =	vadd.f32 v53, v25  }
0x154: {  	v36 =	vunpack.i.l.bf16.f32 v52;
	v26 =	vadd.f32 v63, v26;
	v19 =	vadd.f32 v39, v19  }
0x155: {  	v55 =	vld [tilespmem:s24+$0xFFFFFF60];
	v62 =	vunpack.i.u.bf16.f32 v52;
	v18 =	vadd.f32 v59, v18;
	v20 =	vadd.f32 v36, v20  }
0x156: {  	v52 =	vld [tilespmem:s24+$0xFFFFFE30];
	v48 =	vunpack.i.u.bf16.f32 v57;
	v21 =	vadd.f32 v62, v21;
	v31 =	vadd.f32 v31, v33  }
0x157: {  	v54 =	vld [tilespmem:s24+$0xC0];
	v53 =	vunpack.i.u.bf16.f32 v60;
	v30 =	vunpack.i.l.bf16.f32 v60;
	v58 =	vunpack.i.u.bf16.f32 v49  }
0x158: {  	v63 =	vld [tilespmem:s24+$0x90];
	v35 =	vunpack.i.l.bf16.f32 v49;
	v25 =	vadd.f32 v51, v25;
	v26 =	vadd.f32 v50, v26  }
0x159: {  	v59 =	vld [tilespmem:s24+$0xA0];
	v23 =	vadd.f32 v30, v23;
	v22 =	vadd.f32 v53, v22;
	v49 =	vunpack.i.l.bf16.f32 v57  }
0x15a: {  	v62 =	vld [tilespmem:s24+$0xFFFFFE40];
	v47 =	vunpack.i.l.bf16.f32 v55;
	v19 =	vadd.f32 v35, v19;
	v18 =	vadd.f32 v58, v18  }
0x15b: {  	v60 =	vld [tilespmem:s24+$0xB0];
	v61 =	vunpack.i.u.bf16.f32 v52;
	v30 =	vunpack.i.l.bf16.f32 v52;
	v25 =	vadd.f32 v47, v25  }
0x15c: {  	v29 =	vld [tilespmem:s24+$0xFFFFFE50];
	v23 =	vadd.f32 v49, v23;
	v22 =	vadd.f32 v48, v22;
	v38 =	vunpack.i.l.bf16.f32 v54  }
0x15d: {  	v56 =	vunpack.i.u.bf16.f32 v63;
	v34 =	vunpack.i.l.bf16.f32 v63;
	v63 =	vunpack.i.u.bf16.f32 v55  }
0x15e: {  	v28 =	vunpack.i.u.bf16.f32 v59;
	v40 =	vunpack.i.l.bf16.f32 v59;
	v20 =	vadd.f32 v30, v20  }
0x15f: {  	v51 =	vld [tilespmem:s24+$0xFFFFFF80];
	v21 =	vadd.f32 v61, v21;
	v30 =	vunpack.i.u.bf16.f32 v62;
	v37 =	vunpack.i.l.bf16.f32 v62  }
0x160: {  	v32 =	vadd.f32 v34, v32;
	v24 =	vadd.f32 v56, v24;
	v50 =	vunpack.i.u.bf16.f32 v60  }
0x161: {  	v53 =	vld [tilespmem:s24+$0xFFFFFF90];
	v52 =	vunpack.i.l.bf16.f32 v60;
	v26 =	vadd.f32 v63, v26;
	v56 =	vunpack.i.u.bf16.f32 v29  }
0x162: {  	v29 =	vunpack.i.l.bf16.f32 v29;
	v27 =	vadd.f32 v40, v27;
	v28 =	vadd.f32 v28, v31  }
0x163: {  	v57 =	vld [tilespmem:s24+$0xFFFFFE60];
	v60 =	vunpack.i.u.bf16.f32 v54;
	v19 =	vadd.f32 v37, v19;
	v18 =	vadd.f32 v30, v18  }
0x164: {  	v34 =	vunpack.i.l.bf16.f32 v44;
	v31 =	vunpack.i.u.bf16.f32 v51;
	v20 =	vadd.f32 v29, v20  }
0x165: {  	v58 =	vld [tilespmem:s24+$0xFFFFFE70];
	v59 =	vunpack.i.l.bf16.f32 v51;
	v21 =	vadd.f32 v56, v21;
	v56 =	vadd.f32 v11, v13  }
0x166: {  	v47 =	vld [tilespmem:s24+$0xFFFFFE90];
	v16 =	vunpack.i.u.bf16.f32 v53;
	v32 =	vadd.f32 v52, v32;
	v24 =	vadd.f32 v50, v24  }
0x167: {  	v55 =	vld [tilespmem:s24+$0xD0];
	v17 =	vunpack.i.l.bf16.f32 v53;
	v25 =	vadd.f32 v59, v25;
	v26 =	vadd.f32 v31, v26  }
0x168: {  	v61 =	vld [tilespmem:s24+$0xFFFFFFA0];
	v30 =	vunpack.i.u.bf16.f32 v57;
	v17 =	vadd.f32 v17, v23;
	v16 =	vadd.f32 v16, v22  }
0x169: {  	v49 =	vld [tilespmem:s24+$0xFFFFFFC0];
	v29 =	vunpack.i.l.bf16.f32 v57;
	v27 =	vadd.f32 v38, v27;
	v28 =	vadd.f32 v60, v28  }
0x16a: {  	v35 =	vunpack.i.l.bf16.f32 v58;
	v19 =	vadd.f32 v29, v19;
	v18 =	vadd.f32 v30, v18  }
0x16b: {  	v63 =	vld [tilespmem:s24+$0xFFFFFFB0];
	v45 =	vunpack.i.u.bf16.f32 v58;
	v58 =	vadd.f32 v10, v12;
	v20 =	vadd.f32 v35, v20  }
0x16c: {  	v51 =	vld [tilespmem:s24+$0x100];
	v21 =	vadd.f32 v45, v21;
	v53 =	vunpack.i.u.bf16.f32 v47;
	v62 =	vunpack.i.u.bf16.f32 v55  }
0x16d: {  	v31 =	vld [tilespmem:s24+$0xF0];
	v33 =	vunpack.i.l.bf16.f32 v55;
	v23 =	vunpack.i.u.bf16.f32 v61;
	v46 =	vunpack.i.l.bf16.f32 v61  }
0x16e: {  	v22 =	vld [tilespmem:s24+$0xFFFFFE80];
	v27 =	vadd.f32 v34, v27;
	v55 =	vunpack.i.u.bf16.f32 v49;
	v15 =	vadd.f32 v15, v28  }
0x16f: {  	v50 =	vld [tilespmem:s24+$0xFFFFFFD0];
	v28 =	vunpack.i.l.bf16.f32 v49;
	v32 =	vadd.f32 v33, v32;
	v24 =	vadd.f32 v62, v24  }
0x170: {  	v48 =	vunpack.i.u.bf16.f32 v63;
	v14 =	vunpack.i.l.bf16.f32 v63;
	v25 =	vadd.f32 v46, v25  }
0x171: {  	v52 =	vld [tilespmem:s24+$0x110];
	v54 =	vadd.f32 v23, v26;
	v23 =	vunpack.i.l.bf16.f32 v47;
	v14 =	vadd.f32 v14, v17  }
0x172: {  	v16 =	vadd.f32 v48, v16;
	v10 =	vunpack.i.u.bf16.f32 v51;
	v12 =	vunpack.i.l.bf16.f32 v51  }
0x173: {  	v11 =	vld [tilespmem:s24+$0xFFFFFEB0];
	v29 =	vunpack.i.u.bf16.f32 v31;
	v31 =	vunpack.i.l.bf16.f32 v31;
	v30 =	vunpack.i.u.bf16.f32 v22  }
0x174: {  	v22 =	vunpack.i.l.bf16.f32 v22;
	v13 =	vunpack.i.u.bf16.f32 v50;
	v31 =	vadd.f32 v31, v32  }
0x175: {  	v60 =	vld [tilespmem:s24+$0xFFFFFFE0];
	v57 =	vunpack.i.l.bf16.f32 v50;
	v29 =	vadd.f32 v29, v24;
	v17 =	vadd.f32 v22, v19  }
0x176: {  	v26 =	vld [tilespmem:s24+$0xFFFFFEA0];
	v59 =	vunpack.i.u.bf16.f32 v52;
	v18 =	vadd.f32 v30, v18;
	v22 =	vadd.f32 v23, v20  }
0x177: {  	v61 =	vld [tilespmem:s24+$0xFFFFFFF0];
	v30 =	vunpack.i.l.bf16.f32 v52;
	v19 =	vadd.f32 v53, v21;
	v23 =	vadd.f32 v28, v25  }
0x178: {  	v62 =	vld [tilespmem:s24+$0x120];
	v20 =	vadd.f32 v55, v54;
	v25 =	vunpack.i.u.bf16.f32 v11;
	v21 =	vadd.f32 v57, v14  }
0x179: {  	v63 =	vld [tilespmem:s24+$0x130];
	v16 =	vadd.f32 v13, v16;
	v28 =	vunpack.i.l.bf16.f32 v11;
	v13 =	vadd.f32 v12, v27  }
0x17a: {  	v12 =	vadd.f32 v10, v15;
	v27 =	vunpack.i.u.bf16.f32 v60;
	v15 =	vadd.f32 v7, v56  }
0x17b: {  	v14 =	vadd.f32 v6, v58;
	v24 =	vunpack.i.u.bf16.f32 v26;
	v26 =	vunpack.i.l.bf16.f32 v26  }
0x17c: {  	s17 =	simm.s32 $0x6B60;
	v11 =	vadd.f32 v30, v31;
	v10 =	vadd.f32 v59, v29;
	v30 =	vunpack.i.l.bf16.f32 v60  }
0x17d: {  	[tilespmem:s17+$0x70] =	vst v8;
	v29 =	vunpack.i.u.bf16.f32 v61;
	v31 =	vunpack.i.l.bf16.f32 v61;
	v7 =	vunpack.i.u.bf16.f32 v62  }
0x17e: {  	s18 =	simm.s32 $0x6B60;
	s19 =	simm.s32 $0x0;
	s20 =	simm.s32 $0xE60;
	[tilespmem:s17+$0x60] =	vst v9;
	v9 =	vunpack.i.l.bf16.f32 v62;
	v6 =	vunpack.i.u.bf16.f32 v63;
	v8 =	vunpack.i.l.bf16.f32 v63  }
.LBB2_15:
0x17f: {  	v32 =	vld [tilespmem:s20+$0x150];
	v17 =	vadd.f32 v26, v17;
	v18 =	vadd.f32 v24, v18  }
0x180: {  	s19 =	sadd.s32 $0x4, s19;
	v22 =	vadd.f32 v28, v22;
	v19 =	vadd.f32 v25, v19;
	v24 =	vld [tilespmem:s20+$0x170]  }
0x181: {  	v20 =	vadd.f32 v27, v20;
	p1 =	slt.u32 s19, $0x24;
	v25 =	vld [tilespmem:s20+$0xFFFFFD90];
	[tilespmem:s17+$0xFFFFFF80] =	vst v17;
	v17 =	vadd.f32 v30, v23  }
0x182: {  	v16 =	vadd.f32 v29, v16;
	v23 =	vld [tilespmem:s20+$0x190];
	[tilespmem:s17+$0xFFFFFF90] =	vst v18;
	v18 =	vadd.f32 v31, v21  }
0x183: {  	v9 =	vadd.f32 v9, v13;
	v7 =	vadd.f32 v7, v12;
	v26 =	vld [tilespmem:s20+$0xFFFFFDA0];
	[tilespmem:s17+$0xFFFFFFA0] =	vst v22  }
0x184: {  	v8 =	vadd.f32 v8, v11;
	v6 =	vadd.f32 v6, v10;
	v12 =	vunpack.i.l.bf16.f32 v32;
	v13 =	vld [tilespmem:s20+$0x1B0];
	[tilespmem:s17+$0xFFFFFFB0] =	vst v19  }
0x185: {  	v11 =	vunpack.i.u.bf16.f32 v32;
	v10 =	vld [tilespmem:s20+$0xFFFFFDB0];
	v19 =	vunpack.i.u.bf16.f32 v24;
	v21 =	vunpack.i.l.bf16.f32 v24;
	[tilespmem:s17+$0xFFFFFFC0] =	vst v17  }
0x186: {  	v17 =	vunpack.i.u.bf16.f32 v25;
	v22 =	vunpack.i.l.bf16.f32 v25;
	v11 =	vadd.f32 v19, v11;
	v24 =	vld [tilespmem:s20+$0x1D0];
	[tilespmem:s17+$0xFFFFFFD0] =	vst v20  }
0x187: {  	v12 =	vadd.f32 v21, v12;
	v20 =	vld [tilespmem:s20+$0xFFFFFEC0];
	v19 =	vunpack.i.u.bf16.f32 v23;
	v25 =	vunpack.i.l.bf16.f32 v23;
	[tilespmem:s17+$0xFFFFFFE0] =	vst v18  }
0x188: {  	v21 =	vunpack.i.u.bf16.f32 v26;
	v23 =	vunpack.i.l.bf16.f32 v26;
	v11 =	vadd.f32 v19, v11;
	v26 =	vld [tilespmem:s20+$0x1F0];
	[tilespmem:s17+$0xFFFFFFF0] =	vst v16  }
0x189: {  	v12 =	vadd.f32 v25, v12;
	v16 =	vld [tilespmem:s20+$0xFFFFFED0];
	v18 =	vunpack.i.u.bf16.f32 v13;
	v13 =	vunpack.i.l.bf16.f32 v13;
	[tilespmem:s17+$0x0] =	vst v9  }
0x18a: {  	v9 =	vunpack.i.u.bf16.f32 v10;
	v10 =	vunpack.i.l.bf16.f32 v10;
	v11 =	vadd.f32 v18, v11;
	v27 =	vld [tilespmem:s20+$0x210];
	[tilespmem:s17+$0x10] =	vst v7  }
0x18b: {  	v18 =	vadd.f32 v10, v22;
	v19 =	vadd.f32 v9, v17;
	v7 =	vld [tilespmem:s20+$0xFFFFFEE0];
	v9 =	vunpack.i.u.bf16.f32 v24;
	[tilespmem:s17+$0x20] =	vst v8  }
0x18c: {  	v8 =	vunpack.i.u.bf16.f32 v20;
	v10 =	vunpack.i.l.bf16.f32 v20;
	v9 =	vadd.f32 v9, v11;
	v11 =	vld [tilespmem:s20+$0x230];
	[tilespmem:s17+$0x30] =	vst v6  }
0x18d: {  	v6 =	vadd.f32 v13, v12;
	v12 =	vunpack.i.l.bf16.f32 v24;
	v13 =	vunpack.i.u.bf16.f32 v26;
	v17 =	vld [tilespmem:s20+$0x260]  }
0x18e: {  	v28 =	vunpack.i.u.bf16.f32 v16;
	v29 =	vunpack.i.l.bf16.f32 v16;
	v9 =	vadd.f32 v13, v9;
	v13 =	vld [tilespmem:s20+$0x250]  }
0x18f: {  	v6 =	vadd.f32 v12, v6;
	v12 =	vunpack.i.l.bf16.f32 v26;
	v16 =	vunpack.i.u.bf16.f32 v27;
	v26 =	vld [tilespmem:s20+$0x270]  }
0x190: {  	v20 =	vunpack.i.u.bf16.f32 v7;
	v7 =	vunpack.i.l.bf16.f32 v7;
	v9 =	vadd.f32 v16, v9;
	v16 =	vld [tilespmem:s20+$0x240]  }
0x191: {  	v24 =	vadd.f32 v7, v10;
	v25 =	vadd.f32 v20, v8;
	v10 =	vld [tilespmem:s20+$0x220];
	v7 =	vunpack.i.u.bf16.f32 v11  }
0x192: {  	v6 =	vadd.f32 v12, v6;
	v8 =	vunpack.i.l.bf16.f32 v27;
	v12 =	vld [tilespmem:s20+$0x200];
	v7 =	vadd.f32 v7, v9  }
0x193: {  	v22 =	vunpack.i.l.bf16.f32 v11;
	v20 =	vld [tilespmem:s20+$0x1E0];
	v9 =	vunpack.i.u.bf16.f32 v13;
	v27 =	vunpack.i.l.bf16.f32 v13  }
0x194: {  	v31 =	vunpack.i.u.bf16.f32 v17;
	v13 =	vadd.f32 v8, v6;
	v30 =	vld [tilespmem:s20+$0x1C0];
	v11 =	vadd.f32 v9, v7  }
0x195: {  	v32 =	vld [tilespmem:s20+$0x1A0];
	v6 =	vunpack.i.u.bf16.f32 v16;
	v7 =	vunpack.i.l.bf16.f32 v16;
	v16 =	vunpack.i.u.bf16.f32 v26  }
0x196: {  	v33 =	vld [tilespmem:s20+$0x180];
	v8 =	vunpack.i.u.bf16.f32 v10;
	v9 =	vunpack.i.l.bf16.f32 v10;
	v16 =	vadd.f32 v16, v11  }
0x197: {  	s22 =	simm.s32 $0x340;
	s17 =	sadd.s32 $0x100, s17;
	v22 =	vadd.f32 v22, v13;
	v34 =	vld [tilespmem:s20+$0x140];
	v10 =	vunpack.i.u.bf16.f32 v12;
	v11 =	vunpack.i.l.bf16.f32 v12  }
0x198: {  	s24 =	simm.s32 $0x20;
	s23 =	simm.s32 $0x9D00;
	v36 =	vunpack.i.l.bf16.f32 v17;
	v35 =	vld [tilespmem:s20+$0x160];
	v12 =	vunpack.i.u.bf16.f32 v20;
	v13 =	vunpack.i.l.bf16.f32 v20;
	[tilespmem:s17+$0x70] =	vst v16  }
0x199: {  	v27 =	vadd.f32 v27, v22;
	v37 =	vld [tilespmem:s20+$0xFFFFFEF0];
	v16 =	vunpack.i.u.bf16.f32 v30;
	v17 =	vunpack.i.l.bf16.f32 v30  }
0x19a: {  	v26 =	vunpack.i.l.bf16.f32 v26;
	v30 =	vld [tilespmem:s20+$0x0];
	v20 =	vunpack.i.u.bf16.f32 v32;
	v22 =	vunpack.i.l.bf16.f32 v32  }
0x19b: {  	v15 =	vadd.f32 v5, v15;
	v5 =	vmovc v36;
	v32 =	vld [tilespmem:s20+$0x10];
	v38 =	vunpack.i.u.bf16.f32 v33;
	v33 =	vunpack.i.l.bf16.f32 v33  }
0x19c: {  	v14 =	vadd.f32 v4, v14;
	v4 =	vmovc v31;
	v36 =	vld [tilespmem:s20+$0x20];
	v39 =	vunpack.i.u.bf16.f32 v34;
	v34 =	vunpack.i.l.bf16.f32 v34  }
0x19d: {  	v26 =	vadd.f32 v26, v27;
	v31 =	vld [tilespmem:s20+$0x30];
	v40 =	vunpack.i.u.bf16.f32 v35;
	v35 =	vunpack.i.l.bf16.f32 v35;
	[tilespmem:s18+$0x40] =	vst v15  }
0x19e: {  	v15 =	vld [tilespmem:s20+$0xFFFFFD80];
	v27 =	vunpack.i.u.bf16.f32 v37;
	v37 =	vunpack.i.l.bf16.f32 v37;
	v34 =	vadd.f32 v35, v34;
	[tilespmem:s18+$0x50] =	vst v14;
	s18 =	smov.u32 s17  }
0x19f: {  	v14 =	vld [tilespmem:s20+$0xFFFFFDC0];
	v29 =	vadd.f32 v37, v29;
	v35 =	vunpack.i.u.bf16.f32 v30;
	v30 =	vunpack.i.l.bf16.f32 v30;
	[tilespmem:s17+$0x60] =	vst v26  }
0x1a0: {  	v27 =	vadd.f32 v27, v28;
	v26 =	vld [tilespmem:s20+$0xFFFFFDD0];
	v28 =	vunpack.i.u.bf16.f32 v32;
	v32 =	vunpack.i.l.bf16.f32 v32  }
0x1a1: {  	v39 =	vadd.f32 v40, v39;
	v37 =	vld [tilespmem:s20+$0xFFFFFF00];
	v41 =	vunpack.i.u.bf16.f32 v36;
	v36 =	vunpack.i.l.bf16.f32 v36  }
0x1a2: {  	v40 =	vld [tilespmem:s20+$0xFFFFFF10];
	v42 =	vunpack.i.u.bf16.f32 v31;
	v31 =	vunpack.i.l.bf16.f32 v31;
	v30 =	vadd.f32 v36, v30  }
0x1a3: {  	v35 =	vadd.f32 v41, v35;
	v36 =	vunpack.i.u.bf16.f32 v15;
	v15 =	vunpack.i.l.bf16.f32 v15;
	v41 =	vld [tilespmem:s20+$0x40]  }
0x1a4: {  	v15 =	vadd.f32 v23, v15;
	v21 =	vadd.f32 v21, v36;
	v23 =	vunpack.i.u.bf16.f32 v14;
	v36 =	vld [tilespmem:s20+$0x50]  }
0x1a5: {  	v31 =	vadd.f32 v31, v32;
	v28 =	vadd.f32 v42, v28;
	v14 =	vunpack.i.l.bf16.f32 v14;
	v43 =	vld [tilespmem:s20+$0xFFFFFDE0]  }
0x1a6: {  	v32 =	vunpack.i.u.bf16.f32 v26;
	v26 =	vunpack.i.l.bf16.f32 v26;
	v42 =	vld [tilespmem:s20+$0xFFFFFDF0];
	v44 =	vunpack.i.u.bf16.f32 v37  }
0x1a7: {  	v37 =	vunpack.i.l.bf16.f32 v37;
	v45 =	vunpack.i.u.bf16.f32 v40;
	v40 =	vunpack.i.l.bf16.f32 v40;
	v46 =	vld [tilespmem:s20+$0xFFFFFF20]  }
0x1a8: {  	v14 =	vadd.f32 v14, v15;
	v15 =	vld [tilespmem:s20+$0xFFFFFF30];
	v47 =	vunpack.i.u.bf16.f32 v41;
	v41 =	vunpack.i.l.bf16.f32 v41  }
0x1a9: {  	v21 =	vadd.f32 v23, v21;
	v23 =	vunpack.i.u.bf16.f32 v36;
	v36 =	vunpack.i.l.bf16.f32 v36;
	v48 =	vld [tilespmem:s20+$0x60]  }
0x1aa: {  	v18 =	vadd.f32 v26, v18;
	v19 =	vadd.f32 v32, v19;
	v26 =	vunpack.i.u.bf16.f32 v43;
	v32 =	vld [tilespmem:s20+$0x70]  }
0x1ab: {  	v24 =	vadd.f32 v37, v24;
	v25 =	vadd.f32 v44, v25;
	v43 =	vunpack.i.l.bf16.f32 v43;
	v49 =	vld [tilespmem:s20+$0xFFFFFE00]  }
0x1ac: {  	v29 =	vadd.f32 v40, v29;
	v27 =	vadd.f32 v45, v27;
	v37 =	vunpack.i.u.bf16.f32 v42;
	v44 =	vld [tilespmem:s20+$0xFFFFFE10]  }
0x1ad: {  	v30 =	vadd.f32 v41, v30;
	v35 =	vadd.f32 v47, v35;
	v40 =	vunpack.i.l.bf16.f32 v42;
	v42 =	vld [tilespmem:s20+$0xFFFFFF40]  }
0x1ae: {  	v31 =	vadd.f32 v36, v31;
	v23 =	vadd.f32 v23, v28;
	v41 =	vunpack.i.u.bf16.f32 v46;
	v45 =	vld [tilespmem:s20+$0xFFFFFF50]  }
0x1af: {  	v33 =	vadd.f32 v33, v34;
	v34 =	vadd.f32 v38, v39;
	v28 =	vunpack.i.l.bf16.f32 v46;
	v36 =	vld [tilespmem:s20+$0x80]  }
0x1b0: {  	v38 =	vunpack.i.u.bf16.f32 v15;
	v15 =	vunpack.i.l.bf16.f32 v15;
	v39 =	vunpack.i.u.bf16.f32 v48;
	v46 =	vld [tilespmem:s20+$0x90]  }
0x1b1: {  	v48 =	vunpack.i.l.bf16.f32 v48;
	v50 =	vunpack.i.u.bf16.f32 v32;
	v32 =	vunpack.i.l.bf16.f32 v32;
	v47 =	vld [tilespmem:s20+$0xFFFFFE20]  }
0x1b2: {  	v14 =	vadd.f32 v43, v14;
	v21 =	vadd.f32 v26, v21;
	v26 =	vunpack.i.u.bf16.f32 v49;
	v43 =	vld [tilespmem:s20+$0xFFFFFE30]  }
0x1b3: {  	v18 =	vadd.f32 v40, v18;
	v19 =	vadd.f32 v37, v19;
	v37 =	vunpack.i.l.bf16.f32 v49;
	v40 =	vld [tilespmem:s20+$0xFFFFFF60]  }
0x1b4: {  	v24 =	vadd.f32 v28, v24;
	v25 =	vadd.f32 v41, v25;
	v49 =	vunpack.i.u.bf16.f32 v44;
	v28 =	vld [tilespmem:s20+$0xFFFFFF70]  }
0x1b5: {  	v15 =	vadd.f32 v15, v29;
	v27 =	vadd.f32 v38, v27;
	v41 =	vunpack.i.l.bf16.f32 v44;
	v29 =	vld [tilespmem:s20+$0xA0]  }
0x1b6: {  	v30 =	vadd.f32 v48, v30;
	v35 =	vadd.f32 v39, v35;
	v38 =	vunpack.i.u.bf16.f32 v42;
	v39 =	vld [tilespmem:s20+$0xB0]  }
0x1b7: {  	v31 =	vadd.f32 v32, v31;
	v23 =	vadd.f32 v50, v23;
	v42 =	vunpack.i.l.bf16.f32 v42;
	v44 =	vld [tilespmem:s20+$0xFFFFFE40]  }
0x1b8: {  	v22 =	vadd.f32 v22, v33;
	v20 =	vadd.f32 v20, v34;
	v48 =	vunpack.i.u.bf16.f32 v45;
	v32 =	vld [tilespmem:s20+$0xFFFFFE50]  }
0x1b9: {  	v33 =	vunpack.i.l.bf16.f32 v45;
	v45 =	vunpack.i.u.bf16.f32 v36;
	v36 =	vunpack.i.l.bf16.f32 v36;
	v34 =	vld [tilespmem:s20+$0xFFFFFF80]  }
0x1ba: {  	v14 =	vadd.f32 v37, v14;
	v50 =	vunpack.i.u.bf16.f32 v46;
	v46 =	vunpack.i.l.bf16.f32 v46;
	v37 =	vld [tilespmem:s20+$0xFFFFFF90]  }
0x1bb: {  	v21 =	vadd.f32 v26, v21;
	v18 =	vadd.f32 v41, v18;
	v26 =	vunpack.i.u.bf16.f32 v47;
	v41 =	vld [tilespmem:s20+$0xC0]  }
0x1bc: {  	v19 =	vadd.f32 v49, v19;
	v24 =	vadd.f32 v42, v24;
	v47 =	vunpack.i.l.bf16.f32 v47;
	v42 =	vld [tilespmem:s20+$0xD0]  }
0x1bd: {  	v25 =	vadd.f32 v38, v25;
	v15 =	vadd.f32 v33, v15;
	v49 =	vunpack.i.u.bf16.f32 v43;
	v51 =	vld [tilespmem:s20+$0xFFFFFE60]  }
0x1be: {  	v27 =	vadd.f32 v48, v27;
	v30 =	vadd.f32 v36, v30;
	v33 =	vunpack.i.l.bf16.f32 v43;
	v38 =	vld [tilespmem:s20+$0xFFFFFE70]  }
0x1bf: {  	v35 =	vadd.f32 v45, v35;
	v31 =	vadd.f32 v46, v31;
	v36 =	vunpack.i.u.bf16.f32 v40;
	v43 =	vld [tilespmem:s20+$0xFFFFFFA0]  }
0x1c0: {  	v17 =	vadd.f32 v17, v22;
	v23 =	vadd.f32 v50, v23;
	v40 =	vunpack.i.l.bf16.f32 v40;
	v45 =	vld [tilespmem:s20+$0xFFFFFFB0]  }
0x1c1: {  	v16 =	vadd.f32 v16, v20;
	v22 =	vunpack.i.u.bf16.f32 v28;
	v28 =	vunpack.i.l.bf16.f32 v28;
	v46 =	vld [tilespmem:s20+$0xE0]  }
0x1c2: {  	v20 =	vunpack.i.u.bf16.f32 v29;
	v29 =	vunpack.i.l.bf16.f32 v29;
	v48 =	vunpack.i.u.bf16.f32 v39;
	v50 =	vld [tilespmem:s20+$0xF0]  }
0x1c3: {  	v14 =	vadd.f32 v47, v14;
	v21 =	vadd.f32 v26, v21;
	v39 =	vunpack.i.l.bf16.f32 v39;
	v26 =	vld [tilespmem:s20+$0xFFFFFE80]  }
0x1c4: {  	v18 =	vadd.f32 v33, v18;
	v19 =	vadd.f32 v49, v19;
	v33 =	vunpack.i.u.bf16.f32 v44;
	v47 =	vld [tilespmem:s20+$0xFFFFFE90]  }
0x1c5: {  	v24 =	vadd.f32 v40, v24;
	v25 =	vadd.f32 v36, v25;
	v44 =	vunpack.i.l.bf16.f32 v44;
	v36 =	vld [tilespmem:s20+$0xFFFFFFC0]  }
0x1c6: {  	v15 =	vadd.f32 v28, v15;
	v22 =	vadd.f32 v22, v27;
	v40 =	vunpack.i.u.bf16.f32 v32;
	v27 =	vld [tilespmem:s20+$0xFFFFFFD0]  }
0x1c7: {  	v29 =	vadd.f32 v29, v30;
	v20 =	vadd.f32 v20, v35;
	v28 =	vunpack.i.l.bf16.f32 v32;
	v30 =	vld [tilespmem:s20+$0x100]  }
0x1c8: {  	v31 =	vadd.f32 v39, v31;
	v23 =	vadd.f32 v48, v23;
	v32 =	vunpack.i.u.bf16.f32 v34;
	v35 =	vld [tilespmem:s20+$0x110]  }
0x1c9: {  	v13 =	vadd.f32 v13, v17;
	v12 =	vadd.f32 v12, v16;
	v34 =	vunpack.i.l.bf16.f32 v34;
	v39 =	vld [tilespmem:s20+$0xFFFFFEA0]  }
0x1ca: {  	v16 =	vunpack.i.u.bf16.f32 v37;
	v17 =	vunpack.i.l.bf16.f32 v37;
	v37 =	vunpack.i.u.bf16.f32 v41;
	v48 =	vld [tilespmem:s20+$0xFFFFFEB0]  }
0x1cb: {  	v41 =	vunpack.i.l.bf16.f32 v41;
	v52 =	vunpack.i.u.bf16.f32 v42;
	v42 =	vunpack.i.l.bf16.f32 v42;
	v49 =	vld [tilespmem:s20+$0xFFFFFFE0]  }
0x1cc: {  	v14 =	vadd.f32 v44, v14;
	v21 =	vadd.f32 v33, v21;
	v33 =	vunpack.i.u.bf16.f32 v51;
	v44 =	vld [tilespmem:s20+$0xFFFFFFF0]  }
0x1cd: {  	v18 =	vadd.f32 v28, v18;
	v19 =	vadd.f32 v40, v19;
	v28 =	vunpack.i.l.bf16.f32 v51;
	v40 =	vld [tilespmem:s20+$0x120]  }
0x1ce: {  	v24 =	vadd.f32 v34, v24;
	v25 =	vadd.f32 v32, v25;
	v51 =	vunpack.i.u.bf16.f32 v38;
	v32 =	vld [tilespmem:s20+$0x130]  }
0x1cf: {  	v15 =	vadd.f32 v17, v15;
	v16 =	vadd.f32 v16, v22;
	v34 =	vunpack.i.l.bf16.f32 v38  }
0x1d0: {  	v22 =	vadd.f32 v41, v29;
	v20 =	vadd.f32 v37, v20;
	v17 =	vunpack.i.u.bf16.f32 v43  }
0x1d1: {  	v31 =	vadd.f32 v42, v31;
	v23 =	vadd.f32 v52, v23;
	v29 =	vunpack.i.l.bf16.f32 v43  }
0x1d2: {  	v11 =	vadd.f32 v11, v13;
	v10 =	vadd.f32 v10, v12;
	v37 =	vunpack.i.u.bf16.f32 v45  }
0x1d3: {  	v12 =	vunpack.i.l.bf16.f32 v45;
	v13 =	vunpack.i.u.bf16.f32 v46;
	v38 =	vunpack.i.l.bf16.f32 v46  }
0x1d4: {  	v14 =	vadd.f32 v28, v14;
	v28 =	vunpack.i.u.bf16.f32 v50;
	v41 =	vunpack.i.l.bf16.f32 v50  }
0x1d5: {  	v21 =	vadd.f32 v33, v21;
	v33 =	vadd.f32 v34, v18;
	v18 =	vunpack.i.u.bf16.f32 v26  }
0x1d6: {  	v19 =	vadd.f32 v51, v19;
	v29 =	vadd.f32 v29, v24;
	v26 =	vunpack.i.l.bf16.f32 v26  }
0x1d7: {  	v25 =	vadd.f32 v17, v25;
	v12 =	vadd.f32 v12, v15;
	v24 =	vunpack.i.u.bf16.f32 v47  }
0x1d8: {  	v16 =	vadd.f32 v37, v16;
	v34 =	vadd.f32 v38, v22;
	v15 =	vunpack.i.l.bf16.f32 v47  }
0x1d9: {  	v38 =	vadd.f32 v13, v20;
	v31 =	vadd.f32 v41, v31;
	v37 =	vunpack.i.u.bf16.f32 v36  }
0x1da: {  	v9 =	vadd.f32 v9, v11;
	v13 =	vunpack.i.l.bf16.f32 v36;
	v36 =	vadd.f32 v28, v23  }
0x1db: {  	v8 =	vadd.f32 v8, v10;
	v11 =	vunpack.i.u.bf16.f32 v27;
	v27 =	vunpack.i.l.bf16.f32 v27  }
0x1dc: {  	v10 =	vunpack.i.u.bf16.f32 v30;
	v30 =	vunpack.i.l.bf16.f32 v30;
	v41 =	vunpack.i.u.bf16.f32 v35  }
0x1dd: {  	v17 =	vadd.f32 v26, v14;
	v18 =	vadd.f32 v18, v21;
	v14 =	vunpack.i.l.bf16.f32 v35  }
0x1de: {  	v22 =	vadd.f32 v15, v33;
	v19 =	vadd.f32 v24, v19;
	v24 =	vunpack.i.u.bf16.f32 v39  }
0x1df: {  	v23 =	vadd.f32 v13, v29;
	v20 =	vadd.f32 v37, v25;
	v26 =	vunpack.i.l.bf16.f32 v39  }
0x1e0: {  	v21 =	vadd.f32 v27, v12;
	v16 =	vadd.f32 v11, v16;
	v25 =	vunpack.i.u.bf16.f32 v48  }
.Ltmp6:
0x1e1: {  	v13 =	vadd.f32 v30, v34;
	v12 =	vadd.f32 v10, v38;
	v28 =	vunpack.i.l.bf16.f32 v48;
	(pc) =	sbr.rel @p1 .LBB2_15-.Ltmp6, $4  }
0x1e2: {  	v11 =	vadd.f32 v14, v31;
	v10 =	vadd.f32 v41, v36;
	v27 =	vunpack.i.u.bf16.f32 v49  }
0x1e3: {  	v15 =	vadd.f32 v7, v9;
	v14 =	vadd.f32 v6, v8;
	v30 =	vunpack.i.l.bf16.f32 v49  }
0x1e4: {  	v29 =	vunpack.i.u.bf16.f32 v44;
	v31 =	vunpack.i.l.bf16.f32 v44;
	v7 =	vunpack.i.u.bf16.f32 v40  }
0x1e5: {  	s20 =	sadd.s32 $0x500, s20;
	v9 =	vunpack.i.l.bf16.f32 v40;
	v6 =	vunpack.i.u.bf16.f32 v32;
	v8 =	vunpack.i.l.bf16.f32 v32  }
0x1e6: {  	v17 =	vadd.f32 v26, v17  }
0x1e7: {  	v18 =	vadd.f32 v24, v18  }
0x1e8: {  	v22 =	vadd.f32 v28, v22;
	[tilespmem:s17+$0xFFFFFF80] =	vst v17  }
0x1e9: {  	v60 =	vadd.f32 v25, v19;
	[tilespmem:s17+$0xFFFFFF90] =	vst v18  }
0x1ea: {  	v61 =	vadd.f32 v30, v23;
	[tilespmem:s17+$0xFFFFFFA0] =	vst v22  }
0x1eb: {  	v62 =	vadd.f32 v27, v20;
	[tilespmem:s17+$0xFFFFFFB0] =	vst v60  }
0x1ec: {  	v63 =	vadd.f32 v31, v21;
	[tilespmem:s17+$0xFFFFFFC0] =	vst v61  }
0x1ed: {  	v16 =	vadd.f32 v29, v16;
	[tilespmem:s17+$0xFFFFFFD0] =	vst v62  }
0x1ee: {  	v9 =	vadd.f32 v9, v13;
	[tilespmem:s17+$0xFFFFFFE0] =	vst v63  }
0x1ef: {  	v7 =	vadd.f32 v7, v12;
	[tilespmem:s17+$0xFFFFFFF0] =	vst v16  }
0x1f0: {  	v8 =	vadd.f32 v8, v11;
	[tilespmem:s17+$0x0] =	vst v9  }
0x1f1: {  	v6 =	vadd.f32 v6, v10;
	[tilespmem:s17+$0x10] =	vst v7  }
0x1f2: {  	v5 =	vadd.f32 v5, v15;
	[tilespmem:s17+$0x20] =	vst v8  }
0x1f3: {  	v4 =	vadd.f32 v4, v14;
	[tilespmem:s17+$0x30] =	vst v6  }
0x1f4: {  	[tilespmem:s18+$0x40] =	vst v5  }
0x1f5: {  	[tilespmem:s18+$0x50] =	vst v4  }
0x1f6: {  	v8 =	vld [tilespmem:s24+$0x20]  }
0x1f7: {  	v9 =	vld [tilespmem:s23+$0x20]  }
0x1f8: {  	v4 =	vld [tilespmem:s23+$0xFFFFFFE0]  }
0x1f9: {  	v10 =	vld [tilespmem:s24+$0xFFFFFFF0]  }
0x1fa: {  	v11 =	vld [tilespmem:s23+$0xFFFFFFF0]  }
0x1fb: {  	v5 =	vld [tilespmem:s24+$0x0]  }
0x1fc: {  	v7 =	vld [tilespmem:s23+$0x0]  }
0x1fd: {  	v6 =	vld [tilespmem:s24+$0x10]  }
0x1fe: {  	v9 =	vadd.s32 v8, v9;
	v8 =	vld [tilespmem:s23+$0x10]  }
0x1ff: {  	s17 =	simm.s32 $0x0;
	s18 =	simm.s32 $0x70;
	v10 =	vadd.s32 v10, v11;
	[tilespmem:s22+$0x20] =	vst v9;
	v9 =	vld [tilespmem:s24+$0xFFFFFFE0]  }
.LBB2_17:
0x200: {  	v11 =	vld [tilespmem:s18+$0x20];
	[tilespmem:s22+$0xFFFFFFF0] =	vst v10;
	s23 =	sadd.s32 $0x50, s23  }
0x201: {  	s17 =	sadd.s32 $0x5, s17;
	v10 =	vld [tilespmem:s23+$0x20];
	v5 =	vadd.s32 v5, v7  }
0x202: {  	p1 =	slt.u32 s17, $0x14;
	v12 =	vld [tilespmem:s23+$0xFFFFFFE0];
	[tilespmem:s22+$0x0] =	vst v5  }
0x203: {  	v13 =	vld [tilespmem:s18+$0xFFFFFFF0];
	v5 =	vadd.s32 v6, v8  }
0x204: {  	v14 =	vld [tilespmem:s23+$0xFFFFFFF0];
	v4 =	vadd.s32 v9, v4;
	[tilespmem:s22+$0x10] =	vst v5  }
.Ltmp7:
0x205: {  	v5 =	vld [tilespmem:s18+$0x0];
	[tilespmem:s22+$0xFFFFFFE0] =	vst v4;
	(pc) =	sbr.rel @p1 .LBB2_17-.Ltmp7, $4  }
0x206: {  	s22 =	sadd.s32 $0x50, s22;
	v7 =	vld [tilespmem:s23+$0x0];
	v8 =	vadd.s32 v11, v10  }
0x207: {  	v6 =	vld [tilespmem:s18+$0x10];
	[tilespmem:s22+$0x20] =	vst v8;
	v4 =	vmov v12  }
0x208: {  	v8 =	vld [tilespmem:s23+$0x10]  }
0x209: {  	v9 =	vld [tilespmem:s18+$0xFFFFFFE0];
	v10 =	vadd.s32 v13, v14;
	s18 =	sadd.s32 $0x50, s18  }
0x20a: {  	_ =	sdelay $0x1  }
0x20b: {  	[tilespmem:s22+$0xFFFFFFF0] =	vst v10;
	v5 =	vadd.s32 v5, v7  }
0x20c: {  	[tilespmem:s22+$0x0] =	vst v5;
	v5 =	vadd.s32 v6, v8  }
0x20d: {  	v4 =	vadd.s32 v9, v4;
	[tilespmem:s22+$0x10] =	vst v5  }
0x20e: {  	s17 =	simm.s32 $0x320;
	s18 =	simm.s32 $0x6E0;
	[tilespmem:s22+$0xFFFFFFE0] =	vst v4  }
0x20f: {  	[tilespmem:s18], [sflag:$0x1] =	stream.indirect.gather [hbm4b:s8+s13], $0x20, s17, s13, $0xb8;
	[tilespmem:$0x16E70] =	vst v63  }
0x210: {  	s19 =	simm.s32 $0xBE0;
	s18 =	simm.s32 $0x348  }
0x211: {  	[tilespmem:s19], [sflag:$0x1] =	stream.indirect.gather [hbm4b:s8+s13], $0x20, s18, s13, $0xb8;
	[tilespmem:$0x16E70] =	vst v63  }
0x212: {  	s20 =	simm.s32 $0x370;
	s22 =	simm.s32 $0x10E0  }
0x213: {  	[tilespmem:s22], [sflag:$0x1] =	stream.indirect.gather [hbm4b:s8+s13], $0x20, s20, s13, $0xb8;
	[tilespmem:$0x16E70] =	vst v63  }
0x214: {  	s23 =	simm.s32 $0x398;
	s24 =	simm.s32 $0x15E0  }
0x215: {  	[tilespmem:s24], [sflag:$0x1] =	stream.indirect.gather [hbm4b:s8+s13], $0x20, s23, s13, $0xb8;
	[tilespmem:$0x16E70] =	vst v63  }
0x216: {  	s19 =	simm.s32 $0x3C0;
	s20 =	simm.s32 $0x1AE0;
	s22 =	sadd.s32 $0x4, s16  }
0x217: {  	[tilespmem:s20], [sflag:$0x1] =	stream.indirect.gather [hbm4b:s8+s13], $0x20, s19, s13, $0xb8;
	[tilespmem:$0x16E70] =	vst v63  }
0x218: {  	s18 =	smul.u32 $0x28, s22;
	p1 =	seq.s32 s22, $0x64  }
0x219: {  	[tilespmem:s28], [sflag:$0x1] =	stream.indirect.gather [hbm4b:s8+s13], $0x20, s26, s13, $0xb8;
	[tilespmem:$0x16E70] =	vst v63  }
0x21a: {  	s18 =	simm.s32 @p1 $0x0  }
0x21b: {  	[tilespmem:s30], [sflag:$0x1] =	stream.indirect.gather [hbm4b:s8+s13], $0x20, s29, s13, $0xb8;
	[tilespmem:$0x16E70] =	vst v63  }
0x21c: {  	s23 =	sadd.s32 s25, s18  }
0x21d: {  	[tilespmem:s10], [sflag:$0x1] =	stream.indirect.gather [hbm4b:s8+s13], $0x20, s9, s13, $0xb8;
	[tilespmem:$0x16E70] =	vst v63  }
0x21e: {  	s17 =	smul.u32 $0xA, s23  }
0x21f: {  	[tilespmem:s2], [sflag:$0x1] =	stream.indirect.gather [hbm4b:s8+s13], $0x20, s11, s13, $0xb8;
	[tilespmem:$0x16E70] =	vst v63  }
0x220: {  	s17 =	sshrl.u32 s17, $0x3  }
0x221: {  	[tilespmem:s5], [sflag:$0x1] =	stream.indirect.gather [hbm4b:s8+s13], $0x20, s3, s13, $0xb8;
	[tilespmem:$0x16E70] =	vst v63  }
0x222: {  	s17 =	sadd.s32 s1, s17  }
0x223: {  	[tilespmem:s7], [sflag:$0x1] =	stream.linear.gather [hbm4b:s17+s7], $0x190, $0x38;
	[tilespmem:$0x16E70] =	vst v63  }
0x224: {  	_ =	swait.ge [sflag:s12], $0x500  }
0x225: {  	[sflag:s12] =	ssyncset.done $0x0  }
0x226: {  	[sflag:s12] =	ssyncadd.s32 $0xFFFFFB00  }
0x227: {  	_ =	swait.ge [sflag:s12], $0x500  }
0x228: {  	[sflag:s12] =	ssyncset.done $0x0  }
0x229: {  	[sflag:s12] =	ssyncadd.s32 $0xFFFFFB00  }
0x22a: {  	_ =	swait.ge [sflag:s12], $0x500  }
0x22b: {  	[sflag:s12] =	ssyncset.done $0x0  }
0x22c: {  	[sflag:s12] =	ssyncadd.s32 $0xFFFFFB00  }
0x22d: {  	_ =	swait.ge [sflag:s12], $0x500  }
0x22e: {  	[sflag:s12] =	ssyncset.done $0x0  }
0x22f: {  	[sflag:s12] =	ssyncadd.s32 $0xFFFFFB00  }
0x230: {  	_ =	swait.ge [sflag:s12], $0x500  }
0x231: {  	[sflag:s12] =	ssyncset.done $0x0  }
0x232: {  	[sflag:s12] =	ssyncadd.s32 $0xFFFFFB00  }
0x233: {  	_ =	swait.ge [sflag:s12], $0x500  }
0x234: {  	[sflag:s12] =	ssyncset.done $0x0  }
0x235: {  	[sflag:s12] =	ssyncadd.s32 $0xFFFFFB00  }
0x236: {  	_ =	swait.ge [sflag:s12], $0x500  }
0x237: {  	[sflag:s12] =	ssyncset.done $0x0  }
0x238: {  	[sflag:s12] =	ssyncadd.s32 $0xFFFFFB00  }
0x239: {  	_ =	swait.ge [sflag:s12], $0x500  }
0x23a: {  	[sflag:s12] =	ssyncset.done $0x0  }
0x23b: {  	[sflag:s12] =	ssyncadd.s32 $0xFFFFFB00  }
0x23c: {  	_ =	swait.ge [sflag:s12], $0x500  }
0x23d: {  	[sflag:s12] =	ssyncset.done $0x0  }
0x23e: {  	[sflag:s12] =	ssyncadd.s32 $0xFFFFFB00  }
0x23f: {  	_ =	swait.ge [sflag:s12], $0x500  }
0x240: {  	[sflag:s12] =	ssyncset.done $0x0  }
0x241: {  	[sflag:s12] =	ssyncadd.s32 $0xFFFFFB00  }
0x242: {  	_ =	swait.ge [sflag:s12], $0x190  }
0x243: {  	[sflag:s12] =	ssyncset.done $0x0  }
0x244: {  	s24 =	simm.s32 $0x3B60;
	[sflag:s12] =	ssyncadd.s32 $0xFFFFFE70  }
0x245: {  	v4 =	vld [tilespmem:s24+$0x150]  }
0x246: {  	v5 =	vld [tilespmem:s24+$0x170]  }
0x247: {  	v6 =	vld [tilespmem:s24+$0xFFFFFD90]  }
0x248: {  	v7 =	vld [tilespmem:s24+$0x190]  }
0x249: {  	v8 =	vld [tilespmem:s24+$0xFFFFFDA0]  }
0x24a: {  	v30 =	vld [tilespmem:s24+$0x180]  }
0x24b: {  	v31 =	vld [tilespmem:s24+$0x140]  }
0x24c: {  	v33 =	vld [tilespmem:s24+$0x160]  }
0x24d: {  	v34 =	vld [tilespmem:s24+$0xFFFFFEF0]  }
0x24e: {  	v47 =	vld [tilespmem:s24+$0x10]  }
0x24f: {  	v36 =	vld [tilespmem:s24+$0x20]  }
0x250: {  	v38 =	vld [tilespmem:s24+$0x30];
	v10 =	vunpack.i.l.bf16.f32 v4;
	v4 =	vunpack.i.u.bf16.f32 v4  }
0x251: {  	v41 =	vld [tilespmem:s24+$0xFFFFFDD0];
	v12 =	vunpack.i.u.bf16.f32 v5;
	v5 =	vunpack.i.l.bf16.f32 v5;
	v13 =	vunpack.i.u.bf16.f32 v6  }
0x252: {  	v42 =	vld [tilespmem:s24+$0xFFFFFF00];
	v6 =	vunpack.i.l.bf16.f32 v6;
	v18 =	vunpack.i.u.bf16.f32 v8;
	v19 =	vunpack.i.l.bf16.f32 v8  }
0x253: {  	v53 =	vld [tilespmem:s24+$0x40];
	v35 =	vunpack.i.u.bf16.f32 v30;
	v30 =	vunpack.i.l.bf16.f32 v30;
	v37 =	vunpack.i.u.bf16.f32 v31  }
0x254: {  	v46 =	vld [tilespmem:s24+$0xFFFFFDF0];
	v31 =	vunpack.i.l.bf16.f32 v31;
	v39 =	vunpack.i.u.bf16.f32 v33;
	v33 =	vunpack.i.l.bf16.f32 v33  }
0x255: {  	v9 =	vld [tilespmem:s24+$0x1B0];
	v40 =	vunpack.i.u.bf16.f32 v34;
	v34 =	vunpack.i.l.bf16.f32 v34;
	v50 =	vunpack.i.u.bf16.f32 v47  }
0x256: {  	v48 =	vld [tilespmem:s24+$0xFFFFFDC0];
	v43 =	vunpack.i.u.bf16.f32 v36;
	v36 =	vunpack.i.l.bf16.f32 v36;
	v44 =	vunpack.i.u.bf16.f32 v38  }
0x257: {  	v51 =	vld [tilespmem:s24+$0xFFFFFF10];
	v38 =	vunpack.i.l.bf16.f32 v38;
	v56 =	vunpack.i.u.bf16.f32 v41;
	v41 =	vunpack.i.l.bf16.f32 v41  }
0x258: {  	v11 =	vld [tilespmem:s24+$0xFFFFFDB0];
	v57 =	vunpack.i.u.bf16.f32 v42;
	v42 =	vunpack.i.l.bf16.f32 v42;
	v58 =	vunpack.i.u.bf16.f32 v53  }
0x259: {  	v14 =	vld [tilespmem:s24+$0x1D0];
	v61 =	vunpack.i.u.bf16.f32 v46;
	v46 =	vunpack.i.l.bf16.f32 v46;
	v4 =	vadd.f32 v12, v4  }
0x25a: {  	v15 =	vld [tilespmem:s24+$0x1F0];
	v5 =	vadd.f32 v5, v10;
	v10 =	vunpack.i.u.bf16.f32 v7;
	v7 =	vunpack.i.l.bf16.f32 v7  }
0x25b: {  	v16 =	vld [tilespmem:s24+$0x210];
	v31 =	vadd.f32 v33, v31;
	v37 =	vadd.f32 v39, v37;
	v33 =	vunpack.i.l.bf16.f32 v48  }
0x25c: {  	v8 =	vld [tilespmem:s24+$0xFFFFFED0];
	v55 =	vadd.f32 v44, v50;
	v39 =	vunpack.i.l.bf16.f32 v51;
	v4 =	vadd.f32 v10, v4  }
0x25d: {  	v12 =	vld [tilespmem:s24+$0xFFFFFEC0];
	v5 =	vadd.f32 v7, v5;
	v7 =	vunpack.i.u.bf16.f32 v9;
	v10 =	vunpack.i.l.bf16.f32 v11  }
0x25e: {  	v11 =	vunpack.i.u.bf16.f32 v11;
	v30 =	vadd.f32 v30, v31;
	v31 =	vadd.f32 v35, v37  }
0x25f: {  	v45 =	vld [tilespmem:s24+$0xFFFFFDE0];
	v9 =	vunpack.i.l.bf16.f32 v9;
	v20 =	vadd.f32 v10, v6;
	v21 =	vadd.f32 v11, v13  }
0x260: {  	v59 =	vld [tilespmem:s24+$0x60];
	v13 =	vunpack.i.u.bf16.f32 v15;
	v4 =	vadd.f32 v7, v4;
	v7 =	vunpack.i.u.bf16.f32 v14  }
0x261: {  	v62 =	vld [tilespmem:s24+$0xFFFFFE00];
	v5 =	vadd.f32 v9, v5;
	v22 =	vunpack.i.u.bf16.f32 v8;
	v23 =	vunpack.i.l.bf16.f32 v8  }
0x262: {  	v8 =	vunpack.i.u.bf16.f32 v16;
	v10 =	vunpack.i.u.bf16.f32 v12;
	v23 =	vadd.f32 v34, v23  }
0x263: {  	v6 =	vld [tilespmem:s24+$0xFFFFFEE0];
	v12 =	vunpack.i.l.bf16.f32 v12;
	v22 =	vadd.f32 v40, v22;
	v20 =	vadd.f32 v41, v20  }
0x264: {  	v24 =	vld [tilespmem:s24+$0x270];
	v21 =	vadd.f32 v56, v21;
	v40 =	vunpack.i.u.bf16.f32 v45;
	v45 =	vunpack.i.l.bf16.f32 v45  }
0x265: {  	v11 =	vld [tilespmem:s24+$0x230];
	v56 =	vunpack.i.u.bf16.f32 v59;
	v4 =	vadd.f32 v7, v4;
	v7 =	vunpack.i.l.bf16.f32 v14  }
0x266: {  	v28 =	vld [tilespmem:s24+$0x1C0];
	v41 =	vunpack.i.l.bf16.f32 v59;
	v59 =	vunpack.i.u.bf16.f32 v62;
	v5 =	vadd.f32 v7, v5  }
0x267: {  	v14 =	vld [tilespmem:s24+$0x250];
	v7 =	vunpack.i.l.bf16.f32 v15;
	v23 =	vadd.f32 v39, v23;
	v20 =	vadd.f32 v46, v20  }
0x268: {  	v60 =	vld [tilespmem:s24+$0x70];
	v21 =	vadd.f32 v61, v21;
	v4 =	vadd.f32 v13, v4;
	v13 =	vunpack.i.l.bf16.f32 v6  }
0x269: {  	v15 =	vld [tilespmem:s24+$0x240];
	v39 =	vunpack.i.l.bf16.f32 v62;
	v6 =	vunpack.i.u.bf16.f32 v6;
	v25 =	vadd.f32 v13, v12  }
0x26a: {  	v9 =	vld [tilespmem:s24+$0x260];
	v17 =	vunpack.i.l.bf16.f32 v11;
	v26 =	vadd.f32 v6, v10;
	v5 =	vadd.f32 v7, v5  }
0x26b: {  	v6 =	vunpack.i.u.bf16.f32 v11;
	v7 =	vunpack.i.l.bf16.f32 v16;
	v16 =	vld [tilespmem:s24+$0x1E0];
	v4 =	vadd.f32 v8, v4  }
0x26c: {  	v8 =	vld [tilespmem:s24+$0x220];
	v27 =	vunpack.i.l.bf16.f32 v14;
	v5 =	vadd.f32 v7, v5;
	v25 =	vadd.f32 v42, v25  }
0x26d: {  	v26 =	vadd.f32 v57, v26;
	v42 =	vunpack.i.l.bf16.f32 v60;
	v4 =	vadd.f32 v6, v4  }
0x26e: {  	v6 =	vunpack.i.u.bf16.f32 v14;
	v7 =	vunpack.i.l.bf16.f32 v15;
	v14 =	vunpack.i.u.bf16.f32 v24  }
0x26f: {  	v29 =	vld [tilespmem:s24+$0x1A0];
	v24 =	vunpack.i.l.bf16.f32 v24;
	v32 =	vadd.f32 v17, v5;
	v5 =	vunpack.i.l.bf16.f32 v9  }
0x270: {  	v13 =	vld [tilespmem:s24+$0x200];
	v17 =	vunpack.i.l.bf16.f32 v28;
	v12 =	vadd.f32 v6, v4;
	v4 =	vunpack.i.u.bf16.f32 v9  }
0x271: {  	v6 =	vunpack.i.u.bf16.f32 v15;
	v15 =	vunpack.i.l.bf16.f32 v16;
	v10 =	vunpack.i.u.bf16.f32 v8  }
0x272: {  	v57 =	vld [tilespmem:s24+$0xFFFFFF40];
	v11 =	vunpack.i.l.bf16.f32 v8;
	v9 =	vadd.f32 v27, v32;
	v32 =	vunpack.i.l.bf16.f32 v47  }
0x273: {  	v27 =	vld [tilespmem:s24+$0x0];
	v47 =	vunpack.i.u.bf16.f32 v51;
	v8 =	vadd.f32 v14, v12;
	v14 =	vunpack.i.u.bf16.f32 v16  }
0x274: {  	v16 =	vunpack.i.u.bf16.f32 v28;
	v28 =	vunpack.i.u.bf16.f32 v29;
	v29 =	vunpack.i.l.bf16.f32 v29  }
0x275: {  	v54 =	vld [tilespmem:s24+$0x50];
	v12 =	vunpack.i.u.bf16.f32 v13;
	v32 =	vadd.f32 v38, v32;
	v29 =	vadd.f32 v29, v30  }
0x276: {  	v13 =	vunpack.i.l.bf16.f32 v13;
	v9 =	vadd.f32 v24, v9;
	v24 =	vld [tilespmem:s24+$0xFFFFFD80];
	v28 =	vadd.f32 v28, v31  }
0x277: {  	v22 =	vadd.f32 v47, v22;
	v50 =	vunpack.i.u.bf16.f32 v57;
	v17 =	vadd.f32 v17, v29  }
0x278: {  	v61 =	vld [tilespmem:s24+$0x80];
	v16 =	vadd.f32 v16, v28;
	v49 =	vunpack.i.u.bf16.f32 v27;
	v27 =	vunpack.i.l.bf16.f32 v27  }
0x279: {  	v51 =	vunpack.i.l.bf16.f32 v57;
	v27 =	vadd.f32 v36, v27;
	v34 =	vadd.f32 v43, v49  }
0x27a: {  	v44 =	vld [tilespmem:s24+$0xE0];
	v36 =	vunpack.i.l.bf16.f32 v54;
	v15 =	vadd.f32 v15, v17;
	v14 =	vadd.f32 v14, v16  }
0x27b: {  	v52 =	vunpack.i.u.bf16.f32 v24;
	v24 =	vunpack.i.l.bf16.f32 v24;
	v32 =	vadd.f32 v36, v32  }
0x27c: {  	v43 =	vunpack.i.l.bf16.f32 v53;
	v49 =	vld [tilespmem:s24+$0xFFFFFF30];
	v19 =	vadd.f32 v19, v24;
	v18 =	vadd.f32 v18, v52  }
0x27d: {  	v31 =	vunpack.i.u.bf16.f32 v61;
	v27 =	vadd.f32 v43, v27;
	v13 =	vadd.f32 v13, v15  }
0x27e: {  	v24 =	vunpack.i.u.bf16.f32 v48;
	v12 =	vadd.f32 v12, v14;
	v32 =	vadd.f32 v42, v32  }
0x27f: {  	v48 =	vld [tilespmem:s24+$0xFFFFFF20];
	v15 =	vunpack.i.u.bf16.f32 v44;
	v19 =	vadd.f32 v33, v19;
	v18 =	vadd.f32 v24, v18  }
0x280: {  	v24 =	vunpack.i.u.bf16.f32 v54;
	v33 =	vadd.f32 v58, v34;
	v27 =	vadd.f32 v41, v27  }
0x281: {  	v52 =	vld [tilespmem:s24+$0xFFFFFE10];
	v24 =	vadd.f32 v24, v55;
	v55 =	vunpack.i.l.bf16.f32 v49;
	v19 =	vadd.f32 v45, v19  }
0x282: {  	v57 =	vld [tilespmem:s24+$0xFFFFFF70];
	v54 =	vunpack.i.u.bf16.f32 v49;
	v18 =	vadd.f32 v40, v18;
	v23 =	vadd.f32 v55, v23  }
0x283: {  	v58 =	vunpack.i.u.bf16.f32 v60;
	v60 =	vld [tilespmem:s24+$0xFFFFFF50];
	v22 =	vadd.f32 v54, v22;
	v33 =	vadd.f32 v56, v33  }
0x284: {  	v49 =	vld [tilespmem:s24+$0xFFFFFE20];
	v54 =	vunpack.i.l.bf16.f32 v61;
	v53 =	vunpack.i.l.bf16.f32 v48;
	v24 =	vadd.f32 v58, v24  }
0x285: {  	v63 =	vunpack.i.u.bf16.f32 v48;
	v27 =	vadd.f32 v54, v27;
	v25 =	vadd.f32 v53, v25  }
0x286: {  	v36 =	vunpack.i.l.bf16.f32 v52;
	v26 =	vadd.f32 v63, v26;
	v19 =	vadd.f32 v39, v19  }
0x287: {  	v55 =	vld [tilespmem:s24+$0xFFFFFF60];
	v62 =	vunpack.i.u.bf16.f32 v52;
	v18 =	vadd.f32 v59, v18;
	v20 =	vadd.f32 v36, v20  }
0x288: {  	v52 =	vld [tilespmem:s24+$0xFFFFFE30];
	v48 =	vunpack.i.u.bf16.f32 v57;
	v21 =	vadd.f32 v62, v21;
	v31 =	vadd.f32 v31, v33  }
0x289: {  	v54 =	vld [tilespmem:s24+$0xC0];
	v53 =	vunpack.i.u.bf16.f32 v60;
	v30 =	vunpack.i.l.bf16.f32 v60;
	v58 =	vunpack.i.u.bf16.f32 v49  }
0x28a: {  	v63 =	vld [tilespmem:s24+$0x90];
	v35 =	vunpack.i.l.bf16.f32 v49;
	v25 =	vadd.f32 v51, v25;
	v26 =	vadd.f32 v50, v26  }
0x28b: {  	v59 =	vld [tilespmem:s24+$0xA0];
	v23 =	vadd.f32 v30, v23;
	v22 =	vadd.f32 v53, v22;
	v49 =	vunpack.i.l.bf16.f32 v57  }
0x28c: {  	v62 =	vld [tilespmem:s24+$0xFFFFFE40];
	v47 =	vunpack.i.l.bf16.f32 v55;
	v19 =	vadd.f32 v35, v19;
	v18 =	vadd.f32 v58, v18  }
0x28d: {  	v60 =	vld [tilespmem:s24+$0xB0];
	v61 =	vunpack.i.u.bf16.f32 v52;
	v30 =	vunpack.i.l.bf16.f32 v52;
	v25 =	vadd.f32 v47, v25  }
0x28e: {  	v29 =	vld [tilespmem:s24+$0xFFFFFE50];
	v23 =	vadd.f32 v49, v23;
	v22 =	vadd.f32 v48, v22;
	v38 =	vunpack.i.l.bf16.f32 v54  }
0x28f: {  	v56 =	vunpack.i.u.bf16.f32 v63;
	v34 =	vunpack.i.l.bf16.f32 v63;
	v63 =	vunpack.i.u.bf16.f32 v55  }
0x290: {  	v28 =	vunpack.i.u.bf16.f32 v59;
	v40 =	vunpack.i.l.bf16.f32 v59;
	v20 =	vadd.f32 v30, v20  }
0x291: {  	v51 =	vld [tilespmem:s24+$0xFFFFFF80];
	v21 =	vadd.f32 v61, v21;
	v30 =	vunpack.i.u.bf16.f32 v62;
	v37 =	vunpack.i.l.bf16.f32 v62  }
0x292: {  	v32 =	vadd.f32 v34, v32;
	v24 =	vadd.f32 v56, v24;
	v50 =	vunpack.i.u.bf16.f32 v60  }
0x293: {  	v53 =	vld [tilespmem:s24+$0xFFFFFF90];
	v52 =	vunpack.i.l.bf16.f32 v60;
	v26 =	vadd.f32 v63, v26;
	v56 =	vunpack.i.u.bf16.f32 v29  }
0x294: {  	v29 =	vunpack.i.l.bf16.f32 v29;
	v27 =	vadd.f32 v40, v27;
	v28 =	vadd.f32 v28, v31  }
0x295: {  	v57 =	vld [tilespmem:s24+$0xFFFFFE60];
	v60 =	vunpack.i.u.bf16.f32 v54;
	v19 =	vadd.f32 v37, v19;
	v18 =	vadd.f32 v30, v18  }
0x296: {  	v34 =	vunpack.i.l.bf16.f32 v44;
	v31 =	vunpack.i.u.bf16.f32 v51;
	v20 =	vadd.f32 v29, v20  }
0x297: {  	v58 =	vld [tilespmem:s24+$0xFFFFFE70];
	v59 =	vunpack.i.l.bf16.f32 v51;
	v21 =	vadd.f32 v56, v21;
	v56 =	vadd.f32 v11, v13  }
0x298: {  	v47 =	vld [tilespmem:s24+$0xFFFFFE90];
	v16 =	vunpack.i.u.bf16.f32 v53;
	v32 =	vadd.f32 v52, v32;
	v24 =	vadd.f32 v50, v24  }
0x299: {  	v55 =	vld [tilespmem:s24+$0xD0];
	v17 =	vunpack.i.l.bf16.f32 v53;
	v25 =	vadd.f32 v59, v25;
	v26 =	vadd.f32 v31, v26  }
0x29a: {  	v61 =	vld [tilespmem:s24+$0xFFFFFFA0];
	v30 =	vunpack.i.u.bf16.f32 v57;
	v17 =	vadd.f32 v17, v23;
	v16 =	vadd.f32 v16, v22  }
0x29b: {  	v49 =	vld [tilespmem:s24+$0xFFFFFFC0];
	v29 =	vunpack.i.l.bf16.f32 v57;
	v27 =	vadd.f32 v38, v27;
	v28 =	vadd.f32 v60, v28  }
0x29c: {  	v35 =	vunpack.i.l.bf16.f32 v58;
	v19 =	vadd.f32 v29, v19;
	v18 =	vadd.f32 v30, v18  }
0x29d: {  	v63 =	vld [tilespmem:s24+$0xFFFFFFB0];
	v45 =	vunpack.i.u.bf16.f32 v58;
	v58 =	vadd.f32 v10, v12;
	v20 =	vadd.f32 v35, v20  }
0x29e: {  	v51 =	vld [tilespmem:s24+$0x100];
	v21 =	vadd.f32 v45, v21;
	v53 =	vunpack.i.u.bf16.f32 v47;
	v62 =	vunpack.i.u.bf16.f32 v55  }
0x29f: {  	v31 =	vld [tilespmem:s24+$0xF0];
	v33 =	vunpack.i.l.bf16.f32 v55;
	v23 =	vunpack.i.u.bf16.f32 v61;
	v46 =	vunpack.i.l.bf16.f32 v61  }
0x2a0: {  	v22 =	vld [tilespmem:s24+$0xFFFFFE80];
	v27 =	vadd.f32 v34, v27;
	v55 =	vunpack.i.u.bf16.f32 v49;
	v15 =	vadd.f32 v15, v28  }
0x2a1: {  	v50 =	vld [tilespmem:s24+$0xFFFFFFD0];
	v28 =	vunpack.i.l.bf16.f32 v49;
	v32 =	vadd.f32 v33, v32;
	v24 =	vadd.f32 v62, v24  }
0x2a2: {  	v48 =	vunpack.i.u.bf16.f32 v63;
	v14 =	vunpack.i.l.bf16.f32 v63;
	v25 =	vadd.f32 v46, v25  }
0x2a3: {  	v52 =	vld [tilespmem:s24+$0x110];
	v54 =	vadd.f32 v23, v26;
	v23 =	vunpack.i.l.bf16.f32 v47;
	v14 =	vadd.f32 v14, v17  }
0x2a4: {  	v16 =	vadd.f32 v48, v16;
	v10 =	vunpack.i.u.bf16.f32 v51;
	v12 =	vunpack.i.l.bf16.f32 v51  }
0x2a5: {  	v11 =	vld [tilespmem:s24+$0xFFFFFEB0];
	v29 =	vunpack.i.u.bf16.f32 v31;
	v31 =	vunpack.i.l.bf16.f32 v31;
	v30 =	vunpack.i.u.bf16.f32 v22  }
0x2a6: {  	v22 =	vunpack.i.l.bf16.f32 v22;
	v13 =	vunpack.i.u.bf16.f32 v50;
	v31 =	vadd.f32 v31, v32  }
0x2a7: {  	v60 =	vld [tilespmem:s24+$0xFFFFFFE0];
	v57 =	vunpack.i.l.bf16.f32 v50;
	v29 =	vadd.f32 v29, v24;
	v17 =	vadd.f32 v22, v19  }
0x2a8: {  	v26 =	vld [tilespmem:s24+$0xFFFFFEA0];
	v59 =	vunpack.i.u.bf16.f32 v52;
	v18 =	vadd.f32 v30, v18;
	v22 =	vadd.f32 v23, v20  }
0x2a9: {  	v61 =	vld [tilespmem:s24+$0xFFFFFFF0];
	v30 =	vunpack.i.l.bf16.f32 v52;
	v19 =	vadd.f32 v53, v21;
	v23 =	vadd.f32 v28, v25  }
0x2aa: {  	v62 =	vld [tilespmem:s24+$0x120];
	v20 =	vadd.f32 v55, v54;
	v25 =	vunpack.i.u.bf16.f32 v11;
	v21 =	vadd.f32 v57, v14  }
0x2ab: {  	v63 =	vld [tilespmem:s24+$0x130];
	v16 =	vadd.f32 v13, v16;
	v28 =	vunpack.i.l.bf16.f32 v11;
	v13 =	vadd.f32 v12, v27  }
0x2ac: {  	v12 =	vadd.f32 v10, v15;
	v27 =	vunpack.i.u.bf16.f32 v60;
	v15 =	vadd.f32 v7, v56  }
0x2ad: {  	v14 =	vadd.f32 v6, v58;
	v24 =	vunpack.i.u.bf16.f32 v26;
	v26 =	vunpack.i.l.bf16.f32 v26  }
0x2ae: {  	s17 =	simm.s32 $0x75D0;
	v11 =	vadd.f32 v30, v31;
	v10 =	vadd.f32 v59, v29;
	v30 =	vunpack.i.l.bf16.f32 v60  }
0x2af: {  	[tilespmem:s17+$0x0] =	vst v8;
	v29 =	vunpack.i.u.bf16.f32 v61;
	v31 =	vunpack.i.l.bf16.f32 v61;
	v7 =	vunpack.i.u.bf16.f32 v62  }
0x2b0: {  	s19 =	simm.s32 $0x0;
	s20 =	simm.s32 $0x4060;
	s18 =	simm.s32 $0x75D0;
	[tilespmem:s17+$0xFFFFFFF0] =	vst v9;
	v9 =	vunpack.i.l.bf16.f32 v62;
	v6 =	vunpack.i.u.bf16.f32 v63;
	v8 =	vunpack.i.l.bf16.f32 v63  }
.LBB2_19:
0x2b1: {  	v32 =	vld [tilespmem:s20+$0x150];
	v17 =	vadd.f32 v26, v17;
	v18 =	vadd.f32 v24, v18  }
0x2b2: {  	s19 =	sadd.s32 $0x4, s19;
	v22 =	vadd.f32 v28, v22;
	v19 =	vadd.f32 v25, v19;
	v24 =	vld [tilespmem:s20+$0x170]  }
0x2b3: {  	v20 =	vadd.f32 v27, v20;
	p1 =	slt.u32 s19, $0x24;
	v25 =	vld [tilespmem:s20+$0xFFFFFD90];
	[tilespmem:s17+$0xFFFFFF10] =	vst v17;
	v17 =	vadd.f32 v30, v23  }
0x2b4: {  	v16 =	vadd.f32 v29, v16;
	v23 =	vld [tilespmem:s20+$0x190];
	[tilespmem:s17+$0xFFFFFF20] =	vst v18;
	v18 =	vadd.f32 v31, v21  }
0x2b5: {  	v9 =	vadd.f32 v9, v13;
	v7 =	vadd.f32 v7, v12;
	v26 =	vld [tilespmem:s20+$0xFFFFFDA0];
	[tilespmem:s17+$0xFFFFFF30] =	vst v22  }
0x2b6: {  	v8 =	vadd.f32 v8, v11;
	v6 =	vadd.f32 v6, v10;
	v12 =	vunpack.i.l.bf16.f32 v32;
	v13 =	vld [tilespmem:s20+$0x1B0];
	[tilespmem:s17+$0xFFFFFF40] =	vst v19  }
0x2b7: {  	v11 =	vunpack.i.u.bf16.f32 v32;
	v10 =	vld [tilespmem:s20+$0xFFFFFDB0];
	v19 =	vunpack.i.u.bf16.f32 v24;
	v21 =	vunpack.i.l.bf16.f32 v24;
	[tilespmem:s17+$0xFFFFFF50] =	vst v17  }
0x2b8: {  	v17 =	vunpack.i.u.bf16.f32 v25;
	v22 =	vunpack.i.l.bf16.f32 v25;
	v11 =	vadd.f32 v19, v11;
	v24 =	vld [tilespmem:s20+$0x1D0];
	[tilespmem:s17+$0xFFFFFF60] =	vst v20  }
0x2b9: {  	v12 =	vadd.f32 v21, v12;
	v20 =	vld [tilespmem:s20+$0xFFFFFEC0];
	v19 =	vunpack.i.u.bf16.f32 v23;
	v25 =	vunpack.i.l.bf16.f32 v23;
	[tilespmem:s17+$0xFFFFFF70] =	vst v18  }
0x2ba: {  	v21 =	vunpack.i.u.bf16.f32 v26;
	v23 =	vunpack.i.l.bf16.f32 v26;
	v11 =	vadd.f32 v19, v11;
	v26 =	vld [tilespmem:s20+$0x1F0];
	[tilespmem:s17+$0xFFFFFF80] =	vst v16  }
0x2bb: {  	v12 =	vadd.f32 v25, v12;
	v16 =	vld [tilespmem:s20+$0xFFFFFED0];
	v18 =	vunpack.i.u.bf16.f32 v13;
	v13 =	vunpack.i.l.bf16.f32 v13;
	[tilespmem:s17+$0xFFFFFF90] =	vst v9  }
0x2bc: {  	v9 =	vunpack.i.u.bf16.f32 v10;
	v10 =	vunpack.i.l.bf16.f32 v10;
	v11 =	vadd.f32 v18, v11;
	v27 =	vld [tilespmem:s20+$0x210];
	[tilespmem:s17+$0xFFFFFFA0] =	vst v7  }
0x2bd: {  	v18 =	vadd.f32 v10, v22;
	v19 =	vadd.f32 v9, v17;
	v7 =	vld [tilespmem:s20+$0xFFFFFEE0];
	v9 =	vunpack.i.u.bf16.f32 v24;
	[tilespmem:s17+$0xFFFFFFB0] =	vst v8  }
0x2be: {  	v8 =	vunpack.i.u.bf16.f32 v20;
	v10 =	vunpack.i.l.bf16.f32 v20;
	v9 =	vadd.f32 v9, v11;
	v11 =	vld [tilespmem:s20+$0x230];
	[tilespmem:s17+$0xFFFFFFC0] =	vst v6  }
0x2bf: {  	v6 =	vadd.f32 v13, v12;
	v12 =	vunpack.i.l.bf16.f32 v24;
	v13 =	vunpack.i.u.bf16.f32 v26;
	v17 =	vld [tilespmem:s20+$0x260]  }
0x2c0: {  	v28 =	vunpack.i.u.bf16.f32 v16;
	v29 =	vunpack.i.l.bf16.f32 v16;
	v9 =	vadd.f32 v13, v9;
	v13 =	vld [tilespmem:s20+$0x250]  }
0x2c1: {  	v6 =	vadd.f32 v12, v6;
	v12 =	vunpack.i.l.bf16.f32 v26;
	v16 =	vunpack.i.u.bf16.f32 v27;
	v26 =	vld [tilespmem:s20+$0x270]  }
0x2c2: {  	v20 =	vunpack.i.u.bf16.f32 v7;
	v7 =	vunpack.i.l.bf16.f32 v7;
	v9 =	vadd.f32 v16, v9;
	v16 =	vld [tilespmem:s20+$0x240]  }
0x2c3: {  	v24 =	vadd.f32 v7, v10;
	v25 =	vadd.f32 v20, v8;
	v10 =	vld [tilespmem:s20+$0x220];
	v7 =	vunpack.i.u.bf16.f32 v11  }
0x2c4: {  	v6 =	vadd.f32 v12, v6;
	v8 =	vunpack.i.l.bf16.f32 v27;
	v12 =	vld [tilespmem:s20+$0x200];
	v7 =	vadd.f32 v7, v9  }
0x2c5: {  	v22 =	vunpack.i.l.bf16.f32 v11;
	v20 =	vld [tilespmem:s20+$0x1E0];
	v9 =	vunpack.i.u.bf16.f32 v13;
	v27 =	vunpack.i.l.bf16.f32 v13  }
0x2c6: {  	v31 =	vunpack.i.u.bf16.f32 v17;
	v13 =	vadd.f32 v8, v6;
	v30 =	vld [tilespmem:s20+$0x1C0];
	v11 =	vadd.f32 v9, v7  }
0x2c7: {  	v32 =	vld [tilespmem:s20+$0x1A0];
	v6 =	vunpack.i.u.bf16.f32 v16;
	v7 =	vunpack.i.l.bf16.f32 v16;
	v16 =	vunpack.i.u.bf16.f32 v26  }
0x2c8: {  	v33 =	vld [tilespmem:s20+$0x180];
	v8 =	vunpack.i.u.bf16.f32 v10;
	v9 =	vunpack.i.l.bf16.f32 v10;
	v16 =	vadd.f32 v16, v11  }
0x2c9: {  	s22 =	simm.s32 $0x4D0;
	s17 =	sadd.s32 $0x100, s17;
	v22 =	vadd.f32 v22, v13;
	v34 =	vld [tilespmem:s20+$0x140];
	v10 =	vunpack.i.u.bf16.f32 v12;
	v11 =	vunpack.i.l.bf16.f32 v12  }
0x2ca: {  	s24 =	simm.s32 $0x1B0;
	s23 =	simm.s32 $0x9D00;
	v36 =	vunpack.i.l.bf16.f32 v17;
	v35 =	vld [tilespmem:s20+$0x160];
	v12 =	vunpack.i.u.bf16.f32 v20;
	v13 =	vunpack.i.l.bf16.f32 v20;
	[tilespmem:s17+$0x0] =	vst v16  }
0x2cb: {  	v27 =	vadd.f32 v27, v22;
	v37 =	vld [tilespmem:s20+$0xFFFFFEF0];
	v16 =	vunpack.i.u.bf16.f32 v30;
	v17 =	vunpack.i.l.bf16.f32 v30  }
0x2cc: {  	v26 =	vunpack.i.l.bf16.f32 v26;
	v30 =	vld [tilespmem:s20+$0x0];
	v20 =	vunpack.i.u.bf16.f32 v32;
	v22 =	vunpack.i.l.bf16.f32 v32  }
0x2cd: {  	v15 =	vadd.f32 v5, v15;
	v5 =	vmovc v36;
	v32 =	vld [tilespmem:s20+$0x10];
	v38 =	vunpack.i.u.bf16.f32 v33;
	v33 =	vunpack.i.l.bf16.f32 v33  }
0x2ce: {  	v14 =	vadd.f32 v4, v14;
	v4 =	vmovc v31;
	v36 =	vld [tilespmem:s20+$0x20];
	v39 =	vunpack.i.u.bf16.f32 v34;
	v34 =	vunpack.i.l.bf16.f32 v34  }
0x2cf: {  	v26 =	vadd.f32 v26, v27;
	v31 =	vld [tilespmem:s20+$0x30];
	v40 =	vunpack.i.u.bf16.f32 v35;
	v35 =	vunpack.i.l.bf16.f32 v35;
	[tilespmem:s18+$0xFFFFFFD0] =	vst v15  }
0x2d0: {  	v15 =	vld [tilespmem:s20+$0xFFFFFD80];
	v27 =	vunpack.i.u.bf16.f32 v37;
	v37 =	vunpack.i.l.bf16.f32 v37;
	v34 =	vadd.f32 v35, v34;
	[tilespmem:s18+$0xFFFFFFE0] =	vst v14;
	s18 =	smov.u32 s17  }
0x2d1: {  	v14 =	vld [tilespmem:s20+$0xFFFFFDC0];
	v29 =	vadd.f32 v37, v29;
	v35 =	vunpack.i.u.bf16.f32 v30;
	v30 =	vunpack.i.l.bf16.f32 v30;
	[tilespmem:s17+$0xFFFFFFF0] =	vst v26  }
0x2d2: {  	v27 =	vadd.f32 v27, v28;
	v26 =	vld [tilespmem:s20+$0xFFFFFDD0];
	v28 =	vunpack.i.u.bf16.f32 v32;
	v32 =	vunpack.i.l.bf16.f32 v32  }
0x2d3: {  	v39 =	vadd.f32 v40, v39;
	v37 =	vld [tilespmem:s20+$0xFFFFFF00];
	v41 =	vunpack.i.u.bf16.f32 v36;
	v36 =	vunpack.i.l.bf16.f32 v36  }
0x2d4: {  	v40 =	vld [tilespmem:s20+$0xFFFFFF10];
	v42 =	vunpack.i.u.bf16.f32 v31;
	v31 =	vunpack.i.l.bf16.f32 v31;
	v30 =	vadd.f32 v36, v30  }
0x2d5: {  	v35 =	vadd.f32 v41, v35;
	v36 =	vunpack.i.u.bf16.f32 v15;
	v15 =	vunpack.i.l.bf16.f32 v15;
	v41 =	vld [tilespmem:s20+$0x40]  }
0x2d6: {  	v15 =	vadd.f32 v23, v15;
	v21 =	vadd.f32 v21, v36;
	v23 =	vunpack.i.u.bf16.f32 v14;
	v36 =	vld [tilespmem:s20+$0x50]  }
0x2d7: {  	v31 =	vadd.f32 v31, v32;
	v28 =	vadd.f32 v42, v28;
	v14 =	vunpack.i.l.bf16.f32 v14;
	v43 =	vld [tilespmem:s20+$0xFFFFFDE0]  }
0x2d8: {  	v32 =	vunpack.i.u.bf16.f32 v26;
	v26 =	vunpack.i.l.bf16.f32 v26;
	v42 =	vld [tilespmem:s20+$0xFFFFFDF0];
	v44 =	vunpack.i.u.bf16.f32 v37  }
0x2d9: {  	v37 =	vunpack.i.l.bf16.f32 v37;
	v45 =	vunpack.i.u.bf16.f32 v40;
	v40 =	vunpack.i.l.bf16.f32 v40;
	v46 =	vld [tilespmem:s20+$0xFFFFFF20]  }
0x2da: {  	v14 =	vadd.f32 v14, v15;
	v15 =	vld [tilespmem:s20+$0xFFFFFF30];
	v47 =	vunpack.i.u.bf16.f32 v41;
	v41 =	vunpack.i.l.bf16.f32 v41  }
0x2db: {  	v21 =	vadd.f32 v23, v21;
	v23 =	vunpack.i.u.bf16.f32 v36;
	v36 =	vunpack.i.l.bf16.f32 v36;
	v48 =	vld [tilespmem:s20+$0x60]  }
0x2dc: {  	v18 =	vadd.f32 v26, v18;
	v19 =	vadd.f32 v32, v19;
	v26 =	vunpack.i.u.bf16.f32 v43;
	v32 =	vld [tilespmem:s20+$0x70]  }
0x2dd: {  	v24 =	vadd.f32 v37, v24;
	v25 =	vadd.f32 v44, v25;
	v43 =	vunpack.i.l.bf16.f32 v43;
	v49 =	vld [tilespmem:s20+$0xFFFFFE00]  }
0x2de: {  	v29 =	vadd.f32 v40, v29;
	v27 =	vadd.f32 v45, v27;
	v37 =	vunpack.i.u.bf16.f32 v42;
	v44 =	vld [tilespmem:s20+$0xFFFFFE10]  }
0x2df: {  	v30 =	vadd.f32 v41, v30;
	v35 =	vadd.f32 v47, v35;
	v40 =	vunpack.i.l.bf16.f32 v42;
	v42 =	vld [tilespmem:s20+$0xFFFFFF40]  }
0x2e0: {  	v31 =	vadd.f32 v36, v31;
	v23 =	vadd.f32 v23, v28;
	v41 =	vunpack.i.u.bf16.f32 v46;
	v45 =	vld [tilespmem:s20+$0xFFFFFF50]  }
0x2e1: {  	v33 =	vadd.f32 v33, v34;
	v34 =	vadd.f32 v38, v39;
	v28 =	vunpack.i.l.bf16.f32 v46;
	v36 =	vld [tilespmem:s20+$0x80]  }
0x2e2: {  	v38 =	vunpack.i.u.bf16.f32 v15;
	v15 =	vunpack.i.l.bf16.f32 v15;
	v39 =	vunpack.i.u.bf16.f32 v48;
	v46 =	vld [tilespmem:s20+$0x90]  }
0x2e3: {  	v48 =	vunpack.i.l.bf16.f32 v48;
	v50 =	vunpack.i.u.bf16.f32 v32;
	v32 =	vunpack.i.l.bf16.f32 v32;
	v47 =	vld [tilespmem:s20+$0xFFFFFE20]  }
0x2e4: {  	v14 =	vadd.f32 v43, v14;
	v21 =	vadd.f32 v26, v21;
	v26 =	vunpack.i.u.bf16.f32 v49;
	v43 =	vld [tilespmem:s20+$0xFFFFFE30]  }
0x2e5: {  	v18 =	vadd.f32 v40, v18;
	v19 =	vadd.f32 v37, v19;
	v37 =	vunpack.i.l.bf16.f32 v49;
	v40 =	vld [tilespmem:s20+$0xFFFFFF60]  }
0x2e6: {  	v24 =	vadd.f32 v28, v24;
	v25 =	vadd.f32 v41, v25;
	v49 =	vunpack.i.u.bf16.f32 v44;
	v28 =	vld [tilespmem:s20+$0xFFFFFF70]  }
0x2e7: {  	v15 =	vadd.f32 v15, v29;
	v27 =	vadd.f32 v38, v27;
	v41 =	vunpack.i.l.bf16.f32 v44;
	v29 =	vld [tilespmem:s20+$0xA0]  }
0x2e8: {  	v30 =	vadd.f32 v48, v30;
	v35 =	vadd.f32 v39, v35;
	v38 =	vunpack.i.u.bf16.f32 v42;
	v39 =	vld [tilespmem:s20+$0xB0]  }
0x2e9: {  	v31 =	vadd.f32 v32, v31;
	v23 =	vadd.f32 v50, v23;
	v42 =	vunpack.i.l.bf16.f32 v42;
	v44 =	vld [tilespmem:s20+$0xFFFFFE40]  }
0x2ea: {  	v22 =	vadd.f32 v22, v33;
	v20 =	vadd.f32 v20, v34;
	v48 =	vunpack.i.u.bf16.f32 v45;
	v32 =	vld [tilespmem:s20+$0xFFFFFE50]  }
0x2eb: {  	v33 =	vunpack.i.l.bf16.f32 v45;
	v45 =	vunpack.i.u.bf16.f32 v36;
	v36 =	vunpack.i.l.bf16.f32 v36;
	v34 =	vld [tilespmem:s20+$0xFFFFFF80]  }
0x2ec: {  	v14 =	vadd.f32 v37, v14;
	v50 =	vunpack.i.u.bf16.f32 v46;
	v46 =	vunpack.i.l.bf16.f32 v46;
	v37 =	vld [tilespmem:s20+$0xFFFFFF90]  }
0x2ed: {  	v21 =	vadd.f32 v26, v21;
	v18 =	vadd.f32 v41, v18;
	v26 =	vunpack.i.u.bf16.f32 v47;
	v41 =	vld [tilespmem:s20+$0xC0]  }
0x2ee: {  	v19 =	vadd.f32 v49, v19;
	v24 =	vadd.f32 v42, v24;
	v47 =	vunpack.i.l.bf16.f32 v47;
	v42 =	vld [tilespmem:s20+$0xD0]  }
0x2ef: {  	v25 =	vadd.f32 v38, v25;
	v15 =	vadd.f32 v33, v15;
	v49 =	vunpack.i.u.bf16.f32 v43;
	v51 =	vld [tilespmem:s20+$0xFFFFFE60]  }
0x2f0: {  	v27 =	vadd.f32 v48, v27;
	v30 =	vadd.f32 v36, v30;
	v33 =	vunpack.i.l.bf16.f32 v43;
	v38 =	vld [tilespmem:s20+$0xFFFFFE70]  }
0x2f1: {  	v35 =	vadd.f32 v45, v35;
	v31 =	vadd.f32 v46, v31;
	v36 =	vunpack.i.u.bf16.f32 v40;
	v43 =	vld [tilespmem:s20+$0xFFFFFFA0]  }
0x2f2: {  	v17 =	vadd.f32 v17, v22;
	v23 =	vadd.f32 v50, v23;
	v40 =	vunpack.i.l.bf16.f32 v40;
	v45 =	vld [tilespmem:s20+$0xFFFFFFB0]  }
0x2f3: {  	v16 =	vadd.f32 v16, v20;
	v22 =	vunpack.i.u.bf16.f32 v28;
	v28 =	vunpack.i.l.bf16.f32 v28;
	v46 =	vld [tilespmem:s20+$0xE0]  }
0x2f4: {  	v20 =	vunpack.i.u.bf16.f32 v29;
	v29 =	vunpack.i.l.bf16.f32 v29;
	v48 =	vunpack.i.u.bf16.f32 v39;
	v50 =	vld [tilespmem:s20+$0xF0]  }
0x2f5: {  	v14 =	vadd.f32 v47, v14;
	v21 =	vadd.f32 v26, v21;
	v39 =	vunpack.i.l.bf16.f32 v39;
	v26 =	vld [tilespmem:s20+$0xFFFFFE80]  }
0x2f6: {  	v18 =	vadd.f32 v33, v18;
	v19 =	vadd.f32 v49, v19;
	v33 =	vunpack.i.u.bf16.f32 v44;
	v47 =	vld [tilespmem:s20+$0xFFFFFE90]  }
0x2f7: {  	v24 =	vadd.f32 v40, v24;
	v25 =	vadd.f32 v36, v25;
	v44 =	vunpack.i.l.bf16.f32 v44;
	v36 =	vld [tilespmem:s20+$0xFFFFFFC0]  }
0x2f8: {  	v15 =	vadd.f32 v28, v15;
	v22 =	vadd.f32 v22, v27;
	v40 =	vunpack.i.u.bf16.f32 v32;
	v27 =	vld [tilespmem:s20+$0xFFFFFFD0]  }
0x2f9: {  	v29 =	vadd.f32 v29, v30;
	v20 =	vadd.f32 v20, v35;
	v28 =	vunpack.i.l.bf16.f32 v32;
	v30 =	vld [tilespmem:s20+$0x100]  }
0x2fa: {  	v31 =	vadd.f32 v39, v31;
	v23 =	vadd.f32 v48, v23;
	v32 =	vunpack.i.u.bf16.f32 v34;
	v35 =	vld [tilespmem:s20+$0x110]  }
0x2fb: {  	v13 =	vadd.f32 v13, v17;
	v12 =	vadd.f32 v12, v16;
	v34 =	vunpack.i.l.bf16.f32 v34;
	v39 =	vld [tilespmem:s20+$0xFFFFFEA0]  }
0x2fc: {  	v16 =	vunpack.i.u.bf16.f32 v37;
	v17 =	vunpack.i.l.bf16.f32 v37;
	v37 =	vunpack.i.u.bf16.f32 v41;
	v48 =	vld [tilespmem:s20+$0xFFFFFEB0]  }
0x2fd: {  	v41 =	vunpack.i.l.bf16.f32 v41;
	v52 =	vunpack.i.u.bf16.f32 v42;
	v42 =	vunpack.i.l.bf16.f32 v42;
	v49 =	vld [tilespmem:s20+$0xFFFFFFE0]  }
0x2fe: {  	v14 =	vadd.f32 v44, v14;
	v21 =	vadd.f32 v33, v21;
	v33 =	vunpack.i.u.bf16.f32 v51;
	v44 =	vld [tilespmem:s20+$0xFFFFFFF0]  }
0x2ff: {  	v18 =	vadd.f32 v28, v18;
	v19 =	vadd.f32 v40, v19;
	v28 =	vunpack.i.l.bf16.f32 v51;
	v40 =	vld [tilespmem:s20+$0x120]  }
0x300: {  	v24 =	vadd.f32 v34, v24;
	v25 =	vadd.f32 v32, v25;
	v51 =	vunpack.i.u.bf16.f32 v38;
	v32 =	vld [tilespmem:s20+$0x130]  }
0x301: {  	v15 =	vadd.f32 v17, v15;
	v16 =	vadd.f32 v16, v22;
	v34 =	vunpack.i.l.bf16.f32 v38  }
0x302: {  	v22 =	vadd.f32 v41, v29;
	v20 =	vadd.f32 v37, v20;
	v17 =	vunpack.i.u.bf16.f32 v43  }
0x303: {  	v31 =	vadd.f32 v42, v31;
	v23 =	vadd.f32 v52, v23;
	v29 =	vunpack.i.l.bf16.f32 v43  }
0x304: {  	v11 =	vadd.f32 v11, v13;
	v10 =	vadd.f32 v10, v12;
	v37 =	vunpack.i.u.bf16.f32 v45  }
0x305: {  	v12 =	vunpack.i.l.bf16.f32 v45;
	v13 =	vunpack.i.u.bf16.f32 v46;
	v38 =	vunpack.i.l.bf16.f32 v46  }
0x306: {  	v14 =	vadd.f32 v28, v14;
	v28 =	vunpack.i.u.bf16.f32 v50;
	v41 =	vunpack.i.l.bf16.f32 v50  }
0x307: {  	v21 =	vadd.f32 v33, v21;
	v33 =	vadd.f32 v34, v18;
	v18 =	vunpack.i.u.bf16.f32 v26  }
0x308: {  	v19 =	vadd.f32 v51, v19;
	v29 =	vadd.f32 v29, v24;
	v26 =	vunpack.i.l.bf16.f32 v26  }
0x309: {  	v25 =	vadd.f32 v17, v25;
	v12 =	vadd.f32 v12, v15;
	v24 =	vunpack.i.u.bf16.f32 v47  }
0x30a: {  	v16 =	vadd.f32 v37, v16;
	v34 =	vadd.f32 v38, v22;
	v15 =	vunpack.i.l.bf16.f32 v47  }
0x30b: {  	v38 =	vadd.f32 v13, v20;
	v31 =	vadd.f32 v41, v31;
	v37 =	vunpack.i.u.bf16.f32 v36  }
0x30c: {  	v9 =	vadd.f32 v9, v11;
	v13 =	vunpack.i.l.bf16.f32 v36;
	v36 =	vadd.f32 v28, v23  }
0x30d: {  	v8 =	vadd.f32 v8, v10;
	v11 =	vunpack.i.u.bf16.f32 v27;
	v27 =	vunpack.i.l.bf16.f32 v27  }
0x30e: {  	v10 =	vunpack.i.u.bf16.f32 v30;
	v30 =	vunpack.i.l.bf16.f32 v30;
	v41 =	vunpack.i.u.bf16.f32 v35  }
0x30f: {  	v17 =	vadd.f32 v26, v14;
	v18 =	vadd.f32 v18, v21;
	v14 =	vunpack.i.l.bf16.f32 v35  }
0x310: {  	v22 =	vadd.f32 v15, v33;
	v19 =	vadd.f32 v24, v19;
	v24 =	vunpack.i.u.bf16.f32 v39  }
0x311: {  	v23 =	vadd.f32 v13, v29;
	v20 =	vadd.f32 v37, v25;
	v26 =	vunpack.i.l.bf16.f32 v39  }
0x312: {  	v21 =	vadd.f32 v27, v12;
	v16 =	vadd.f32 v11, v16;
	v25 =	vunpack.i.u.bf16.f32 v48  }
.Ltmp8:
0x313: {  	v13 =	vadd.f32 v30, v34;
	v12 =	vadd.f32 v10, v38;
	v28 =	vunpack.i.l.bf16.f32 v48;
	(pc) =	sbr.rel @p1 .LBB2_19-.Ltmp8, $4  }
0x314: {  	v11 =	vadd.f32 v14, v31;
	v10 =	vadd.f32 v41, v36;
	v27 =	vunpack.i.u.bf16.f32 v49  }
0x315: {  	v15 =	vadd.f32 v7, v9;
	v14 =	vadd.f32 v6, v8;
	v30 =	vunpack.i.l.bf16.f32 v49  }
0x316: {  	v29 =	vunpack.i.u.bf16.f32 v44;
	v31 =	vunpack.i.l.bf16.f32 v44;
	v7 =	vunpack.i.u.bf16.f32 v40  }
0x317: {  	s20 =	sadd.s32 $0x500, s20;
	v9 =	vunpack.i.l.bf16.f32 v40;
	v6 =	vunpack.i.u.bf16.f32 v32;
	v8 =	vunpack.i.l.bf16.f32 v32  }
0x318: {  	v17 =	vadd.f32 v26, v17  }
0x319: {  	v18 =	vadd.f32 v24, v18  }
0x31a: {  	v22 =	vadd.f32 v28, v22;
	[tilespmem:s17+$0xFFFFFF10] =	vst v17  }
0x31b: {  	v60 =	vadd.f32 v25, v19;
	[tilespmem:s17+$0xFFFFFF20] =	vst v18  }
0x31c: {  	v61 =	vadd.f32 v30, v23;
	[tilespmem:s17+$0xFFFFFF30] =	vst v22  }
0x31d: {  	v62 =	vadd.f32 v27, v20;
	[tilespmem:s17+$0xFFFFFF40] =	vst v60  }
0x31e: {  	v63 =	vadd.f32 v31, v21;
	[tilespmem:s17+$0xFFFFFF50] =	vst v61  }
0x31f: {  	v16 =	vadd.f32 v29, v16;
	[tilespmem:s17+$0xFFFFFF60] =	vst v62  }
0x320: {  	v9 =	vadd.f32 v9, v13;
	[tilespmem:s17+$0xFFFFFF70] =	vst v63  }
0x321: {  	v7 =	vadd.f32 v7, v12;
	[tilespmem:s17+$0xFFFFFF80] =	vst v16  }
0x322: {  	v8 =	vadd.f32 v8, v11;
	[tilespmem:s17+$0xFFFFFF90] =	vst v9  }
0x323: {  	v6 =	vadd.f32 v6, v10;
	[tilespmem:s17+$0xFFFFFFA0] =	vst v7  }
0x324: {  	v5 =	vadd.f32 v5, v15;
	[tilespmem:s17+$0xFFFFFFB0] =	vst v8  }
0x325: {  	v4 =	vadd.f32 v4, v14;
	[tilespmem:s17+$0xFFFFFFC0] =	vst v6  }
0x326: {  	[tilespmem:s18+$0xFFFFFFD0] =	vst v5  }
0x327: {  	[tilespmem:s18+$0xFFFFFFE0] =	vst v4  }
0x328: {  	v8 =	vld [tilespmem:s24+$0x20]  }
0x329: {  	v9 =	vld [tilespmem:s23+$0x20]  }
0x32a: {  	v4 =	vld [tilespmem:s23+$0xFFFFFFE0]  }
0x32b: {  	v10 =	vld [tilespmem:s24+$0xFFFFFFF0]  }
0x32c: {  	v11 =	vld [tilespmem:s23+$0xFFFFFFF0]  }
0x32d: {  	v5 =	vld [tilespmem:s24+$0x0]  }
0x32e: {  	v7 =	vld [tilespmem:s23+$0x0]  }
0x32f: {  	v6 =	vld [tilespmem:s24+$0x10]  }
0x330: {  	v9 =	vadd.s32 v8, v9;
	v8 =	vld [tilespmem:s23+$0x10]  }
0x331: {  	s17 =	simm.s32 $0x0;
	s18 =	simm.s32 $0x200;
	v10 =	vadd.s32 v10, v11;
	[tilespmem:s22+$0x20] =	vst v9;
	v9 =	vld [tilespmem:s24+$0xFFFFFFE0]  }
.LBB2_21:
0x332: {  	v11 =	vld [tilespmem:s18+$0x20];
	[tilespmem:s22+$0xFFFFFFF0] =	vst v10;
	s23 =	sadd.s32 $0x50, s23  }
0x333: {  	s17 =	sadd.s32 $0x5, s17;
	v10 =	vld [tilespmem:s23+$0x20];
	v5 =	vadd.s32 v5, v7  }
0x334: {  	p1 =	slt.u32 s17, $0x14;
	v12 =	vld [tilespmem:s23+$0xFFFFFFE0];
	[tilespmem:s22+$0x0] =	vst v5  }
0x335: {  	v13 =	vld [tilespmem:s18+$0xFFFFFFF0];
	v5 =	vadd.s32 v6, v8  }
0x336: {  	v14 =	vld [tilespmem:s23+$0xFFFFFFF0];
	v4 =	vadd.s32 v9, v4;
	[tilespmem:s22+$0x10] =	vst v5  }
.Ltmp9:
0x337: {  	v5 =	vld [tilespmem:s18+$0x0];
	[tilespmem:s22+$0xFFFFFFE0] =	vst v4;
	(pc) =	sbr.rel @p1 .LBB2_21-.Ltmp9, $4  }
0x338: {  	s22 =	sadd.s32 $0x50, s22;
	v7 =	vld [tilespmem:s23+$0x0];
	v8 =	vadd.s32 v11, v10  }
0x339: {  	v6 =	vld [tilespmem:s18+$0x10];
	[tilespmem:s22+$0x20] =	vst v8;
	v4 =	vmov v12  }
0x33a: {  	v8 =	vld [tilespmem:s23+$0x10]  }
0x33b: {  	v9 =	vld [tilespmem:s18+$0xFFFFFFE0];
	v10 =	vadd.s32 v13, v14;
	s18 =	sadd.s32 $0x50, s18  }
0x33c: {  	_ =	sdelay $0x1  }
0x33d: {  	[tilespmem:s22+$0xFFFFFFF0] =	vst v10;
	v5 =	vadd.s32 v5, v7  }
0x33e: {  	[tilespmem:s22+$0x0] =	vst v5;
	v5 =	vadd.s32 v6, v8  }
0x33f: {  	v4 =	vadd.s32 v9, v4;
	[tilespmem:s22+$0x10] =	vst v5  }
0x340: {  	s17 =	simm.s32 $0x4B0;
	s18 =	simm.s32 $0x38E0;
	[tilespmem:s22+$0xFFFFFFE0] =	vst v4  }
0x341: {  	[tilespmem:s18], [sflag:$0x2] =	stream.indirect.gather [hbm4b:s8+s13], $0x20, s17, s13, $0xb8;
	[tilespmem:$0x16E70] =	vst v63  }
0x342: {  	s19 =	simm.s32 $0x3DE0;
	s18 =	simm.s32 $0x4D8  }
0x343: {  	[tilespmem:s19], [sflag:$0x2] =	stream.indirect.gather [hbm4b:s8+s13], $0x20, s18, s13, $0xb8;
	[tilespmem:$0x16E70] =	vst v63  }
0x344: {  	s20 =	simm.s32 $0x500;
	s22 =	simm.s32 $0x42E0  }
0x345: {  	[tilespmem:s22], [sflag:$0x2] =	stream.indirect.gather [hbm4b:s8+s13], $0x20, s20, s13, $0xb8;
	[tilespmem:$0x16E70] =	vst v63  }
0x346: {  	s23 =	simm.s32 $0x528;
	s24 =	simm.s32 $0x47E0  }
0x347: {  	[tilespmem:s24], [sflag:$0x2] =	stream.indirect.gather [hbm4b:s8+s13], $0x20, s23, s13, $0xb8;
	[tilespmem:$0x16E70] =	vst v63  }
0x348: {  	s23 =	sadd.s32 $0x5, s16  }
0x349: {  	s18 =	simm.s32 $0x550;
	s19 =	simm.s32 $0x4CE0;
	s24 =	smulhi.u32 $0x51EB851F, s23  }
0x34a: {  	[tilespmem:s19], [sflag:$0x2] =	stream.indirect.gather [hbm4b:s8+s13], $0x20, s18, s13, $0xb8;
	[tilespmem:$0x16E70] =	vst v63  }
0x34b: {  	s20 =	simm.s32 $0x578;
	s22 =	simm.s32 $0x51E0;
	s18 =	sshrl.u32 s24, $0x5  }
0x34c: {  	[tilespmem:s22], [sflag:$0x2] =	stream.indirect.gather [hbm4b:s8+s13], $0x20, s20, s13, $0xb8;
	[tilespmem:$0x16E70] =	vst v63  }
0x34d: {  	s19 =	simm.s32 $0x5A0;
	s20 =	simm.s32 $0x56E0;
	s18 =	smul.u32 $0x64, s18  }
0x34e: {  	[tilespmem:s20], [sflag:$0x2] =	stream.indirect.gather [hbm4b:s8+s13], $0x20, s19, s13, $0xb8;
	[tilespmem:$0x16E70] =	vst v63  }
0x34f: {  	s17 =	ssub.s32 s23, s18  }
0x350: {  	s22 =	simm.s32 $0x5BE0;
	s20 =	simm.s32 $0x5C8;
	s17 =	smul.u32 $0x28, s17  }
0x351: {  	[tilespmem:s22], [sflag:$0x2] =	stream.indirect.gather [hbm4b:s8+s13], $0x20, s20, s13, $0xb8;
	[tilespmem:$0x16E70] =	vst v63  }
0x352: {  	s24 =	simm.s32 $0x60E0;
	s23 =	simm.s32 $0x5F0;
	s17 =	sadd.s32 s25, s17  }
0x353: {  	[tilespmem:s24], [sflag:$0x2] =	stream.indirect.gather [hbm4b:s8+s13], $0x20, s23, s13, $0xb8;
	[tilespmem:$0x16E70] =	vst v63  }
0x354: {  	s20 =	simm.s32 $0x618;
	s22 =	simm.s32 $0x65E0;
	s17 =	smul.u32 $0xA, s17  }
0x355: {  	[tilespmem:s22], [sflag:$0x2] =	stream.indirect.gather [hbm4b:s8+s13], $0x20, s20, s13, $0xb8;
	[tilespmem:$0x16E70] =	vst v63  }
0x356: {  	s17 =	sshrl.u32 s17, $0x3  }
0x357: {  	s23 =	simm.s32 $0x190;
	s17 =	sadd.s32 s1, s17  }
0x358: {  	[tilespmem:s23], [sflag:$0x2] =	stream.linear.gather [hbm4b:s17+s7], $0x190, $0x38;
	[tilespmem:$0x16E70] =	vst v63  }
0x359: {  	_ =	swait.ge [sflag:s31], $0x500  }
0x35a: {  	[sflag:s31] =	ssyncset.done $0x0  }
0x35b: {  	[sflag:s31] =	ssyncadd.s32 $0xFFFFFB00  }
0x35c: {  	_ =	swait.ge [sflag:s31], $0x500  }
0x35d: {  	[sflag:s31] =	ssyncset.done $0x0  }
0x35e: {  	[sflag:s31] =	ssyncadd.s32 $0xFFFFFB00  }
0x35f: {  	_ =	swait.ge [sflag:s31], $0x500  }
0x360: {  	[sflag:s31] =	ssyncset.done $0x0  }
0x361: {  	[sflag:s31] =	ssyncadd.s32 $0xFFFFFB00  }
0x362: {  	_ =	swait.ge [sflag:s31], $0x500  }
0x363: {  	[sflag:s31] =	ssyncset.done $0x0  }
0x364: {  	[sflag:s31] =	ssyncadd.s32 $0xFFFFFB00  }
0x365: {  	_ =	swait.ge [sflag:s31], $0x500  }
0x366: {  	[sflag:s31] =	ssyncset.done $0x0  }
0x367: {  	[sflag:s31] =	ssyncadd.s32 $0xFFFFFB00  }
0x368: {  	_ =	swait.ge [sflag:s31], $0x500  }
0x369: {  	[sflag:s31] =	ssyncset.done $0x0  }
0x36a: {  	[sflag:s31] =	ssyncadd.s32 $0xFFFFFB00  }
0x36b: {  	_ =	swait.ge [sflag:s31], $0x500  }
0x36c: {  	[sflag:s31] =	ssyncset.done $0x0  }
0x36d: {  	[sflag:s31] =	ssyncadd.s32 $0xFFFFFB00  }
0x36e: {  	_ =	swait.ge [sflag:s31], $0x500  }
0x36f: {  	[sflag:s31] =	ssyncset.done $0x0  }
0x370: {  	[sflag:s31] =	ssyncadd.s32 $0xFFFFFB00  }
0x371: {  	_ =	swait.ge [sflag:s31], $0x500  }
0x372: {  	[sflag:s31] =	ssyncset.done $0x0  }
0x373: {  	[sflag:s31] =	ssyncadd.s32 $0xFFFFFB00  }
0x374: {  	_ =	swait.ge [sflag:s31], $0x500  }
0x375: {  	[sflag:s31] =	ssyncset.done $0x0  }
0x376: {  	[sflag:s31] =	ssyncadd.s32 $0xFFFFFB00  }
0x377: {  	_ =	swait.ge [sflag:s31], $0x190  }
0x378: {  	[sflag:s31] =	ssyncset.done $0x0  }
0x379: {  	s24 =	simm.s32 $0x960;
	[sflag:s31] =	ssyncadd.s32 $0xFFFFFE70  }
0x37a: {  	v4 =	vld [tilespmem:s24+$0x150]  }
0x37b: {  	v5 =	vld [tilespmem:s24+$0x170]  }
0x37c: {  	v6 =	vld [tilespmem:s24+$0xFFFFFD90]  }
0x37d: {  	v7 =	vld [tilespmem:s24+$0x190]  }
0x37e: {  	v8 =	vld [tilespmem:s24+$0xFFFFFDA0]  }
0x37f: {  	v30 =	vld [tilespmem:s24+$0x180]  }
0x380: {  	v31 =	vld [tilespmem:s24+$0x140]  }
0x381: {  	v33 =	vld [tilespmem:s24+$0x160]  }
0x382: {  	v34 =	vld [tilespmem:s24+$0xFFFFFEF0]  }
0x383: {  	v47 =	vld [tilespmem:s24+$0x10]  }
0x384: {  	v36 =	vld [tilespmem:s24+$0x20]  }
0x385: {  	v38 =	vld [tilespmem:s24+$0x30];
	v10 =	vunpack.i.l.bf16.f32 v4;
	v4 =	vunpack.i.u.bf16.f32 v4  }
0x386: {  	v41 =	vld [tilespmem:s24+$0xFFFFFDD0];
	v12 =	vunpack.i.u.bf16.f32 v5;
	v5 =	vunpack.i.l.bf16.f32 v5;
	v13 =	vunpack.i.u.bf16.f32 v6  }
0x387: {  	v42 =	vld [tilespmem:s24+$0xFFFFFF00];
	v6 =	vunpack.i.l.bf16.f32 v6;
	v18 =	vunpack.i.u.bf16.f32 v8;
	v19 =	vunpack.i.l.bf16.f32 v8  }
0x388: {  	v53 =	vld [tilespmem:s24+$0x40];
	v35 =	vunpack.i.u.bf16.f32 v30;
	v30 =	vunpack.i.l.bf16.f32 v30;
	v37 =	vunpack.i.u.bf16.f32 v31  }
0x389: {  	v46 =	vld [tilespmem:s24+$0xFFFFFDF0];
	v31 =	vunpack.i.l.bf16.f32 v31;
	v39 =	vunpack.i.u.bf16.f32 v33;
	v33 =	vunpack.i.l.bf16.f32 v33  }
0x38a: {  	v9 =	vld [tilespmem:s24+$0x1B0];
	v40 =	vunpack.i.u.bf16.f32 v34;
	v34 =	vunpack.i.l.bf16.f32 v34;
	v50 =	vunpack.i.u.bf16.f32 v47  }
0x38b: {  	v48 =	vld [tilespmem:s24+$0xFFFFFDC0];
	v43 =	vunpack.i.u.bf16.f32 v36;
	v36 =	vunpack.i.l.bf16.f32 v36;
	v44 =	vunpack.i.u.bf16.f32 v38  }
0x38c: {  	v51 =	vld [tilespmem:s24+$0xFFFFFF10];
	v38 =	vunpack.i.l.bf16.f32 v38;
	v56 =	vunpack.i.u.bf16.f32 v41;
	v41 =	vunpack.i.l.bf16.f32 v41  }
0x38d: {  	v11 =	vld [tilespmem:s24+$0xFFFFFDB0];
	v57 =	vunpack.i.u.bf16.f32 v42;
	v42 =	vunpack.i.l.bf16.f32 v42;
	v58 =	vunpack.i.u.bf16.f32 v53  }
0x38e: {  	v14 =	vld [tilespmem:s24+$0x1D0];
	v61 =	vunpack.i.u.bf16.f32 v46;
	v46 =	vunpack.i.l.bf16.f32 v46;
	v4 =	vadd.f32 v12, v4  }
0x38f: {  	v15 =	vld [tilespmem:s24+$0x1F0];
	v5 =	vadd.f32 v5, v10;
	v10 =	vunpack.i.u.bf16.f32 v7;
	v7 =	vunpack.i.l.bf16.f32 v7  }
0x390: {  	v16 =	vld [tilespmem:s24+$0x210];
	v31 =	vadd.f32 v33, v31;
	v37 =	vadd.f32 v39, v37;
	v33 =	vunpack.i.l.bf16.f32 v48  }
0x391: {  	v8 =	vld [tilespmem:s24+$0xFFFFFED0];
	v55 =	vadd.f32 v44, v50;
	v39 =	vunpack.i.l.bf16.f32 v51;
	v4 =	vadd.f32 v10, v4  }
0x392: {  	v12 =	vld [tilespmem:s24+$0xFFFFFEC0];
	v5 =	vadd.f32 v7, v5;
	v7 =	vunpack.i.u.bf16.f32 v9;
	v10 =	vunpack.i.l.bf16.f32 v11  }
0x393: {  	v11 =	vunpack.i.u.bf16.f32 v11;
	v30 =	vadd.f32 v30, v31;
	v31 =	vadd.f32 v35, v37  }
0x394: {  	v45 =	vld [tilespmem:s24+$0xFFFFFDE0];
	v9 =	vunpack.i.l.bf16.f32 v9;
	v20 =	vadd.f32 v10, v6;
	v21 =	vadd.f32 v11, v13  }
0x395: {  	v59 =	vld [tilespmem:s24+$0x60];
	v13 =	vunpack.i.u.bf16.f32 v15;
	v4 =	vadd.f32 v7, v4;
	v7 =	vunpack.i.u.bf16.f32 v14  }
0x396: {  	v62 =	vld [tilespmem:s24+$0xFFFFFE00];
	v5 =	vadd.f32 v9, v5;
	v22 =	vunpack.i.u.bf16.f32 v8;
	v23 =	vunpack.i.l.bf16.f32 v8  }
0x397: {  	v8 =	vunpack.i.u.bf16.f32 v16;
	v10 =	vunpack.i.u.bf16.f32 v12;
	v23 =	vadd.f32 v34, v23  }
0x398: {  	v6 =	vld [tilespmem:s24+$0xFFFFFEE0];
	v12 =	vunpack.i.l.bf16.f32 v12;
	v22 =	vadd.f32 v40, v22;
	v20 =	vadd.f32 v41, v20  }
0x399: {  	v24 =	vld [tilespmem:s24+$0x270];
	v21 =	vadd.f32 v56, v21;
	v40 =	vunpack.i.u.bf16.f32 v45;
	v45 =	vunpack.i.l.bf16.f32 v45  }
0x39a: {  	v11 =	vld [tilespmem:s24+$0x230];
	v56 =	vunpack.i.u.bf16.f32 v59;
	v4 =	vadd.f32 v7, v4;
	v7 =	vunpack.i.l.bf16.f32 v14  }
0x39b: {  	v28 =	vld [tilespmem:s24+$0x1C0];
	v41 =	vunpack.i.l.bf16.f32 v59;
	v59 =	vunpack.i.u.bf16.f32 v62;
	v5 =	vadd.f32 v7, v5  }
0x39c: {  	v14 =	vld [tilespmem:s24+$0x250];
	v7 =	vunpack.i.l.bf16.f32 v15;
	v23 =	vadd.f32 v39, v23;
	v20 =	vadd.f32 v46, v20  }
0x39d: {  	v60 =	vld [tilespmem:s24+$0x70];
	v21 =	vadd.f32 v61, v21;
	v4 =	vadd.f32 v13, v4;
	v13 =	vunpack.i.l.bf16.f32 v6  }
0x39e: {  	v15 =	vld [tilespmem:s24+$0x240];
	v39 =	vunpack.i.l.bf16.f32 v62;
	v6 =	vunpack.i.u.bf16.f32 v6;
	v25 =	vadd.f32 v13, v12  }
0x39f: {  	v9 =	vld [tilespmem:s24+$0x260];
	v17 =	vunpack.i.l.bf16.f32 v11;
	v26 =	vadd.f32 v6, v10;
	v5 =	vadd.f32 v7, v5  }
0x3a0: {  	v6 =	vunpack.i.u.bf16.f32 v11;
	v7 =	vunpack.i.l.bf16.f32 v16;
	v16 =	vld [tilespmem:s24+$0x1E0];
	v4 =	vadd.f32 v8, v4  }
0x3a1: {  	v8 =	vld [tilespmem:s24+$0x220];
	v27 =	vunpack.i.l.bf16.f32 v14;
	v5 =	vadd.f32 v7, v5;
	v25 =	vadd.f32 v42, v25  }
0x3a2: {  	v26 =	vadd.f32 v57, v26;
	v42 =	vunpack.i.l.bf16.f32 v60;
	v4 =	vadd.f32 v6, v4  }
0x3a3: {  	v6 =	vunpack.i.u.bf16.f32 v14;
	v7 =	vunpack.i.l.bf16.f32 v15;
	v14 =	vunpack.i.u.bf16.f32 v24  }
0x3a4: {  	v29 =	vld [tilespmem:s24+$0x1A0];
	v24 =	vunpack.i.l.bf16.f32 v24;
	v32 =	vadd.f32 v17, v5;
	v5 =	vunpack.i.l.bf16.f32 v9  }
0x3a5: {  	v13 =	vld [tilespmem:s24+$0x200];
	v17 =	vunpack.i.l.bf16.f32 v28;
	v12 =	vadd.f32 v6, v4;
	v4 =	vunpack.i.u.bf16.f32 v9  }
0x3a6: {  	v6 =	vunpack.i.u.bf16.f32 v15;
	v15 =	vunpack.i.l.bf16.f32 v16;
	v10 =	vunpack.i.u.bf16.f32 v8  }
0x3a7: {  	v57 =	vld [tilespmem:s24+$0xFFFFFF40];
	v11 =	vunpack.i.l.bf16.f32 v8;
	v9 =	vadd.f32 v27, v32;
	v32 =	vunpack.i.l.bf16.f32 v47  }
0x3a8: {  	v27 =	vld [tilespmem:s24+$0x0];
	v47 =	vunpack.i.u.bf16.f32 v51;
	v8 =	vadd.f32 v14, v12;
	v14 =	vunpack.i.u.bf16.f32 v16  }
0x3a9: {  	v16 =	vunpack.i.u.bf16.f32 v28;
	v28 =	vunpack.i.u.bf16.f32 v29;
	v29 =	vunpack.i.l.bf16.f32 v29  }
0x3aa: {  	v54 =	vld [tilespmem:s24+$0x50];
	v12 =	vunpack.i.u.bf16.f32 v13;
	v32 =	vadd.f32 v38, v32;
	v29 =	vadd.f32 v29, v30  }
0x3ab: {  	v13 =	vunpack.i.l.bf16.f32 v13;
	v9 =	vadd.f32 v24, v9;
	v24 =	vld [tilespmem:s24+$0xFFFFFD80];
	v28 =	vadd.f32 v28, v31  }
0x3ac: {  	v22 =	vadd.f32 v47, v22;
	v50 =	vunpack.i.u.bf16.f32 v57;
	v17 =	vadd.f32 v17, v29  }
0x3ad: {  	v61 =	vld [tilespmem:s24+$0x80];
	v16 =	vadd.f32 v16, v28;
	v49 =	vunpack.i.u.bf16.f32 v27;
	v27 =	vunpack.i.l.bf16.f32 v27  }
0x3ae: {  	v51 =	vunpack.i.l.bf16.f32 v57;
	v27 =	vadd.f32 v36, v27;
	v34 =	vadd.f32 v43, v49  }
0x3af: {  	v44 =	vld [tilespmem:s24+$0xE0];
	v36 =	vunpack.i.l.bf16.f32 v54;
	v15 =	vadd.f32 v15, v17;
	v14 =	vadd.f32 v14, v16  }
0x3b0: {  	v52 =	vunpack.i.u.bf16.f32 v24;
	v24 =	vunpack.i.l.bf16.f32 v24;
	v32 =	vadd.f32 v36, v32  }
0x3b1: {  	v43 =	vunpack.i.l.bf16.f32 v53;
	v49 =	vld [tilespmem:s24+$0xFFFFFF30];
	v19 =	vadd.f32 v19, v24;
	v18 =	vadd.f32 v18, v52  }
0x3b2: {  	v31 =	vunpack.i.u.bf16.f32 v61;
	v27 =	vadd.f32 v43, v27;
	v13 =	vadd.f32 v13, v15  }
0x3b3: {  	v24 =	vunpack.i.u.bf16.f32 v48;
	v12 =	vadd.f32 v12, v14;
	v32 =	vadd.f32 v42, v32  }
0x3b4: {  	v48 =	vld [tilespmem:s24+$0xFFFFFF20];
	v15 =	vunpack.i.u.bf16.f32 v44;
	v19 =	vadd.f32 v33, v19;
	v18 =	vadd.f32 v24, v18  }
0x3b5: {  	v24 =	vunpack.i.u.bf16.f32 v54;
	v33 =	vadd.f32 v58, v34;
	v27 =	vadd.f32 v41, v27  }
0x3b6: {  	v52 =	vld [tilespmem:s24+$0xFFFFFE10];
	v24 =	vadd.f32 v24, v55;
	v55 =	vunpack.i.l.bf16.f32 v49;
	v19 =	vadd.f32 v45, v19  }
0x3b7: {  	v57 =	vld [tilespmem:s24+$0xFFFFFF70];
	v54 =	vunpack.i.u.bf16.f32 v49;
	v18 =	vadd.f32 v40, v18;
	v23 =	vadd.f32 v55, v23  }
0x3b8: {  	v58 =	vunpack.i.u.bf16.f32 v60;
	v60 =	vld [tilespmem:s24+$0xFFFFFF50];
	v22 =	vadd.f32 v54, v22;
	v33 =	vadd.f32 v56, v33  }
0x3b9: {  	v49 =	vld [tilespmem:s24+$0xFFFFFE20];
	v54 =	vunpack.i.l.bf16.f32 v61;
	v53 =	vunpack.i.l.bf16.f32 v48;
	v24 =	vadd.f32 v58, v24  }
0x3ba: {  	v63 =	vunpack.i.u.bf16.f32 v48;
	v27 =	vadd.f32 v54, v27;
	v25 =	vadd.f32 v53, v25  }
0x3bb: {  	v36 =	vunpack.i.l.bf16.f32 v52;
	v26 =	vadd.f32 v63, v26;
	v19 =	vadd.f32 v39, v19  }
0x3bc: {  	v55 =	vld [tilespmem:s24+$0xFFFFFF60];
	v62 =	vunpack.i.u.bf16.f32 v52;
	v18 =	vadd.f32 v59, v18;
	v20 =	vadd.f32 v36, v20  }
0x3bd: {  	v52 =	vld [tilespmem:s24+$0xFFFFFE30];
	v48 =	vunpack.i.u.bf16.f32 v57;
	v21 =	vadd.f32 v62, v21;
	v31 =	vadd.f32 v31, v33  }
0x3be: {  	v54 =	vld [tilespmem:s24+$0xC0];
	v53 =	vunpack.i.u.bf16.f32 v60;
	v30 =	vunpack.i.l.bf16.f32 v60;
	v58 =	vunpack.i.u.bf16.f32 v49  }
0x3bf: {  	v63 =	vld [tilespmem:s24+$0x90];
	v35 =	vunpack.i.l.bf16.f32 v49;
	v25 =	vadd.f32 v51, v25;
	v26 =	vadd.f32 v50, v26  }
0x3c0: {  	v59 =	vld [tilespmem:s24+$0xA0];
	v23 =	vadd.f32 v30, v23;
	v22 =	vadd.f32 v53, v22;
	v49 =	vunpack.i.l.bf16.f32 v57  }
0x3c1: {  	v62 =	vld [tilespmem:s24+$0xFFFFFE40];
	v47 =	vunpack.i.l.bf16.f32 v55;
	v19 =	vadd.f32 v35, v19;
	v18 =	vadd.f32 v58, v18  }
0x3c2: {  	v60 =	vld [tilespmem:s24+$0xB0];
	v61 =	vunpack.i.u.bf16.f32 v52;
	v30 =	vunpack.i.l.bf16.f32 v52;
	v25 =	vadd.f32 v47, v25  }
0x3c3: {  	v29 =	vld [tilespmem:s24+$0xFFFFFE50];
	v23 =	vadd.f32 v49, v23;
	v22 =	vadd.f32 v48, v22;
	v38 =	vunpack.i.l.bf16.f32 v54  }
0x3c4: {  	v56 =	vunpack.i.u.bf16.f32 v63;
	v34 =	vunpack.i.l.bf16.f32 v63;
	v63 =	vunpack.i.u.bf16.f32 v55  }
0x3c5: {  	v28 =	vunpack.i.u.bf16.f32 v59;
	v40 =	vunpack.i.l.bf16.f32 v59;
	v20 =	vadd.f32 v30, v20  }
0x3c6: {  	v51 =	vld [tilespmem:s24+$0xFFFFFF80];
	v21 =	vadd.f32 v61, v21;
	v30 =	vunpack.i.u.bf16.f32 v62;
	v37 =	vunpack.i.l.bf16.f32 v62  }
0x3c7: {  	v32 =	vadd.f32 v34, v32;
	v24 =	vadd.f32 v56, v24;
	v50 =	vunpack.i.u.bf16.f32 v60  }
0x3c8: {  	v53 =	vld [tilespmem:s24+$0xFFFFFF90];
	v52 =	vunpack.i.l.bf16.f32 v60;
	v26 =	vadd.f32 v63, v26;
	v56 =	vunpack.i.u.bf16.f32 v29  }
0x3c9: {  	v29 =	vunpack.i.l.bf16.f32 v29;
	v27 =	vadd.f32 v40, v27;
	v28 =	vadd.f32 v28, v31  }
0x3ca: {  	v57 =	vld [tilespmem:s24+$0xFFFFFE60];
	v60 =	vunpack.i.u.bf16.f32 v54;
	v19 =	vadd.f32 v37, v19;
	v18 =	vadd.f32 v30, v18  }
0x3cb: {  	v34 =	vunpack.i.l.bf16.f32 v44;
	v31 =	vunpack.i.u.bf16.f32 v51;
	v20 =	vadd.f32 v29, v20  }
0x3cc: {  	v58 =	vld [tilespmem:s24+$0xFFFFFE70];
	v59 =	vunpack.i.l.bf16.f32 v51;
	v21 =	vadd.f32 v56, v21;
	v56 =	vadd.f32 v11, v13  }
0x3cd: {  	v47 =	vld [tilespmem:s24+$0xFFFFFE90];
	v16 =	vunpack.i.u.bf16.f32 v53;
	v32 =	vadd.f32 v52, v32;
	v24 =	vadd.f32 v50, v24  }
0x3ce: {  	v55 =	vld [tilespmem:s24+$0xD0];
	v17 =	vunpack.i.l.bf16.f32 v53;
	v25 =	vadd.f32 v59, v25;
	v26 =	vadd.f32 v31, v26  }
0x3cf: {  	v61 =	vld [tilespmem:s24+$0xFFFFFFA0];
	v30 =	vunpack.i.u.bf16.f32 v57;
	v17 =	vadd.f32 v17, v23;
	v16 =	vadd.f32 v16, v22  }
0x3d0: {  	v49 =	vld [tilespmem:s24+$0xFFFFFFC0];
	v29 =	vunpack.i.l.bf16.f32 v57;
	v27 =	vadd.f32 v38, v27;
	v28 =	vadd.f32 v60, v28  }
0x3d1: {  	v35 =	vunpack.i.l.bf16.f32 v58;
	v19 =	vadd.f32 v29, v19;
	v18 =	vadd.f32 v30, v18  }
0x3d2: {  	v63 =	vld [tilespmem:s24+$0xFFFFFFB0];
	v45 =	vunpack.i.u.bf16.f32 v58;
	v58 =	vadd.f32 v10, v12;
	v20 =	vadd.f32 v35, v20  }
0x3d3: {  	v51 =	vld [tilespmem:s24+$0x100];
	v21 =	vadd.f32 v45, v21;
	v53 =	vunpack.i.u.bf16.f32 v47;
	v62 =	vunpack.i.u.bf16.f32 v55  }
0x3d4: {  	v31 =	vld [tilespmem:s24+$0xF0];
	v33 =	vunpack.i.l.bf16.f32 v55;
	v23 =	vunpack.i.u.bf16.f32 v61;
	v46 =	vunpack.i.l.bf16.f32 v61  }
0x3d5: {  	v22 =	vld [tilespmem:s24+$0xFFFFFE80];
	v27 =	vadd.f32 v34, v27;
	v55 =	vunpack.i.u.bf16.f32 v49;
	v15 =	vadd.f32 v15, v28  }
0x3d6: {  	v50 =	vld [tilespmem:s24+$0xFFFFFFD0];
	v28 =	vunpack.i.l.bf16.f32 v49;
	v32 =	vadd.f32 v33, v32;
	v24 =	vadd.f32 v62, v24  }
0x3d7: {  	v48 =	vunpack.i.u.bf16.f32 v63;
	v14 =	vunpack.i.l.bf16.f32 v63;
	v25 =	vadd.f32 v46, v25  }
0x3d8: {  	v52 =	vld [tilespmem:s24+$0x110];
	v54 =	vadd.f32 v23, v26;
	v23 =	vunpack.i.l.bf16.f32 v47;
	v14 =	vadd.f32 v14, v17  }
0x3d9: {  	v16 =	vadd.f32 v48, v16;
	v10 =	vunpack.i.u.bf16.f32 v51;
	v12 =	vunpack.i.l.bf16.f32 v51  }
0x3da: {  	v11 =	vld [tilespmem:s24+$0xFFFFFEB0];
	v29 =	vunpack.i.u.bf16.f32 v31;
	v31 =	vunpack.i.l.bf16.f32 v31;
	v30 =	vunpack.i.u.bf16.f32 v22  }
0x3db: {  	v22 =	vunpack.i.l.bf16.f32 v22;
	v13 =	vunpack.i.u.bf16.f32 v50;
	v31 =	vadd.f32 v31, v32  }
0x3dc: {  	v60 =	vld [tilespmem:s24+$0xFFFFFFE0];
	v57 =	vunpack.i.l.bf16.f32 v50;
	v29 =	vadd.f32 v29, v24;
	v17 =	vadd.f32 v22, v19  }
0x3dd: {  	v26 =	vld [tilespmem:s24+$0xFFFFFEA0];
	v59 =	vunpack.i.u.bf16.f32 v52;
	v18 =	vadd.f32 v30, v18;
	v22 =	vadd.f32 v23, v20  }
0x3de: {  	v61 =	vld [tilespmem:s24+$0xFFFFFFF0];
	v30 =	vunpack.i.l.bf16.f32 v52;
	v19 =	vadd.f32 v53, v21;
	v23 =	vadd.f32 v28, v25  }
0x3df: {  	v62 =	vld [tilespmem:s24+$0x120];
	v20 =	vadd.f32 v55, v54;
	v25 =	vunpack.i.u.bf16.f32 v11;
	v21 =	vadd.f32 v57, v14  }
0x3e0: {  	v63 =	vld [tilespmem:s24+$0x130];
	v16 =	vadd.f32 v13, v16;
	v28 =	vunpack.i.l.bf16.f32 v11;
	v13 =	vadd.f32 v12, v27  }
0x3e1: {  	v12 =	vadd.f32 v10, v15;
	v27 =	vunpack.i.u.bf16.f32 v60;
	v15 =	vadd.f32 v7, v56  }
0x3e2: {  	v14 =	vadd.f32 v6, v58;
	v24 =	vunpack.i.u.bf16.f32 v26;
	v26 =	vunpack.i.l.bf16.f32 v26  }
0x3e3: {  	s17 =	simm.s32 $0x7FD0;
	v11 =	vadd.f32 v30, v31;
	v10 =	vadd.f32 v59, v29;
	v30 =	vunpack.i.l.bf16.f32 v60  }
0x3e4: {  	[tilespmem:s17+$0x0] =	vst v8;
	v29 =	vunpack.i.u.bf16.f32 v61;
	v31 =	vunpack.i.l.bf16.f32 v61;
	v7 =	vunpack.i.u.bf16.f32 v62  }
0x3e5: {  	s19 =	simm.s32 $0x0;
	s18 =	simm.s32 $0x7FD0;
	s20 =	simm.s32 $0xE60;
	[tilespmem:s17+$0xFFFFFFF0] =	vst v9;
	v9 =	vunpack.i.l.bf16.f32 v62;
	v6 =	vunpack.i.u.bf16.f32 v63;
	v8 =	vunpack.i.l.bf16.f32 v63  }
.LBB2_23:
0x3e6: {  	v32 =	vld [tilespmem:s20+$0x150];
	v17 =	vadd.f32 v26, v17;
	v18 =	vadd.f32 v24, v18  }
0x3e7: {  	s19 =	sadd.s32 $0x4, s19;
	v22 =	vadd.f32 v28, v22;
	v19 =	vadd.f32 v25, v19;
	v24 =	vld [tilespmem:s20+$0x170]  }
0x3e8: {  	v20 =	vadd.f32 v27, v20;
	p1 =	slt.u32 s19, $0x24;
	v25 =	vld [tilespmem:s20+$0xFFFFFD90];
	[tilespmem:s17+$0xFFFFFF10] =	vst v17;
	v17 =	vadd.f32 v30, v23  }
0x3e9: {  	v16 =	vadd.f32 v29, v16;
	v23 =	vld [tilespmem:s20+$0x190];
	[tilespmem:s17+$0xFFFFFF20] =	vst v18;
	v18 =	vadd.f32 v31, v21  }
0x3ea: {  	v9 =	vadd.f32 v9, v13;
	v7 =	vadd.f32 v7, v12;
	v26 =	vld [tilespmem:s20+$0xFFFFFDA0];
	[tilespmem:s17+$0xFFFFFF30] =	vst v22  }
0x3eb: {  	v8 =	vadd.f32 v8, v11;
	v6 =	vadd.f32 v6, v10;
	v12 =	vunpack.i.l.bf16.f32 v32;
	v13 =	vld [tilespmem:s20+$0x1B0];
	[tilespmem:s17+$0xFFFFFF40] =	vst v19  }
0x3ec: {  	v11 =	vunpack.i.u.bf16.f32 v32;
	v10 =	vld [tilespmem:s20+$0xFFFFFDB0];
	v19 =	vunpack.i.u.bf16.f32 v24;
	v21 =	vunpack.i.l.bf16.f32 v24;
	[tilespmem:s17+$0xFFFFFF50] =	vst v17  }
0x3ed: {  	v17 =	vunpack.i.u.bf16.f32 v25;
	v22 =	vunpack.i.l.bf16.f32 v25;
	v11 =	vadd.f32 v19, v11;
	v24 =	vld [tilespmem:s20+$0x1D0];
	[tilespmem:s17+$0xFFFFFF60] =	vst v20  }
0x3ee: {  	v12 =	vadd.f32 v21, v12;
	v20 =	vld [tilespmem:s20+$0xFFFFFEC0];
	v19 =	vunpack.i.u.bf16.f32 v23;
	v25 =	vunpack.i.l.bf16.f32 v23;
	[tilespmem:s17+$0xFFFFFF70] =	vst v18  }
0x3ef: {  	v21 =	vunpack.i.u.bf16.f32 v26;
	v23 =	vunpack.i.l.bf16.f32 v26;
	v11 =	vadd.f32 v19, v11;
	v26 =	vld [tilespmem:s20+$0x1F0];
	[tilespmem:s17+$0xFFFFFF80] =	vst v16  }
0x3f0: {  	v12 =	vadd.f32 v25, v12;
	v16 =	vld [tilespmem:s20+$0xFFFFFED0];
	v18 =	vunpack.i.u.bf16.f32 v13;
	v13 =	vunpack.i.l.bf16.f32 v13;
	[tilespmem:s17+$0xFFFFFF90] =	vst v9  }
0x3f1: {  	v9 =	vunpack.i.u.bf16.f32 v10;
	v10 =	vunpack.i.l.bf16.f32 v10;
	v11 =	vadd.f32 v18, v11;
	v27 =	vld [tilespmem:s20+$0x210];
	[tilespmem:s17+$0xFFFFFFA0] =	vst v7  }
0x3f2: {  	v18 =	vadd.f32 v10, v22;
	v19 =	vadd.f32 v9, v17;
	v7 =	vld [tilespmem:s20+$0xFFFFFEE0];
	v9 =	vunpack.i.u.bf16.f32 v24;
	[tilespmem:s17+$0xFFFFFFB0] =	vst v8  }
0x3f3: {  	v8 =	vunpack.i.u.bf16.f32 v20;
	v10 =	vunpack.i.l.bf16.f32 v20;
	v9 =	vadd.f32 v9, v11;
	v11 =	vld [tilespmem:s20+$0x230];
	[tilespmem:s17+$0xFFFFFFC0] =	vst v6  }
0x3f4: {  	v6 =	vadd.f32 v13, v12;
	v12 =	vunpack.i.l.bf16.f32 v24;
	v13 =	vunpack.i.u.bf16.f32 v26;
	v17 =	vld [tilespmem:s20+$0x260]  }
0x3f5: {  	v28 =	vunpack.i.u.bf16.f32 v16;
	v29 =	vunpack.i.l.bf16.f32 v16;
	v9 =	vadd.f32 v13, v9;
	v13 =	vld [tilespmem:s20+$0x250]  }
0x3f6: {  	v6 =	vadd.f32 v12, v6;
	v12 =	vunpack.i.l.bf16.f32 v26;
	v16 =	vunpack.i.u.bf16.f32 v27;
	v26 =	vld [tilespmem:s20+$0x270]  }
0x3f7: {  	v20 =	vunpack.i.u.bf16.f32 v7;
	v7 =	vunpack.i.l.bf16.f32 v7;
	v9 =	vadd.f32 v16, v9;
	v16 =	vld [tilespmem:s20+$0x240]  }
0x3f8: {  	v24 =	vadd.f32 v7, v10;
	v25 =	vadd.f32 v20, v8;
	v10 =	vld [tilespmem:s20+$0x220];
	v7 =	vunpack.i.u.bf16.f32 v11  }
0x3f9: {  	v6 =	vadd.f32 v12, v6;
	v8 =	vunpack.i.l.bf16.f32 v27;
	v12 =	vld [tilespmem:s20+$0x200];
	v7 =	vadd.f32 v7, v9  }
0x3fa: {  	v22 =	vunpack.i.l.bf16.f32 v11;
	v20 =	vld [tilespmem:s20+$0x1E0];
	v9 =	vunpack.i.u.bf16.f32 v13;
	v27 =	vunpack.i.l.bf16.f32 v13  }
0x3fb: {  	v31 =	vunpack.i.u.bf16.f32 v17;
	v13 =	vadd.f32 v8, v6;
	v30 =	vld [tilespmem:s20+$0x1C0];
	v11 =	vadd.f32 v9, v7  }
0x3fc: {  	v32 =	vld [tilespmem:s20+$0x1A0];
	v6 =	vunpack.i.u.bf16.f32 v16;
	v7 =	vunpack.i.l.bf16.f32 v16;
	v16 =	vunpack.i.u.bf16.f32 v26  }
0x3fd: {  	v33 =	vld [tilespmem:s20+$0x180];
	v8 =	vunpack.i.u.bf16.f32 v10;
	v9 =	vunpack.i.l.bf16.f32 v10;
	v16 =	vadd.f32 v16, v11  }
0x3fe: {  	s22 =	simm.s32 $0x340;
	s17 =	sadd.s32 $0x100, s17;
	v22 =	vadd.f32 v22, v13;
	v34 =	vld [tilespmem:s20+$0x140];
	v10 =	vunpack.i.u.bf16.f32 v12;
	v11 =	vunpack.i.l.bf16.f32 v12  }
0x3ff: {  	s24 =	simm.s32 $0x20;
	s23 =	simm.s32 $0x9D00;
	v36 =	vunpack.i.l.bf16.f32 v17;
	v35 =	vld [tilespmem:s20+$0x160];
	v12 =	vunpack.i.u.bf16.f32 v20;
	v13 =	vunpack.i.l.bf16.f32 v20;
	[tilespmem:s17+$0x0] =	vst v16  }
0x400: {  	v27 =	vadd.f32 v27, v22;
	v37 =	vld [tilespmem:s20+$0xFFFFFEF0];
	v16 =	vunpack.i.u.bf16.f32 v30;
	v17 =	vunpack.i.l.bf16.f32 v30  }
0x401: {  	v26 =	vunpack.i.l.bf16.f32 v26;
	v30 =	vld [tilespmem:s20+$0x0];
	v20 =	vunpack.i.u.bf16.f32 v32;
	v22 =	vunpack.i.l.bf16.f32 v32  }
0x402: {  	v15 =	vadd.f32 v5, v15;
	v5 =	vmovc v36;
	v32 =	vld [tilespmem:s20+$0x10];
	v38 =	vunpack.i.u.bf16.f32 v33;
	v33 =	vunpack.i.l.bf16.f32 v33  }
0x403: {  	v14 =	vadd.f32 v4, v14;
	v4 =	vmovc v31;
	v36 =	vld [tilespmem:s20+$0x20];
	v39 =	vunpack.i.u.bf16.f32 v34;
	v34 =	vunpack.i.l.bf16.f32 v34  }
0x404: {  	v26 =	vadd.f32 v26, v27;
	v31 =	vld [tilespmem:s20+$0x30];
	v40 =	vunpack.i.u.bf16.f32 v35;
	v35 =	vunpack.i.l.bf16.f32 v35;
	[tilespmem:s18+$0xFFFFFFD0] =	vst v15  }
0x405: {  	v15 =	vld [tilespmem:s20+$0xFFFFFD80];
	v27 =	vunpack.i.u.bf16.f32 v37;
	v37 =	vunpack.i.l.bf16.f32 v37;
	v34 =	vadd.f32 v35, v34;
	[tilespmem:s18+$0xFFFFFFE0] =	vst v14;
	s18 =	smov.u32 s17  }
0x406: {  	v14 =	vld [tilespmem:s20+$0xFFFFFDC0];
	v29 =	vadd.f32 v37, v29;
	v35 =	vunpack.i.u.bf16.f32 v30;
	v30 =	vunpack.i.l.bf16.f32 v30;
	[tilespmem:s17+$0xFFFFFFF0] =	vst v26  }
0x407: {  	v27 =	vadd.f32 v27, v28;
	v26 =	vld [tilespmem:s20+$0xFFFFFDD0];
	v28 =	vunpack.i.u.bf16.f32 v32;
	v32 =	vunpack.i.l.bf16.f32 v32  }
0x408: {  	v39 =	vadd.f32 v40, v39;
	v37 =	vld [tilespmem:s20+$0xFFFFFF00];
	v41 =	vunpack.i.u.bf16.f32 v36;
	v36 =	vunpack.i.l.bf16.f32 v36  }
0x409: {  	v40 =	vld [tilespmem:s20+$0xFFFFFF10];
	v42 =	vunpack.i.u.bf16.f32 v31;
	v31 =	vunpack.i.l.bf16.f32 v31;
	v30 =	vadd.f32 v36, v30  }
0x40a: {  	v35 =	vadd.f32 v41, v35;
	v36 =	vunpack.i.u.bf16.f32 v15;
	v15 =	vunpack.i.l.bf16.f32 v15;
	v41 =	vld [tilespmem:s20+$0x40]  }
0x40b: {  	v15 =	vadd.f32 v23, v15;
	v21 =	vadd.f32 v21, v36;
	v23 =	vunpack.i.u.bf16.f32 v14;
	v36 =	vld [tilespmem:s20+$0x50]  }
0x40c: {  	v31 =	vadd.f32 v31, v32;
	v28 =	vadd.f32 v42, v28;
	v14 =	vunpack.i.l.bf16.f32 v14;
	v43 =	vld [tilespmem:s20+$0xFFFFFDE0]  }
0x40d: {  	v32 =	vunpack.i.u.bf16.f32 v26;
	v26 =	vunpack.i.l.bf16.f32 v26;
	v42 =	vld [tilespmem:s20+$0xFFFFFDF0];
	v44 =	vunpack.i.u.bf16.f32 v37  }
0x40e: {  	v37 =	vunpack.i.l.bf16.f32 v37;
	v45 =	vunpack.i.u.bf16.f32 v40;
	v40 =	vunpack.i.l.bf16.f32 v40;
	v46 =	vld [tilespmem:s20+$0xFFFFFF20]  }
0x40f: {  	v14 =	vadd.f32 v14, v15;
	v15 =	vld [tilespmem:s20+$0xFFFFFF30];
	v47 =	vunpack.i.u.bf16.f32 v41;
	v41 =	vunpack.i.l.bf16.f32 v41  }
0x410: {  	v21 =	vadd.f32 v23, v21;
	v23 =	vunpack.i.u.bf16.f32 v36;
	v36 =	vunpack.i.l.bf16.f32 v36;
	v48 =	vld [tilespmem:s20+$0x60]  }
0x411: {  	v18 =	vadd.f32 v26, v18;
	v19 =	vadd.f32 v32, v19;
	v26 =	vunpack.i.u.bf16.f32 v43;
	v32 =	vld [tilespmem:s20+$0x70]  }
0x412: {  	v24 =	vadd.f32 v37, v24;
	v25 =	vadd.f32 v44, v25;
	v43 =	vunpack.i.l.bf16.f32 v43;
	v49 =	vld [tilespmem:s20+$0xFFFFFE00]  }
0x413: {  	v29 =	vadd.f32 v40, v29;
	v27 =	vadd.f32 v45, v27;
	v37 =	vunpack.i.u.bf16.f32 v42;
	v44 =	vld [tilespmem:s20+$0xFFFFFE10]  }
0x414: {  	v30 =	vadd.f32 v41, v30;
	v35 =	vadd.f32 v47, v35;
	v40 =	vunpack.i.l.bf16.f32 v42;
	v42 =	vld [tilespmem:s20+$0xFFFFFF40]  }
0x415: {  	v31 =	vadd.f32 v36, v31;
	v23 =	vadd.f32 v23, v28;
	v41 =	vunpack.i.u.bf16.f32 v46;
	v45 =	vld [tilespmem:s20+$0xFFFFFF50]  }
0x416: {  	v33 =	vadd.f32 v33, v34;
	v34 =	vadd.f32 v38, v39;
	v28 =	vunpack.i.l.bf16.f32 v46;
	v36 =	vld [tilespmem:s20+$0x80]  }
0x417: {  	v38 =	vunpack.i.u.bf16.f32 v15;
	v15 =	vunpack.i.l.bf16.f32 v15;
	v39 =	vunpack.i.u.bf16.f32 v48;
	v46 =	vld [tilespmem:s20+$0x90]  }
0x418: {  	v48 =	vunpack.i.l.bf16.f32 v48;
	v50 =	vunpack.i.u.bf16.f32 v32;
	v32 =	vunpack.i.l.bf16.f32 v32;
	v47 =	vld [tilespmem:s20+$0xFFFFFE20]  }
0x419: {  	v14 =	vadd.f32 v43, v14;
	v21 =	vadd.f32 v26, v21;
	v26 =	vunpack.i.u.bf16.f32 v49;
	v43 =	vld [tilespmem:s20+$0xFFFFFE30]  }
0x41a: {  	v18 =	vadd.f32 v40, v18;
	v19 =	vadd.f32 v37, v19;
	v37 =	vunpack.i.l.bf16.f32 v49;
	v40 =	vld [tilespmem:s20+$0xFFFFFF60]  }
0x41b: {  	v24 =	vadd.f32 v28, v24;
	v25 =	vadd.f32 v41, v25;
	v49 =	vunpack.i.u.bf16.f32 v44;
	v28 =	vld [tilespmem:s20+$0xFFFFFF70]  }
0x41c: {  	v15 =	vadd.f32 v15, v29;
	v27 =	vadd.f32 v38, v27;
	v41 =	vunpack.i.l.bf16.f32 v44;
	v29 =	vld [tilespmem:s20+$0xA0]  }
0x41d: {  	v30 =	vadd.f32 v48, v30;
	v35 =	vadd.f32 v39, v35;
	v38 =	vunpack.i.u.bf16.f32 v42;
	v39 =	vld [tilespmem:s20+$0xB0]  }
0x41e: {  	v31 =	vadd.f32 v32, v31;
	v23 =	vadd.f32 v50, v23;
	v42 =	vunpack.i.l.bf16.f32 v42;
	v44 =	vld [tilespmem:s20+$0xFFFFFE40]  }
0x41f: {  	v22 =	vadd.f32 v22, v33;
	v20 =	vadd.f32 v20, v34;
	v48 =	vunpack.i.u.bf16.f32 v45;
	v32 =	vld [tilespmem:s20+$0xFFFFFE50]  }
0x420: {  	v33 =	vunpack.i.l.bf16.f32 v45;
	v45 =	vunpack.i.u.bf16.f32 v36;
	v36 =	vunpack.i.l.bf16.f32 v36;
	v34 =	vld [tilespmem:s20+$0xFFFFFF80]  }
0x421: {  	v14 =	vadd.f32 v37, v14;
	v50 =	vunpack.i.u.bf16.f32 v46;
	v46 =	vunpack.i.l.bf16.f32 v46;
	v37 =	vld [tilespmem:s20+$0xFFFFFF90]  }
0x422: {  	v21 =	vadd.f32 v26, v21;
	v18 =	vadd.f32 v41, v18;
	v26 =	vunpack.i.u.bf16.f32 v47;
	v41 =	vld [tilespmem:s20+$0xC0]  }
0x423: {  	v19 =	vadd.f32 v49, v19;
	v24 =	vadd.f32 v42, v24;
	v47 =	vunpack.i.l.bf16.f32 v47;
	v42 =	vld [tilespmem:s20+$0xD0]  }
0x424: {  	v25 =	vadd.f32 v38, v25;
	v15 =	vadd.f32 v33, v15;
	v49 =	vunpack.i.u.bf16.f32 v43;
	v51 =	vld [tilespmem:s20+$0xFFFFFE60]  }
0x425: {  	v27 =	vadd.f32 v48, v27;
	v30 =	vadd.f32 v36, v30;
	v33 =	vunpack.i.l.bf16.f32 v43;
	v38 =	vld [tilespmem:s20+$0xFFFFFE70]  }
0x426: {  	v35 =	vadd.f32 v45, v35;
	v31 =	vadd.f32 v46, v31;
	v36 =	vunpack.i.u.bf16.f32 v40;
	v43 =	vld [tilespmem:s20+$0xFFFFFFA0]  }
0x427: {  	v17 =	vadd.f32 v17, v22;
	v23 =	vadd.f32 v50, v23;
	v40 =	vunpack.i.l.bf16.f32 v40;
	v45 =	vld [tilespmem:s20+$0xFFFFFFB0]  }
0x428: {  	v16 =	vadd.f32 v16, v20;
	v22 =	vunpack.i.u.bf16.f32 v28;
	v28 =	vunpack.i.l.bf16.f32 v28;
	v46 =	vld [tilespmem:s20+$0xE0]  }
0x429: {  	v20 =	vunpack.i.u.bf16.f32 v29;
	v29 =	vunpack.i.l.bf16.f32 v29;
	v48 =	vunpack.i.u.bf16.f32 v39;
	v50 =	vld [tilespmem:s20+$0xF0]  }
0x42a: {  	v14 =	vadd.f32 v47, v14;
	v21 =	vadd.f32 v26, v21;
	v39 =	vunpack.i.l.bf16.f32 v39;
	v26 =	vld [tilespmem:s20+$0xFFFFFE80]  }
0x42b: {  	v18 =	vadd.f32 v33, v18;
	v19 =	vadd.f32 v49, v19;
	v33 =	vunpack.i.u.bf16.f32 v44;
	v47 =	vld [tilespmem:s20+$0xFFFFFE90]  }
0x42c: {  	v24 =	vadd.f32 v40, v24;
	v25 =	vadd.f32 v36, v25;
	v44 =	vunpack.i.l.bf16.f32 v44;
	v36 =	vld [tilespmem:s20+$0xFFFFFFC0]  }
0x42d: {  	v15 =	vadd.f32 v28, v15;
	v22 =	vadd.f32 v22, v27;
	v40 =	vunpack.i.u.bf16.f32 v32;
	v27 =	vld [tilespmem:s20+$0xFFFFFFD0]  }
0x42e: {  	v29 =	vadd.f32 v29, v30;
	v20 =	vadd.f32 v20, v35;
	v28 =	vunpack.i.l.bf16.f32 v32;
	v30 =	vld [tilespmem:s20+$0x100]  }
0x42f: {  	v31 =	vadd.f32 v39, v31;
	v23 =	vadd.f32 v48, v23;
	v32 =	vunpack.i.u.bf16.f32 v34;
	v35 =	vld [tilespmem:s20+$0x110]  }
0x430: {  	v13 =	vadd.f32 v13, v17;
	v12 =	vadd.f32 v12, v16;
	v34 =	vunpack.i.l.bf16.f32 v34;
	v39 =	vld [tilespmem:s20+$0xFFFFFEA0]  }
0x431: {  	v16 =	vunpack.i.u.bf16.f32 v37;
	v17 =	vunpack.i.l.bf16.f32 v37;
	v37 =	vunpack.i.u.bf16.f32 v41;
	v48 =	vld [tilespmem:s20+$0xFFFFFEB0]  }
0x432: {  	v41 =	vunpack.i.l.bf16.f32 v41;
	v52 =	vunpack.i.u.bf16.f32 v42;
	v42 =	vunpack.i.l.bf16.f32 v42;
	v49 =	vld [tilespmem:s20+$0xFFFFFFE0]  }
0x433: {  	v14 =	vadd.f32 v44, v14;
	v21 =	vadd.f32 v33, v21;
	v33 =	vunpack.i.u.bf16.f32 v51;
	v44 =	vld [tilespmem:s20+$0xFFFFFFF0]  }
0x434: {  	v18 =	vadd.f32 v28, v18;
	v19 =	vadd.f32 v40, v19;
	v28 =	vunpack.i.l.bf16.f32 v51;
	v40 =	vld [tilespmem:s20+$0x120]  }
0x435: {  	v24 =	vadd.f32 v34, v24;
	v25 =	vadd.f32 v32, v25;
	v51 =	vunpack.i.u.bf16.f32 v38;
	v32 =	vld [tilespmem:s20+$0x130]  }
0x436: {  	v15 =	vadd.f32 v17, v15;
	v16 =	vadd.f32 v16, v22;
	v34 =	vunpack.i.l.bf16.f32 v38  }
0x437: {  	v22 =	vadd.f32 v41, v29;
	v20 =	vadd.f32 v37, v20;
	v17 =	vunpack.i.u.bf16.f32 v43  }
0x438: {  	v31 =	vadd.f32 v42, v31;
	v23 =	vadd.f32 v52, v23;
	v29 =	vunpack.i.l.bf16.f32 v43  }
0x439: {  	v11 =	vadd.f32 v11, v13;
	v10 =	vadd.f32 v10, v12;
	v37 =	vunpack.i.u.bf16.f32 v45  }
0x43a: {  	v12 =	vunpack.i.l.bf16.f32 v45;
	v13 =	vunpack.i.u.bf16.f32 v46;
	v38 =	vunpack.i.l.bf16.f32 v46  }
0x43b: {  	v14 =	vadd.f32 v28, v14;
	v28 =	vunpack.i.u.bf16.f32 v50;
	v41 =	vunpack.i.l.bf16.f32 v50  }
0x43c: {  	v21 =	vadd.f32 v33, v21;
	v33 =	vadd.f32 v34, v18;
	v18 =	vunpack.i.u.bf16.f32 v26  }
0x43d: {  	v19 =	vadd.f32 v51, v19;
	v29 =	vadd.f32 v29, v24;
	v26 =	vunpack.i.l.bf16.f32 v26  }
0x43e: {  	v25 =	vadd.f32 v17, v25;
	v12 =	vadd.f32 v12, v15;
	v24 =	vunpack.i.u.bf16.f32 v47  }
0x43f: {  	v16 =	vadd.f32 v37, v16;
	v34 =	vadd.f32 v38, v22;
	v15 =	vunpack.i.l.bf16.f32 v47  }
0x440: {  	v38 =	vadd.f32 v13, v20;
	v31 =	vadd.f32 v41, v31;
	v37 =	vunpack.i.u.bf16.f32 v36  }
0x441: {  	v9 =	vadd.f32 v9, v11;
	v13 =	vunpack.i.l.bf16.f32 v36;
	v36 =	vadd.f32 v28, v23  }
0x442: {  	v8 =	vadd.f32 v8, v10;
	v11 =	vunpack.i.u.bf16.f32 v27;
	v27 =	vunpack.i.l.bf16.f32 v27  }
0x443: {  	v10 =	vunpack.i.u.bf16.f32 v30;
	v30 =	vunpack.i.l.bf16.f32 v30;
	v41 =	vunpack.i.u.bf16.f32 v35  }
0x444: {  	v17 =	vadd.f32 v26, v14;
	v18 =	vadd.f32 v18, v21;
	v14 =	vunpack.i.l.bf16.f32 v35  }
0x445: {  	v22 =	vadd.f32 v15, v33;
	v19 =	vadd.f32 v24, v19;
	v24 =	vunpack.i.u.bf16.f32 v39  }
0x446: {  	v23 =	vadd.f32 v13, v29;
	v20 =	vadd.f32 v37, v25;
	v26 =	vunpack.i.l.bf16.f32 v39  }
0x447: {  	v21 =	vadd.f32 v27, v12;
	v16 =	vadd.f32 v11, v16;
	v25 =	vunpack.i.u.bf16.f32 v48  }
.Ltmp10:
0x448: {  	v13 =	vadd.f32 v30, v34;
	v12 =	vadd.f32 v10, v38;
	v28 =	vunpack.i.l.bf16.f32 v48;
	(pc) =	sbr.rel @p1 .LBB2_23-.Ltmp10, $4  }
0x449: {  	v11 =	vadd.f32 v14, v31;
	v10 =	vadd.f32 v41, v36;
	v27 =	vunpack.i.u.bf16.f32 v49  }
0x44a: {  	v15 =	vadd.f32 v7, v9;
	v14 =	vadd.f32 v6, v8;
	v30 =	vunpack.i.l.bf16.f32 v49  }
0x44b: {  	v29 =	vunpack.i.u.bf16.f32 v44;
	v31 =	vunpack.i.l.bf16.f32 v44;
	v7 =	vunpack.i.u.bf16.f32 v40  }
0x44c: {  	s20 =	sadd.s32 $0x500, s20;
	v9 =	vunpack.i.l.bf16.f32 v40;
	v6 =	vunpack.i.u.bf16.f32 v32;
	v8 =	vunpack.i.l.bf16.f32 v32  }
0x44d: {  	v17 =	vadd.f32 v26, v17  }
0x44e: {  	v18 =	vadd.f32 v24, v18  }
0x44f: {  	v22 =	vadd.f32 v28, v22;
	[tilespmem:s17+$0xFFFFFF10] =	vst v17  }
0x450: {  	v60 =	vadd.f32 v25, v19;
	[tilespmem:s17+$0xFFFFFF20] =	vst v18  }
0x451: {  	v61 =	vadd.f32 v30, v23;
	[tilespmem:s17+$0xFFFFFF30] =	vst v22  }
0x452: {  	v62 =	vadd.f32 v27, v20;
	[tilespmem:s17+$0xFFFFFF40] =	vst v60  }
0x453: {  	v63 =	vadd.f32 v31, v21;
	[tilespmem:s17+$0xFFFFFF50] =	vst v61  }
0x454: {  	v16 =	vadd.f32 v29, v16;
	[tilespmem:s17+$0xFFFFFF60] =	vst v62  }
0x455: {  	v9 =	vadd.f32 v9, v13;
	[tilespmem:s17+$0xFFFFFF70] =	vst v63  }
0x456: {  	v7 =	vadd.f32 v7, v12;
	[tilespmem:s17+$0xFFFFFF80] =	vst v16  }
0x457: {  	v8 =	vadd.f32 v8, v11;
	[tilespmem:s17+$0xFFFFFF90] =	vst v9  }
0x458: {  	v6 =	vadd.f32 v6, v10;
	[tilespmem:s17+$0xFFFFFFA0] =	vst v7  }
0x459: {  	v5 =	vadd.f32 v5, v15;
	[tilespmem:s17+$0xFFFFFFB0] =	vst v8  }
0x45a: {  	v4 =	vadd.f32 v4, v14;
	[tilespmem:s17+$0xFFFFFFC0] =	vst v6  }
0x45b: {  	[tilespmem:s18+$0xFFFFFFD0] =	vst v5  }
0x45c: {  	[tilespmem:s18+$0xFFFFFFE0] =	vst v4  }
0x45d: {  	v8 =	vld [tilespmem:s24+$0x20]  }
0x45e: {  	v9 =	vld [tilespmem:s23+$0x20]  }
0x45f: {  	v4 =	vld [tilespmem:s23+$0xFFFFFFE0]  }
0x460: {  	v10 =	vld [tilespmem:s24+$0xFFFFFFF0]  }
0x461: {  	v11 =	vld [tilespmem:s23+$0xFFFFFFF0]  }
0x462: {  	v5 =	vld [tilespmem:s24+$0x0]  }
0x463: {  	v7 =	vld [tilespmem:s23+$0x0]  }
0x464: {  	v6 =	vld [tilespmem:s24+$0x10]  }
0x465: {  	v9 =	vadd.s32 v8, v9;
	v8 =	vld [tilespmem:s23+$0x10]  }
0x466: {  	s17 =	simm.s32 $0x0;
	s18 =	simm.s32 $0x70;
	v10 =	vadd.s32 v10, v11;
	[tilespmem:s22+$0x20] =	vst v9;
	v9 =	vld [tilespmem:s24+$0xFFFFFFE0]  }
.LBB2_25:
0x467: {  	v11 =	vld [tilespmem:s18+$0x20];
	[tilespmem:s22+$0xFFFFFFF0] =	vst v10;
	s23 =	sadd.s32 $0x50, s23  }
0x468: {  	s17 =	sadd.s32 $0x5, s17;
	v10 =	vld [tilespmem:s23+$0x20];
	v5 =	vadd.s32 v5, v7  }
0x469: {  	p1 =	slt.u32 s17, $0x14;
	v12 =	vld [tilespmem:s23+$0xFFFFFFE0];
	[tilespmem:s22+$0x0] =	vst v5  }
0x46a: {  	v13 =	vld [tilespmem:s18+$0xFFFFFFF0];
	v5 =	vadd.s32 v6, v8  }
0x46b: {  	v14 =	vld [tilespmem:s23+$0xFFFFFFF0];
	v4 =	vadd.s32 v9, v4;
	[tilespmem:s22+$0x10] =	vst v5  }
.Ltmp11:
0x46c: {  	v5 =	vld [tilespmem:s18+$0x0];
	[tilespmem:s22+$0xFFFFFFE0] =	vst v4;
	(pc) =	sbr.rel @p1 .LBB2_25-.Ltmp11, $4  }
0x46d: {  	s22 =	sadd.s32 $0x50, s22;
	v7 =	vld [tilespmem:s23+$0x0];
	v8 =	vadd.s32 v11, v10  }
0x46e: {  	v6 =	vld [tilespmem:s18+$0x10];
	[tilespmem:s22+$0x20] =	vst v8;
	v4 =	vmov v12  }
0x46f: {  	v8 =	vld [tilespmem:s23+$0x10]  }
0x470: {  	v9 =	vld [tilespmem:s18+$0xFFFFFFE0];
	v10 =	vadd.s32 v13, v14;
	s18 =	sadd.s32 $0x50, s18  }
0x471: {  	_ =	sdelay $0x1  }
0x472: {  	[tilespmem:s22+$0xFFFFFFF0] =	vst v10;
	v5 =	vadd.s32 v5, v7  }
0x473: {  	[tilespmem:s22+$0x0] =	vst v5;
	v5 =	vadd.s32 v6, v8  }
0x474: {  	v4 =	vadd.s32 v9, v4;
	[tilespmem:s22+$0x10] =	vst v5  }
0x475: {  	s17 =	simm.s32 $0x320;
	s18 =	simm.s32 $0x6E0;
	[tilespmem:s22+$0xFFFFFFE0] =	vst v4  }
0x476: {  	[tilespmem:s18], [sflag:$0x1] =	stream.indirect.gather [hbm4b:s8+s13], $0x20, s17, s13, $0xb8;
	[tilespmem:$0x16E70] =	vst v63  }
0x477: {  	s20 =	simm.s32 $0x348;
	s22 =	simm.s32 $0xBE0  }
0x478: {  	[tilespmem:s22], [sflag:$0x1] =	stream.indirect.gather [hbm4b:s8+s13], $0x20, s20, s13, $0xb8;
	[tilespmem:$0x16E70] =	vst v63  }
0x479: {  	s23 =	simm.s32 $0x370;
	s24 =	simm.s32 $0x10E0;
	s16 =	sadd.s32 $0x6, s16  }
0x47a: {  	[tilespmem:s24], [sflag:$0x1] =	stream.indirect.gather [hbm4b:s8+s13], $0x20, s23, s13, $0xb8;
	[tilespmem:$0x16E70] =	vst v63  }
0x47b: {  	s19 =	simm.s32 $0x15E0;
	s18 =	simm.s32 $0x398;
	s23 =	smulhi.u32 $0x51EB851F, s16  }
0x47c: {  	[tilespmem:s19], [sflag:$0x1] =	stream.indirect.gather [hbm4b:s8+s13], $0x20, s18, s13, $0xb8;
	[tilespmem:$0x16E70] =	vst v63  }
0x47d: {  	s17 =	sshrl.u32 s23, $0x5  }
0x47e: {  	s20 =	simm.s32 $0x3C0;
	s22 =	simm.s32 $0x1AE0;
	s17 =	smul.u32 $0x64, s17  }
0x47f: {  	[tilespmem:s22], [sflag:$0x1] =	stream.indirect.gather [hbm4b:s8+s13], $0x20, s20, s13, $0xb8;
	[tilespmem:$0x16E70] =	vst v63  }
0x480: {  	s16 =	ssub.s32 s16, s17  }
0x481: {  	[tilespmem:s28], [sflag:$0x1] =	stream.indirect.gather [hbm4b:s8+s13], $0x20, s26, s13, $0xb8;
	[tilespmem:$0x16E70] =	vst v63  }
0x482: {  	s16 =	smul.u32 $0x28, s16  }
0x483: {  	[tilespmem:s30], [sflag:$0x1] =	stream.indirect.gather [hbm4b:s8+s13], $0x20, s29, s13, $0xb8;
	[tilespmem:$0x16E70] =	vst v63  }
0x484: {  	s16 =	sadd.s32 s25, s16  }
0x485: {  	[tilespmem:s10], [sflag:$0x1] =	stream.indirect.gather [hbm4b:s8+s13], $0x20, s9, s13, $0xb8;
	[tilespmem:$0x16E70] =	vst v63  }
0x486: {  	s16 =	smul.u32 $0xA, s16  }
0x487: {  	[tilespmem:s2], [sflag:$0x1] =	stream.indirect.gather [hbm4b:s8+s13], $0x20, s11, s13, $0xb8;
	[tilespmem:$0x16E70] =	vst v63  }
0x488: {  	s16 =	sshrl.u32 s16, $0x3  }
0x489: {  	[tilespmem:s5], [sflag:$0x1] =	stream.indirect.gather [hbm4b:s8+s13], $0x20, s3, s13, $0xb8;
	[tilespmem:$0x16E70] =	vst v63  }
0x48a: {  	s16 =	sadd.s32 s1, s16  }
0x48b: {  	[tilespmem:s7], [sflag:$0x1] =	stream.linear.gather [hbm4b:s16+s7], $0x190, $0x38;
	[tilespmem:$0x16E70] =	vst v63  }
0x48c: {  	_ =	swait.ge [sflag:s12], $0x500  }
0x48d: {  	[sflag:s12] =	ssyncset.done $0x0  }
0x48e: {  	[sflag:s12] =	ssyncadd.s32 $0xFFFFFB00  }
0x48f: {  	_ =	swait.ge [sflag:s12], $0x500  }
0x490: {  	[sflag:s12] =	ssyncset.done $0x0  }
0x491: {  	[sflag:s12] =	ssyncadd.s32 $0xFFFFFB00  }
0x492: {  	_ =	swait.ge [sflag:s12], $0x500  }
0x493: {  	[sflag:s12] =	ssyncset.done $0x0  }
0x494: {  	[sflag:s12] =	ssyncadd.s32 $0xFFFFFB00  }
0x495: {  	_ =	swait.ge [sflag:s12], $0x500  }
0x496: {  	[sflag:s12] =	ssyncset.done $0x0  }
0x497: {  	[sflag:s12] =	ssyncadd.s32 $0xFFFFFB00  }
0x498: {  	_ =	swait.ge [sflag:s12], $0x500  }
0x499: {  	[sflag:s12] =	ssyncset.done $0x0  }
0x49a: {  	[sflag:s12] =	ssyncadd.s32 $0xFFFFFB00  }
0x49b: {  	_ =	swait.ge [sflag:s12], $0x500  }
0x49c: {  	[sflag:s12] =	ssyncset.done $0x0  }
0x49d: {  	[sflag:s12] =	ssyncadd.s32 $0xFFFFFB00  }
0x49e: {  	_ =	swait.ge [sflag:s12], $0x500  }
0x49f: {  	[sflag:s12] =	ssyncset.done $0x0  }
0x4a0: {  	[sflag:s12] =	ssyncadd.s32 $0xFFFFFB00  }
0x4a1: {  	_ =	swait.ge [sflag:s12], $0x500  }
0x4a2: {  	[sflag:s12] =	ssyncset.done $0x0  }
0x4a3: {  	[sflag:s12] =	ssyncadd.s32 $0xFFFFFB00  }
0x4a4: {  	_ =	swait.ge [sflag:s12], $0x500  }
0x4a5: {  	[sflag:s12] =	ssyncset.done $0x0  }
0x4a6: {  	[sflag:s12] =	ssyncadd.s32 $0xFFFFFB00  }
0x4a7: {  	_ =	swait.ge [sflag:s12], $0x500  }
0x4a8: {  	[sflag:s12] =	ssyncset.done $0x0  }
0x4a9: {  	[sflag:s12] =	ssyncadd.s32 $0xFFFFFB00  }
0x4aa: {  	_ =	swait.ge [sflag:s12], $0x190  }
0x4ab: {  	[sflag:s12] =	ssyncset.done $0x0  }
0x4ac: {  	s24 =	simm.s32 $0x3B60;
	[sflag:s12] =	ssyncadd.s32 $0xFFFFFE70  }
0x4ad: {  	v4 =	vld [tilespmem:s24+$0x150]  }
0x4ae: {  	v5 =	vld [tilespmem:s24+$0x170]  }
0x4af: {  	v6 =	vld [tilespmem:s24+$0xFFFFFD90]  }
0x4b0: {  	v7 =	vld [tilespmem:s24+$0x190]  }
0x4b1: {  	v8 =	vld [tilespmem:s24+$0xFFFFFDA0]  }
0x4b2: {  	v30 =	vld [tilespmem:s24+$0x180]  }
0x4b3: {  	v31 =	vld [tilespmem:s24+$0x140]  }
0x4b4: {  	v33 =	vld [tilespmem:s24+$0x160]  }
0x4b5: {  	v34 =	vld [tilespmem:s24+$0xFFFFFEF0]  }
0x4b6: {  	v47 =	vld [tilespmem:s24+$0x10]  }
0x4b7: {  	v36 =	vld [tilespmem:s24+$0x20]  }
0x4b8: {  	v38 =	vld [tilespmem:s24+$0x30];
	v10 =	vunpack.i.l.bf16.f32 v4;
	v4 =	vunpack.i.u.bf16.f32 v4  }
0x4b9: {  	v41 =	vld [tilespmem:s24+$0xFFFFFDD0];
	v12 =	vunpack.i.u.bf16.f32 v5;
	v5 =	vunpack.i.l.bf16.f32 v5;
	v13 =	vunpack.i.u.bf16.f32 v6  }
0x4ba: {  	v42 =	vld [tilespmem:s24+$0xFFFFFF00];
	v6 =	vunpack.i.l.bf16.f32 v6;
	v18 =	vunpack.i.u.bf16.f32 v8;
	v19 =	vunpack.i.l.bf16.f32 v8  }
0x4bb: {  	v53 =	vld [tilespmem:s24+$0x40];
	v35 =	vunpack.i.u.bf16.f32 v30;
	v30 =	vunpack.i.l.bf16.f32 v30;
	v37 =	vunpack.i.u.bf16.f32 v31  }
0x4bc: {  	v46 =	vld [tilespmem:s24+$0xFFFFFDF0];
	v31 =	vunpack.i.l.bf16.f32 v31;
	v39 =	vunpack.i.u.bf16.f32 v33;
	v33 =	vunpack.i.l.bf16.f32 v33  }
0x4bd: {  	v9 =	vld [tilespmem:s24+$0x1B0];
	v40 =	vunpack.i.u.bf16.f32 v34;
	v34 =	vunpack.i.l.bf16.f32 v34;
	v50 =	vunpack.i.u.bf16.f32 v47  }
0x4be: {  	v48 =	vld [tilespmem:s24+$0xFFFFFDC0];
	v43 =	vunpack.i.u.bf16.f32 v36;
	v36 =	vunpack.i.l.bf16.f32 v36;
	v44 =	vunpack.i.u.bf16.f32 v38  }
0x4bf: {  	v51 =	vld [tilespmem:s24+$0xFFFFFF10];
	v38 =	vunpack.i.l.bf16.f32 v38;
	v56 =	vunpack.i.u.bf16.f32 v41;
	v41 =	vunpack.i.l.bf16.f32 v41  }
0x4c0: {  	v11 =	vld [tilespmem:s24+$0xFFFFFDB0];
	v57 =	vunpack.i.u.bf16.f32 v42;
	v42 =	vunpack.i.l.bf16.f32 v42;
	v58 =	vunpack.i.u.bf16.f32 v53  }
0x4c1: {  	v14 =	vld [tilespmem:s24+$0x1D0];
	v61 =	vunpack.i.u.bf16.f32 v46;
	v46 =	vunpack.i.l.bf16.f32 v46;
	v4 =	vadd.f32 v12, v4  }
0x4c2: {  	v15 =	vld [tilespmem:s24+$0x1F0];
	v5 =	vadd.f32 v5, v10;
	v10 =	vunpack.i.u.bf16.f32 v7;
	v7 =	vunpack.i.l.bf16.f32 v7  }
0x4c3: {  	v16 =	vld [tilespmem:s24+$0x210];
	v31 =	vadd.f32 v33, v31;
	v37 =	vadd.f32 v39, v37;
	v33 =	vunpack.i.l.bf16.f32 v48  }
0x4c4: {  	v8 =	vld [tilespmem:s24+$0xFFFFFED0];
	v55 =	vadd.f32 v44, v50;
	v39 =	vunpack.i.l.bf16.f32 v51;
	v4 =	vadd.f32 v10, v4  }
0x4c5: {  	v12 =	vld [tilespmem:s24+$0xFFFFFEC0];
	v5 =	vadd.f32 v7, v5;
	v7 =	vunpack.i.u.bf16.f32 v9;
	v10 =	vunpack.i.l.bf16.f32 v11  }
0x4c6: {  	v11 =	vunpack.i.u.bf16.f32 v11;
	v30 =	vadd.f32 v30, v31;
	v31 =	vadd.f32 v35, v37  }
0x4c7: {  	v45 =	vld [tilespmem:s24+$0xFFFFFDE0];
	v9 =	vunpack.i.l.bf16.f32 v9;
	v20 =	vadd.f32 v10, v6;
	v21 =	vadd.f32 v11, v13  }
0x4c8: {  	v59 =	vld [tilespmem:s24+$0x60];
	v13 =	vunpack.i.u.bf16.f32 v15;
	v4 =	vadd.f32 v7, v4;
	v7 =	vunpack.i.u.bf16.f32 v14  }
0x4c9: {  	v62 =	vld [tilespmem:s24+$0xFFFFFE00];
	v5 =	vadd.f32 v9, v5;
	v22 =	vunpack.i.u.bf16.f32 v8;
	v23 =	vunpack.i.l.bf16.f32 v8  }
0x4ca: {  	v8 =	vunpack.i.u.bf16.f32 v16;
	v10 =	vunpack.i.u.bf16.f32 v12;
	v23 =	vadd.f32 v34, v23  }
0x4cb: {  	v6 =	vld [tilespmem:s24+$0xFFFFFEE0];
	v12 =	vunpack.i.l.bf16.f32 v12;
	v22 =	vadd.f32 v40, v22;
	v20 =	vadd.f32 v41, v20  }
0x4cc: {  	v24 =	vld [tilespmem:s24+$0x270];
	v21 =	vadd.f32 v56, v21;
	v40 =	vunpack.i.u.bf16.f32 v45;
	v45 =	vunpack.i.l.bf16.f32 v45  }
0x4cd: {  	v11 =	vld [tilespmem:s24+$0x230];
	v56 =	vunpack.i.u.bf16.f32 v59;
	v4 =	vadd.f32 v7, v4;
	v7 =	vunpack.i.l.bf16.f32 v14  }
0x4ce: {  	v28 =	vld [tilespmem:s24+$0x1C0];
	v41 =	vunpack.i.l.bf16.f32 v59;
	v59 =	vunpack.i.u.bf16.f32 v62;
	v5 =	vadd.f32 v7, v5  }
0x4cf: {  	v14 =	vld [tilespmem:s24+$0x250];
	v7 =	vunpack.i.l.bf16.f32 v15;
	v23 =	vadd.f32 v39, v23;
	v20 =	vadd.f32 v46, v20  }
0x4d0: {  	v60 =	vld [tilespmem:s24+$0x70];
	v21 =	vadd.f32 v61, v21;
	v4 =	vadd.f32 v13, v4;
	v13 =	vunpack.i.l.bf16.f32 v6  }
0x4d1: {  	v15 =	vld [tilespmem:s24+$0x240];
	v39 =	vunpack.i.l.bf16.f32 v62;
	v6 =	vunpack.i.u.bf16.f32 v6;
	v25 =	vadd.f32 v13, v12  }
0x4d2: {  	v9 =	vld [tilespmem:s24+$0x260];
	v17 =	vunpack.i.l.bf16.f32 v11;
	v26 =	vadd.f32 v6, v10;
	v5 =	vadd.f32 v7, v5  }
0x4d3: {  	v6 =	vunpack.i.u.bf16.f32 v11;
	v7 =	vunpack.i.l.bf16.f32 v16;
	v16 =	vld [tilespmem:s24+$0x1E0];
	v4 =	vadd.f32 v8, v4  }
0x4d4: {  	v8 =	vld [tilespmem:s24+$0x220];
	v27 =	vunpack.i.l.bf16.f32 v14;
	v5 =	vadd.f32 v7, v5;
	v25 =	vadd.f32 v42, v25  }
0x4d5: {  	v26 =	vadd.f32 v57, v26;
	v42 =	vunpack.i.l.bf16.f32 v60;
	v4 =	vadd.f32 v6, v4  }
0x4d6: {  	v6 =	vunpack.i.u.bf16.f32 v14;
	v7 =	vunpack.i.l.bf16.f32 v15;
	v14 =	vunpack.i.u.bf16.f32 v24  }
0x4d7: {  	v29 =	vld [tilespmem:s24+$0x1A0];
	v24 =	vunpack.i.l.bf16.f32 v24;
	v32 =	vadd.f32 v17, v5;
	v5 =	vunpack.i.l.bf16.f32 v9  }
0x4d8: {  	v13 =	vld [tilespmem:s24+$0x200];
	v17 =	vunpack.i.l.bf16.f32 v28;
	v12 =	vadd.f32 v6, v4;
	v4 =	vunpack.i.u.bf16.f32 v9  }
0x4d9: {  	v6 =	vunpack.i.u.bf16.f32 v15;
	v15 =	vunpack.i.l.bf16.f32 v16;
	v10 =	vunpack.i.u.bf16.f32 v8  }
0x4da: {  	v57 =	vld [tilespmem:s24+$0xFFFFFF40];
	v11 =	vunpack.i.l.bf16.f32 v8;
	v9 =	vadd.f32 v27, v32;
	v32 =	vunpack.i.l.bf16.f32 v47  }
0x4db: {  	v27 =	vld [tilespmem:s24+$0x0];
	v47 =	vunpack.i.u.bf16.f32 v51;
	v8 =	vadd.f32 v14, v12;
	v14 =	vunpack.i.u.bf16.f32 v16  }
0x4dc: {  	v16 =	vunpack.i.u.bf16.f32 v28;
	v28 =	vunpack.i.u.bf16.f32 v29;
	v29 =	vunpack.i.l.bf16.f32 v29  }
0x4dd: {  	v54 =	vld [tilespmem:s24+$0x50];
	v12 =	vunpack.i.u.bf16.f32 v13;
	v32 =	vadd.f32 v38, v32;
	v29 =	vadd.f32 v29, v30  }
0x4de: {  	v13 =	vunpack.i.l.bf16.f32 v13;
	v9 =	vadd.f32 v24, v9;
	v24 =	vld [tilespmem:s24+$0xFFFFFD80];
	v28 =	vadd.f32 v28, v31  }
0x4df: {  	v22 =	vadd.f32 v47, v22;
	v50 =	vunpack.i.u.bf16.f32 v57;
	v17 =	vadd.f32 v17, v29  }
0x4e0: {  	v61 =	vld [tilespmem:s24+$0x80];
	v16 =	vadd.f32 v16, v28;
	v49 =	vunpack.i.u.bf16.f32 v27;
	v27 =	vunpack.i.l.bf16.f32 v27  }
0x4e1: {  	v51 =	vunpack.i.l.bf16.f32 v57;
	v27 =	vadd.f32 v36, v27;
	v34 =	vadd.f32 v43, v49  }
0x4e2: {  	v44 =	vld [tilespmem:s24+$0xE0];
	v36 =	vunpack.i.l.bf16.f32 v54;
	v15 =	vadd.f32 v15, v17;
	v14 =	vadd.f32 v14, v16  }
0x4e3: {  	v52 =	vunpack.i.u.bf16.f32 v24;
	v24 =	vunpack.i.l.bf16.f32 v24;
	v32 =	vadd.f32 v36, v32  }
0x4e4: {  	v43 =	vunpack.i.l.bf16.f32 v53;
	v49 =	vld [tilespmem:s24+$0xFFFFFF30];
	v19 =	vadd.f32 v19, v24;
	v18 =	vadd.f32 v18, v52  }
0x4e5: {  	v31 =	vunpack.i.u.bf16.f32 v61;
	v27 =	vadd.f32 v43, v27;
	v13 =	vadd.f32 v13, v15  }
0x4e6: {  	v24 =	vunpack.i.u.bf16.f32 v48;
	v12 =	vadd.f32 v12, v14;
	v32 =	vadd.f32 v42, v32  }
0x4e7: {  	v48 =	vld [tilespmem:s24+$0xFFFFFF20];
	v15 =	vunpack.i.u.bf16.f32 v44;
	v19 =	vadd.f32 v33, v19;
	v18 =	vadd.f32 v24, v18  }
0x4e8: {  	v24 =	vunpack.i.u.bf16.f32 v54;
	v33 =	vadd.f32 v58, v34;
	v27 =	vadd.f32 v41, v27  }
0x4e9: {  	v52 =	vld [tilespmem:s24+$0xFFFFFE10];
	v24 =	vadd.f32 v24, v55;
	v55 =	vunpack.i.l.bf16.f32 v49;
	v19 =	vadd.f32 v45, v19  }
0x4ea: {  	v57 =	vld [tilespmem:s24+$0xFFFFFF70];
	v54 =	vunpack.i.u.bf16.f32 v49;
	v18 =	vadd.f32 v40, v18;
	v23 =	vadd.f32 v55, v23  }
0x4eb: {  	v58 =	vunpack.i.u.bf16.f32 v60;
	v60 =	vld [tilespmem:s24+$0xFFFFFF50];
	v22 =	vadd.f32 v54, v22;
	v33 =	vadd.f32 v56, v33  }
0x4ec: {  	v49 =	vld [tilespmem:s24+$0xFFFFFE20];
	v54 =	vunpack.i.l.bf16.f32 v61;
	v53 =	vunpack.i.l.bf16.f32 v48;
	v24 =	vadd.f32 v58, v24  }
0x4ed: {  	v63 =	vunpack.i.u.bf16.f32 v48;
	v27 =	vadd.f32 v54, v27;
	v25 =	vadd.f32 v53, v25  }
0x4ee: {  	v36 =	vunpack.i.l.bf16.f32 v52;
	v26 =	vadd.f32 v63, v26;
	v19 =	vadd.f32 v39, v19  }
0x4ef: {  	v55 =	vld [tilespmem:s24+$0xFFFFFF60];
	v62 =	vunpack.i.u.bf16.f32 v52;
	v18 =	vadd.f32 v59, v18;
	v20 =	vadd.f32 v36, v20  }
0x4f0: {  	v52 =	vld [tilespmem:s24+$0xFFFFFE30];
	v48 =	vunpack.i.u.bf16.f32 v57;
	v21 =	vadd.f32 v62, v21;
	v31 =	vadd.f32 v31, v33  }
0x4f1: {  	v54 =	vld [tilespmem:s24+$0xC0];
	v53 =	vunpack.i.u.bf16.f32 v60;
	v30 =	vunpack.i.l.bf16.f32 v60;
	v58 =	vunpack.i.u.bf16.f32 v49  }
0x4f2: {  	v63 =	vld [tilespmem:s24+$0x90];
	v35 =	vunpack.i.l.bf16.f32 v49;
	v25 =	vadd.f32 v51, v25;
	v26 =	vadd.f32 v50, v26  }
0x4f3: {  	v59 =	vld [tilespmem:s24+$0xA0];
	v23 =	vadd.f32 v30, v23;
	v22 =	vadd.f32 v53, v22;
	v49 =	vunpack.i.l.bf16.f32 v57  }
0x4f4: {  	v62 =	vld [tilespmem:s24+$0xFFFFFE40];
	v47 =	vunpack.i.l.bf16.f32 v55;
	v19 =	vadd.f32 v35, v19;
	v18 =	vadd.f32 v58, v18  }
0x4f5: {  	v60 =	vld [tilespmem:s24+$0xB0];
	v61 =	vunpack.i.u.bf16.f32 v52;
	v30 =	vunpack.i.l.bf16.f32 v52;
	v25 =	vadd.f32 v47, v25  }
0x4f6: {  	v29 =	vld [tilespmem:s24+$0xFFFFFE50];
	v23 =	vadd.f32 v49, v23;
	v22 =	vadd.f32 v48, v22;
	v38 =	vunpack.i.l.bf16.f32 v54  }
0x4f7: {  	v56 =	vunpack.i.u.bf16.f32 v63;
	v34 =	vunpack.i.l.bf16.f32 v63;
	v63 =	vunpack.i.u.bf16.f32 v55  }
0x4f8: {  	v51 =	vld [tilespmem:s24+$0xFFFFFF80];
	v28 =	vunpack.i.u.bf16.f32 v59;
	v40 =	vunpack.i.l.bf16.f32 v59;
	v20 =	vadd.f32 v30, v20  }
0x4f9: {  	v57 =	vld [tilespmem:s24+$0xFFFFFE60];
	v21 =	vadd.f32 v61, v21;
	v30 =	vunpack.i.u.bf16.f32 v62;
	v37 =	vunpack.i.l.bf16.f32 v62  }
0x4fa: {  	v32 =	vadd.f32 v34, v32;
	v24 =	vadd.f32 v56, v24;
	v50 =	vunpack.i.u.bf16.f32 v60  }
0x4fb: {  	v53 =	vld [tilespmem:s24+$0xFFFFFF90];
	v52 =	vunpack.i.l.bf16.f32 v60;
	v26 =	vadd.f32 v63, v26;
	v56 =	vunpack.i.u.bf16.f32 v29  }
0x4fc: {  	v29 =	vunpack.i.l.bf16.f32 v29;
	v27 =	vadd.f32 v40, v27;
	v28 =	vadd.f32 v28, v31  }
0x4fd: {  	v19 =	vadd.f32 v37, v19;
	v18 =	vadd.f32 v30, v18;
	v31 =	vunpack.i.u.bf16.f32 v51  }
0x4fe: {  	v59 =	vunpack.i.l.bf16.f32 v51;
	v30 =	vunpack.i.u.bf16.f32 v57;
	v20 =	vadd.f32 v29, v20  }
0x4ff: {  	v58 =	vld [tilespmem:s24+$0xFFFFFE70];
	v21 =	vadd.f32 v56, v21;
	v29 =	vunpack.i.l.bf16.f32 v57;
	v57 =	vadd.f32 v11, v13  }
0x500: {  	v47 =	vld [tilespmem:s24+$0xFFFFFE90];
	v16 =	vunpack.i.u.bf16.f32 v53;
	v32 =	vadd.f32 v52, v32;
	v24 =	vadd.f32 v50, v24  }
0x501: {  	v55 =	vld [tilespmem:s24+$0xD0];
	v17 =	vunpack.i.l.bf16.f32 v53;
	v25 =	vadd.f32 v59, v25;
	v26 =	vadd.f32 v31, v26  }
0x502: {  	v61 =	vld [tilespmem:s24+$0xFFFFFFA0];
	v60 =	vunpack.i.u.bf16.f32 v54;
	v17 =	vadd.f32 v17, v23;
	v16 =	vadd.f32 v16, v22  }
0x503: {  	v49 =	vld [tilespmem:s24+$0xFFFFFFC0];
	v34 =	vunpack.i.l.bf16.f32 v44;
	v27 =	vadd.f32 v38, v27;
	v28 =	vadd.f32 v60, v28  }
0x504: {  	v35 =	vunpack.i.l.bf16.f32 v58;
	v19 =	vadd.f32 v29, v19;
	v18 =	vadd.f32 v30, v18  }
0x505: {  	v63 =	vld [tilespmem:s24+$0xFFFFFFB0];
	v45 =	vunpack.i.u.bf16.f32 v58;
	v58 =	vadd.f32 v10, v12;
	v20 =	vadd.f32 v35, v20  }
0x506: {  	v51 =	vld [tilespmem:s24+$0x100];
	v21 =	vadd.f32 v45, v21;
	v53 =	vunpack.i.u.bf16.f32 v47;
	v62 =	vunpack.i.u.bf16.f32 v55  }
0x507: {  	v31 =	vld [tilespmem:s24+$0xF0];
	v33 =	vunpack.i.l.bf16.f32 v55;
	v23 =	vunpack.i.u.bf16.f32 v61;
	v46 =	vunpack.i.l.bf16.f32 v61  }
0x508: {  	v22 =	vld [tilespmem:s24+$0xFFFFFE80];
	v27 =	vadd.f32 v34, v27;
	v55 =	vunpack.i.u.bf16.f32 v49;
	v56 =	vadd.f32 v15, v28  }
0x509: {  	v50 =	vld [tilespmem:s24+$0xFFFFFFD0];
	v15 =	vunpack.i.l.bf16.f32 v49;
	v32 =	vadd.f32 v33, v32;
	v24 =	vadd.f32 v62, v24  }
0x50a: {  	v48 =	vunpack.i.u.bf16.f32 v63;
	v14 =	vunpack.i.l.bf16.f32 v63;
	v25 =	vadd.f32 v46, v25  }
0x50b: {  	v52 =	vld [tilespmem:s24+$0x110];
	v54 =	vadd.f32 v23, v26;
	v23 =	vunpack.i.l.bf16.f32 v47;
	v14 =	vadd.f32 v14, v17  }
0x50c: {  	v16 =	vadd.f32 v48, v16;
	v10 =	vunpack.i.u.bf16.f32 v51;
	v12 =	vunpack.i.l.bf16.f32 v51  }
0x50d: {  	v11 =	vld [tilespmem:s24+$0xFFFFFEB0];
	v29 =	vunpack.i.u.bf16.f32 v31;
	v31 =	vunpack.i.l.bf16.f32 v31;
	v30 =	vunpack.i.u.bf16.f32 v22  }
0x50e: {  	v22 =	vunpack.i.l.bf16.f32 v22;
	v13 =	vunpack.i.u.bf16.f32 v50;
	v31 =	vadd.f32 v31, v32  }
0x50f: {  	v60 =	vld [tilespmem:s24+$0xFFFFFFE0];
	v28 =	vunpack.i.l.bf16.f32 v50;
	v29 =	vadd.f32 v29, v24;
	v17 =	vadd.f32 v22, v19  }
0x510: {  	v26 =	vld [tilespmem:s24+$0xFFFFFEA0];
	v59 =	vunpack.i.u.bf16.f32 v52;
	v18 =	vadd.f32 v30, v18;
	v22 =	vadd.f32 v23, v20  }
0x511: {  	v61 =	vld [tilespmem:s24+$0xFFFFFFF0];
	v30 =	vunpack.i.l.bf16.f32 v52;
	v19 =	vadd.f32 v53, v21;
	v23 =	vadd.f32 v15, v25  }
0x512: {  	v62 =	vld [tilespmem:s24+$0x120];
	v20 =	vadd.f32 v55, v54;
	v25 =	vunpack.i.u.bf16.f32 v11;
	v21 =	vadd.f32 v28, v14  }
0x513: {  	v63 =	vld [tilespmem:s24+$0x130];
	v15 =	vadd.f32 v13, v16;
	v28 =	vunpack.i.l.bf16.f32 v11;
	v13 =	vadd.f32 v12, v27  }
0x514: {  	v12 =	vadd.f32 v10, v56;
	v27 =	vunpack.i.u.bf16.f32 v60;
	v16 =	vadd.f32 v7, v57  }
0x515: {  	v14 =	vadd.f32 v6, v58;
	v24 =	vunpack.i.u.bf16.f32 v26;
	v26 =	vunpack.i.l.bf16.f32 v26  }
0x516: {  	s16 =	simm.s32 $0x89D0;
	v11 =	vadd.f32 v30, v31;
	v10 =	vadd.f32 v59, v29;
	v30 =	vunpack.i.l.bf16.f32 v60  }
0x517: {  	[tilespmem:s16+$0x0] =	vst v8;
	v29 =	vunpack.i.u.bf16.f32 v61;
	v31 =	vunpack.i.l.bf16.f32 v61;
	v7 =	vunpack.i.u.bf16.f32 v62  }
0x518: {  	s18 =	simm.s32 $0x0;
	s19 =	simm.s32 $0x4060;
	s17 =	simm.s32 $0x89D0;
	[tilespmem:s16+$0xFFFFFFF0] =	vst v9;
	v9 =	vunpack.i.l.bf16.f32 v62;
	v6 =	vunpack.i.u.bf16.f32 v63;
	v8 =	vunpack.i.l.bf16.f32 v63  }
.LBB2_27:
0x519: {  	v32 =	vld [tilespmem:s19+$0x150];
	v17 =	vadd.f32 v26, v17;
	v18 =	vadd.f32 v24, v18  }
0x51a: {  	s18 =	sadd.s32 $0x4, s18;
	v22 =	vadd.f32 v28, v22;
	v19 =	vadd.f32 v25, v19;
	v24 =	vld [tilespmem:s19+$0x170]  }
0x51b: {  	v20 =	vadd.f32 v27, v20;
	p1 =	slt.u32 s18, $0x24;
	v25 =	vld [tilespmem:s19+$0xFFFFFD90];
	[tilespmem:s16+$0xFFFFFF10] =	vst v17;
	v17 =	vadd.f32 v30, v23  }
0x51c: {  	v15 =	vadd.f32 v29, v15;
	v23 =	vld [tilespmem:s19+$0x190];
	[tilespmem:s16+$0xFFFFFF20] =	vst v18;
	v18 =	vadd.f32 v31, v21  }
0x51d: {  	v9 =	vadd.f32 v9, v13;
	v7 =	vadd.f32 v7, v12;
	v21 =	vld [tilespmem:s19+$0xFFFFFDA0];
	[tilespmem:s16+$0xFFFFFF30] =	vst v22  }
0x51e: {  	v8 =	vadd.f32 v8, v11;
	v6 =	vadd.f32 v6, v10;
	v12 =	vunpack.i.l.bf16.f32 v32;
	v13 =	vld [tilespmem:s19+$0x1B0];
	[tilespmem:s16+$0xFFFFFF40] =	vst v19  }
0x51f: {  	v11 =	vunpack.i.u.bf16.f32 v32;
	v10 =	vld [tilespmem:s19+$0xFFFFFDB0];
	v19 =	vunpack.i.u.bf16.f32 v24;
	v22 =	vunpack.i.l.bf16.f32 v24;
	[tilespmem:s16+$0xFFFFFF50] =	vst v17  }
0x520: {  	v17 =	vunpack.i.u.bf16.f32 v25;
	v24 =	vunpack.i.l.bf16.f32 v25;
	v11 =	vadd.f32 v19, v11;
	v25 =	vld [tilespmem:s19+$0x1D0];
	[tilespmem:s16+$0xFFFFFF60] =	vst v20  }
0x521: {  	v12 =	vadd.f32 v22, v12;
	v20 =	vld [tilespmem:s19+$0xFFFFFEC0];
	v19 =	vunpack.i.u.bf16.f32 v23;
	v26 =	vunpack.i.l.bf16.f32 v23;
	[tilespmem:s16+$0xFFFFFF70] =	vst v18  }
0x522: {  	v22 =	vunpack.i.u.bf16.f32 v21;
	v23 =	vunpack.i.l.bf16.f32 v21;
	v11 =	vadd.f32 v19, v11;
	v21 =	vld [tilespmem:s19+$0x1F0];
	[tilespmem:s16+$0xFFFFFF80] =	vst v15  }
0x523: {  	v12 =	vadd.f32 v26, v12;
	v15 =	vld [tilespmem:s19+$0xFFFFFED0];
	v18 =	vunpack.i.u.bf16.f32 v13;
	v13 =	vunpack.i.l.bf16.f32 v13;
	[tilespmem:s16+$0xFFFFFF90] =	vst v9  }
0x524: {  	v9 =	vunpack.i.u.bf16.f32 v10;
	v10 =	vunpack.i.l.bf16.f32 v10;
	v11 =	vadd.f32 v18, v11;
	v26 =	vld [tilespmem:s19+$0x210];
	[tilespmem:s16+$0xFFFFFFA0] =	vst v7  }
0x525: {  	v18 =	vadd.f32 v10, v24;
	v19 =	vadd.f32 v9, v17;
	v7 =	vld [tilespmem:s19+$0xFFFFFEE0];
	v9 =	vunpack.i.u.bf16.f32 v25;
	[tilespmem:s16+$0xFFFFFFB0] =	vst v8  }
0x526: {  	v8 =	vunpack.i.u.bf16.f32 v20;
	v10 =	vunpack.i.l.bf16.f32 v20;
	v9 =	vadd.f32 v9, v11;
	v11 =	vld [tilespmem:s19+$0x230];
	[tilespmem:s16+$0xFFFFFFC0] =	vst v6  }
0x527: {  	v6 =	vadd.f32 v13, v12;
	v12 =	vunpack.i.l.bf16.f32 v25;
	v13 =	vunpack.i.u.bf16.f32 v21;
	v17 =	vld [tilespmem:s19+$0x260]  }
0x528: {  	v27 =	vunpack.i.u.bf16.f32 v15;
	v28 =	vunpack.i.l.bf16.f32 v15;
	v9 =	vadd.f32 v13, v9;
	v13 =	vld [tilespmem:s19+$0x250]  }
0x529: {  	v6 =	vadd.f32 v12, v6;
	v12 =	vunpack.i.l.bf16.f32 v21;
	v15 =	vunpack.i.u.bf16.f32 v26;
	v29 =	vld [tilespmem:s19+$0x270]  }
0x52a: {  	v20 =	vunpack.i.u.bf16.f32 v7;
	v7 =	vunpack.i.l.bf16.f32 v7;
	v9 =	vadd.f32 v15, v9;
	v15 =	vld [tilespmem:s19+$0x240]  }
0x52b: {  	v24 =	vadd.f32 v7, v10;
	v25 =	vadd.f32 v20, v8;
	v10 =	vld [tilespmem:s19+$0x220];
	v7 =	vunpack.i.u.bf16.f32 v11  }
0x52c: {  	v6 =	vadd.f32 v12, v6;
	v8 =	vunpack.i.l.bf16.f32 v26;
	v12 =	vld [tilespmem:s19+$0x200];
	v7 =	vadd.f32 v7, v9  }
0x52d: {  	v21 =	vunpack.i.l.bf16.f32 v11;
	v20 =	vld [tilespmem:s19+$0x1E0];
	v9 =	vunpack.i.u.bf16.f32 v13;
	v26 =	vunpack.i.l.bf16.f32 v13  }
0x52e: {  	v31 =	vunpack.i.u.bf16.f32 v17;
	v13 =	vadd.f32 v8, v6;
	v30 =	vld [tilespmem:s19+$0x1C0];
	v11 =	vadd.f32 v9, v7  }
0x52f: {  	v32 =	vld [tilespmem:s19+$0x1A0];
	v6 =	vunpack.i.u.bf16.f32 v15;
	v7 =	vunpack.i.l.bf16.f32 v15;
	v15 =	vunpack.i.u.bf16.f32 v29  }
0x530: {  	v33 =	vld [tilespmem:s19+$0x180];
	v8 =	vunpack.i.u.bf16.f32 v10;
	v9 =	vunpack.i.l.bf16.f32 v10;
	v15 =	vadd.f32 v15, v11  }
0x531: {  	s16 =	sadd.s32 $0x100, s16;
	v21 =	vadd.f32 v21, v13;
	v34 =	vld [tilespmem:s19+$0x140];
	v10 =	vunpack.i.u.bf16.f32 v12;
	v11 =	vunpack.i.l.bf16.f32 v12  }
0x532: {  	v36 =	vunpack.i.l.bf16.f32 v17;
	v35 =	vld [tilespmem:s19+$0x160];
	v12 =	vunpack.i.u.bf16.f32 v20;
	v13 =	vunpack.i.l.bf16.f32 v20;
	[tilespmem:s16+$0x0] =	vst v15  }
0x533: {  	v26 =	vadd.f32 v26, v21;
	v37 =	vld [tilespmem:s19+$0xFFFFFEF0];
	v15 =	vunpack.i.u.bf16.f32 v30;
	v17 =	vunpack.i.l.bf16.f32 v30  }
0x534: {  	v29 =	vunpack.i.l.bf16.f32 v29;
	v30 =	vld [tilespmem:s19+$0x0];
	v20 =	vunpack.i.u.bf16.f32 v32;
	v21 =	vunpack.i.l.bf16.f32 v32  }
0x535: {  	v16 =	vadd.f32 v5, v16;
	v5 =	vmovc v36;
	v32 =	vld [tilespmem:s19+$0x10];
	v38 =	vunpack.i.u.bf16.f32 v33;
	v33 =	vunpack.i.l.bf16.f32 v33  }
0x536: {  	v14 =	vadd.f32 v4, v14;
	v4 =	vmovc v31;
	v36 =	vld [tilespmem:s19+$0x20];
	v39 =	vunpack.i.u.bf16.f32 v34;
	v34 =	vunpack.i.l.bf16.f32 v34  }
0x537: {  	v26 =	vadd.f32 v29, v26;
	v31 =	vld [tilespmem:s19+$0x30];
	v40 =	vunpack.i.u.bf16.f32 v35;
	v35 =	vunpack.i.l.bf16.f32 v35;
	[tilespmem:s17+$0xFFFFFFD0] =	vst v16  }
0x538: {  	v16 =	vld [tilespmem:s19+$0xFFFFFD80];
	v29 =	vunpack.i.u.bf16.f32 v37;
	v37 =	vunpack.i.l.bf16.f32 v37;
	v34 =	vadd.f32 v35, v34;
	[tilespmem:s17+$0xFFFFFFE0] =	vst v14;
	s17 =	smov.u32 s16  }
0x539: {  	v14 =	vld [tilespmem:s19+$0xFFFFFDC0];
	v28 =	vadd.f32 v37, v28;
	v35 =	vunpack.i.u.bf16.f32 v30;
	v30 =	vunpack.i.l.bf16.f32 v30;
	[tilespmem:s16+$0xFFFFFFF0] =	vst v26  }
0x53a: {  	v27 =	vadd.f32 v29, v27;
	v26 =	vld [tilespmem:s19+$0xFFFFFDD0];
	v29 =	vunpack.i.u.bf16.f32 v32;
	v32 =	vunpack.i.l.bf16.f32 v32  }
0x53b: {  	v39 =	vadd.f32 v40, v39;
	v37 =	vld [tilespmem:s19+$0xFFFFFF00];
	v41 =	vunpack.i.u.bf16.f32 v36;
	v36 =	vunpack.i.l.bf16.f32 v36  }
0x53c: {  	v40 =	vld [tilespmem:s19+$0xFFFFFF10];
	v42 =	vunpack.i.u.bf16.f32 v31;
	v31 =	vunpack.i.l.bf16.f32 v31;
	v30 =	vadd.f32 v36, v30  }
0x53d: {  	v35 =	vadd.f32 v41, v35;
	v36 =	vunpack.i.u.bf16.f32 v16;
	v16 =	vunpack.i.l.bf16.f32 v16;
	v41 =	vld [tilespmem:s19+$0x40]  }
0x53e: {  	v16 =	vadd.f32 v23, v16;
	v22 =	vadd.f32 v22, v36;
	v23 =	vunpack.i.u.bf16.f32 v14;
	v36 =	vld [tilespmem:s19+$0x50]  }
0x53f: {  	v31 =	vadd.f32 v31, v32;
	v29 =	vadd.f32 v42, v29;
	v14 =	vunpack.i.l.bf16.f32 v14;
	v43 =	vld [tilespmem:s19+$0xFFFFFDE0]  }
0x540: {  	v32 =	vunpack.i.u.bf16.f32 v26;
	v26 =	vunpack.i.l.bf16.f32 v26;
	v42 =	vld [tilespmem:s19+$0xFFFFFDF0];
	v44 =	vunpack.i.u.bf16.f32 v37  }
0x541: {  	v37 =	vunpack.i.l.bf16.f32 v37;
	v45 =	vunpack.i.u.bf16.f32 v40;
	v40 =	vunpack.i.l.bf16.f32 v40;
	v46 =	vld [tilespmem:s19+$0xFFFFFF20]  }
0x542: {  	v14 =	vadd.f32 v14, v16;
	v16 =	vld [tilespmem:s19+$0xFFFFFF30];
	v47 =	vunpack.i.u.bf16.f32 v41;
	v41 =	vunpack.i.l.bf16.f32 v41  }
0x543: {  	v22 =	vadd.f32 v23, v22;
	v23 =	vunpack.i.u.bf16.f32 v36;
	v36 =	vunpack.i.l.bf16.f32 v36;
	v48 =	vld [tilespmem:s19+$0x60]  }
0x544: {  	v18 =	vadd.f32 v26, v18;
	v19 =	vadd.f32 v32, v19;
	v26 =	vunpack.i.u.bf16.f32 v43;
	v32 =	vld [tilespmem:s19+$0x70]  }
0x545: {  	v24 =	vadd.f32 v37, v24;
	v25 =	vadd.f32 v44, v25;
	v43 =	vunpack.i.l.bf16.f32 v43;
	v49 =	vld [tilespmem:s19+$0xFFFFFE00]  }
0x546: {  	v28 =	vadd.f32 v40, v28;
	v27 =	vadd.f32 v45, v27;
	v37 =	vunpack.i.u.bf16.f32 v42;
	v44 =	vld [tilespmem:s19+$0xFFFFFE10]  }
0x547: {  	v30 =	vadd.f32 v41, v30;
	v35 =	vadd.f32 v47, v35;
	v40 =	vunpack.i.l.bf16.f32 v42;
	v42 =	vld [tilespmem:s19+$0xFFFFFF40]  }
0x548: {  	v31 =	vadd.f32 v36, v31;
	v23 =	vadd.f32 v23, v29;
	v41 =	vunpack.i.u.bf16.f32 v46;
	v45 =	vld [tilespmem:s19+$0xFFFFFF50]  }
0x549: {  	v33 =	vadd.f32 v33, v34;
	v34 =	vadd.f32 v38, v39;
	v29 =	vunpack.i.l.bf16.f32 v46;
	v36 =	vld [tilespmem:s19+$0x80]  }
0x54a: {  	v38 =	vunpack.i.u.bf16.f32 v16;
	v16 =	vunpack.i.l.bf16.f32 v16;
	v39 =	vunpack.i.u.bf16.f32 v48;
	v46 =	vld [tilespmem:s19+$0x90]  }
0x54b: {  	v48 =	vunpack.i.l.bf16.f32 v48;
	v50 =	vunpack.i.u.bf16.f32 v32;
	v32 =	vunpack.i.l.bf16.f32 v32;
	v47 =	vld [tilespmem:s19+$0xFFFFFE20]  }
0x54c: {  	v14 =	vadd.f32 v43, v14;
	v22 =	vadd.f32 v26, v22;
	v26 =	vunpack.i.u.bf16.f32 v49;
	v43 =	vld [tilespmem:s19+$0xFFFFFE30]  }
0x54d: {  	v18 =	vadd.f32 v40, v18;
	v19 =	vadd.f32 v37, v19;
	v37 =	vunpack.i.l.bf16.f32 v49;
	v40 =	vld [tilespmem:s19+$0xFFFFFF60]  }
0x54e: {  	v24 =	vadd.f32 v29, v24;
	v25 =	vadd.f32 v41, v25;
	v49 =	vunpack.i.u.bf16.f32 v44;
	v29 =	vld [tilespmem:s19+$0xFFFFFF70]  }
0x54f: {  	v16 =	vadd.f32 v16, v28;
	v27 =	vadd.f32 v38, v27;
	v41 =	vunpack.i.l.bf16.f32 v44;
	v28 =	vld [tilespmem:s19+$0xA0]  }
0x550: {  	v30 =	vadd.f32 v48, v30;
	v35 =	vadd.f32 v39, v35;
	v38 =	vunpack.i.u.bf16.f32 v42;
	v39 =	vld [tilespmem:s19+$0xB0]  }
0x551: {  	v31 =	vadd.f32 v32, v31;
	v23 =	vadd.f32 v50, v23;
	v42 =	vunpack.i.l.bf16.f32 v42;
	v44 =	vld [tilespmem:s19+$0xFFFFFE40]  }
0x552: {  	v21 =	vadd.f32 v21, v33;
	v20 =	vadd.f32 v20, v34;
	v48 =	vunpack.i.u.bf16.f32 v45;
	v32 =	vld [tilespmem:s19+$0xFFFFFE50]  }
0x553: {  	v33 =	vunpack.i.l.bf16.f32 v45;
	v45 =	vunpack.i.u.bf16.f32 v36;
	v36 =	vunpack.i.l.bf16.f32 v36;
	v34 =	vld [tilespmem:s19+$0xFFFFFF80]  }
0x554: {  	v14 =	vadd.f32 v37, v14;
	v50 =	vunpack.i.u.bf16.f32 v46;
	v46 =	vunpack.i.l.bf16.f32 v46;
	v37 =	vld [tilespmem:s19+$0xFFFFFF90]  }
0x555: {  	v22 =	vadd.f32 v26, v22;
	v18 =	vadd.f32 v41, v18;
	v26 =	vunpack.i.u.bf16.f32 v47;
	v41 =	vld [tilespmem:s19+$0xC0]  }
0x556: {  	v19 =	vadd.f32 v49, v19;
	v24 =	vadd.f32 v42, v24;
	v47 =	vunpack.i.l.bf16.f32 v47;
	v42 =	vld [tilespmem:s19+$0xD0]  }
0x557: {  	v25 =	vadd.f32 v38, v25;
	v16 =	vadd.f32 v33, v16;
	v49 =	vunpack.i.u.bf16.f32 v43;
	v51 =	vld [tilespmem:s19+$0xFFFFFE60]  }
0x558: {  	v27 =	vadd.f32 v48, v27;
	v30 =	vadd.f32 v36, v30;
	v33 =	vunpack.i.l.bf16.f32 v43;
	v38 =	vld [tilespmem:s19+$0xFFFFFE70]  }
0x559: {  	v35 =	vadd.f32 v45, v35;
	v31 =	vadd.f32 v46, v31;
	v36 =	vunpack.i.u.bf16.f32 v40;
	v43 =	vld [tilespmem:s19+$0xFFFFFFA0]  }
0x55a: {  	v17 =	vadd.f32 v17, v21;
	v23 =	vadd.f32 v50, v23;
	v40 =	vunpack.i.l.bf16.f32 v40;
	v45 =	vld [tilespmem:s19+$0xFFFFFFB0]  }
0x55b: {  	v15 =	vadd.f32 v15, v20;
	v21 =	vunpack.i.u.bf16.f32 v29;
	v29 =	vunpack.i.l.bf16.f32 v29;
	v46 =	vld [tilespmem:s19+$0xE0]  }
0x55c: {  	v20 =	vunpack.i.u.bf16.f32 v28;
	v28 =	vunpack.i.l.bf16.f32 v28;
	v48 =	vunpack.i.u.bf16.f32 v39;
	v50 =	vld [tilespmem:s19+$0xF0]  }
0x55d: {  	v14 =	vadd.f32 v47, v14;
	v22 =	vadd.f32 v26, v22;
	v39 =	vunpack.i.l.bf16.f32 v39;
	v26 =	vld [tilespmem:s19+$0xFFFFFE80]  }
0x55e: {  	v18 =	vadd.f32 v33, v18;
	v19 =	vadd.f32 v49, v19;
	v33 =	vunpack.i.u.bf16.f32 v44;
	v47 =	vld [tilespmem:s19+$0xFFFFFE90]  }
0x55f: {  	v24 =	vadd.f32 v40, v24;
	v25 =	vadd.f32 v36, v25;
	v44 =	vunpack.i.l.bf16.f32 v44;
	v36 =	vld [tilespmem:s19+$0xFFFFFFC0]  }
0x560: {  	v16 =	vadd.f32 v29, v16;
	v21 =	vadd.f32 v21, v27;
	v40 =	vunpack.i.u.bf16.f32 v32;
	v27 =	vld [tilespmem:s19+$0xFFFFFFD0]  }
0x561: {  	v28 =	vadd.f32 v28, v30;
	v20 =	vadd.f32 v20, v35;
	v29 =	vunpack.i.l.bf16.f32 v32;
	v30 =	vld [tilespmem:s19+$0x100]  }
0x562: {  	v31 =	vadd.f32 v39, v31;
	v23 =	vadd.f32 v48, v23;
	v32 =	vunpack.i.u.bf16.f32 v34;
	v35 =	vld [tilespmem:s19+$0x110]  }
0x563: {  	v13 =	vadd.f32 v13, v17;
	v12 =	vadd.f32 v12, v15;
	v34 =	vunpack.i.l.bf16.f32 v34;
	v39 =	vld [tilespmem:s19+$0xFFFFFEA0]  }
0x564: {  	v15 =	vunpack.i.u.bf16.f32 v37;
	v17 =	vunpack.i.l.bf16.f32 v37;
	v37 =	vunpack.i.u.bf16.f32 v41;
	v48 =	vld [tilespmem:s19+$0xFFFFFEB0]  }
0x565: {  	v41 =	vunpack.i.l.bf16.f32 v41;
	v52 =	vunpack.i.u.bf16.f32 v42;
	v42 =	vunpack.i.l.bf16.f32 v42;
	v49 =	vld [tilespmem:s19+$0xFFFFFFE0]  }
0x566: {  	v14 =	vadd.f32 v44, v14;
	v22 =	vadd.f32 v33, v22;
	v33 =	vunpack.i.u.bf16.f32 v51;
	v44 =	vld [tilespmem:s19+$0xFFFFFFF0]  }
0x567: {  	v18 =	vadd.f32 v29, v18;
	v19 =	vadd.f32 v40, v19;
	v29 =	vunpack.i.l.bf16.f32 v51;
	v40 =	vld [tilespmem:s19+$0x120]  }
0x568: {  	v24 =	vadd.f32 v34, v24;
	v25 =	vadd.f32 v32, v25;
	v51 =	vunpack.i.u.bf16.f32 v38;
	v32 =	vld [tilespmem:s19+$0x130]  }
0x569: {  	v16 =	vadd.f32 v17, v16;
	v15 =	vadd.f32 v15, v21;
	v34 =	vunpack.i.l.bf16.f32 v38  }
0x56a: {  	v21 =	vadd.f32 v41, v28;
	v20 =	vadd.f32 v37, v20;
	v17 =	vunpack.i.u.bf16.f32 v43  }
0x56b: {  	v31 =	vadd.f32 v42, v31;
	v23 =	vadd.f32 v52, v23;
	v28 =	vunpack.i.l.bf16.f32 v43  }
0x56c: {  	v11 =	vadd.f32 v11, v13;
	v10 =	vadd.f32 v10, v12;
	v37 =	vunpack.i.u.bf16.f32 v45  }
0x56d: {  	v12 =	vunpack.i.l.bf16.f32 v45;
	v13 =	vunpack.i.u.bf16.f32 v46;
	v38 =	vunpack.i.l.bf16.f32 v46  }
0x56e: {  	v14 =	vadd.f32 v29, v14;
	v29 =	vunpack.i.u.bf16.f32 v50;
	v41 =	vunpack.i.l.bf16.f32 v50  }
0x56f: {  	v22 =	vadd.f32 v33, v22;
	v33 =	vadd.f32 v34, v18;
	v18 =	vunpack.i.u.bf16.f32 v26  }
0x570: {  	v19 =	vadd.f32 v51, v19;
	v28 =	vadd.f32 v28, v24;
	v26 =	vunpack.i.l.bf16.f32 v26  }
0x571: {  	v25 =	vadd.f32 v17, v25;
	v12 =	vadd.f32 v12, v16;
	v24 =	vunpack.i.u.bf16.f32 v47  }
0x572: {  	v15 =	vadd.f32 v37, v15;
	v34 =	vadd.f32 v38, v21;
	v16 =	vunpack.i.l.bf16.f32 v47  }
0x573: {  	v37 =	vadd.f32 v13, v20;
	v31 =	vadd.f32 v41, v31;
	v21 =	vunpack.i.u.bf16.f32 v36  }
0x574: {  	v9 =	vadd.f32 v9, v11;
	v29 =	vadd.f32 v29, v23;
	v13 =	vunpack.i.l.bf16.f32 v36  }
0x575: {  	v8 =	vadd.f32 v8, v10;
	v11 =	vunpack.i.u.bf16.f32 v27;
	v27 =	vunpack.i.l.bf16.f32 v27  }
0x576: {  	v10 =	vunpack.i.u.bf16.f32 v30;
	v30 =	vunpack.i.l.bf16.f32 v30;
	v36 =	vunpack.i.u.bf16.f32 v35  }
0x577: {  	v17 =	vadd.f32 v26, v14;
	v18 =	vadd.f32 v18, v22;
	v14 =	vunpack.i.l.bf16.f32 v35  }
0x578: {  	v22 =	vadd.f32 v16, v33;
	v19 =	vadd.f32 v24, v19;
	v24 =	vunpack.i.u.bf16.f32 v39  }
0x579: {  	v23 =	vadd.f32 v13, v28;
	v20 =	vadd.f32 v21, v25;
	v26 =	vunpack.i.l.bf16.f32 v39  }
0x57a: {  	v21 =	vadd.f32 v27, v12;
	v15 =	vadd.f32 v11, v15;
	v25 =	vunpack.i.u.bf16.f32 v48  }
.Ltmp12:
0x57b: {  	v13 =	vadd.f32 v30, v34;
	v12 =	vadd.f32 v10, v37;
	v28 =	vunpack.i.l.bf16.f32 v48;
	(pc) =	sbr.rel @p1 .LBB2_27-.Ltmp12, $4  }
0x57c: {  	v11 =	vadd.f32 v14, v31;
	v10 =	vadd.f32 v36, v29;
	v27 =	vunpack.i.u.bf16.f32 v49  }
0x57d: {  	v16 =	vadd.f32 v7, v9;
	v14 =	vadd.f32 v6, v8;
	v30 =	vunpack.i.l.bf16.f32 v49  }
0x57e: {  	v29 =	vunpack.i.u.bf16.f32 v44;
	v31 =	vunpack.i.l.bf16.f32 v44;
	v7 =	vunpack.i.u.bf16.f32 v40  }
0x57f: {  	s19 =	sadd.s32 $0x500, s19;
	v9 =	vunpack.i.l.bf16.f32 v40;
	v6 =	vunpack.i.u.bf16.f32 v32;
	v8 =	vunpack.i.l.bf16.f32 v32  }
0x580: {  	v17 =	vadd.f32 v26, v17  }
0x581: {  	v18 =	vadd.f32 v24, v18  }
0x582: {  	v22 =	vadd.f32 v28, v22;
	[tilespmem:s16+$0xFFFFFF10] =	vst v17  }
0x583: {  	v60 =	vadd.f32 v25, v19;
	[tilespmem:s16+$0xFFFFFF20] =	vst v18  }
0x584: {  	v61 =	vadd.f32 v30, v23;
	[tilespmem:s16+$0xFFFFFF30] =	vst v22  }
0x585: {  	v62 =	vadd.f32 v27, v20;
	[tilespmem:s16+$0xFFFFFF40] =	vst v60  }
0x586: {  	v63 =	vadd.f32 v31, v21;
	[tilespmem:s16+$0xFFFFFF50] =	vst v61  }
0x587: {  	v15 =	vadd.f32 v29, v15;
	[tilespmem:s16+$0xFFFFFF60] =	vst v62  }
0x588: {  	v9 =	vadd.f32 v9, v13;
	[tilespmem:s16+$0xFFFFFF70] =	vst v63  }
0x589: {  	v7 =	vadd.f32 v7, v12;
	[tilespmem:s16+$0xFFFFFF80] =	vst v15  }
0x58a: {  	v8 =	vadd.f32 v8, v11;
	[tilespmem:s16+$0xFFFFFF90] =	vst v9  }
0x58b: {  	v6 =	vadd.f32 v6, v10;
	[tilespmem:s16+$0xFFFFFFA0] =	vst v7  }
0x58c: {  	[tilespmem:s16+$0xFFFFFFB0] =	vst v8  }
0x58d: {  	[tilespmem:s16+$0xFFFFFFC0] =	vst v6  }
0x58e: {  	v5 =	vadd.f32 v5, v16;
	s16 =	rddreg [dreg:$0x13]  }
0x58f: {  	v4 =	vadd.f32 v4, v14;
	s15 =	sadd.s32 s16, s15  }
0x590: {  	s22 =	rddreg [dreg:$0x3];
	s14 =	sadd.s32 $0x1, s14;
	[tilespmem:s17+$0xFFFFFFD0] =	vst v5;
	s15 =	sshll.u32 s15, $0x3  }
0x591: {  	p1 =	sne.s32 s14, $0x19;
	[tilespmem:s17+$0xFFFFFFE0] =	vst v4;
	s15 =	sadd.s32 s22, s15  }
0x592: {  	[hbm4b:s15+s7] =	stream.linear.scatter [tilespmem:s0], [sflag:$0x3], $0x2800, $0x38;
	[tilespmem:$0x16E70] =	vst v63  }
.Ltmp13:
0x593: {  	s23 =	rddreg [dreg:$0x4];
	(pc) =	sbr.rel @p1 .LBB2_12-.Ltmp13, $4  }
0x594: {  	s19 =	simm.s32 $0x640;
	s24 =	simm.s32 $0xA0;
	s18 =	rddreg [dreg:$0x5]  }
0x595: {  	[spmem:s23] =	stream.indirect.scatter.add.f32 [tilespmem:s0], [sflag:$0x4], $0x40, s19, s24, $0xb8;
	[tilespmem:$0x16E70] =	vst v63  }
0x596: {  	s17 =	simm.s32 @!p0 $0x92E0;
	s16 =	simm.s32 @!p0 $0x640;
	s15 =	simm.s32 @!p0 $0xA0  }
0x597: {  	[spmem:s18] =	stream.indirect.scatter.add.f32 @!p0 [tilespmem:s17], [sflag:$0x5], $0x10, s16, s15, $0xb8;
	[tilespmem:$0x16E70] =	vst v63  }
0x598: {  	_ =	swait.ge [sflag:s31], $0x500  }
0x599: {  	[sflag:s31] =	ssyncset.done $0x0  }
0x59a: {  	[sflag:s31] =	ssyncadd.s32 $0xFFFFFB00  }
0x59b: {  	_ =	swait.ge [sflag:s31], $0x500  }
0x59c: {  	[sflag:s31] =	ssyncset.done $0x0  }
0x59d: {  	[sflag:s31] =	ssyncadd.s32 $0xFFFFFB00  }
0x59e: {  	_ =	swait.ge [sflag:s31], $0x500  }
0x59f: {  	[sflag:s31] =	ssyncset.done $0x0  }
0x5a0: {  	[sflag:s31] =	ssyncadd.s32 $0xFFFFFB00  }
0x5a1: {  	_ =	swait.ge [sflag:s31], $0x500  }
0x5a2: {  	[sflag:s31] =	ssyncset.done $0x0  }
0x5a3: {  	[sflag:s31] =	ssyncadd.s32 $0xFFFFFB00  }
0x5a4: {  	_ =	swait.ge [sflag:s31], $0x500  }
0x5a5: {  	[sflag:s31] =	ssyncset.done $0x0  }
0x5a6: {  	[sflag:s31] =	ssyncadd.s32 $0xFFFFFB00  }
0x5a7: {  	_ =	swait.ge [sflag:s31], $0x500  }
0x5a8: {  	[sflag:s31] =	ssyncset.done $0x0  }
0x5a9: {  	[sflag:s31] =	ssyncadd.s32 $0xFFFFFB00  }
0x5aa: {  	_ =	swait.ge [sflag:s31], $0x500  }
0x5ab: {  	[sflag:s31] =	ssyncset.done $0x0  }
0x5ac: {  	[sflag:s31] =	ssyncadd.s32 $0xFFFFFB00  }
0x5ad: {  	_ =	swait.ge [sflag:s31], $0x500  }
0x5ae: {  	[sflag:s31] =	ssyncset.done $0x0  }
0x5af: {  	[sflag:s31] =	ssyncadd.s32 $0xFFFFFB00  }
0x5b0: {  	_ =	swait.ge [sflag:s31], $0x500  }
0x5b1: {  	[sflag:s31] =	ssyncset.done $0x0  }
0x5b2: {  	[sflag:s31] =	ssyncadd.s32 $0xFFFFFB00  }
0x5b3: {  	_ =	swait.ge [sflag:s31], $0x500  }
0x5b4: {  	[sflag:s31] =	ssyncset.done $0x0  }
0x5b5: {  	[sflag:s31] =	ssyncadd.s32 $0xFFFFFB00  }
0x5b6: {  	_ =	swait.ge [sflag:s31], $0x190  }
0x5b7: {  	[sflag:s31] =	ssyncset.done $0x0  }
0x5b8: {  	[sflag:s31] =	ssyncadd.s32 $0xFFFFFE70  }
0x5b9: {  	_ =	swait.ge [sflag:s6], $0x2800  }
0x5ba: {  	[sflag:s6] =	ssyncset.done $0x0  }
0x5bb: {  	[sflag:s6] =	ssyncadd.s32 $0xFFFFD800  }
0x5bc: {  	_ =	swait.ge [sflag:s21], $0x2800  }
0x5bd: {  	[sflag:s21] =	ssyncset.done $0x0  }
0x5be: {  	s14 =	simm.s32 @!p0 $0x5;
	[sflag:s21] =	ssyncadd.s32 $0xFFFFD800  }
0x5bf: {  	_ =	swait.ge @!p0 [sflag:s14], $0xA00  }
0x5c0: {  	[sflag:s14] =	ssyncset.done @!p0 $0x0  }
0x5c1: {  	[sflag:s14] =	ssyncadd.s32 @!p0 $0xFFFFF600  }
0x5c2: {  	s18 =	stileid.u32;
	[bflag:$0x0] =	sbarrier.arrive $0xFFFF  }
0x5c3: {  	s14 =	sshll.u32 s18, $0x6;
	s17 =	rddreg [dreg:$0x7]  }
0x5c4: {  	s14 =	sor.u32 $0x1C06, s14;
	s16 =	rddreg [dreg:$0xf];
	s15 =	sshrl.u32 s17, $0x3  }
0x5c5: {  	[hbm:s16], [sflag:s14] =	dma.local [spmem:s15], $0x1400  }
0x5c6: {  	_ =	swait.ge [sflag:s4], $0x1400  }
0x5c7: {  	[sflag:s4] =	ssyncset.done $0x0;
	s18 =	rddreg [dreg:$0x8]  }
0x5c8: {  	s22 =	rddreg [dreg:$0x17];
	[sflag:s4] =	ssyncadd.s32 $0xFFFFEC00;
	s20 =	sshrl.u32 s18, $0x3  }
0x5c9: {  	[hbm:s22], [sflag:s14] =	dma.local [spmem:s20], $0x500  }
0x5ca: {  	_ =	swait.ge [sflag:s4], $0x500  }
0x5cb: {  	s23 =	rddreg [dreg:$0x1c]  }
0x5cc: {  	s24 =	rddreg [dreg:$0x18];
	s15 =	sadd.s32 $0x1, s23  }
0x5cd: {  	p1 =	sne.s32 s15, s24  }
.Ltmp14:
0x5ce: {  	_ = 	snop;
	(pc) =	sbr.rel @p1 .LBB2_1-.Ltmp14, $3  }
0x5cf: {  	_ =	sdelay $0x1  }
0x5d0: {  	[sflag:s4] =	ssyncset.done $0x0  }
0x5d1: {  	[sflag:s4] =	ssyncadd.s32 $0xFFFFFB00  }
0x5d2: {  	_ =	sfence.sel $0x180000  }
0x5d3: {  	[bflag:$0x0] =	sbarrier.arrive $0xFFFF  }
0x5d4: {  	_ =	strace $0x90000047  }
0x5d5: {  	s0 =	stileid.u32;
	[bflag:$0x2] =	sbarrier.arrive $0xFFFF  }
0x5d6: {  	p0 =	sne.s32 s0, $0x0;
	s0 =	rddreg [dreg:$0x6]  }
0x5d7: {  	s0 =	sadd.s32 @!p0 $0x100000, s0  }
0x5d8: {  	[sflag:s0] =	ssyncadd.tile.s32 @!p0 $0x1;
	_ =	shalt  }
.Lfunc_end2:
_tile_overlayer_lowered:
.L_overlay_start_2:
0x5d9: {  	(tag) =	ssettag $0x2  }
0x5da: {  	s0 =	rddreg [dreg:$0x0];
	s2 =	stileid.u32  }
0x5db: {  	s1 =	rddreg [dreg:$0x1];
	p0 =	sne.s32 s2, $0x0  }
0x5dc: {  	s3 =	rddreg [dreg:$0x2];
	[bflag:$0x3] =	sbarrier.arrive $0xFFFF;
	s2 =	simm.s32 @!p0 $0x1C06  }
0x5dd: {  	[timem:s3], [sflag:s2] =	dma.local @!p0 [hbm:s0], s1  }
0x5de: {  	s0 =	simm.s32 @!p0 $0x6  }
0x5df: {  	_ =	swait.ge @!p0 [sflag:s0], s1  }
0x5e0: {  	s1 =	ssub.s32 @!p0 $0x0, s1;
	[sflag:s0] =	ssyncset.done @!p0 $0x0  }
0x5e1: {  	[sflag:s0] =	ssyncadd.s32 @!p0 s1  }
0x5e2: {  	[bflag:$0x3] =	sbarrier.arrive $0xFFFF  }
0x5e3: {  	_ =	shalt  }

</sc_bundles>
